<compile_context>
chip_gen: v7x
topology: tpu7x:2x2x1
jax: 0.10.2.dev20260603
libtpu: 0.0.44.dev20260713+nightly
codegen_flags: <defaults>
</compile_context>

<pallas_src>
import functools

import jax
import jax.numpy as jnp
from jax import lax
from jax.experimental import pallas as pl
from jax.experimental.pallas import tpu as pltpu
from jax.experimental.pallas import tpu_sc as plsc

N = 10000
D = 128
E = 320000
L_LAB = 200000

NC = 2
NS = 16
NW = NC * NS
LANE = 16
CHUNK = 128
EC = E // CHUNK
LC = 1564
ROWS_PER_TILE = N // NS
_FR = LC * CHUNK * LANE // 256

_SC_PARAMS = pltpu.CompilerParams(
    needs_layout_passes=False, use_tc_tiling_on_sc=False)


@functools.lru_cache(maxsize=1)
def _sc_mesh():
    return plsc.VectorSubcoreMesh(
        core_axis_name="c", subcore_axis_name="s",
        num_cores=NC, num_subcores=NS)


def _wid():
    return lax.axis_index("s") * NC + lax.axis_index("c")


def _deg_body(col_hbm, ones_hbm, zeros_hbm, deg_out, cidx_v, ones_v, deg_sh):
    cid = lax.axis_index("c")
    sid = lax.axis_index("s")
    wid = _wid()
    r0 = sid * ROWS_PER_TILE
    pltpu.sync_copy(ones_hbm, ones_v)
    pltpu.sync_copy(zeros_hbm.at[pl.ds(r0, ROWS_PER_TILE)],
                    deg_sh.at[pl.ds(r0, ROWS_PER_TILE)])
    plsc.subcore_barrier()

    def body(k, carry):
        ci = wid + NW * k
        pltpu.sync_copy(col_hbm.at[ci], cidx_v)
        pltpu.sync_copy(ones_v, deg_sh.at[cidx_v], add=True)
        return carry

    n_w = jnp.where(wid < EC - (EC // NW) * NW, EC // NW + 1, EC // NW)
    lax.fori_loop(0, n_w, body, 0)
    plsc.subcore_barrier()
    pltpu.sync_copy(deg_sh.at[pl.ds(r0, ROWS_PER_TILE)],
                    deg_out.at[cid, pl.ds(r0, ROWS_PER_TILE)])


def _deg_call(col2d, ones_rows, zeros_n16):
    f = functools.partial(
        pl.kernel,
        out_type=jax.ShapeDtypeStruct((NC, N, LANE), jnp.float32),
        mesh=_sc_mesh(),
        compiler_params=_SC_PARAMS,
        scratch_types=[
            pltpu.VMEM((CHUNK,), jnp.int32),
            pltpu.VMEM((CHUNK, LANE), jnp.float32),
            pltpu.VMEM_SHARED((N, LANE), jnp.float32),
        ],
    )(_deg_body)
    return f(col2d, ones_rows, zeros_n16)


def _evolve_body(x_ref, p_ref, wih_ref, whh_ref, bih_ref, bhh_ref,
                 w0_ref, d0_ref, d1_ref, y_ref, dinv_ref, oh_ref):
    p = p_ref[...]
    sg0 = jnp.dot(x_ref[...], p,
                  preferred_element_type=jnp.float32).reshape(625, 16)
    flat = (lax.broadcasted_iota(jnp.int32, (625, 16), 0) * 16
            + lax.broadcasted_iota(jnp.int32, (625, 16), 1))
    lane128 = lax.broadcasted_iota(jnp.int32, (1, D), 1)
    flat_n = lax.broadcasted_iota(jnp.int32, (1, N), 1)
    NEG = jnp.float32(-3.0e38)
    BIG = jnp.int32(2 ** 30)

    def step(i, carry):
        sg, topv = carry
        m = jnp.max(sg)
        idx = jnp.min(jnp.where(sg == m, flat, BIG))
        topv = jnp.where(lane128 == i, m, topv)
        row = (flat_n == idx).astype(jnp.float32)
        oh_ref[pl.ds(i, 1), :] = row
        sg = jnp.where(flat == idx, NEG, sg)
        return sg, topv

    _, topv = lax.fori_loop(
        0, D, step, (sg0, jnp.zeros((1, D), jnp.float32)))

    inv_norm = lax.rsqrt(jnp.sum(p * p))
    tv = jnp.tanh(topv * inv_norm)
    x = x_ref[...]
    xperm = jnp.dot(oh_ref[...], x, preferred_element_type=jnp.float32,
                    precision=lax.Precision.HIGHEST)
    eye = (lax.broadcasted_iota(jnp.int32, (D, D), 0)
           == lax.broadcasted_iota(jnp.int32, (D, D), 1)).astype(jnp.float32)
    diagm = eye * tv
    x_tilde = jnp.dot(diagm, xperm, preferred_element_type=jnp.float32,
                      precision=lax.Precision.HIGHEST)

    w0 = w0_ref[...]
    gi = lax.dot_general(x_tilde, wih_ref[...], (((1,), (1,)), ((), ())),
                         preferred_element_type=jnp.float32,
                         precision=lax.Precision.HIGHEST) + bih_ref[...]
    gh = lax.dot_general(w0, whh_ref[...], (((1,), (1,)), ((), ())),
                         preferred_element_type=jnp.float32,
                         precision=lax.Precision.HIGHEST) + bhh_ref[...]
    i_r, i_z, i_n = gi[:, :D], gi[:, D:2 * D], gi[:, 2 * D:]
    h_r, h_z, h_n = gh[:, :D], gh[:, D:2 * D], gh[:, 2 * D:]
    r = jax.nn.sigmoid(i_r + h_r)
    z = jax.nn.sigmoid(i_z + h_z)
    n = jnp.tanh(i_n + r * h_n)
    W = (1.0 - z) * n + z * w0

    xw = jnp.dot(x, W, preferred_element_type=jnp.float32)
    degs = d0_ref[...] + d1_ref[...]
    dinv = jnp.where(degs > 0, lax.rsqrt(jnp.maximum(degs, 1e-12)), 0.0)
    dinv_ref[...] = dinv
    y_ref[...] = xw * dinv


def _evolve_call(x, p2, W_ih, W_hh, bih2, bhh2, W0, d0, d1):
    return pl.pallas_call(
        _evolve_body,
        out_shape=[
            jax.ShapeDtypeStruct((N, D), jnp.float32),
            jax.ShapeDtypeStruct((N, 1), jnp.float32),
        ],
        scratch_shapes=[pltpu.VMEM((D, N), jnp.float32)],
    )(x, p2, W_ih, W_hh, bih2, bhh2, W0, d0, d1)


def _scatter_body(row_hbm, col_hbm, y_hbm, zeros_hbm, acc_out,
                  ridx_v, cidx_v, rows_v, acc_sh, sem):
    cid = lax.axis_index("c")
    sid = lax.axis_index("s")
    wid = _wid()
    r0 = sid * ROWS_PER_TILE
    pltpu.sync_copy(zeros_hbm.at[pl.ds(r0, ROWS_PER_TILE)],
                    acc_sh.at[pl.ds(r0, ROWS_PER_TILE)])
    plsc.subcore_barrier()

    def body(k, carry):
        ci = wid + NW * k
        pltpu.sync_copy(row_hbm.at[ci], ridx_v)
        pltpu.sync_copy(col_hbm.at[ci], cidx_v)
        pltpu.async_copy(y_hbm.at[ridx_v], rows_v, sem).wait()
        pltpu.sync_copy(rows_v, acc_sh.at[cidx_v], add=True)
        return carry

    n_w = jnp.where(wid < EC - (EC // NW) * NW, EC // NW + 1, EC // NW)
    lax.fori_loop(0, n_w, body, 0)
    plsc.subcore_barrier()
    pltpu.sync_copy(acc_sh.at[pl.ds(r0, ROWS_PER_TILE)],
                    acc_out.at[cid, pl.ds(r0, ROWS_PER_TILE)])


def _scatter_call(row2d, col2d, y, zeros_nd):
    f = functools.partial(
        pl.kernel,
        out_type=jax.ShapeDtypeStruct((NC, N, D), jnp.float32),
        mesh=_sc_mesh(),
        compiler_params=_SC_PARAMS,
        scratch_types=[
            pltpu.VMEM((CHUNK,), jnp.int32),
            pltpu.VMEM((CHUNK,), jnp.int32),
            pltpu.VMEM((CHUNK, D), jnp.float32),
            pltpu.VMEM_SHARED((N, D), jnp.float32),
            pltpu.SemaphoreType.DMA,
        ],
    )(_scatter_body)
    return f(row2d, col2d, y, zeros_nd)


def _post_body(acc0_ref, acc1_ref, dinv_ref, pw_ref, h_ref, hw_ref):
    a = acc0_ref[...] + acc1_ref[...]
    h = jnp.maximum(a * dinv_ref[...], 0.0)
    wsum = pw_ref[0:1, :] + pw_ref[1:2, :]
    h_ref[...] = h
    hw_ref[...] = h * wsum


def _post_call(acc0, acc1, dinv, post_W):
    return pl.pallas_call(
        _post_body,
        out_shape=[
            jax.ShapeDtypeStruct((N, D), jnp.float32),
            jax.ShapeDtypeStruct((N, D), jnp.float32),
        ],
    )(acc0, acc1, dinv, post_W)


def _score_compute(bufS, bufD, outv):
    def grp(g, carry):
        for e in range(LANE):
            row = g * LANE + e
            acc = jnp.zeros((LANE,), jnp.float32)
            for c in range(D // LANE):
                s = bufS[row, pl.ds(c * LANE, LANE)]
                d = bufD[row, pl.ds(c * LANE, LANE)]
                acc = acc + s * d
            outv[pl.ds(g * (LANE * LANE) + e * LANE, LANE)] = acc
        return carry

    lax.fori_loop(0, CHUNK // LANE, grp, 0)


def _score_body(sidx_hbm, didx_hbm, hw_hbm, h_hbm, out_hbm,
                si_v, di_v, bufS, bufD, outv, semS, semD):
    wid = _wid()
    nfull = LC // NW
    n_w = jnp.where(wid < LC - nfull * NW, nfull + 1, nfull)

    def chunk(k, carry):
        ci = wid + NW * k
        pltpu.sync_copy(sidx_hbm.at[ci], si_v)
        pltpu.sync_copy(didx_hbm.at[ci], di_v)
        cS = pltpu.async_copy(hw_hbm.at[si_v], bufS, semS)
        cD = pltpu.async_copy(h_hbm.at[di_v], bufD, semD)
        cS.wait()
        cD.wait()
        _score_compute(bufS, bufD, outv)
        pltpu.sync_copy(outv, out_hbm.at[ci])
        return carry

    lax.fori_loop(0, n_w, chunk, 0)


def _score_call(sidx2d, didx2d, hw, h):
    f = functools.partial(
        pl.kernel,
        out_type=jax.ShapeDtypeStruct((LC, CHUNK * LANE), jnp.float32),
        mesh=_sc_mesh(),
        compiler_params=_SC_PARAMS,
        scratch_types=[
            pltpu.VMEM((CHUNK,), jnp.int32),
            pltpu.VMEM((CHUNK,), jnp.int32),
            pltpu.VMEM((CHUNK, D), jnp.float32),
            pltpu.VMEM((CHUNK, D), jnp.float32),
            pltpu.VMEM((CHUNK * LANE,), jnp.float32),
            pltpu.SemaphoreType.DMA,
            pltpu.SemaphoreType.DMA,
        ],
    )(_score_body)
    return f(sidx2d, didx2d, hw, h)


def _reduce_body(rr_ref, pb_ref, out_ref):
    blockdiag = (lax.broadcasted_iota(jnp.int32, (256, LANE), 0) // LANE
                 == lax.broadcasted_iota(jnp.int32, (256, LANE), 1)
                 ).astype(jnp.float32)
    bsum = jnp.sum(pb_ref[...])
    out_ref[...] = jnp.dot(rr_ref[...], blockdiag,
                           preferred_element_type=jnp.float32) + bsum


def _reduce_call(rr, post_b2):
    return pl.pallas_call(
        _reduce_body,
        out_shape=jax.ShapeDtypeStruct((_FR, LANE), jnp.float32),
    )(rr, post_b2)


def kernel(x, edge_index, edge_label_index, p, W_ih, W_hh, b_ih, b_hh, W0,
           post_W, post_b):
    ei = edge_index.astype(jnp.int32)
    row2d = ei[0].reshape(EC, CHUNK)
    col2d = ei[1].reshape(EC, CHUNK)
    eli = edge_label_index.astype(jnp.int32)
    pad = LC * CHUNK - L_LAB
    sidx2d = jnp.concatenate(
        [eli[0], jnp.zeros((pad,), jnp.int32)]).reshape(LC, CHUNK)
    didx2d = jnp.concatenate(
        [eli[1], jnp.zeros((pad,), jnp.int32)]).reshape(LC, CHUNK)

    ones_rows = jnp.ones((CHUNK, LANE), jnp.float32)
    zeros_n16 = jnp.zeros((N, LANE), jnp.float32)
    zeros_nd = jnp.zeros((N, D), jnp.float32)

    deg = _deg_call(col2d, ones_rows, zeros_n16)
    d0 = deg[0, :, 0:1]
    d1 = deg[1, :, 0:1]

    p2 = p.reshape(D, 1)
    bih2 = b_ih.reshape(1, 3 * D)
    bhh2 = b_hh.reshape(1, 3 * D)
    y, dinv = _evolve_call(x, p2, W_ih, W_hh, bih2, bhh2, W0, d0, d1)

    acc = _scatter_call(row2d, col2d, y, zeros_nd)
    h, hw = _post_call(acc[0], acc[1], dinv, post_W)

    parts = _score_call(sidx2d, didx2d, hw, h)
    rr = parts.reshape(_FR, 256)
    out16 = _reduce_call(rr, post_b.reshape(1, 2))
    return out16.reshape(-1)[:L_LAB]

# --- scband reference (transcript-rebuilt; emitter-appended) ---
"""Pipeline reference for scband-taobaoevolve-gcn-35132832481407 (READ-ONLY COPY).

The authoritative reference and input builder live on the scoring server;
editing this copy changes nothing except your own understanding.
"""

import jax, jax.numpy as jnp
import numpy as np

N_NODES = 10000
D = 128
N_EDGES = 320000
N_LABEL = 200000


def setup_inputs(seed: int = 0) -> dict:
    key = jax.random.key(seed)
    ks = jax.random.split(key, 12)
    x = jax.random.normal(ks[0], (N_NODES, D), dtype=jnp.float32)
    edge_index = jax.random.randint(ks[1], (2, N_EDGES), 0, N_NODES, dtype=jnp.int64)
    edge_label_index = jax.random.randint(ks[2], (2, N_LABEL), 0, N_NODES, dtype=jnp.int64)
    # TopKPooling projection vector
    p = jax.random.normal(ks[3], (D,), dtype=jnp.float32) * 0.1
    # GRU params (input_size=D, hidden_size=D, gates ordered r,z,n like torch)
    s = 1.0 / np.sqrt(D)
    W_ih = jax.random.uniform(ks[4], (3 * D, D), minval=-s, maxval=s, dtype=jnp.float32)
    W_hh = jax.random.uniform(ks[5], (3 * D, D), minval=-s, maxval=s, dtype=jnp.float32)
    b_ih = jax.random.uniform(ks[6], (3 * D,), minval=-s, maxval=s, dtype=jnp.float32)
    b_hh = jax.random.uniform(ks[7], (3 * D,), minval=-s, maxval=s, dtype=jnp.float32)
    # Evolving GCN weight (glorot init)
    g = np.sqrt(6.0 / (D + D))
    W0 = jax.random.uniform(ks[8], (D, D), minval=-g, maxval=g, dtype=jnp.float32)
    # post linear (D -> 2)
    sp = 1.0 / np.sqrt(D)
    post_W = jax.random.uniform(ks[9], (2, D), minval=-sp, maxval=sp, dtype=jnp.float32)
    post_b = jax.random.uniform(ks[10], (2,), minval=-sp, maxval=sp, dtype=jnp.float32)
    return {
        'x': x, 'edge_index': edge_index, 'edge_label_index': edge_label_index,
        'p': p, 'W_ih': W_ih, 'W_hh': W_hh, 'b_ih': b_ih, 'b_hh': b_hh,
        'W0': W0, 'post_W': post_W, 'post_b': post_b,
    }


def reference(x, edge_index, edge_label_index, p, W_ih, W_hh, b_ih, b_hh, W0, post_W, post_b):
    N, H = x.shape
    # ---- EvolveGCNH ----
    # TopKPooling: ratio = in_channels / num_nodes -> k = in_channels
    score = (x @ p) / jnp.linalg.norm(p)
    topv, perm = jax.lax.top_k(score, H)
    x_tilde = x[perm] * jnp.tanh(topv)[:, None]  # [H, H]
    # GRU single step: input x_tilde (batch=H), hidden = W0 (batch=H)
    gi = x_tilde @ W_ih.T + b_ih
    gh = W0 @ W_hh.T + b_hh
    i_r, i_z, i_n = jnp.split(gi, 3, axis=1)
    h_r, h_z, h_n = jnp.split(gh, 3, axis=1)
    r = jax.nn.sigmoid(i_r + h_r)
    z = jax.nn.sigmoid(i_z + h_z)
    n = jnp.tanh(i_n + r * h_n)
    W = (1.0 - z) * n + z * W0  # evolved weight [H, H]
    # GCNConv_Fixed_W, normalize=True, add_self_loops=False
    row, col = edge_index[0], edge_index[1]
    ew = jnp.ones(row.shape[0], dtype=x.dtype)
    deg = jnp.zeros((N,), dtype=x.dtype).at[col].add(ew)
    dinv = jnp.where(deg > 0, deg ** -0.5, 0.0)
    norm = dinv[row] * ew * dinv[col]
    xw = x @ W
    msg = xw[row] * norm[:, None]
    hconv = jnp.zeros((N, H), dtype=x.dtype).at[col].add(msg)
    # ---- post ----
    h = jax.nn.relu(hconv)
    h_src = h[edge_label_index[0]]
    h_dst = h[edge_label_index[1]]
    h_had = h_src * h_dst
    logits = h_had @ post_W.T + post_b
    return jnp.sum(logits, axis=-1)

if __name__ == "__main__":
    import jax
    _d = setup_inputs()
    print(jax.jit(kernel)(*tuple(_d.values())))

</pallas_src>

<mosaic_0001>
#map = affine_map<(d0, d1) -> (0, 0)>
#map1 = affine_map<(d0, d1) -> (0, 0, 0)>
module attributes {stable_mosaic.version = 14 : i64} {
  func.func @_deg_body(%arg0: i32, %arg1: i32, %arg2: memref<2500x128xi32, #tpu.memory_space<hbm>>, %arg3: memref<128x16xf32, #tpu.memory_space<hbm>>, %arg4: memref<10000x16xf32, #tpu.memory_space<hbm>>, %arg5: memref<2x10000x16xf32, #tpu.memory_space<hbm>>, %arg6: memref<128xi32, #tpu.memory_space<vmem>>, %arg7: memref<128x16xf32, #tpu.memory_space<vmem>>, %arg8: memref<10000x16xf32, #tpu.memory_space<vmem_shared>>) attributes {dimension_semantics = [#tpu.dimension_semantics<core_parallel>, #tpu.dimension_semantics<subcore_parallel>], iteration_bounds = array<i64: 2, 16>, scalar_prefetch = 0 : i64, scratch_operands = 3 : i64, tpu.core_type = #tpu.core_type<sc_vector_subcore>, window_params = [{transform_indices = #map}, {transform_indices = #map}, {transform_indices = #map}, {transform_indices = #map1}]} {
    %mul3A = arith.constant 2 : i32
    %mul3A_0 = arith.muli %arg1, %mul3A : i32
    %add3A = arith.addi %mul3A_0, %arg0 : i32
    %mul3A_1 = arith.constant 625 : i32
    %mul3A_2 = arith.muli %arg1, %mul3A_1 : i32
    "tpu.region"() ({
      %run_scoped3A = tpu.sem_alloc : memref<!tpu.dma_semaphore, #tpu.memory_space<semaphore_mem>>
      tpu.enqueue_dma source(%arg3 : memref<128x16xf32, #tpu.memory_space<hbm>>) target(%arg7 : memref<128x16xf32, #tpu.memory_space<vmem>>) target_semaphore(%run_scoped3A : memref<!tpu.dma_semaphore, #tpu.memory_space<semaphore_mem>>)
      tpu.wait_dma2 semaphore(%run_scoped3A : memref<!tpu.dma_semaphore, #tpu.memory_space<semaphore_mem>>) src(%arg3 : memref<128x16xf32, #tpu.memory_space<hbm>>) dst(%arg7 : memref<128x16xf32, #tpu.memory_space<vmem>>)
      tpu.yield
    }) : () -> ()
    "tpu.region"() ({
      %run_scoped3A = tpu.sem_alloc : memref<!tpu.dma_semaphore, #tpu.memory_space<semaphore_mem>>
      %dma_start3A = arith.constant 0 : i32
      %dma_start3A_15 = tpu.memref_slice %arg8[%mul3A_2, %dma_start3A] : memref<10000x16xf32, #tpu.memory_space<vmem_shared>> -> memref<625x16xf32, #tpu.memory_space<vmem_shared>>
      %dma_start3A_16 = arith.constant 0 : i32
      %dma_start3A_17 = tpu.memref_slice %arg4[%mul3A_2, %dma_start3A_16] : memref<10000x16xf32, #tpu.memory_space<hbm>> -> memref<625x16xf32, #tpu.memory_space<hbm>>
      tpu.enqueue_dma source(%dma_start3A_17 : memref<625x16xf32, #tpu.memory_space<hbm>>) target(%dma_start3A_15 : memref<625x16xf32, #tpu.memory_space<vmem_shared>>) target_semaphore(%run_scoped3A : memref<!tpu.dma_semaphore, #tpu.memory_space<semaphore_mem>>)
      %dma_wait3A = arith.constant 0 : i32
      %dma_wait3A_18 = tpu.memref_slice %arg8[%mul3A_2, %dma_wait3A] : memref<10000x16xf32, #tpu.memory_space<vmem_shared>> -> memref<625x16xf32, #tpu.memory_space<vmem_shared>>
      %dma_wait3A_19 = arith.constant 0 : i32
      %dma_wait3A_20 = tpu.memref_slice %arg4[%mul3A_2, %dma_wait3A_19] : memref<10000x16xf32, #tpu.memory_space<hbm>> -> memref<625x16xf32, #tpu.memory_space<hbm>>
      tpu.wait_dma2 semaphore(%run_scoped3A : memref<!tpu.dma_semaphore, #tpu.memory_space<semaphore_mem>>) src(%dma_wait3A_20 : memref<625x16xf32, #tpu.memory_space<hbm>>) dst(%dma_wait3A_18 : memref<625x16xf32, #tpu.memory_space<vmem_shared>>)
      tpu.yield
    }) : () -> ()
    %barrier3A = arith.constant 0 : index
    tpu.barrier barrier_id(%barrier3A)
    %lt3A = arith.constant 4 : i32
    %lt3A_3 = arith.cmpi slt, %add3A, %lt3A : i32
    %jit3A = arith.constant 79 : i32
    %jit3A_4 = arith.constant 78 : i32
    %select_n3A = arith.select %lt3A_3, %jit3A, %jit3A_4 : i32
    %while3A = arith.constant 0 : i32
    %while3A_5 = arith.constant 0 : i32
    %while3A_6 = arith.subi %select_n3A, %while3A_5 : i32
    %while3A_7 = arith.addi %while3A_5, %while3A_6 : i32
    %while3A_8 = arith.constant 1 : i32
    %while3A_9 = arith.divsi %while3A_6, %while3A_8 : i32
    %while3A_10 = arith.muli %while3A_9, %while3A_8 : i32
    %while3A_11 = arith.addi %while3A_5, %while3A_10 : i32
    %while3A_12 = arith.constant 1 : i32
    scf.for %while3A_15 = %while3A_5 to %while3A_11 step %while3A_12  : i32 {
      %mul3A_16 = arith.constant 32 : i32
      %mul3A_17 = arith.muli %mul3A_16, %while3A_15 : i32
      %add3A_18 = arith.addi %add3A, %mul3A_17 : i32
      "tpu.region"() ({
        %run_scoped3A = tpu.sem_alloc : memref<!tpu.dma_semaphore, #tpu.memory_space<semaphore_mem>>
        %dma_start3A = arith.constant 0 : i32
        %dma_start3A_19 = tpu.memref_slice %arg2[%add3A_18, %dma_start3A] : memref<2500x128xi32, #tpu.memory_space<hbm>> -> memref<1x128xi32, #tpu.memory_space<hbm>>
        %dma_start3A_20 = tpu.memref_squeeze %dma_start3A_19 : memref<1x128xi32, #tpu.memory_space<hbm>> -> memref<128xi32, #tpu.memory_space<hbm>>
        %dma_start3A_21 = arith.constant 0 : i32
        %dma_start3A_22 = tpu.memref_slice %arg2[%add3A_18, %dma_start3A_21] : memref<2500x128xi32, #tpu.memory_space<hbm>> -> memref<1x128xi32, #tpu.memory_space<hbm>>
        %dma_start3A_23 = tpu.memref_squeeze %dma_start3A_22 : memref<1x128xi32, #tpu.memory_space<hbm>> -> memref<128xi32, #tpu.memory_space<hbm>>
        tpu.enqueue_dma source(%dma_start3A_23 : memref<128xi32, #tpu.memory_space<hbm>>) target(%arg6 : memref<128xi32, #tpu.memory_space<vmem>>) target_semaphore(%run_scoped3A : memref<!tpu.dma_semaphore, #tpu.memory_space<semaphore_mem>>)
        %dma_wait3A = arith.constant 0 : i32
        %dma_wait3A_24 = tpu.memref_slice %arg2[%add3A_18, %dma_wait3A] : memref<2500x128xi32, #tpu.memory_space<hbm>> -> memref<1x128xi32, #tpu.memory_space<hbm>>
        %dma_wait3A_25 = tpu.memref_squeeze %dma_wait3A_24 : memref<1x128xi32, #tpu.memory_space<hbm>> -> memref<128xi32, #tpu.memory_space<hbm>>
        %dma_wait3A_26 = arith.constant 0 : i32
        %dma_wait3A_27 = tpu.memref_slice %arg2[%add3A_18, %dma_wait3A_26] : memref<2500x128xi32, #tpu.memory_space<hbm>> -> memref<1x128xi32, #tpu.memory_space<hbm>>
        %dma_wait3A_28 = tpu.memref_squeeze %dma_wait3A_27 : memref<1x128xi32, #tpu.memory_space<hbm>> -> memref<128xi32, #tpu.memory_space<hbm>>
        tpu.wait_dma2 semaphore(%run_scoped3A : memref<!tpu.dma_semaphore, #tpu.memory_space<semaphore_mem>>) src(%dma_wait3A_28 : memref<128xi32, #tpu.memory_space<hbm>>) dst(%arg6 : memref<128xi32, #tpu.memory_space<vmem>>)
        tpu.yield
      }) : () -> ()
      "tpu.region"() ({
        %run_scoped3A = tpu.sem_alloc : memref<!tpu.dma_semaphore, #tpu.memory_space<semaphore_mem>>
        %dma_start3A = arith.constant 0 : i32
        %dma_start3A_19 = arith.constant 0 : i32
        %dma_start3A_20 = tpu.memref_slice %arg8[%dma_start3A, %dma_start3A_19] : memref<10000x16xf32, #tpu.memory_space<vmem_shared>> -> memref<10000x16xf32, #tpu.memory_space<vmem_shared>>
        tpu.enqueue_indirect_dma source(%arg7 : memref<128x16xf32, #tpu.memory_space<vmem>>) target(%dma_start3A_20 : memref<10000x16xf32, #tpu.memory_space<vmem_shared>>) offsets(%arg6 : memref<128xi32, #tpu.memory_space<vmem>>) semaphore(%run_scoped3A : memref<!tpu.dma_semaphore, #tpu.memory_space<semaphore_mem>>) {add = true}
        %dma_wait3A = arith.constant 0 : i32
        %dma_wait3A_21 = arith.constant 0 : i32
        %dma_wait3A_22 = tpu.memref_slice %arg8[%dma_wait3A, %dma_wait3A_21] : memref<10000x16xf32, #tpu.memory_space<vmem_shared>> -> memref<10000x16xf32, #tpu.memory_space<vmem_shared>>
        tpu.wait_indirect_dma semaphore(%run_scoped3A : memref<!tpu.dma_semaphore, #tpu.memory_space<semaphore_mem>>) src(%arg7 : memref<128x16xf32, #tpu.memory_space<vmem>>) dst(%dma_wait3A_22 : memref<10000x16xf32, #tpu.memory_space<vmem_shared>>)
        tpu.yield
      }) : () -> ()
    }
    %while3A_13 = arith.constant 1 : i32
    scf.for %while3A_15 = %while3A_11 to %while3A_7 step %while3A_13  : i32 {
      %mul3A_16 = arith.constant 32 : i32
      %mul3A_17 = arith.muli %mul3A_16, %while3A_15 : i32
      %add3A_18 = arith.addi %add3A, %mul3A_17 : i32
      "tpu.region"() ({
        %run_scoped3A = tpu.sem_alloc : memref<!tpu.dma_semaphore, #tpu.memory_space<semaphore_mem>>
        %dma_start3A = arith.constant 0 : i32
        %dma_start3A_19 = tpu.memref_slice %arg2[%add3A_18, %dma_start3A] : memref<2500x128xi32, #tpu.memory_space<hbm>> -> memref<1x128xi32, #tpu.memory_space<hbm>>
        %dma_start3A_20 = tpu.memref_squeeze %dma_start3A_19 : memref<1x128xi32, #tpu.memory_space<hbm>> -> memref<128xi32, #tpu.memory_space<hbm>>
        %dma_start3A_21 = arith.constant 0 : i32
        %dma_start3A_22 = tpu.memref_slice %arg2[%add3A_18, %dma_start3A_21] : memref<2500x128xi32, #tpu.memory_space<hbm>> -> memref<1x128xi32, #tpu.memory_space<hbm>>
        %dma_start3A_23 = tpu.memref_squeeze %dma_start3A_22 : memref<1x128xi32, #tpu.memory_space<hbm>> -> memref<128xi32, #tpu.memory_space<hbm>>
        tpu.enqueue_dma source(%dma_start3A_23 : memref<128xi32, #tpu.memory_space<hbm>>) target(%arg6 : memref<128xi32, #tpu.memory_space<vmem>>) target_semaphore(%run_scoped3A : memref<!tpu.dma_semaphore, #tpu.memory_space<semaphore_mem>>)
        %dma_wait3A = arith.constant 0 : i32
        %dma_wait3A_24 = tpu.memref_slice %arg2[%add3A_18, %dma_wait3A] : memref<2500x128xi32, #tpu.memory_space<hbm>> -> memref<1x128xi32, #tpu.memory_space<hbm>>
        %dma_wait3A_25 = tpu.memref_squeeze %dma_wait3A_24 : memref<1x128xi32, #tpu.memory_space<hbm>> -> memref<128xi32, #tpu.memory_space<hbm>>
        %dma_wait3A_26 = arith.constant 0 : i32
        %dma_wait3A_27 = tpu.memref_slice %arg2[%add3A_18, %dma_wait3A_26] : memref<2500x128xi32, #tpu.memory_space<hbm>> -> memref<1x128xi32, #tpu.memory_space<hbm>>
        %dma_wait3A_28 = tpu.memref_squeeze %dma_wait3A_27 : memref<1x128xi32, #tpu.memory_space<hbm>> -> memref<128xi32, #tpu.memory_space<hbm>>
        tpu.wait_dma2 semaphore(%run_scoped3A : memref<!tpu.dma_semaphore, #tpu.memory_space<semaphore_mem>>) src(%dma_wait3A_28 : memref<128xi32, #tpu.memory_space<hbm>>) dst(%arg6 : memref<128xi32, #tpu.memory_space<vmem>>)
        tpu.yield
      }) : () -> ()
      "tpu.region"() ({
        %run_scoped3A = tpu.sem_alloc : memref<!tpu.dma_semaphore, #tpu.memory_space<semaphore_mem>>
        %dma_start3A = arith.constant 0 : i32
        %dma_start3A_19 = arith.constant 0 : i32
        %dma_start3A_20 = tpu.memref_slice %arg8[%dma_start3A, %dma_start3A_19] : memref<10000x16xf32, #tpu.memory_space<vmem_shared>> -> memref<10000x16xf32, #tpu.memory_space<vmem_shared>>
        tpu.enqueue_indirect_dma source(%arg7 : memref<128x16xf32, #tpu.memory_space<vmem>>) target(%dma_start3A_20 : memref<10000x16xf32, #tpu.memory_space<vmem_shared>>) offsets(%arg6 : memref<128xi32, #tpu.memory_space<vmem>>) semaphore(%run_scoped3A : memref<!tpu.dma_semaphore, #tpu.memory_space<semaphore_mem>>) {add = true}
        %dma_wait3A = arith.constant 0 : i32
        %dma_wait3A_21 = arith.constant 0 : i32
        %dma_wait3A_22 = tpu.memref_slice %arg8[%dma_wait3A, %dma_wait3A_21] : memref<10000x16xf32, #tpu.memory_space<vmem_shared>> -> memref<10000x16xf32, #tpu.memory_space<vmem_shared>>
        tpu.wait_indirect_dma semaphore(%run_scoped3A : memref<!tpu.dma_semaphore, #tpu.memory_space<semaphore_mem>>) src(%arg7 : memref<128x16xf32, #tpu.memory_space<vmem>>) dst(%dma_wait3A_22 : memref<10000x16xf32, #tpu.memory_space<vmem_shared>>)
        tpu.yield
      }) : () -> ()
    }
    %barrier3A_14 = arith.constant 0 : index
    tpu.barrier barrier_id(%barrier3A_14)
    "tpu.region"() ({
      %run_scoped3A = tpu.sem_alloc : memref<!tpu.dma_semaphore, #tpu.memory_space<semaphore_mem>>
      %dma_start3A = arith.constant 0 : i32
      %dma_start3A_15 = tpu.memref_slice %arg5[%arg0, %mul3A_2, %dma_start3A] : memref<2x10000x16xf32, #tpu.memory_space<hbm>> -> memref<1x625x16xf32, #tpu.memory_space<hbm>>
      %dma_start3A_16 = tpu.memref_squeeze %dma_start3A_15 : memref<1x625x16xf32, #tpu.memory_space<hbm>> -> memref<625x16xf32, #tpu.memory_space<hbm>>
      %dma_start3A_17 = arith.constant 0 : i32
      %dma_start3A_18 = tpu.memref_slice %arg8[%mul3A_2, %dma_start3A_17] : memref<10000x16xf32, #tpu.memory_space<vmem_shared>> -> memref<625x16xf32, #tpu.memory_space<vmem_shared>>
      tpu.enqueue_dma source(%dma_start3A_18 : memref<625x16xf32, #tpu.memory_space<vmem_shared>>) target(%dma_start3A_16 : memref<625x16xf32, #tpu.memory_space<hbm>>) target_semaphore(%run_scoped3A : memref<!tpu.dma_semaphore, #tpu.memory_space<semaphore_mem>>)
      %dma_wait3A = arith.constant 0 : i32
      %dma_wait3A_19 = tpu.memref_slice %arg5[%arg0, %mul3A_2, %dma_wait3A] : memref<2x10000x16xf32, #tpu.memory_space<hbm>> -> memref<1x625x16xf32, #tpu.memory_space<hbm>>
      %dma_wait3A_20 = tpu.memref_squeeze %dma_wait3A_19 : memref<1x625x16xf32, #tpu.memory_space<hbm>> -> memref<625x16xf32, #tpu.memory_space<hbm>>
      %dma_wait3A_21 = arith.constant 0 : i32
      %dma_wait3A_22 = tpu.memref_slice %arg8[%mul3A_2, %dma_wait3A_21] : memref<10000x16xf32, #tpu.memory_space<vmem_shared>> -> memref<625x16xf32, #tpu.memory_space<vmem_shared>>
      tpu.wait_dma2 semaphore(%run_scoped3A : memref<!tpu.dma_semaphore, #tpu.memory_space<semaphore_mem>>) src(%dma_wait3A_22 : memref<625x16xf32, #tpu.memory_space<vmem_shared>>) dst(%dma_wait3A_20 : memref<625x16xf32, #tpu.memory_space<hbm>>)
      tpu.yield
    }) : () -> ()
    return
  }
}

#map = affine_map<(d0, d1) -> (0, 0)>
module attributes {stable_mosaic.version = 14 : i64} {
  func.func @_score_body(%arg0: i32, %arg1: i32, %arg2: memref<1564x128xi32, #tpu.memory_space<hbm>>, %arg3: memref<1564x128xi32, #tpu.memory_space<hbm>>, %arg4: memref<10000x128xf32, #tpu.memory_space<hbm>>, %arg5: memref<10000x128xf32, #tpu.memory_space<hbm>>, %arg6: memref<1564x2048xf32, #tpu.memory_space<hbm>>, %arg7: memref<128xi32, #tpu.memory_space<vmem>>, %arg8: memref<128xi32, #tpu.memory_space<vmem>>, %arg9: memref<128x128xf32, #tpu.memory_space<vmem>>, %arg10: memref<128x128xf32, #tpu.memory_space<vmem>>, %arg11: memref<2048xf32, #tpu.memory_space<vmem>>, %arg12: memref<!tpu.dma_semaphore, #tpu.memory_space<semaphore_mem>>, %arg13: memref<!tpu.dma_semaphore, #tpu.memory_space<semaphore_mem>>) attributes {dimension_semantics = [#tpu.dimension_semantics<core_parallel>, #tpu.dimension_semantics<subcore_parallel>], iteration_bounds = array<i64: 2, 16>, scalar_prefetch = 0 : i64, scratch_operands = 7 : i64, tpu.core_type = #tpu.core_type<sc_vector_subcore>, window_params = [{transform_indices = #map}, {transform_indices = #map}, {transform_indices = #map}, {transform_indices = #map}, {transform_indices = #map}]} {
    %mul3A = arith.constant 2 : i32
    %mul3A_0 = arith.muli %arg1, %mul3A : i32
    %add3A = arith.addi %mul3A_0, %arg0 : i32
    %lt3A = arith.constant 28 : i32
    %lt3A_1 = arith.cmpi slt, %add3A, %lt3A : i32
    %jit3A = arith.constant 49 : i32
    %jit3A_2 = arith.constant 48 : i32
    %select_n3A = arith.select %lt3A_1, %jit3A, %jit3A_2 : i32
    %while3A = arith.constant 0 : i32
    %while3A_3 = arith.constant 0 : i32
    %while3A_4 = arith.subi %select_n3A, %while3A_3 : i32
    %while3A_5 = arith.addi %while3A_3, %while3A_4 : i32
    %while3A_6 = arith.constant 1 : i32
    %while3A_7 = arith.divsi %while3A_4, %while3A_6 : i32
    %while3A_8 = arith.muli %while3A_7, %while3A_6 : i32
    %while3A_9 = arith.addi %while3A_3, %while3A_8 : i32
    %while3A_10 = arith.constant 1 : i32
    scf.for %while3A_12 = %while3A_3 to %while3A_9 step %while3A_10  : i32 {
      %mul3A_13 = arith.constant 32 : i32
      %mul3A_14 = arith.muli %mul3A_13, %while3A_12 : i32
      %add3A_15 = arith.addi %add3A, %mul3A_14 : i32
      "tpu.region"() ({
        %run_scoped3A = tpu.sem_alloc : memref<!tpu.dma_semaphore, #tpu.memory_space<semaphore_mem>>
        %dma_start3A_31 = arith.constant 0 : i32
        %dma_start3A_32 = tpu.memref_slice %arg2[%add3A_15, %dma_start3A_31] : memref<1564x128xi32, #tpu.memory_space<hbm>> -> memref<1x128xi32, #tpu.memory_space<hbm>>
        %dma_start3A_33 = tpu.memref_squeeze %dma_start3A_32 : memref<1x128xi32, #tpu.memory_space<hbm>> -> memref<128xi32, #tpu.memory_space<hbm>>
        %dma_start3A_34 = arith.constant 0 : i32
        %dma_start3A_35 = tpu.memref_slice %arg2[%add3A_15, %dma_start3A_34] : memref<1564x128xi32, #tpu.memory_space<hbm>> -> memref<1x128xi32, #tpu.memory_space<hbm>>
        %dma_start3A_36 = tpu.memref_squeeze %dma_start3A_35 : memref<1x128xi32, #tpu.memory_space<hbm>> -> memref<128xi32, #tpu.memory_space<hbm>>
        tpu.enqueue_dma source(%dma_start3A_36 : memref<128xi32, #tpu.memory_space<hbm>>) target(%arg7 : memref<128xi32, #tpu.memory_space<vmem>>) target_semaphore(%run_scoped3A : memref<!tpu.dma_semaphore, #tpu.memory_space<semaphore_mem>>)
        %dma_wait3A_37 = arith.constant 0 : i32
        %dma_wait3A_38 = tpu.memref_slice %arg2[%add3A_15, %dma_wait3A_37] : memref<1564x128xi32, #tpu.memory_space<hbm>> -> memref<1x128xi32, #tpu.memory_space<hbm>>
        %dma_wait3A_39 = tpu.memref_squeeze %dma_wait3A_38 : memref<1x128xi32, #tpu.memory_space<hbm>> -> memref<128xi32, #tpu.memory_space<hbm>>
        %dma_wait3A_40 = arith.constant 0 : i32
        %dma_wait3A_41 = tpu.memref_slice %arg2[%add3A_15, %dma_wait3A_40] : memref<1564x128xi32, #tpu.memory_space<hbm>> -> memref<1x128xi32, #tpu.memory_space<hbm>>
        %dma_wait3A_42 = tpu.memref_squeeze %dma_wait3A_41 : memref<1x128xi32, #tpu.memory_space<hbm>> -> memref<128xi32, #tpu.memory_space<hbm>>
        tpu.wait_dma2 semaphore(%run_scoped3A : memref<!tpu.dma_semaphore, #tpu.memory_space<semaphore_mem>>) src(%dma_wait3A_42 : memref<128xi32, #tpu.memory_space<hbm>>) dst(%arg7 : memref<128xi32, #tpu.memory_space<vmem>>)
        tpu.yield
      }) : () -> ()
      "tpu.region"() ({
        %run_scoped3A = tpu.sem_alloc : memref<!tpu.dma_semaphore, #tpu.memory_space<semaphore_mem>>
        %dma_start3A_31 = arith.constant 0 : i32
        %dma_start3A_32 = tpu.memref_slice %arg3[%add3A_15, %dma_start3A_31] : memref<1564x128xi32, #tpu.memory_space<hbm>> -> memref<1x128xi32, #tpu.memory_space<hbm>>
        %dma_start3A_33 = tpu.memref_squeeze %dma_start3A_32 : memref<1x128xi32, #tpu.memory_space<hbm>> -> memref<128xi32, #tpu.memory_space<hbm>>
        %dma_start3A_34 = arith.constant 0 : i32
        %dma_start3A_35 = tpu.memref_slice %arg3[%add3A_15, %dma_start3A_34] : memref<1564x128xi32, #tpu.memory_space<hbm>> -> memref<1x128xi32, #tpu.memory_space<hbm>>
        %dma_start3A_36 = tpu.memref_squeeze %dma_start3A_35 : memref<1x128xi32, #tpu.memory_space<hbm>> -> memref<128xi32, #tpu.memory_space<hbm>>
        tpu.enqueue_dma source(%dma_start3A_36 : memref<128xi32, #tpu.memory_space<hbm>>) target(%arg8 : memref<128xi32, #tpu.memory_space<vmem>>) target_semaphore(%run_scoped3A : memref<!tpu.dma_semaphore, #tpu.memory_space<semaphore_mem>>)
        %dma_wait3A_37 = arith.constant 0 : i32
        %dma_wait3A_38 = tpu.memref_slice %arg3[%add3A_15, %dma_wait3A_37] : memref<1564x128xi32, #tpu.memory_space<hbm>> -> memref<1x128xi32, #tpu.memory_space<hbm>>
        %dma_wait3A_39 = tpu.memref_squeeze %dma_wait3A_38 : memref<1x128xi32, #tpu.memory_space<hbm>> -> memref<128xi32, #tpu.memory_space<hbm>>
        %dma_wait3A_40 = arith.constant 0 : i32
        %dma_wait3A_41 = tpu.memref_slice %arg3[%add3A_15, %dma_wait3A_40] : memref<1564x128xi32, #tpu.memory_space<hbm>> -> memref<1x128xi32, #tpu.memory_space<hbm>>
        %dma_wait3A_42 = tpu.memref_squeeze %dma_wait3A_41 : memref<1x128xi32, #tpu.memory_space<hbm>> -> memref<128xi32, #tpu.memory_space<hbm>>
        tpu.wait_dma2 semaphore(%run_scoped3A : memref<!tpu.dma_semaphore, #tpu.memory_space<semaphore_mem>>) src(%dma_wait3A_42 : memref<128xi32, #tpu.memory_space<hbm>>) dst(%arg8 : memref<128xi32, #tpu.memory_space<vmem>>)
        tpu.yield
      }) : () -> ()
      %dma_start3A = arith.constant 0 : i32
      %dma_start3A_16 = arith.constant 0 : i32
      %dma_start3A_17 = tpu.memref_slice %arg4[%dma_start3A, %dma_start3A_16] : memref<10000x128xf32, #tpu.memory_space<hbm>> -> memref<10000x128xf32, #tpu.memory_space<hbm>>
      tpu.enqueue_indirect_dma source(%dma_start3A_17 : memref<10000x128xf32, #tpu.memory_space<hbm>>) target(%arg9 : memref<128x128xf32, #tpu.memory_space<vmem>>) offsets(%arg7 : memref<128xi32, #tpu.memory_space<vmem>>) semaphore(%arg12 : memref<!tpu.dma_semaphore, #tpu.memory_space<semaphore_mem>>)
      %dma_start3A_18 = arith.constant 0 : i32
      %dma_start3A_19 = arith.constant 0 : i32
      %dma_start3A_20 = tpu.memref_slice %arg5[%dma_start3A_18, %dma_start3A_19] : memref<10000x128xf32, #tpu.memory_space<hbm>> -> memref<10000x128xf32, #tpu.memory_space<hbm>>
      tpu.enqueue_indirect_dma source(%dma_start3A_20 : memref<10000x128xf32, #tpu.memory_space<hbm>>) target(%arg10 : memref<128x128xf32, #tpu.memory_space<vmem>>) offsets(%arg8 : memref<128xi32, #tpu.memory_space<vmem>>) semaphore(%arg13 : memref<!tpu.dma_semaphore, #tpu.memory_space<semaphore_mem>>)
      %dma_wait3A = arith.constant 0 : i32
      %dma_wait3A_21 = arith.constant 0 : i32
      %dma_wait3A_22 = tpu.memref_slice %arg4[%dma_wait3A, %dma_wait3A_21] : memref<10000x128xf32, #tpu.memory_space<hbm>> -> memref<10000x128xf32, #tpu.memory_space<hbm>>
      tpu.wait_indirect_dma semaphore(%arg12 : memref<!tpu.dma_semaphore, #tpu.memory_space<semaphore_mem>>) src(%dma_wait3A_22 : memref<10000x128xf32, #tpu.memory_space<hbm>>) dst(%arg9 : memref<128x128xf32, #tpu.memory_space<vmem>>)
      %dma_wait3A_23 = arith.constant 0 : i32
      %dma_wait3A_24 = arith.constant 0 : i32
      %dma_wait3A_25 = tpu.memref_slice %arg5[%dma_wait3A_23, %dma_wait3A_24] : memref<10000x128xf32, #tpu.memory_space<hbm>> -> memref<10000x128xf32, #tpu.memory_space<hbm>>
      tpu.wait_indirect_dma semaphore(%arg13 : memref<!tpu.dma_semaphore, #tpu.memory_space<semaphore_mem>>) src(%dma_wait3A_25 : memref<10000x128xf32, #tpu.memory_space<hbm>>) dst(%arg10 : memref<128x128xf32, #tpu.memory_space<vmem>>)
      %scan3A = arith.constant 0 : i32
      %scan3A_26 = arith.constant 0 : i32
      %scan3A_27 = arith.constant 8 : i32
      %scan3A_28 = arith.addi %scan3A_26, %scan3A_27 : i32
      %scan3A_29 = arith.constant 1 : i32
      scf.for %scan3A_31 = %scan3A_26 to %scan3A_28 step %scan3A_29  : i32 {
        %mul3A_32 = arith.constant 16 : i32
        %mul3A_33 = arith.muli %scan3A_31, %mul3A_32 : i32
        %add3A_34 = arith.constant 0 : i32
        %add3A_35 = arith.addi %mul3A_33, %add3A_34 : i32
        %broadcast_in_dim3A = arith.constant 0.000000e+00 : f32
        %broadcast_in_dim3A_36 = vector.broadcast %broadcast_in_dim3A : f32 to vector<16xf32>
        %get3A = arith.index_cast %add3A_35 : i32 to index
        %get3A_37 = arith.constant 0 : index
        %get3A_38 = tpu.vector_load %arg9[%get3A, %get3A_37] {strides = array<i32>} : memref<128x128xf32, #tpu.memory_space<vmem>>, vector<16xf32>,
        %get3A_39 = arith.index_cast %add3A_35 : i32 to index
        %get3A_40 = arith.constant 0 : index
        %get3A_41 = tpu.vector_load %arg10[%get3A_39, %get3A_40] {strides = array<i32>} : memref<128x128xf32, #tpu.memory_space<vmem>>, vector<16xf32>,
        %mul3A_42 = arith.mulf %get3A_38, %get3A_41 : vector<16xf32>
        %add3A_43 = arith.addf %broadcast_in_dim3A_36, %mul3A_42 : vector<16xf32>
        %get3A_44 = arith.index_cast %add3A_35 : i32 to index
        %get3A_45 = arith.constant 16 : index
        %get3A_46 = tpu.vector_load %arg9[%get3A_44, %get3A_45] {strides = array<i32>} : memref<128x128xf32, #tpu.memory_space<vmem>>, vector<16xf32>,
        %get3A_47 = arith.index_cast %add3A_35 : i32 to index
        %get3A_48 = arith.constant 16 : index
        %get3A_49 = tpu.vector_load %arg10[%get3A_47, %get3A_48] {strides = array<i32>} : memref<128x128xf32, #tpu.memory_space<vmem>>, vector<16xf32>,
        %mul3A_50 = arith.mulf %get3A_46, %get3A_49 : vector<16xf32>
        %add3A_51 = arith.addf %add3A_43, %mul3A_50 : vector<16xf32>
        %get3A_52 = arith.index_cast %add3A_35 : i32 to index
        %get3A_53 = arith.constant 32 : index
        %get3A_54 = tpu.vector_load %arg9[%get3A_52, %get3A_53] {strides = array<i32>} : memref<128x128xf32, #tpu.memory_space<vmem>>, vector<16xf32>,
        %get3A_55 = arith.index_cast %add3A_35 : i32 to index
        %get3A_56 = arith.constant 32 : index
        %get3A_57 = tpu.vector_load %arg10[%get3A_55, %get3A_56] {strides = array<i32>} : memref<128x128xf32, #tpu.memory_space<vmem>>, vector<16xf32>,
        %mul3A_58 = arith.mulf %get3A_54, %get3A_57 : vector<16xf32>
        %add3A_59 = arith.addf %add3A_51, %mul3A_58 : vector<16xf32>
        %get3A_60 = arith.index_cast %add3A_35 : i32 to index
        %get3A_61 = arith.constant 48 : index
        %get3A_62 = tpu.vector_load %arg9[%get3A_60, %get3A_61] {strides = array<i32>} : memref<128x128xf32, #tpu.memory_space<vmem>>, vector<16xf32>,
        %get3A_63 = arith.index_cast %add3A_35 : i32 to index
        %get3A_64 = arith.constant 48 : index
        %get3A_65 = tpu.vector_load %arg10[%get3A_63, %get3A_64] {strides = array<i32>} : memref<128x128xf32, #tpu.memory_space<vmem>>, vector<16xf32>,
        %mul3A_66 = arith.mulf %get3A_62, %get3A_65 : vector<16xf32>
        %add3A_67 = arith.addf %add3A_59, %mul3A_66 : vector<16xf32>
        %get3A_68 = arith.index_cast %add3A_35 : i32 to index
        %get3A_69 = arith.constant 64 : index
        %get3A_70 = tpu.vector_load %arg9[%get3A_68, %get3A_69] {strides = array<i32>} : memref<128x128xf32, #tpu.memory_space<vmem>>, vector<16xf32>,
        %get3A_71 = arith.index_cast %add3A_35 : i32 to index
        %get3A_72 = arith.constant 64 : index
        %get3A_73 = tpu.vector_load %arg10[%get3A_71, %get3A_72] {strides = array<i32>} : memref<128x128xf32, #tpu.memory_space<vmem>>, vector<16xf32>,
        %mul3A_74 = arith.mulf %get3A_70, %get3A_73 : vector<16xf32>
        %add3A_75 = arith.addf %add3A_67, %mul3A_74 : vector<16xf32>
        %get3A_76 = arith.index_cast %add3A_35 : i32 to index
        %get3A_77 = arith.constant 80 : index
        %get3A_78 = tpu.vector_load %arg9[%get3A_76, %get3A_77] {strides = array<i32>} : memref<128x128xf32, #tpu.memory_space<vmem>>, vector<16xf32>,
        %get3A_79 = arith.index_cast %add3A_35 : i32 to index
        %get3A_80 = arith.constant 80 : index
        %get3A_81 = tpu.vector_load %arg10[%get3A_79, %get3A_80] {strides = array<i32>} : memref<128x128xf32, #tpu.memory_space<vmem>>, vector<16xf32>,
        %mul3A_82 = arith.mulf %get3A_78, %get3A_81 : vector<16xf32>
        %add3A_83 = arith.addf %add3A_75, %mul3A_82 : vector<16xf32>
        %get3A_84 = arith.index_cast %add3A_35 : i32 to index
        %get3A_85 = arith.constant 96 : index
        %get3A_86 = tpu.vector_load %arg9[%get3A_84, %get3A_85] {strides = array<i32>} : memref<128x128xf32, #tpu.memory_space<vmem>>, vector<16xf32>,
        %get3A_87 = arith.index_cast %add3A_35 : i32 to index
        %get3A_88 = arith.constant 96 : index
        %get3A_89 = tpu.vector_load %arg10[%get3A_87, %get3A_88] {strides = array<i32>} : memref<128x128xf32, #tpu.memory_space<vmem>>, vector<16xf32>,
        %mul3A_90 = arith.mulf %get3A_86, %get3A_89 : vector<16xf32>
        %add3A_91 = arith.addf %add3A_83, %mul3A_90 : vector<16xf32>
        %get3A_92 = arith.index_cast %add3A_35 : i32 to index
        %get3A_93 = arith.constant 112 : index
        %get3A_94 = tpu.vector_load %arg9[%get3A_92, %get3A_93] {strides = array<i32>} : memref<128x128xf32, #tpu.memory_space<vmem>>, vector<16xf32>,
        %get3A_95 = arith.index_cast %add3A_35 : i32 to index
        %get3A_96 = arith.constant 112 : index
        %get3A_97 = tpu.vector_load %arg10[%get3A_95, %get3A_96] {strides = array<i32>} : memref<128x128xf32, #tpu.memory_space<vmem>>, vector<16xf32>,
        %mul3A_98 = arith.mulf %get3A_94, %get3A_97 : vector<16xf32>
        %add3A_99 = arith.addf %add3A_91, %mul3A_98 : vector<16xf32>
        %mul3A_100 = arith.constant 256 : i32
        %mul3A_101 = arith.muli %scan3A_31, %mul3A_100 : i32
        %add3A_102 = arith.constant 0 : i32
        %add3A_103 = arith.addi %mul3A_101, %add3A_102 : i32
        %swap3A = arith.index_cast %add3A_103 : i32 to index
        %swap3A_104 = tpu.vector_load %arg11[%swap3A] {strides = array<i32>} : memref<2048xf32, #tpu.memory_space<vmem>>, vector<16xf32>,
        tpu.vector_store %arg11[%swap3A], %add3A_99 {strides = array<i32>} : memref<2048xf32, #tpu.memory_space<vmem>>, vector<16xf32>,
        %mul3A_105 = arith.constant 16 : i32
        %mul3A_106 = arith.muli %scan3A_31, %mul3A_105 : i32
        %add3A_107 = arith.constant 1 : i32
        %add3A_108 = arith.addi %mul3A_106, %add3A_107 : i32
        %broadcast_in_dim3A_109 = arith.constant 0.000000e+00 : f32
        %broadcast_in_dim3A_110 = vector.broadcast %broadcast_in_dim3A_109 : f32 to vector<16xf32>
        %get3A_111 = arith.index_cast %add3A_108 : i32 to index
        %get3A_112 = arith.constant 0 : index
        %get3A_113 = tpu.vector_load %arg9[%get3A_111, %get3A_112] {strides = array<i32>} : memref<128x128xf32, #tpu.memory_space<vmem>>, vector<16xf32>,
        %get3A_114 = arith.index_cast %add3A_108 : i32 to index
        %get3A_115 = arith.constant 0 : index
        %get3A_116 = tpu.vector_load %arg10[%get3A_114, %get3A_115] {strides = array<i32>} : memref<128x128xf32, #tpu.memory_space<vmem>>, vector<16xf32>,
        %mul3A_117 = arith.mulf %get3A_113, %get3A_116 : vector<16xf32>
        %add3A_118 = arith.addf %broadcast_in_dim3A_110, %mul3A_117 : vector<16xf32>
        %get3A_119 = arith.index_cast %add3A_108 : i32 to index
        %get3A_120 = arith.constant 16 : index
        %get3A_121 = tpu.vector_load %arg9[%get3A_119, %get3A_120] {strides = array<i32>} : memref<128x128xf32, #tpu.memory_space<vmem>>, vector<16xf32>,
        %get3A_122 = arith.index_cast %add3A_108 : i32 to index
        %get3A_123 = arith.constant 16 : index
        %get3A_124 = tpu.vector_load %arg10[%get3A_122, %get3A_123] {strides = array<i32>} : memref<128x128xf32, #tpu.memory_space<vmem>>, vector<16xf32>,
        %mul3A_125 = arith.mulf %get3A_121, %get3A_124 : vector<16xf32>
        %add3A_126 = arith.addf %add3A_118, %mul3A_125 : vector<16xf32>
        %get3A_127 = arith.index_cast %add3A_108 : i32 to index
        %get3A_128 = arith.constant 32 : index
        %get3A_129 = tpu.vector_load %arg9[%get3A_127, %get3A_128] {strides = array<i32>} : memref<128x128xf32, #tpu.memory_space<vmem>>, vector<16xf32>,
        %get3A_130 = arith.index_cast %add3A_108 : i32 to index
        %get3A_131 = arith.constant 32 : index
        %get3A_132 = tpu.vector_load %arg10[%get3A_130, %get3A_131] {strides = array<i32>} : memref<128x128xf32, #tpu.memory_space<vmem>>, vector<16xf32>,
        %mul3A_133 = arith.mulf %get3A_129, %get3A_132 : vector<16xf32>
        %add3A_134 = arith.addf %add3A_126, %mul3A_133 : vector<16xf32>
        %get3A_135 = arith.index_cast %add3A_108 : i32 to index
        %get3A_136 = arith.constant 48 : index
        %get3A_137 = tpu.vector_load %arg9[%get3A_135, %get3A_136] {strides = array<i32>} : memref<128x128xf32, #tpu.memory_space<vmem>>, vector<16xf32>,
        %get3A_138 = arith.index_cast %add3A_108 : i32 to index
        %get3A_139 = arith.constant 48 : index
        %get3A_140 = tpu.vector_load %arg10[%get3A_138, %get3A_139] {strides = array<i32>} : memref<128x128xf32, #tpu.memory_space<vmem>>, vector<16xf32>,
        %mul3A_141 = arith.mulf %get3A_137, %get3A_140 : vector<16xf32>
        %add3A_142 = arith.addf %add3A_134, %mul3A_141 : vector<16xf32>
        %get3A_143 = arith.index_cast %add3A_108 : i32 to index
        %get3A_144 = arith.constant 64 : index
        %get3A_145 = tpu.vector_load %arg9[%get3A_143, %get3A_144] {strides = array<i32>} : memref<128x128xf32, #tpu.memory_space<vmem>>, vector<16xf32>,
        %get3A_146 = arith.index_cast %add3A_108 : i32 to index
        %get3A_147 = arith.constant 64 : index
        %get3A_148 = tpu.vector_load %arg10[%get3A_146, %get3A_147] {strides = array<i32>} : memref<128x128xf32, #tpu.memory_space<vmem>>, vector<16xf32>,
        %mul3A_149 = arith.mulf %get3A_145, %get3A_148 : vector<16xf32>
        %add3A_150 = arith.addf %add3A_142, %mul3A_149 : vector<16xf32>
        %get3A_151 = arith.index_cast %add3A_108 : i32 to index
        %get3A_152 = arith.constant 80 : index
        %get3A_153 = tpu.vector_load %arg9[%get3A_151, %get3A_152] {strides = array<i32>} : memref<128x128xf32, #tpu.memory_space<vmem>>, vector<16xf32>,
        %get3A_154 = arith.index_cast %add3A_108 : i32 to index
        %get3A_155 = arith.constant 80 : index
        %get3A_156 = tpu.vector_load %arg10[%get3A_154, %get3A_155] {strides = array<i32>} : memref<128x128xf32, #tpu.memory_space<vmem>>, vector<16xf32>,
        %mul3A_157 = arith.mulf %get3A_153, %get3A_156 : vector<16xf32>
        %add3A_158 = arith.addf %add3A_150, %mul3A_157 : vector<16xf32>
        %get3A_159 = arith.index_cast %add3A_108 : i32 to index
        %get3A_160 = arith.constant 96 : index
        %get3A_161 = tpu.vector_load %arg9[%get3A_159, %get3A_160] {strides = array<i32>} : memref<128x128xf32, #tpu.memory_space<vmem>>, vector<16xf32>,
        %get3A_162 = arith.index_cast %add3A_108 : i32 to index
        %get3A_163 = arith.constant 96 : index
        %get3A_164 = tpu.vector_load %arg10[%get3A_162, %get3A_163] {strides = array<i32>} : memref<128x128xf32, #tpu.memory_space<vmem>>, vector<16xf32>,
        %mul3A_165 = arith.mulf %get3A_161, %get3A_164 : vector<16xf32>
        %add3A_166 = arith.addf %add3A_158, %mul3A_165 : vector<16xf32>
        %get3A_167 = arith.index_cast %add3A_108 : i32 to index
        %get3A_168 = arith.constant 112 : index
        %get3A_169 = tpu.vector_load %arg9[%get3A_167, %get3A_168] {strides = array<i32>} : memref<128x128xf32, #tpu.memory_space<vmem>>, vector<16xf32>,
        %get3A_170 = arith.index_cast %add3A_108 : i32 to index
        %get3A_171 = arith.constant 112 : index
        %get3A_172 = tpu.vector_load %arg10[%get3A_170, %get3A_171] {strides = array<i32>} : memref<128x128xf32, #tpu.memory_space<vmem>>, vector<16xf32>,
        %mul3A_173 = arith.mulf %get3A_169, %get3A_172 : vector<16xf32>
        %add3A_174 = arith.addf %add3A_166, %mul3A_173 : vector<16xf32>
        %mul3A_175 = arith.constant 256 : i32
        %mul3A_176 = arith.muli %scan3A_31, %mul3A_175 : i32
        %add3A_177 = arith.constant 16 : i32
        %add3A_178 = arith.addi %mul3A_176, %add3A_177 : i32
        %swap3A_179 = arith.index_cast %add3A_178 : i32 to index
        %swap3A_180 = tpu.vector_load %arg11[%swap3A_179] {strides = array<i32>} : memref<2048xf32, #tpu.memory_space<vmem>>, vector<16xf32>,
        tpu.vector_store %arg11[%swap3A_179], %add3A_174 {strides = array<i32>} : memref<2048xf32, #tpu.memory_space<vmem>>, vector<16xf32>,
        %mul3A_181 = arith.constant 16 : i32
        %mul3A_182 = arith.muli %scan3A_31, %mul3A_181 : i32
        %add3A_183 = arith.constant 2 : i32
        %add3A_184 = arith.addi %mul3A_182, %add3A_183 : i32
        %broadcast_in_dim3A_185 = arith.constant 0.000000e+00 : f32
        %broadcast_in_dim3A_186 = vector.broadcast %broadcast_in_dim3A_185 : f32 to vector<16xf32>
        %get3A_187 = arith.index_cast %add3A_184 : i32 to index
        %get3A_188 = arith.constant 0 : index
        %get3A_189 = tpu.vector_load %arg9[%get3A_187, %get3A_188] {strides = array<i32>} : memref<128x128xf32, #tpu.memory_space<vmem>>, vector<16xf32>,
        %get3A_190 = arith.index_cast %add3A_184 : i32 to index
        %get3A_191 = arith.constant 0 : index
        %get3A_192 = tpu.vector_load %arg10[%get3A_190, %get3A_191] {strides = array<i32>} : memref<128x128xf32, #tpu.memory_space<vmem>>, vector<16xf32>,
        %mul3A_193 = arith.mulf %get3A_189, %get3A_192 : vector<16xf32>
        %add3A_194 = arith.addf %broadcast_in_dim3A_186, %mul3A_193 : vector<16xf32>
        %get3A_195 = arith.index_cast %add3A_184 : i32 to index
        %get3A_196 = arith.constant 16 : index
        %get3A_197 = tpu.vector_load %arg9[%get3A_195, %get3A_196] {strides = array<i32>} : memref<128x128xf32, #tpu.memory_space<vmem>>, vector<16xf32>,
        %get3A_198 = arith.index_cast %add3A_184 : i32 to index
        %get3A_199 = arith.constant 16 : index
        %get3A_200 = tpu.vector_load %arg10[%get3A_198, %get3A_199] {strides = array<i32>} : memref<128x128xf32, #tpu.memory_space<vmem>>, vector<16xf32>,
        %mul3A_201 = arith.mulf %get3A_197, %get3A_200 : vector<16xf32>
        %add3A_202 = arith.addf %add3A_194, %mul3A_201 : vector<16xf32>
        %get3A_203 = arith.index_cast %add3A_184 : i32 to index
        %get3A_204 = arith.constant 32 : index
        %get3A_205 = tpu.vector_load %arg9[%get3A_203, %get3A_204] {strides = array<i32>} : memref<128x128xf32, #tpu.memory_space<vmem>>, vector<16xf32>,
        %get3A_206 = arith.index_cast %add3A_184 : i32 to index
        %get3A_207 = arith.constant 32 : index
        %get3A_208 = tpu.vector_load %arg10[%get3A_206, %get3A_207] {strides = array<i32>} : memref<128x128xf32, #tpu.memory_space<vmem>>, vector<16xf32>,
        %mul3A_209 = arith.mulf %get3A_205, %get3A_208 : vector<16xf32>
        %add3A_210 = arith.addf %add3A_202, %mul3A_209 : vector<16xf32>
        %get3A_211 = arith.index_cast %add3A_184 : i32 to index
        %get3A_212 = arith.constant 48 : index
        %get3A_213 = tpu.vector_load %arg9[%get3A_211, %get3A_212] {strides = array<i32>} : memref<128x128xf32, #tpu.memory_space<vmem>>, vector<16xf32>,
        %get3A_214 = arith.index_cast %add3A_184 : i32 to index
        %get3A_215 = arith.constant 48 : index
        %get3A_216 = tpu.vector_load %arg10[%get3A_214, %get3A_215] {strides = array<i32>} : memref<128x128xf32, #tpu.memory_space<vmem>>, vector<16xf32>,
        %mul3A_217 = arith.mulf %get3A_213, %get3A_216 : vector<16xf32>
        %add3A_218 = arith.addf %add3A_210, %mul3A_217 : vector<16xf32>
        %get3A_219 = arith.index_cast %add3A_184 : i32 to index
        %get3A_220 = arith.constant 64 : index
        %get3A_221 = tpu.vector_load %arg9[%get3A_219, %get3A_220] {strides = array<i32>} : memref<128x128xf32, #tpu.memory_space<vmem>>, vector<16xf32>,
        %get3A_222 = arith.index_cast %add3A_184 : i32 to index
        %get3A_223 = arith.constant 64 : index
        %get3A_224 = tpu.vector_load %arg10[%get3A_222, %get3A_223] {strides = array<i32>} : memref<128x128xf32, #tpu.memory_space<vmem>>, vector<16xf32>,
        %mul3A_225 = arith.mulf %get3A_221, %get3A_224 : vector<16xf32>
        %add3A_226 = arith.addf %add3A_218, %mul3A_225 : vector<16xf32>
        %get3A_227 = arith.index_cast %add3A_184 : i32 to index
        %get3A_228 = arith.constant 80 : index
        %get3A_229 = tpu.vector_load %arg9[%get3A_227, %get3A_228] {strides = array<i32>} : memref<128x128xf32, #tpu.memory_space<vmem>>, vector<16xf32>,
        %get3A_230 = arith.index_cast %add3A_184 : i32 to index
        %get3A_231 = arith.constant 80 : index
        %get3A_232 = tpu.vector_load %arg10[%get3A_230, %get3A_231] {strides = array<i32>} : memref<128x128xf32, #tpu.memory_space<vmem>>, vector<16xf32>,
        %mul3A_233 = arith.mulf %get3A_229, %get3A_232 : vector<16xf32>
        %add3A_234 = arith.addf %add3A_226, %mul3A_233 : vector<16xf32>
        %get3A_235 = arith.index_cast %add3A_184 : i32 to index
        %get3A_236 = arith.constant 96 : index
        %get3A_237 = tpu.vector_load %arg9[%get3A_235, %get3A_236] {strides = array<i32>} : memref<128x128xf32, #tpu.memory_space<vmem>>, vector<16xf32>,
        %get3A_238 = arith.index_cast %add3A_184 : i32 to index
        %get3A_239 = arith.constant 96 : index
        %get3A_240 = tpu.vector_load %arg10[%get3A_238, %get3A_239] {strides = array<i32>} : memref<128x128xf32, #tpu.memory_space<vmem>>, vector<16xf32>,
        %mul3A_241 = arith.mulf %get3A_237, %get3A_240 : vector<16xf32>
        %add3A_242 = arith.addf %add3A_234, %mul3A_241 : vector<16xf32>
        %get3A_243 = arith.index_cast %add3A_184 : i32 to index
        %get3A_244 = arith.constant 112 : index
        %get3A_245 = tpu.vector_load %arg9[%get3A_243, %get3A_244] {strides = array<i32>} : memref<128x128xf32, #tpu.memory_space<vmem>>, vector<16xf32>,
        %get3A_246 = arith.index_cast %add3A_184 : i32 to index
        %get3A_247 = arith.constant 112 : index
        %get3A_248 = tpu.vector_load %arg10[%get3A_246, %get3A_247] {strides = array<i32>} : memref<128x128xf32, #tpu.memory_space<vmem>>, vector<16xf32>,
        %mul3A_249 = arith.mulf %get3A_245, %get3A_248 : vector<16xf32>
        %add3A_250 = arith.addf %add3A_242, %mul3A_249 : vector<16xf32>
        %mul3A_251 = arith.constant 256 : i32
        %mul3A_252 = arith.muli %scan3A_31, %mul3A_251 : i32
        %add3A_253 = arith.constant 32 : i32
        %add3A_254 = arith.addi %mul3A_252, %add3A_253 : i32
        %swap3A_255 = arith.index_cast %add3A_254 : i32 to index
        %swap3A_256 = tpu.vector_load %arg11[%swap3A_255] {strides = array<i32>} : memref<2048xf32, #tpu.memory_space<vmem>>, vector<16xf32>,
        tpu.vector_store %arg11[%swap3A_255], %add3A_250 {strides = array<i32>} : memref<2048xf32, #tpu.memory_space<vmem>>, vector<16xf32>,
        %mul3A_257 = arith.constant 16 : i32
        %mul3A_258 = arith.muli %scan3A_31, %mul3A_257 : i32
        %add3A_259 = arith.constant 3 : i32
        %add3A_260 = arith.addi %mul3A_258, %add3A_259 : i32
        %broadcast_in_dim3A_261 = arith.constant 0.000000e+00 : f32
        %broadcast_in_dim3A_262 = vector.broadcast %broadcast_in_dim3A_261 : f32 to vector<16xf32>
        %get3A_263 = arith.index_cast %add3A_260 : i32 to index
        %get3A_264 = arith.constant 0 : index
        %get3A_265 = tpu.vector_load %arg9[%get3A_263, %get3A_264] {strides = array<i32>} : memref<128x128xf32, #tpu.memory_space<vmem>>, vector<16xf32>,
        %get3A_266 = arith.index_cast %add3A_260 : i32 to index
        %get3A_267 = arith.constant 0 : index
        %get3A_268 = tpu.vector_load %arg10[%get3A_266, %get3A_267] {strides = array<i32>} : memref<128x128xf32, #tpu.memory_space<vmem>>, vector<16xf32>,
        %mul3A_269 = arith.mulf %get3A_265, %get3A_268 : vector<16xf32>
        %add3A_270 = arith.addf %broadcast_in_dim3A_262, %mul3A_269 : vector<16xf32>
        %get3A_271 = arith.index_cast %add3A_260 : i32 to index
        %get3A_272 = arith.constant 16 : index
        %get3A_273 = tpu.vector_load %arg9[%get3A_271, %get3A_272] {strides = array<i32>} : memref<128x128xf32, #tpu.memory_space<vmem>>, vector<16xf32>,
        %get3A_274 = arith.index_cast %add3A_260 : i32 to index
        %get3A_275 = arith.constant 16 : index
        %get3A_276 = tpu.vector_load %arg10[%get3A_274, %get3A_275] {strides = array<i32>} : memref<128x128xf32, #tpu.memory_space<vmem>>, vector<16xf32>,
        %mul3A_277 = arith.mulf %get3A_273, %get3A_276 : vector<16xf32>
        %add3A_278 = arith.addf %add3A_270, %mul3A_277 : vector<16xf32>
        %get3A_279 = arith.index_cast %add3A_260 : i32 to index
        %get3A_280 = arith.constant 32 : index
        %get3A_281 = tpu.vector_load %arg9[%get3A_279, %get3A_280] {strides = array<i32>} : memref<128x128xf32, #tpu.memory_space<vmem>>, vector<16xf32>,
        %get3A_282 = arith.index_cast %add3A_260 : i32 to index
        %get3A_283 = arith.constant 32 : index
        %get3A_284 = tpu.vector_load %arg10[%get3A_282, %get3A_283] {strides = array<i32>} : memref<128x128xf32, #tpu.memory_space<vmem>>, vector<16xf32>,
        %mul3A_285 = arith.mulf %get3A_281, %get3A_284 : vector<16xf32>
        %add3A_286 = arith.addf %add3A_278, %mul3A_285 : vector<16xf32>
        %get3A_287 = arith.index_cast %add3A_260 : i32 to index
        %get3A_288 = arith.constant 48 : index
        %get3A_289 = tpu.vector_load %arg9[%get3A_287, %get3A_288] {strides = array<i32>} : memref<128x128xf32, #tpu.memory_space<vmem>>, vector<16xf32>,
        %get3A_290 = arith.index_cast %add3A_260 : i32 to index
        %get3A_291 = arith.constant 48 : index
        %get3A_292 = tpu.vector_load %arg10[%get3A_290, %get3A_291] {strides = array<i32>} : memref<128x128xf32, #tpu.memory_space<vmem>>, vector<16xf32>,
        %mul3A_293 = arith.mulf %get3A_289, %get3A_292 : vector<16xf32>
        %add3A_294 = arith.addf %add3A_286, %mul3A_293 : vector<16xf32>
        %get3A_295 = arith.index_cast %add3A_260 : i32 to index
        %get3A_296 = arith.constant 64 : index
        %get3A_297 = tpu.vector_load %arg9[%get3A_295, %get3A_296] {strides = array<i32>} : memref<128x128xf32, #tpu.memory_space<vmem>>, vector<16xf32>,
        %get3A_298 = arith.index_cast %add3A_260 : i32 to index
        %get3A_299 = arith.constant 64 : index
        %get3A_300 = tpu.vector_load %arg10[%get3A_298, %get3A_299] {strides = array<i32>} : memref<128x128xf32, #tpu.memory_space<vmem>>, vector<16xf32>,
        %mul3A_301 = arith.mulf %get3A_297, %get3A_300 : vector<16xf32>
        %add3A_302 = arith.addf %add3A_294, %mul3A_301 : vector<16xf32>
        %get3A_303 = arith.index_cast %add3A_260 : i32 to index
        %get3A_304 = arith.constant 80 : index
        %get3A_305 = tpu.vector_load %arg9[%get3A_303, %get3A_304] {strides = array<i32>} : memref<128x128xf32, #tpu.memory_space<vmem>>, vector<16xf32>,
        %get3A_306 = arith.index_cast %add3A_260 : i32 to index
        %get3A_307 = arith.constant 80 : index
        %get3A_308 = tpu.vector_load %arg10[%get3A_306, %get3A_307] {strides = array<i32>} : memref<128x128xf32, #tpu.memory_space<vmem>>, vector<16xf32>,
        %mul3A_309 = arith.mulf %get3A_305, %get3A_308 : vector<16xf32>
        %add3A_310 = arith.addf %add3A_302, %mul3A_309 : vector<16xf32>
        %get3A_311 = arith.index_cast %add3A_260 : i32 to index
        %get3A_312 = arith.constant 96 : index
        %get3A_313 = tpu.vector_load %arg9[%get3A_311, %get3A_312] {strides = array<i32>} : memref<128x128xf32, #tpu.memory_space<vmem>>, vector<16xf32>,
        %get3A_314 = arith.index_cast %add3A_260 : i32 to index
        %get3A_315 = arith.constant 96 : index
        %get3A_316 = tpu.vector_load %arg10[%get3A_314, %get3A_315] {strides = array<i32>} : memref<128x128xf32, #tpu.memory_space<vmem>>, vector<16xf32>,
        %mul3A_317 = arith.mulf %get3A_313, %get3A_316 : vector<16xf32>
        %add3A_318 = arith.addf %add3A_310, %mul3A_317 : vector<16xf32>
        %get3A_319 = arith.index_cast %add3A_260 : i32 to index
        %get3A_320 = arith.constant 112 : index
        %get3A_321 = tpu.vector_load %arg9[%get3A_319, %get3A_320] {strides = array<i32>} : memref<128x128xf32, #tpu.memory_space<vmem>>, vector<16xf32>,
        %get3A_322 = arith.index_cast %add3A_260 : i32 to index
        %get3A_323 = arith.constant 112 : index
        %get3A_324 = tpu.vector_load %arg10[%get3A_322, %get3A_323] {strides = array<i32>} : memref<128x128xf32, #tpu.memory_space<vmem>>, vector<16xf32>,
        %mul3A_325 = arith.mulf %get3A_321, %get3A_324 : vector<16xf32>
        %add3A_326 = arith.addf %add3A_318, %mul3A_325 : vector<16xf32>
        %mul3A_327 = arith.constant 256 : i32
        %mul3A_328 = arith.muli %scan3A_31, %mul3A_327 : i32
        %add3A_329 = arith.constant 48 : i32
        %add3A_330 = arith.addi %mul3A_328, %add3A_329 : i32
        %swap3A_331 = arith.index_cast %add3A_330 : i32 to index
        %swap3A_332 = tpu.vector_load %arg11[%swap3A_331] {strides = array<i32>} : memref<2048xf32, #tpu.memory_space<vmem>>, vector<16xf32>,
        tpu.vector_store %arg11[%swap3A_331], %add3A_326 {strides = array<i32>} : memref<2048xf32, #tpu.memory_space<vmem>>, vector<16xf32>,
        %mul3A_333 = arith.constant 16 : i32
        %mul3A_334 = arith.muli %scan3A_31, %mul3A_333 : i32
        %add3A_335 = arith.constant 4 : i32
        %add3A_336 = arith.addi %mul3A_334, %add3A_335 : i32
        %broadcast_in_dim3A_337 = arith.constant 0.000000e+00 : f32
        %broadcast_in_dim3A_338 = vector.broadcast %broadcast_in_dim3A_337 : f32 to vector<16xf32>
        %get3A_339 = arith.index_cast %add3A_336 : i32 to index
        %get3A_340 = arith.constant 0 : index
        %get3A_341 = tpu.vector_load %arg9[%get3A_339, %get3A_340] {strides = array<i32>} : memref<128x128xf32, #tpu.memory_space<vmem>>, vector<16xf32>,
        %get3A_342 = arith.index_cast %add3A_336 : i32 to index
        %get3A_343 = arith.constant 0 : index
        %get3A_344 = tpu.vector_load %arg10[%get3A_342, %get3A_343] {strides = array<i32>} : memref<128x128xf32, #tpu.memory_space<vmem>>, vector<16xf32>,
        %mul3A_345 = arith.mulf %get3A_341, %get3A_344 : vector<16xf32>
        %add3A_346 = arith.addf %broadcast_in_dim3A_338, %mul3A_345 : vector<16xf32>
        %get3A_347 = arith.index_cast %add3A_336 : i32 to index
        %get3A_348 = arith.constant 16 : index
        %get3A_349 = tpu.vector_load %arg9[%get3A_347, %get3A_348] {strides = array<i32>} : memref<128x128xf32, #tpu.memory_space<vmem>>, vector<16xf32>,
        %get3A_350 = arith.index_cast %add3A_336 : i32 to index
        %get3A_351 = arith.constant 16 : index
        %get3A_352 = tpu.vector_load %arg10[%get3A_350, %get3A_351] {strides = array<i32>} : memref<128x128xf32, #tpu.memory_space<vmem>>, vector<16xf32>,
        %mul3A_353 = arith.mulf %get3A_349, %get3A_352 : vector<16xf32>
        %add3A_354 = arith.addf %add3A_346, %mul3A_353 : vector<16xf32>
        %get3A_355 = arith.index_cast %add3A_336 : i32 to index
        %get3A_356 = arith.constant 32 : index
        %get3A_357 = tpu.vector_load %arg9[%get3A_355, %get3A_356] {strides = array<i32>} : memref<128x128xf32, #tpu.memory_space<vmem>>, vector<16xf32>,
        %get3A_358 = arith.index_cast %add3A_336 : i32 to index
        %get3A_359 = arith.constant 32 : index
        %get3A_360 = tpu.vector_load %arg10[%get3A_358, %get3A_359] {strides = array<i32>} : memref<128x128xf32, #tpu.memory_space<vmem>>, vector<16xf32>,
        %mul3A_361 = arith.mulf %get3A_357, %get3A_360 : vector<16xf32>
        %add3A_362 = arith.addf %add3A_354, %mul3A_361 : vector<16xf32>
        %get3A_363 = arith.index_cast %add3A_336 : i32 to index
        %get3A_364 = arith.constant 48 : index
        %get3A_365 = tpu.vector_load %arg9[%get3A_363, %get3A_364] {strides = array<i32>} : memref<128x128xf32, #tpu.memory_space<vmem>>, vector<16xf32>,
        %get3A_366 = arith.index_cast %add3A_336 : i32 to index
        %get3A_367 = arith.constant 48 : index
        %get3A_368 = tpu.vector_load %arg10[%get3A_366, %get3A_367] {strides = array<i32>} : memref<128x128xf32, #tpu.memory_space<vmem>>, vector<16xf32>,
        %mul3A_369 = arith.mulf %get3A_365, %get3A_368 : vector<16xf32>
        %add3A_370 = arith.addf %add3A_362, %mul3A_369 : vector<16xf32>
        %get3A_371 = arith.index_cast %add3A_336 : i32 to index
        %get3A_372 = arith.constant 64 : index
        %get3A_373 = tpu.vector_load %arg9[%get3A_371, %get3A_372] {strides = array<i32>} : memref<128x128xf32, #tpu.memory_space<vmem>>, vector<16xf32>,
        %get3A_374 = arith.index_cast %add3A_336 : i32 to index
        %get3A_375 = arith.constant 64 : index
        %get3A_376 = tpu.vector_load %arg10[%get3A_374, %get3A_375] {strides = array<i32>} : memref<128x128xf32, #tpu.memory_space<vmem>>, vector<16xf32>,
        %mul3A_377 = arith.mulf %get3A_373, %get3A_376 : vector<16xf32>
        %add3A_378 = arith.addf %add3A_370, %mul3A_377 : vector<16xf32>
        %get3A_379 = arith.index_cast %add3A_336 : i32 to index
        %get3A_380 = arith.constant 80 : index
        %get3A_381 = tpu.vector_load %arg9[%get3A_379, %get3A_380] {strides = array<i32>} : memref<128x128xf32, #tpu.memory_space<vmem>>, vector<16xf32>,
        %get3A_382 = arith.index_cast %add3A_336 : i32 to index
        %get3A_383 = arith.constant 80 : index
        %get3A_384 = tpu.vector_load %arg10[%get3A_382, %get3A_383] {strides = array<i32>} : memref<128x128xf32, #tpu.memory_space<vmem>>, vector<16xf32>,
        %mul3A_385 = arith.mulf %get3A_381, %get3A_384 : vector<16xf32>
        %add3A_386 = arith.addf %add3A_378, %mul3A_385 : vector<16xf32>
        %get3A_387 = arith.index_cast %add3A_336 : i32 to index
        %get3A_388 = arith.constant 96 : index
        %get3A_389 = tpu.vector_load %arg9[%get3A_387, %get3A_388] {strides = array<i32>} : memref<128x128xf32, #tpu.memory_space<vmem>>, vector<16xf32>,
        %get3A_390 = arith.index_cast %add3A_336 : i32 to index
        %get3A_391 = arith.constant 96 : index
        %get3A_392 = tpu.vector_load %arg10[%get3A_390, %get3A_391] {strides = array<i32>} : memref<128x128xf32, #tpu.memory_space<vmem>>, vector<16xf32>,
        %mul3A_393 = arith.mulf %get3A_389, %get3A_392 : vector<16xf32>
        %add3A_394 = arith.addf %add3A_386, %mul3A_393 : vector<16xf32>
        %get3A_395 = arith.index_cast %add3A_336 : i32 to index
        %get3A_396 = arith.constant 112 : index
        %get3A_397 = tpu.vector_load %arg9[%get3A_395, %get3A_396] {strides = array<i32>} : memref<128x128xf32, #tpu.memory_space<vmem>>, vector<16xf32>,
        %get3A_398 = arith.index_cast %add3A_336 : i32 to index
        %get3A_399 = arith.constant 112 : index
        %get3A_400 = tpu.vector_load %arg10[%get3A_398, %get3A_399] {strides = array<i32>} : memref<128x128xf32, #tpu.memory_space<vmem>>, vector<16xf32>,
        %mul3A_401 = arith.mulf %get3A_397, %get3A_400 : vector<16xf32>
        %add3A_402 = arith.addf %add3A_394, %mul3A_401 : vector<16xf32>
        %mul3A_403 = arith.constant 256 : i32
        %mul3A_404 = arith.muli %scan3A_31, %mul3A_403 : i32
        %add3A_405 = arith.constant 64 : i32
        %add3A_406 = arith.addi %mul3A_404, %add3A_405 : i32
        %swap3A_407 = arith.index_cast %add3A_406 : i32 to index
        %swap3A_408 = tpu.vector_load %arg11[%swap3A_407] {strides = array<i32>} : memref<2048xf32, #tpu.memory_space<vmem>>, vector<16xf32>,
        tpu.vector_store %arg11[%swap3A_407], %add3A_402 {strides = array<i32>} : memref<2048xf32, #tpu.memory_space<vmem>>, vector<16xf32>,
        %mul3A_409 = arith.constant 16 : i32
        %mul3A_410 = arith.muli %scan3A_31, %mul3A_409 : i32
        %add3A_411 = arith.constant 5 : i32
        %add3A_412 = arith.addi %mul3A_410, %add3A_411 : i32
        %broadcast_in_dim3A_413 = arith.constant 0.000000e+00 : f32
        %broadcast_in_dim3A_414 = vector.broadcast %broadcast_in_dim3A_413 : f32 to vector<16xf32>
        %get3A_415 = arith.index_cast %add3A_412 : i32 to index
        %get3A_416 = arith.constant 0 : index
        %get3A_417 = tpu.vector_load %arg9[%get3A_415, %get3A_416] {strides = array<i32>} : memref<128x128xf32, #tpu.memory_space<vmem>>, vector<16xf32>,
        %get3A_418 = arith.index_cast %add3A_412 : i32 to index
        %get3A_419 = arith.constant 0 : index
        %get3A_420 = tpu.vector_load %arg10[%get3A_418, %get3A_419] {strides = array<i32>} : memref<128x128xf32, #tpu.memory_space<vmem>>, vector<16xf32>,
        %mul3A_421 = arith.mulf %get3A_417, %get3A_420 : vector<16xf32>
        %add3A_422 = arith.addf %broadcast_in_dim3A_414, %mul3A_421 : vector<16xf32>
        %get3A_423 = arith.index_cast %add3A_412 : i32 to index
        %get3A_424 = arith.constant 16 : index
        %get3A_425 = tpu.vector_load %arg9[%get3A_423, %get3A_424] {strides = array<i32>} : memref<128x128xf32, #tpu.memory_space<vmem>>, vector<16xf32>,
        %get3A_426 = arith.index_cast %add3A_412 : i32 to index
        %get3A_427 = arith.constant 16 : index
        %get3A_428 = tpu.vector_load %arg10[%get3A_426, %get3A_427] {strides = array<i32>} : memref<128x128xf32, #tpu.memory_space<vmem>>, vector<16xf32>,
        %mul3A_429 = arith.mulf %get3A_425, %get3A_428 : vector<16xf32>
        %add3A_430 = arith.addf %add3A_422, %mul3A_429 : vector<16xf32>
        %get3A_431 = arith.index_cast %add3A_412 : i32 to index
        %get3A_432 = arith.constant 32 : index
        %get3A_433 = tpu.vector_load %arg9[%get3A_431, %get3A_432] {strides = array<i32>} : memref<128x128xf32, #tpu.memory_space<vmem>>, vector<16xf32>,
        %get3A_434 = arith.index_cast %add3A_412 : i32 to index
        %get3A_435 = arith.constant 32 : index
        %get3A_436 = tpu.vector_load %arg10[%get3A_434, %get3A_435] {strides = array<i32>} : memref<128x128xf32, #tpu.memory_space<vmem>>, vector<16xf32>,
        %mul3A_437 = arith.mulf %get3A_433, %get3A_436 : vector<16xf32>
        %add3A_438 = arith.addf %add3A_430, %mul3A_437 : vector<16xf32>
        %get3A_439 = arith.index_cast %add3A_412 : i32 to index
        %get3A_440 = arith.constant 48 : index
        %get3A_441 = tpu.vector_load %arg9[%get3A_439, %get3A_440] {strides = array<i32>} : memref<128x128xf32, #tpu.memory_space<vmem>>, vector<16xf32>,
        %get3A_442 = arith.index_cast %add3A_412 : i32 to index
        %get3A_443 = arith.constant 48 : index
        %get3A_444 = tpu.vector_load %arg10[%get3A_442, %get3A_443] {strides = array<i32>} : memref<128x128xf32, #tpu.memory_space<vmem>>, vector<16xf32>,
        %mul3A_445 = arith.mulf %get3A_441, %get3A_444 : vector<16xf32>
        %add3A_446 = arith.addf %add3A_438, %mul3A_445 : vector<16xf32>
        %get3A_447 = arith.index_cast %add3A_412 : i32 to index
        %get3A_448 = arith.constant 64 : index
        %get3A_449 = tpu.vector_load %arg9[%get3A_447, %get3A_448] {strides = array<i32>} : memref<128x128xf32, #tpu.memory_space<vmem>>, vector<16xf32>,
        %get3A_450 = arith.index_cast %add3A_412 : i32 to index
        %get3A_451 = arith.constant 64 : index
        %get3A_452 = tpu.vector_load %arg10[%get3A_450, %get3A_451] {strides = array<i32>} : memref<128x128xf32, #tpu.memory_space<vmem>>, vector<16xf32>,
        %mul3A_453 = arith.mulf %get3A_449, %get3A_452 : vector<16xf32>
        %add3A_454 = arith.addf %add3A_446, %mul3A_453 : vector<16xf32>
        %get3A_455 = arith.index_cast %add3A_412 : i32 to index
        %get3A_456 = arith.constant 80 : index
        %get3A_457 = tpu.vector_load %arg9[%get3A_455, %get3A_456] {strides = array<i32>} : memref<128x128xf32, #tpu.memory_space<vmem>>, vector<16xf32>,
        %get3A_458 = arith.index_cast %add3A_412 : i32 to index
        %get3A_459 = arith.constant 80 : index
        %get3A_460 = tpu.vector_load %arg10[%get3A_458, %get3A_459] {strides = array<i32>} : memref<128x128xf32, #tpu.memory_space<vmem>>, vector<16xf32>,
        %mul3A_461 = arith.mulf %get3A_457, %get3A_460 : vector<16xf32>
        %add3A_462 = arith.addf %add3A_454, %mul3A_461 : vector<16xf32>
        %get3A_463 = arith.index_cast %add3A_412 : i32 to index
        %get3A_464 = arith.constant 96 : index
        %get3A_465 = tpu.vector_load %arg9[%get3A_463, %get3A_464] {strides = array<i32>} : memref<128x128xf32, #tpu.memory_space<vmem>>, vector<16xf32>,
        %get3A_466 = arith.index_cast %add3A_412 : i32 to index
        %get3A_467 = arith.constant 96 : index
        %get3A_468 = tpu.vector_load %arg10[%get3A_466, %get3A_467] {strides = array<i32>} : memref<128x128xf32, #tpu.memory_space<vmem>>, vector<16xf32>,
        %mul3A_469 = arith.mulf %get3A_465, %get3A_468 : vector<16xf32>
        %add3A_470 = arith.addf %add3A_462, %mul3A_469 : vector<16xf32>
        %get3A_471 = arith.index_cast %add3A_412 : i32 to index
        %get3A_472 = arith.constant 112 : index
        %get3A_473 = tpu.vector_load %arg9[%get3A_471, %get3A_472] {strides = array<i32>} : memref<128x128xf32, #tpu.memory_space<vmem>>, vector<16xf32>,
        %get3A_474 = arith.index_cast %add3A_412 : i32 to index
        %get3A_475 = arith.constant 112 : index
        %get3A_476 = tpu.vector_load %arg10[%get3A_474, %get3A_475] {strides = array<i32>} : memref<128x128xf32, #tpu.memory_space<vmem>>, vector<16xf32>,
        %mul3A_477 = arith.mulf %get3A_473, %get3A_476 : vector<16xf32>
        %add3A_478 = arith.addf %add3A_470, %mul3A_477 : vector<16xf32>
        %mul3A_479 = arith.constant 256 : i32
        %mul3A_480 = arith.muli %scan3A_31, %mul3A_479 : i32
        %add3A_481 = arith.constant 80 : i32
        %add3A_482 = arith.addi %mul3A_480, %add3A_481 : i32
        %swap3A_483 = arith.index_cast %add3A_482 : i32 to index
        %swap3A_484 = tpu.vector_load %arg11[%swap3A_483] {strides = array<i32>} : memref<2048xf32, #tpu.memory_space<vmem>>, vector<16xf32>,
        tpu.vector_store %arg11[%swap3A_483], %add3A_478 {strides = array<i32>} : memref<2048xf32, #tpu.memory_space<vmem>>, vector<16xf32>,
        %mul3A_485 = arith.constant 16 : i32
        %mul3A_486 = arith.muli %scan3A_31, %mul3A_485 : i32
        %add3A_487 = arith.constant 6 : i32
        %add3A_488 = arith.addi %mul3A_486, %add3A_487 : i32
        %broadcast_in_dim3A_489 = arith.constant 0.000000e+00 : f32
        %broadcast_in_dim3A_490 = vector.broadcast %broadcast_in_dim3A_489 : f32 to vector<16xf32>
        %get3A_491 = arith.index_cast %add3A_488 : i32 to index
        %get3A_492 = arith.constant 0 : index
        %get3A_493 = tpu.vector_load %arg9[%get3A_491, %get3A_492] {strides = array<i32>} : memref<128x128xf32, #tpu.memory_space<vmem>>, vector<16xf32>,
        %get3A_494 = arith.index_cast %add3A_488 : i32 to index
        %get3A_495 = arith.constant 0 : index
        %get3A_496 = tpu.vector_load %arg10[%get3A_494, %get3A_495] {strides = array<i32>} : memref<128x128xf32, #tpu.memory_space<vmem>>, vector<16xf32>,
        %mul3A_497 = arith.mulf %get3A_493, %get3A_496 : vector<16xf32>
        %add3A_498 = arith.addf %broadcast_in_dim3A_490, %mul3A_497 : vector<16xf32>
        %get3A_499 = arith.index_cast %add3A_488 : i32 to index
        %get3A_500 = arith.constant 16 : index
        %get3A_501 = tpu.vector_load %arg9[%get3A_499, %get3A_500] {strides = array<i32>} : memref<128x128xf32, #tpu.memory_space<vmem>>, vector<16xf32>,
        %get3A_502 = arith.index_cast %add3A_488 : i32 to index
        %get3A_503 = arith.constant 16 : index
        %get3A_504 = tpu.vector_load %arg10[%get3A_502, %get3A_503] {strides = array<i32>} : memref<128x128xf32, #tpu.memory_space<vmem>>, vector<16xf32>,
        %mul3A_505 = arith.mulf %get3A_501, %get3A_504 : vector<16xf32>
        %add3A_506 = arith.addf %add3A_498, %mul3A_505 : vector<16xf32>
        %get3A_507 = arith.index_cast %add3A_488 : i32 to index
        %get3A_508 = arith.constant 32 : index
        %get3A_509 = tpu.vector_load %arg9[%get3A_507, %get3A_508] {strides = array<i32>} : memref<128x128xf32, #tpu.memory_space<vmem>>, vector<16xf32>,
        %get3A_510 = arith.index_cast %add3A_488 : i32 to index
        %get3A_511 = arith.constant 32 : index
        %get3A_512 = tpu.vector_load %arg10[%get3A_510, %get3A_511] {strides = array<i32>} : memref<128x128xf32, #tpu.memory_space<vmem>>, vector<16xf32>,
        %mul3A_513 = arith.mulf %get3A_509, %get3A_512 : vector<16xf32>
        %add3A_514 = arith.addf %add3A_506, %mul3A_513 : vector<16xf32>
        %get3A_515 = arith.index_cast %add3A_488 : i32 to index
        %get3A_516 = arith.constant 48 : index
        %get3A_517 = tpu.vector_load %arg9[%get3A_515, %get3A_516] {strides = array<i32>} : memref<128x128xf32, #tpu.memory_space<vmem>>, vector<16xf32>,
        %get3A_518 = arith.index_cast %add3A_488 : i32 to index
        %get3A_519 = arith.constant 48 : index
        %get3A_520 = tpu.vector_load %arg10[%get3A_518, %get3A_519] {strides = array<i32>} : memref<128x128xf32, #tpu.memory_space<vmem>>, vector<16xf32>,
        %mul3A_521 = arith.mulf %get3A_517, %get3A_520 : vector<16xf32>
        %add3A_522 = arith.addf %add3A_514, %mul3A_521 : vector<16xf32>
        %get3A_523 = arith.index_cast %add3A_488 : i32 to index
        %get3A_524 = arith.constant 64 : index
        %get3A_525 = tpu.vector_load %arg9[%get3A_523, %get3A_524] {strides = array<i32>} : memref<128x128xf32, #tpu.memory_space<vmem>>, vector<16xf32>,
        %get3A_526 = arith.index_cast %add3A_488 : i32 to index
        %get3A_527 = arith.constant 64 : index
        %get3A_528 = tpu.vector_load %arg10[%get3A_526, %get3A_527] {strides = array<i32>} : memref<128x128xf32, #tpu.memory_space<vmem>>, vector<16xf32>,
        %mul3A_529 = arith.mulf %get3A_525, %get3A_528 : vector<16xf32>
        %add3A_530 = arith.addf %add3A_522, %mul3A_529 : vector<16xf32>
        %get3A_531 = arith.index_cast %add3A_488 : i32 to index
        %get3A_532 = arith.constant 80 : index
        %get3A_533 = tpu.vector_load %arg9[%get3A_531, %get3A_532] {strides = array<i32>} : memref<128x128xf32, #tpu.memory_space<vmem>>, vector<16xf32>,
        %get3A_534 = arith.index_cast %add3A_488 : i32 to index
        %get3A_535 = arith.constant 80 : index
        %get3A_536 = tpu.vector_load %arg10[%get3A_534, %get3A_535] {strides = array<i32>} : memref<128x128xf32, #tpu.memory_space<vmem>>, vector<16xf32>,
        %mul3A_537 = arith.mulf %get3A_533, %get3A_536 : vector<16xf32>
        %add3A_538 = arith.addf %add3A_530, %mul3A_537 : vector<16xf32>
        %get3A_539 = arith.index_cast %add3A_488 : i32 to index
        %get3A_540 = arith.constant 96 : index
        %get3A_541 = tpu.vector_load %arg9[%get3A_539, %get3A_540] {strides = array<i32>} : memref<128x128xf32, #tpu.memory_space<vmem>>, vector<16xf32>,
        %get3A_542 = arith.index_cast %add3A_488 : i32 to index
        %get3A_543 = arith.constant 96 : index
        %get3A_544 = tpu.vector_load %arg10[%get3A_542, %get3A_543] {strides = array<i32>} : memref<128x128xf32, #tpu.memory_space<vmem>>, vector<16xf32>,
        %mul3A_545 = arith.mulf %get3A_541, %get3A_544 : vector<16xf32>
        %add3A_546 = arith.addf %add3A_538, %mul3A_545 : vector<16xf32>
        %get3A_547 = arith.index_cast %add3A_488 : i32 to index
        %get3A_548 = arith.constant 112 : index
        %get3A_549 = tpu.vector_load %arg9[%get3A_547, %get3A_548] {strides = array<i32>} : memref<128x128xf32, #tpu.memory_space<vmem>>, vector<16xf32>,
        %get3A_550 = arith.index_cast %add3A_488 : i32 to index
        %get3A_551 = arith.constant 112 : index
        %get3A_552 = tpu.vector_load %arg10[%get3A_550, %get3A_551] {strides = array<i32>} : memref<128x128xf32, #tpu.memory_space<vmem>>, vector<16xf32>,
        %mul3A_553 = arith.mulf %get3A_549, %get3A_552 : vector<16xf32>
        %add3A_554 = arith.addf %add3A_546, %mul3A_553 : vector<16xf32>
        %mul3A_555 = arith.constant 256 : i32
        %mul3A_556 = arith.muli %scan3A_31, %mul3A_555 : i32
        %add3A_557 = arith.constant 96 : i32
        %add3A_558 = arith.addi %mul3A_556, %add3A_557 : i32
        %swap3A_559 = arith.index_cast %add3A_558 : i32 to index
        %swap3A_560 = tpu.vector_load %arg11[%swap3A_559] {strides = array<i32>} : memref<2048xf32, #tpu.memory_space<vmem>>, vector<16xf32>,
        tpu.vector_store %arg11[%swap3A_559], %add3A_554 {strides = array<i32>} : memref<2048xf32, #tpu.memory_space<vmem>>, vector<16xf32>,
        %mul3A_561 = arith.constant 16 : i32
        %mul3A_562 = arith.muli %scan3A_31, %mul3A_561 : i32
        %add3A_563 = arith.constant 7 : i32
        %add3A_564 = arith.addi %mul3A_562, %add3A_563 : i32
        %broadcast_in_dim3A_565 = arith.constant 0.000000e+00 : f32
        %broadcast_in_dim3A_566 = vector.broadcast %broadcast_in_dim3A_565 : f32 to vector<16xf32>
        %get3A_567 = arith.index_cast %add3A_564 : i32 to index
        %get3A_568 = arith.constant 0 : index
        %get3A_569 = tpu.vector_load %arg9[%get3A_567, %get3A_568] {strides = array<i32>} : memref<128x128xf32, #tpu.memory_space<vmem>>, vector<16xf32>,
        %get3A_570 = arith.index_cast %add3A_564 : i32 to index
        %get3A_571 = arith.constant 0 : index
        %get3A_572 = tpu.vector_load %arg10[%get3A_570, %get3A_571] {strides = array<i32>} : memref<128x128xf32, #tpu.memory_space<vmem>>, vector<16xf32>,
        %mul3A_573 = arith.mulf %get3A_569, %get3A_572 : vector<16xf32>
        %add3A_574 = arith.addf %broadcast_in_dim3A_566, %mul3A_573 : vector<16xf32>
        %get3A_575 = arith.index_cast %add3A_564 : i32 to index
        %get3A_576 = arith.constant 16 : index
        %get3A_577 = tpu.vector_load %arg9[%get3A_575, %get3A_576] {strides = array<i32>} : memref<128x128xf32, #tpu.memory_space<vmem>>, vector<16xf32>,
        %get3A_578 = arith.index_cast %add3A_564 : i32 to index
        %get3A_579 = arith.constant 16 : index
        %get3A_580 = tpu.vector_load %arg10[%get3A_578, %get3A_579] {strides = array<i32>} : memref<128x128xf32, #tpu.memory_space<vmem>>, vector<16xf32>,
        %mul3A_581 = arith.mulf %get3A_577, %get3A_580 : vector<16xf32>
        %add3A_582 = arith.addf %add3A_574, %mul3A_581 : vector<16xf32>
        %get3A_583 = arith.index_cast %add3A_564 : i32 to index
        %get3A_584 = arith.constant 32 : index
        %get3A_585 = tpu.vector_load %arg9[%get3A_583, %get3A_584] {strides = array<i32>} : memref<128x128xf32, #tpu.memory_space<vmem>>, vector<16xf32>,
        %get3A_586 = arith.index_cast %add3A_564 : i32 to index
        %get3A_587 = arith.constant 32 : index
        %get3A_588 = tpu.vector_load %arg10[%get3A_586, %get3A_587] {strides = array<i32>} : memref<128x128xf32, #tpu.memory_space<vmem>>, vector<16xf32>,
        %mul3A_589 = arith.mulf %get3A_585, %get3A_588 : vector<16xf32>
        %add3A_590 = arith.addf %add3A_582, %mul3A_589 : vector<16xf32>
        %get3A_591 = arith.index_cast %add3A_564 : i32 to index
        %get3A_592 = arith.constant 48 : index
        %get3A_593 = tpu.vector_load %arg9[%get3A_591, %get3A_592] {strides = array<i32>} : memref<128x128xf32, #tpu.memory_space<vmem>>, vector<16xf32>,
        %get3A_594 = arith.index_cast %add3A_564 : i32 to index
        %get3A_595 = arith.constant 48 : index
        %get3A_596 = tpu.vector_load %arg10[%get3A_594, %get3A_595] {strides = array<i32>} : memref<128x128xf32, #tpu.memory_space<vmem>>, vector<16xf32>,
        %mul3A_597 = arith.mulf %get3A_593, %get3A_596 : vector<16xf32>
        %add3A_598 = arith.addf %add3A_590, %mul3A_597 : vector<16xf32>
        %get3A_599 = arith.index_cast %add3A_564 : i32 to index
        %get3A_600 = arith.constant 64 : index
        %get3A_601 = tpu.vector_load %arg9[%get3A_599, %get3A_600] {strides = array<i32>} : memref<128x128xf32, #tpu.memory_space<vmem>>, vector<16xf32>,
        %get3A_602 = arith.index_cast %add3A_564 : i32 to index
        %get3A_603 = arith.constant 64 : index
        %get3A_604 = tpu.vector_load %arg10[%get3A_602, %get3A_603] {strides = array<i32>} : memref<128x128xf32, #tpu.memory_space<vmem>>, vector<16xf32>,
        %mul3A_605 = arith.mulf %get3A_601, %get3A_604 : vector<16xf32>
        %add3A_606 = arith.addf %add3A_598, %mul3A_605 : vector<16xf32>
        %get3A_607 = arith.index_cast %add3A_564 : i32 to index
        %get3A_608 = arith.constant 80 : index
        %get3A_609 = tpu.vector_load %arg9[%get3A_607, %get3A_608] {strides = array<i32>} : memref<128x128xf32, #tpu.memory_space<vmem>>, vector<16xf32>,
        %get3A_610 = arith.index_cast %add3A_564 : i32 to index
        %get3A_611 = arith.constant 80 : index
        %get3A_612 = tpu.vector_load %arg10[%get3A_610, %get3A_611] {strides = array<i32>} : memref<128x128xf32, #tpu.memory_space<vmem>>, vector<16xf32>,
        %mul3A_613 = arith.mulf %get3A_609, %get3A_612 : vector<16xf32>
        %add3A_614 = arith.addf %add3A_606, %mul3A_613 : vector<16xf32>
        %get3A_615 = arith.index_cast %add3A_564 : i32 to index
        %get3A_616 = arith.constant 96 : index
        %get3A_617 = tpu.vector_load %arg9[%get3A_615, %get3A_616] {strides = array<i32>} : memref<128x128xf32, #tpu.memory_space<vmem>>, vector<16xf32>,
        %get3A_618 = arith.index_cast %add3A_564 : i32 to index
        %get3A_619 = arith.constant 96 : index
        %get3A_620 = tpu.vector_load %arg10[%get3A_618, %get3A_619] {strides = array<i32>} : memref<128x128xf32, #tpu.memory_space<vmem>>, vector<16xf32>,
        %mul3A_621 = arith.mulf %get3A_617, %get3A_620 : vector<16xf32>
        %add3A_622 = arith.addf %add3A_614, %mul3A_621 : vector<16xf32>
        %get3A_623 = arith.index_cast %add3A_564 : i32 to index
        %get3A_624 = arith.constant 112 : index
        %get3A_625 = tpu.vector_load %arg9[%get3A_623, %get3A_624] {strides = array<i32>} : memref<128x128xf32, #tpu.memory_space<vmem>>, vector<16xf32>,
        %get3A_626 = arith.index_cast %add3A_564 : i32 to index
        %get3A_627 = arith.constant 112 : index
        %get3A_628 = tpu.vector_load %arg10[%get3A_626, %get3A_627] {strides = array<i32>} : memref<128x128xf32, #tpu.memory_space<vmem>>, vector<16xf32>,
        %mul3A_629 = arith.mulf %get3A_625, %get3A_628 : vector<16xf32>
        %add3A_630 = arith.addf %add3A_622, %mul3A_629 : vector<16xf32>
        %mul3A_631 = arith.constant 256 : i32
        %mul3A_632 = arith.muli %scan3A_31, %mul3A_631 : i32
        %add3A_633 = arith.constant 112 : i32
        %add3A_634 = arith.addi %mul3A_632, %add3A_633 : i32
        %swap3A_635 = arith.index_cast %add3A_634 : i32 to index
        %swap3A_636 = tpu.vector_load %arg11[%swap3A_635] {strides = array<i32>} : memref<2048xf32, #tpu.memory_space<vmem>>, vector<16xf32>,
        tpu.vector_store %arg11[%swap3A_635], %add3A_630 {strides = array<i32>} : memref<2048xf32, #tpu.memory_space<vmem>>, vector<16xf32>,
        %mul3A_637 = arith.constant 16 : i32
        %mul3A_638 = arith.muli %scan3A_31, %mul3A_637 : i32
        %add3A_639 = arith.constant 8 : i32
        %add3A_640 = arith.addi %mul3A_638, %add3A_639 : i32
        %broadcast_in_dim3A_641 = arith.constant 0.000000e+00 : f32
        %broadcast_in_dim3A_642 = vector.broadcast %broadcast_in_dim3A_641 : f32 to vector<16xf32>
        %get3A_643 = arith.index_cast %add3A_640 : i32 to index
        %get3A_644 = arith.constant 0 : index
        %get3A_645 = tpu.vector_load %arg9[%get3A_643, %get3A_644] {strides = array<i32>} : memref<128x128xf32, #tpu.memory_space<vmem>>, vector<16xf32>,
        %get3A_646 = arith.index_cast %add3A_640 : i32 to index
        %get3A_647 = arith.constant 0 : index
        %get3A_648 = tpu.vector_load %arg10[%get3A_646, %get3A_647] {strides = array<i32>} : memref<128x128xf32, #tpu.memory_space<vmem>>, vector<16xf32>,
        %mul3A_649 = arith.mulf %get3A_645, %get3A_648 : vector<16xf32>
        %add3A_650 = arith.addf %broadcast_in_dim3A_642, %mul3A_649 : vector<16xf32>
        %get3A_651 = arith.index_cast %add3A_640 : i32 to index
        %get3A_652 = arith.constant 16 : index
        %get3A_653 = tpu.vector_load %arg9[%get3A_651, %get3A_652] {strides = array<i32>} : memref<128x128xf32, #tpu.memory_space<vmem>>, vector<16xf32>,
        %get3A_654 = arith.index_cast %add3A_640 : i32 to index
        %get3A_655 = arith.constant 16 : index
        %get3A_656 = tpu.vector_load %arg10[%get3A_654, %get3A_655] {strides = array<i32>} : memref<128x128xf32, #tpu.memory_space<vmem>>, vector<16xf32>,
        %mul3A_657 = arith.mulf %get3A_653, %get3A_656 : vector<16xf32>
        %add3A_658 = arith.addf %add3A_650, %mul3A_657 : vector<16xf32>
        %get3A_659 = arith.index_cast %add3A_640 : i32 to index
        %get3A_660 = arith.constant 32 : index
        %get3A_661 = tpu.vector_load %arg9[%get3A_659, %get3A_660] {strides = array<i32>} : memref<128x128xf32, #tpu.memory_space<vmem>>, vector<16xf32>,
        %get3A_662 = arith.index_cast %add3A_640 : i32 to index
        %get3A_663 = arith.constant 32 : index
        %get3A_664 = tpu.vector_load %arg10[%get3A_662, %get3A_663] {strides = array<i32>} : memref<128x128xf32, #tpu.memory_space<vmem>>, vector<16xf32>,
        %mul3A_665 = arith.mulf %get3A_661, %get3A_664 : vector<16xf32>
        %add3A_666 = arith.addf %add3A_658, %mul3A_665 : vector<16xf32>
        %get3A_667 = arith.index_cast %add3A_640 : i32 to index
        %get3A_668 = arith.constant 48 : index
        %get3A_669 = tpu.vector_load %arg9[%get3A_667, %get3A_668] {strides = array<i32>} : memref<128x128xf32, #tpu.memory_space<vmem>>, vector<16xf32>,
        %get3A_670 = arith.index_cast %add3A_640 : i32 to index
        %get3A_671 = arith.constant 48 : index
        %get3A_672 = tpu.vector_load %arg10[%get3A_670, %get3A_671] {strides = array<i32>} : memref<128x128xf32, #tpu.memory_space<vmem>>, vector<16xf32>,
        %mul3A_673 = arith.mulf %get3A_669, %get3A_672 : vector<16xf32>
        %add3A_674 = arith.addf %add3A_666, %mul3A_673 : vector<16xf32>
        %get3A_675 = arith.index_cast %add3A_640 : i32 to index
        %get3A_676 = arith.constant 64 : index
        %get3A_677 = tpu.vector_load %arg9[%get3A_675, %get3A_676] {strides = array<i32>} : memref<128x128xf32, #tpu.memory_space<vmem>>, vector<16xf32>,
        %get3A_678 = arith.index_cast %add3A_640 : i32 to index
        %get3A_679 = arith.constant 64 : index
        %get3A_680 = tpu.vector_load %arg10[%get3A_678, %get3A_679] {strides = array<i32>} : memref<128x128xf32, #tpu.memory_space<vmem>>, vector<16xf32>,
        %mul3A_681 = arith.mulf %get3A_677, %get3A_680 : vector<16xf32>
        %add3A_682 = arith.addf %add3A_674, %mul3A_681 : vector<16xf32>
        %get3A_683 = arith.index_cast %add3A_640 : i32 to index
        %get3A_684 = arith.constant 80 : index
        %get3A_685 = tpu.vector_load %arg9[%get3A_683, %get3A_684] {strides = array<i32>} : memref<128x128xf32, #tpu.memory_space<vmem>>, vector<16xf32>,
        %get3A_686 = arith.index_cast %add3A_640 : i32 to index
        %get3A_687 = arith.constant 80 : index
        %get3A_688 = tpu.vector_load %arg10[%get3A_686, %get3A_687] {strides = array<i32>} : memref<128x128xf32, #tpu.memory_space<vmem>>, vector<16xf32>,
        %mul3A_689 = arith.mulf %get3A_685, %get3A_688 : vector<16xf32>
        %add3A_690 = arith.addf %add3A_682, %mul3A_689 : vector<16xf32>
        %get3A_691 = arith.index_cast %add3A_640 : i32 to index
        %get3A_692 = arith.constant 96 : index
        %get3A_693 = tpu.vector_load %arg9[%get3A_691, %get3A_692] {strides = array<i32>} : memref<128x128xf32, #tpu.memory_space<vmem>>, vector<16xf32>,
        %get3A_694 = arith.index_cast %add3A_640 : i32 to index
        %get3A_695 = arith.constant 96 : index
        %get3A_696 = tpu.vector_load %arg10[%get3A_694, %get3A_695] {strides = array<i32>} : memref<128x128xf32, #tpu.memory_space<vmem>>, vector<16xf32>,
        %mul3A_697 = arith.mulf %get3A_693, %get3A_696 : vector<16xf32>
        %add3A_698 = arith.addf %add3A_690, %mul3A_697 : vector<16xf32>
        %get3A_699 = arith.index_cast %add3A_640 : i32 to index
        %get3A_700 = arith.constant 112 : index
        %get3A_701 = tpu.vector_load %arg9[%get3A_699, %get3A_700] {strides = array<i32>} : memref<128x128xf32, #tpu.memory_space<vmem>>, vector<16xf32>,
        %get3A_702 = arith.index_cast %add3A_640 : i32 to index
        %get3A_703 = arith.constant 112 : index
        %get3A_704 = tpu.vector_load %arg10[%get3A_702, %get3A_703] {strides = array<i32>} : memref<128x128xf32, #tpu.memory_space<vmem>>, vector<16xf32>,
        %mul3A_705 = arith.mulf %get3A_701, %get3A_704 : vector<16xf32>
        %add3A_706 = arith.addf %add3A_698, %mul3A_705 : vector<16xf32>
        %mul3A_707 = arith.constant 256 : i32
        %mul3A_708 = arith.muli %scan3A_31, %mul3A_707 : i32
        %add3A_709 = arith.constant 128 : i32
        %add3A_710 = arith.addi %mul3A_708, %add3A_709 : i32
        %swap3A_711 = arith.index_cast %add3A_710 : i32 to index
        %swap3A_712 = tpu.vector_load %arg11[%swap3A_711] {strides = array<i32>} : memref<2048xf32, #tpu.memory_space<vmem>>, vector<16xf32>,
        tpu.vector_store %arg11[%swap3A_711], %add3A_706 {strides = array<i32>} : memref<2048xf32, #tpu.memory_space<vmem>>, vector<16xf32>,
        %mul3A_713 = arith.constant 16 : i32
        %mul3A_714 = arith.muli %scan3A_31, %mul3A_713 : i32
        %add3A_715 = arith.constant 9 : i32
        %add3A_716 = arith.addi %mul3A_714, %add3A_715 : i32
        %broadcast_in_dim3A_717 = arith.constant 0.000000e+00 : f32
        %broadcast_in_dim3A_718 = vector.broadcast %broadcast_in_dim3A_717 : f32 to vector<16xf32>
        %get3A_719 = arith.index_cast %add3A_716 : i32 to index
        %get3A_720 = arith.constant 0 : index
        %get3A_721 = tpu.vector_load %arg9[%get3A_719, %get3A_720] {strides = array<i32>} : memref<128x128xf32, #tpu.memory_space<vmem>>, vector<16xf32>,
        %get3A_722 = arith.index_cast %add3A_716 : i32 to index
        %get3A_723 = arith.constant 0 : index
        %get3A_724 = tpu.vector_load %arg10[%get3A_722, %get3A_723] {strides = array<i32>} : memref<128x128xf32, #tpu.memory_space<vmem>>, vector<16xf32>,
        %mul3A_725 = arith.mulf %get3A_721, %get3A_724 : vector<16xf32>
        %add3A_726 = arith.addf %broadcast_in_dim3A_718, %mul3A_725 : vector<16xf32>
        %get3A_727 = arith.index_cast %add3A_716 : i32 to index
        %get3A_728 = arith.constant 16 : index
        %get3A_729 = tpu.vector_load %arg9[%get3A_727, %get3A_728] {strides = array<i32>} : memref<128x128xf32, #tpu.memory_space<vmem>>, vector<16xf32>,
        %get3A_730 = arith.index_cast %add3A_716 : i32 to index
        %get3A_731 = arith.constant 16 : index
        %get3A_732 = tpu.vector_load %arg10[%get3A_730, %get3A_731] {strides = array<i32>} : memref<128x128xf32, #tpu.memory_space<vmem>>, vector<16xf32>,
        %mul3A_733 = arith.mulf %get3A_729, %get3A_732 : vector<16xf32>
        %add3A_734 = arith.addf %add3A_726, %mul3A_733 : vector<16xf32>
        %get3A_735 = arith.index_cast %add3A_716 : i32 to index
        %get3A_736 = arith.constant 32 : index
        %get3A_737 = tpu.vector_load %arg9[%get3A_735, %get3A_736] {strides = array<i32>} : memref<128x128xf32, #tpu.memory_space<vmem>>, vector<16xf32>,
        %get3A_738 = arith.index_cast %add3A_716 : i32 to index
        %get3A_739 = arith.constant 32 : index
        %get3A_740 = tpu.vector_load %arg10[%get3A_738, %get3A_739] {strides = array<i32>} : memref<128x128xf32, #tpu.memory_space<vmem>>, vector<16xf32>,
        %mul3A_741 = arith.mulf %get3A_737, %get3A_740 : vector<16xf32>
        %add3A_742 = arith.addf %add3A_734, %mul3A_741 : vector<16xf32>
        %get3A_743 = arith.index_cast %add3A_716 : i32 to index
        %get3A_744 = arith.constant 48 : index
        %get3A_745 = tpu.vector_load %arg9[%get3A_743, %get3A_744] {strides = array<i32>} : memref<128x128xf32, #tpu.memory_space<vmem>>, vector<16xf32>,
        %get3A_746 = arith.index_cast %add3A_716 : i32 to index
        %get3A_747 = arith.constant 48 : index
        %get3A_748 = tpu.vector_load %arg10[%get3A_746, %get3A_747] {strides = array<i32>} : memref<128x128xf32, #tpu.memory_space<vmem>>, vector<16xf32>,
        %mul3A_749 = arith.mulf %get3A_745, %get3A_748 : vector<16xf32>
        %add3A_750 = arith.addf %add3A_742, %mul3A_749 : vector<16xf32>
        %get3A_751 = arith.index_cast %add3A_716 : i32 to index
        %get3A_752 = arith.constant 64 : index
        %get3A_753 = tpu.vector_load %arg9[%get3A_751, %get3A_752] {strides = array<i32>} : memref<128x128xf32, #tpu.memory_space<vmem>>, vector<16xf32>,
        %get3A_754 = arith.index_cast %add3A_716 : i32 to index
        %get3A_755 = arith.constant 64 : index
        %get3A_756 = tpu.vector_load %arg10[%get3A_754, %get3A_755] {strides = array<i32>} : memref<128x128xf32, #tpu.memory_space<vmem>>, vector<16xf32>,
        %mul3A_757 = arith.mulf %get3A_753, %get3A_756 : vector<16xf32>
        %add3A_758 = arith.addf %add3A_750, %mul3A_757 : vector<16xf32>
        %get3A_759 = arith.index_cast %add3A_716 : i32 to index
        %get3A_760 = arith.constant 80 : index
        %get3A_761 = tpu.vector_load %arg9[%get3A_759, %get3A_760] {strides = array<i32>} : memref<128x128xf32, #tpu.memory_space<vmem>>, vector<16xf32>,
        %get3A_762 = arith.index_cast %add3A_716 : i32 to index
        %get3A_763 = arith.constant 80 : index
        %get3A_764 = tpu.vector_load %arg10[%get3A_762, %get3A_763] {strides = array<i32>} : memref<128x128xf32, #tpu.memory_space<vmem>>, vector<16xf32>,
        %mul3A_765 = arith.mulf %get3A_761, %get3A_764 : vector<16xf32>
        %add3A_766 = arith.addf %add3A_758, %mul3A_765 : vector<16xf32>
        %get3A_767 = arith.index_cast %add3A_716 : i32 to index
        %get3A_768 = arith.constant 96 : index
        %get3A_769 = tpu.vector_load %arg9[%get3A_767, %get3A_768] {strides = array<i32>} : memref<128x128xf32, #tpu.memory_space<vmem>>, vector<16xf32>,
        %get3A_770 = arith.index_cast %add3A_716 : i32 to index
        %get3A_771 = arith.constant 96 : index
        %get3A_772 = tpu.vector_load %arg10[%get3A_770, %get3A_771] {strides = array<i32>} : memref<128x128xf32, #tpu.memory_space<vmem>>, vector<16xf32>,
        %mul3A_773 = arith.mulf %get3A_769, %get3A_772 : vector<16xf32>
        %add3A_774 = arith.addf %add3A_766, %mul3A_773 : vector<16xf32>
        %get3A_775 = arith.index_cast %add3A_716 : i32 to index
        %get3A_776 = arith.constant 112 : index
        %get3A_777 = tpu.vector_load %arg9[%get3A_775, %get3A_776] {strides = array<i32>} : memref<128x128xf32, #tpu.memory_space<vmem>>, vector<16xf32>,
        %get3A_778 = arith.index_cast %add3A_716 : i32 to index
        %get3A_779 = arith.constant 112 : index
        %get3A_780 = tpu.vector_load %arg10[%get3A_778, %get3A_779] {strides = array<i32>} : memref<128x128xf32, #tpu.memory_space<vmem>>, vector<16xf32>,
        %mul3A_781 = arith.mulf %get3A_777, %get3A_780 : vector<16xf32>
        %add3A_782 = arith.addf %add3A_774, %mul3A_781 : vector<16xf32>
        %mul3A_783 = arith.constant 256 : i32
        %mul3A_784 = arith.muli %scan3A_31, %mul3A_783 : i32
        %add3A_785 = arith.constant 144 : i32
        %add3A_786 = arith.addi %mul3A_784, %add3A_785 : i32
        %swap3A_787 = arith.index_cast %add3A_786 : i32 to index
        %swap3A_788 = tpu.vector_load %arg11[%swap3A_787] {strides = array<i32>} : memref<2048xf32, #tpu.memory_space<vmem>>, vector<16xf32>,
        tpu.vector_store %arg11[%swap3A_787], %add3A_782 {strides = array<i32>} : memref<2048xf32, #tpu.memory_space<vmem>>, vector<16xf32>,
        %mul3A_789 = arith.constant 16 : i32
        %mul3A_790 = arith.muli %scan3A_31, %mul3A_789 : i32
        %add3A_791 = arith.constant 10 : i32
        %add3A_792 = arith.addi %mul3A_790, %add3A_791 : i32
        %broadcast_in_dim3A_793 = arith.constant 0.000000e+00 : f32
        %broadcast_in_dim3A_794 = vector.broadcast %broadcast_in_dim3A_793 : f32 to vector<16xf32>
        %get3A_795 = arith.index_cast %add3A_792 : i32 to index
        %get3A_796 = arith.constant 0 : index
        %get3A_797 = tpu.vector_load %arg9[%get3A_795, %get3A_796] {strides = array<i32>} : memref<128x128xf32, #tpu.memory_space<vmem>>, vector<16xf32>,
        %get3A_798 = arith.index_cast %add3A_792 : i32 to index
        %get3A_799 = arith.constant 0 : index
        %get3A_800 = tpu.vector_load %arg10[%get3A_798, %get3A_799] {strides = array<i32>} : memref<128x128xf32, #tpu.memory_space<vmem>>, vector<16xf32>,
        %mul3A_801 = arith.mulf %get3A_797, %get3A_800 : vector<16xf32>
        %add3A_802 = arith.addf %broadcast_in_dim3A_794, %mul3A_801 : vector<16xf32>
        %get3A_803 = arith.index_cast %add3A_792 : i32 to index
        %get3A_804 = arith.constant 16 : index
        %get3A_805 = tpu.vector_load %arg9[%get3A_803, %get3A_804] {strides = array<i32>} : memref<128x128xf32, #tpu.memory_space<vmem>>, vector<16xf32>,
        %get3A_806 = arith.index_cast %add3A_792 : i32 to index
        %get3A_807 = arith.constant 16 : index
        %get3A_808 = tpu.vector_load %arg10[%get3A_806, %get3A_807] {strides = array<i32>} : memref<128x128xf32, #tpu.memory_space<vmem>>, vector<16xf32>,
        %mul3A_809 = arith.mulf %get3A_805, %get3A_808 : vector<16xf32>
        %add3A_810 = arith.addf %add3A_802, %mul3A_809 : vector<16xf32>
        %get3A_811 = arith.index_cast %add3A_792 : i32 to index
        %get3A_812 = arith.constant 32 : index
        %get3A_813 = tpu.vector_load %arg9[%get3A_811, %get3A_812] {strides = array<i32>} : memref<128x128xf32, #tpu.memory_space<vmem>>, vector<16xf32>,
        %get3A_814 = arith.index_cast %add3A_792 : i32 to index
        %get3A_815 = arith.constant 32 : index
        %get3A_816 = tpu.vector_load %arg10[%get3A_814, %get3A_815] {strides = array<i32>} : memref<128x128xf32, #tpu.memory_space<vmem>>, vector<16xf32>,
        %mul3A_817 = arith.mulf %get3A_813, %get3A_816 : vector<16xf32>
        %add3A_818 = arith.addf %add3A_810, %mul3A_817 : vector<16xf32>
        %get3A_819 = arith.index_cast %add3A_792 : i32 to index
        %get3A_820 = arith.constant 48 : index
        %get3A_821 = tpu.vector_load %arg9[%get3A_819, %get3A_820] {strides = array<i32>} : memref<128x128xf32, #tpu.memory_space<vmem>>, vector<16xf32>,
        %get3A_822 = arith.index_cast %add3A_792 : i32 to index
        %get3A_823 = arith.constant 48 : index
        %get3A_824 = tpu.vector_load %arg10[%get3A_822, %get3A_823] {strides = array<i32>} : memref<128x128xf32, #tpu.memory_space<vmem>>, vector<16xf32>,
        %mul3A_825 = arith.mulf %get3A_821, %get3A_824 : vector<16xf32>
        %add3A_826 = arith.addf %add3A_818, %mul3A_825 : vector<16xf32>
        %get3A_827 = arith.index_cast %add3A_792 : i32 to index
        %get3A_828 = arith.constant 64 : index
        %get3A_829 = tpu.vector_load %arg9[%get3A_827, %get3A_828] {strides = array<i32>} : memref<128x128xf32, #tpu.memory_space<vmem>>, vector<16xf32>,
        %get3A_830 = arith.index_cast %add3A_792 : i32 to index
        %get3A_831 = arith.constant 64 : index
        %get3A_832 = tpu.vector_load %arg10[%get3A_830, %get3A_831] {strides = array<i32>} : memref<128x128xf32, #tpu.memory_space<vmem>>, vector<16xf32>,
        %mul3A_833 = arith.mulf %get3A_829, %get3A_832 : vector<16xf32>
        %add3A_834 = arith.addf %add3A_826, %mul3A_833 : vector<16xf32>
        %get3A_835 = arith.index_cast %add3A_792 : i32 to index
        %get3A_836 = arith.constant 80 : index
        %get3A_837 = tpu.vector_load %arg9[%get3A_835, %get3A_836] {strides = array<i32>} : memref<128x128xf32, #tpu.memory_space<vmem>>, vector<16xf32>,
        %get3A_838 = arith.index_cast %add3A_792 : i32 to index
        %get3A_839 = arith.constant 80 : index
        %get3A_840 = tpu.vector_load %arg10[%get3A_838, %get3A_839] {strides = array<i32>} : memref<128x128xf32, #tpu.memory_space<vmem>>, vector<16xf32>,
        %mul3A_841 = arith.mulf %get3A_837, %get3A_840 : vector<16xf32>
        %add3A_842 = arith.addf %add3A_834, %mul3A_841 : vector<16xf32>
        %get3A_843 = arith.index_cast %add3A_792 : i32 to index
        %get3A_844 = arith.constant 96 : index
        %get3A_845 = tpu.vector_load %arg9[%get3A_843, %get3A_844] {strides = array<i32>} : memref<128x128xf32, #tpu.memory_space<vmem>>, vector<16xf32>,
        %get3A_846 = arith.index_cast %add3A_792 : i32 to index
        %get3A_847 = arith.constant 96 : index
        %get3A_848 = tpu.vector_load %arg10[%get3A_846, %get3A_847] {strides = array<i32>} : memref<128x128xf32, #tpu.memory_space<vmem>>, vector<16xf32>,
        %mul3A_849 = arith.mulf %get3A_845, %get3A_848 : vector<16xf32>
        %add3A_850 = arith.addf %add3A_842, %mul3A_849 : vector<16xf32>
        %get3A_851 = arith.index_cast %add3A_792 : i32 to index
        %get3A_852 = arith.constant 112 : index
        %get3A_853 = tpu.vector_load %arg9[%get3A_851, %get3A_852] {strides = array<i32>} : memref<128x128xf32, #tpu.memory_space<vmem>>, vector<16xf32>,
        %get3A_854 = arith.index_cast %add3A_792 : i32 to index
        %get3A_855 = arith.constant 112 : index
        %get3A_856 = tpu.vector_load %arg10[%get3A_854, %get3A_855] {strides = array<i32>} : memref<128x128xf32, #tpu.memory_space<vmem>>, vector<16xf32>,
        %mul3A_857 = arith.mulf %get3A_853, %get3A_856 : vector<16xf32>
        %add3A_858 = arith.addf %add3A_850, %mul3A_857 : vector<16xf32>
        %mul3A_859 = arith.constant 256 : i32
        %mul3A_860 = arith.muli %scan3A_31, %mul3A_859 : i32
        %add3A_861 = arith.constant 160 : i32
        %add3A_862 = arith.addi %mul3A_860, %add3A_861 : i32
        %swap3A_863 = arith.index_cast %add3A_862 : i32 to index
        %swap3A_864 = tpu.vector_load %arg11[%swap3A_863] {strides = array<i32>} : memref<2048xf32, #tpu.memory_space<vmem>>, vector<16xf32>,
        tpu.vector_store %arg11[%swap3A_863], %add3A_858 {strides = array<i32>} : memref<2048xf32, #tpu.memory_space<vmem>>, vector<16xf32>,
        %mul3A_865 = arith.constant 16 : i32
        %mul3A_866 = arith.muli %scan3A_31, %mul3A_865 : i32
        %add3A_867 = arith.constant 11 : i32
        %add3A_868 = arith.addi %mul3A_866, %add3A_867 : i32
        %broadcast_in_dim3A_869 = arith.constant 0.000000e+00 : f32
        %broadcast_in_dim3A_870 = vector.broadcast %broadcast_in_dim3A_869 : f32 to vector<16xf32>
        %get3A_871 = arith.index_cast %add3A_868 : i32 to index
        %get3A_872 = arith.constant 0 : index
        %get3A_873 = tpu.vector_load %arg9[%get3A_871, %get3A_872] {strides = array<i32>} : memref<128x128xf32, #tpu.memory_space<vmem>>, vector<16xf32>,
        %get3A_874 = arith.index_cast %add3A_868 : i32 to index
        %get3A_875 = arith.constant 0 : index
        %get3A_876 = tpu.vector_load %arg10[%get3A_874, %get3A_875] {strides = array<i32>} : memref<128x128xf32, #tpu.memory_space<vmem>>, vector<16xf32>,
        %mul3A_877 = arith.mulf %get3A_873, %get3A_876 : vector<16xf32>
        %add3A_878 = arith.addf %broadcast_in_dim3A_870, %mul3A_877 : vector<16xf32>
        %get3A_879 = arith.index_cast %add3A_868 : i32 to index
        %get3A_880 = arith.constant 16 : index
        %get3A_881 = tpu.vector_load %arg9[%get3A_879, %get3A_880] {strides = array<i32>} : memref<128x128xf32, #tpu.memory_space<vmem>>, vector<16xf32>,
        %get3A_882 = arith.index_cast %add3A_868 : i32 to index
        %get3A_883 = arith.constant 16 : index
        %get3A_884 = tpu.vector_load %arg10[%get3A_882, %get3A_883] {strides = array<i32>} : memref<128x128xf32, #tpu.memory_space<vmem>>, vector<16xf32>,
        %mul3A_885 = arith.mulf %get3A_881, %get3A_884 : vector<16xf32>
        %add3A_886 = arith.addf %add3A_878, %mul3A_885 : vector<16xf32>
        %get3A_887 = arith.index_cast %add3A_868 : i32 to index
        %get3A_888 = arith.constant 32 : index
        %get3A_889 = tpu.vector_load %arg9[%get3A_887, %get3A_888] {strides = array<i32>} : memref<128x128xf32, #tpu.memory_space<vmem>>, vector<16xf32>,
        %get3A_890 = arith.index_cast %add3A_868 : i32 to index
        %get3A_891 = arith.constant 32 : index
        %get3A_892 = tpu.vector_load %arg10[%get3A_890, %get3A_891] {strides = array<i32>} : memref<128x128xf32, #tpu.memory_space<vmem>>, vector<16xf32>,
        %mul3A_893 = arith.mulf %get3A_889, %get3A_892 : vector<16xf32>
        %add3A_894 = arith.addf %add3A_886, %mul3A_893 : vector<16xf32>
        %get3A_895 = arith.index_cast %add3A_868 : i32 to index
        %get3A_896 = arith.constant 48 : index
        %get3A_897 = tpu.vector_load %arg9[%get3A_895, %get3A_896] {strides = array<i32>} : memref<128x128xf32, #tpu.memory_space<vmem>>, vector<16xf32>,
        %get3A_898 = arith.index_cast %add3A_868 : i32 to index
        %get3A_899 = arith.constant 48 : index
        %get3A_900 = tpu.vector_load %arg10[%get3A_898, %get3A_899] {strides = array<i32>} : memref<128x128xf32, #tpu.memory_space<vmem>>, vector<16xf32>,
        %mul3A_901 = arith.mulf %get3A_897, %get3A_900 : vector<16xf32>
        %add3A_902 = arith.addf %add3A_894, %mul3A_901 : vector<16xf32>
        %get3A_903 = arith.index_cast %add3A_868 : i32 to index
        %get3A_904 = arith.constant 64 : index
        %get3A_905 = tpu.vector_load %arg9[%get3A_903, %get3A_904] {strides = array<i32>} : memref<128x128xf32, #tpu.memory_space<vmem>>, vector<16xf32>,
        %get3A_906 = arith.index_cast %add3A_868 : i32 to index
        %get3A_907 = arith.constant 64 : index
        %get3A_908 = tpu.vector_load %arg10[%get3A_906, %get3A_907] {strides = array<i32>} : memref<128x128xf32, #tpu.memory_space<vmem>>, vector<16xf32>,
        %mul3A_909 = arith.mulf %get3A_905, %get3A_908 : vector<16xf32>
        %add3A_910 = arith.addf %add3A_902, %mul3A_909 : vector<16xf32>
        %get3A_911 = arith.index_cast %add3A_868 : i32 to index
        %get3A_912 = arith.constant 80 : index
        %get3A_913 = tpu.vector_load %arg9[%get3A_911, %get3A_912] {strides = array<i32>} : memref<128x128xf32, #tpu.memory_space<vmem>>, vector<16xf32>,
        %get3A_914 = arith.index_cast %add3A_868 : i32 to index
        %get3A_915 = arith.constant 80 : index
        %get3A_916 = tpu.vector_load %arg10[%get3A_914, %get3A_915] {strides = array<i32>} : memref<128x128xf32, #tpu.memory_space<vmem>>, vector<16xf32>,
        %mul3A_917 = arith.mulf %get3A_913, %get3A_916 : vector<16xf32>
        %add3A_918 = arith.addf %add3A_910, %mul3A_917 : vector<16xf32>
        %get3A_919 = arith.index_cast %add3A_868 : i32 to index
        %get3A_920 = arith.constant 96 : index
        %get3A_921 = tpu.vector_load %arg9[%get3A_919, %get3A_920] {strides = array<i32>} : memref<128x128xf32, #tpu.memory_space<vmem>>, vector<16xf32>,
        %get3A_922 = arith.index_cast %add3A_868 : i32 to index
        %get3A_923 = arith.constant 96 : index
        %get3A_924 = tpu.vector_load %arg10[%get3A_922, %get3A_923] {strides = array<i32>} : memref<128x128xf32, #tpu.memory_space<vmem>>, vector<16xf32>,
        %mul3A_925 = arith.mulf %get3A_921, %get3A_924 : vector<16xf32>
        %add3A_926 = arith.addf %add3A_918, %mul3A_925 : vector<16xf32>
        %get3A_927 = arith.index_cast %add3A_868 : i32 to index
        %get3A_928 = arith.constant 112 : index
        %get3A_929 = tpu.vector_load %arg9[%get3A_927, %get3A_928] {strides = array<i32>} : memref<128x128xf32, #tpu.memory_space<vmem>>, vector<16xf32>,
        %get3A_930 = arith.index_cast %add3A_868 : i32 to index
        %get3A_931 = arith.constant 112 : index
        %get3A_932 = tpu.vector_load %arg10[%get3A_930, %get3A_931] {strides = array<i32>} : memref<128x128xf32, #tpu.memory_space<vmem>>, vector<16xf32>,
        %mul3A_933 = arith.mulf %get3A_929, %get3A_932 : vector<16xf32>
        %add3A_934 = arith.addf %add3A_926, %mul3A_933 : vector<16xf32>
        %mul3A_935 = arith.constant 256 : i32
        %mul3A_936 = arith.muli %scan3A_31, %mul3A_935 : i32
        %add3A_937 = arith.constant 176 : i32
        %add3A_938 = arith.addi %mul3A_936, %add3A_937 : i32
        %swap3A_939 = arith.index_cast %add3A_938 : i32 to index
        %swap3A_940 = tpu.vector_load %arg11[%swap3A_939] {strides = array<i32>} : memref<2048xf32, #tpu.memory_space<vmem>>, vector<16xf32>,
        tpu.vector_store %arg11[%swap3A_939], %add3A_934 {strides = array<i32>} : memref<2048xf32, #tpu.memory_space<vmem>>, vector<16xf32>,
        %mul3A_941 = arith.constant 16 : i32
        %mul3A_942 = arith.muli %scan3A_31, %mul3A_941 : i32
        %add3A_943 = arith.constant 12 : i32
        %add3A_944 = arith.addi %mul3A_942, %add3A_943 : i32
        %broadcast_in_dim3A_945 = arith.constant 0.000000e+00 : f32
        %broadcast_in_dim3A_946 = vector.broadcast %broadcast_in_dim3A_945 : f32 to vector<16xf32>
        %get3A_947 = arith.index_cast %add3A_944 : i32 to index
        %get3A_948 = arith.constant 0 : index
        %get3A_949 = tpu.vector_load %arg9[%get3A_947, %get3A_948] {strides = array<i32>} : memref<128x128xf32, #tpu.memory_space<vmem>>, vector<16xf32>,
        %get3A_950 = arith.index_cast %add3A_944 : i32 to index
        %get3A_951 = arith.constant 0 : index
        %get3A_952 = tpu.vector_load %arg10[%get3A_950, %get3A_951] {strides = array<i32>} : memref<128x128xf32, #tpu.memory_space<vmem>>, vector<16xf32>,
        %mul3A_953 = arith.mulf %get3A_949, %get3A_952 : vector<16xf32>
        %add3A_954 = arith.addf %broadcast_in_dim3A_946, %mul3A_953 : vector<16xf32>
        %get3A_955 = arith.index_cast %add3A_944 : i32 to index
        %get3A_956 = arith.constant 16 : index
        %get3A_957 = tpu.vector_load %arg9[%get3A_955, %get3A_956] {strides = array<i32>} : memref<128x128xf32, #tpu.memory_space<vmem>>, vector<16xf32>,
        %get3A_958 = arith.index_cast %add3A_944 : i32 to index
        %get3A_959 = arith.constant 16 : index
        %get3A_960 = tpu.vector_load %arg10[%get3A_958, %get3A_959] {strides = array<i32>} : memref<128x128xf32, #tpu.memory_space<vmem>>, vector<16xf32>,
        %mul3A_961 = arith.mulf %get3A_957, %get3A_960 : vector<16xf32>
        %add3A_962 = arith.addf %add3A_954, %mul3A_961 : vector<16xf32>
        %get3A_963 = arith.index_cast %add3A_944 : i32 to index
        %get3A_964 = arith.constant 32 : index
        %get3A_965 = tpu.vector_load %arg9[%get3A_963, %get3A_964] {strides = array<i32>} : memref<128x128xf32, #tpu.memory_space<vmem>>, vector<16xf32>,
        %get3A_966 = arith.index_cast %add3A_944 : i32 to index
        %get3A_967 = arith.constant 32 : index
        %get3A_968 = tpu.vector_load %arg10[%get3A_966, %get3A_967] {strides = array<i32>} : memref<128x128xf32, #tpu.memory_space<vmem>>, vector<16xf32>,
        %mul3A_969 = arith.mulf %get3A_965, %get3A_968 : vector<16xf32>
        %add3A_970 = arith.addf %add3A_962, %mul3A_969 : vector<16xf32>
        %get3A_971 = arith.index_cast %add3A_944 : i32 to index
        %get3A_972 = arith.constant 48 : index
        %get3A_973 = tpu.vector_load %arg9[%get3A_971, %get3A_972] {strides = array<i32>} : memref<128x128xf32, #tpu.memory_space<vmem>>, vector<16xf32>,
        %get3A_974 = arith.index_cast %add3A_944 : i32 to index
        %get3A_975 = arith.constant 48 : index
        %get3A_976 = tpu.vector_load %arg10[%get3A_974, %get3A_975] {strides = array<i32>} : memref<128x128xf32, #tpu.memory_space<vmem>>, vector<16xf32>,
        %mul3A_977 = arith.mulf %get3A_973, %get3A_976 : vector<16xf32>
        %add3A_978 = arith.addf %add3A_970, %mul3A_977 : vector<16xf32>
        %get3A_979 = arith.index_cast %add3A_944 : i32 to index
        %get3A_980 = arith.constant 64 : index
        %get3A_981 = tpu.vector_load %arg9[%get3A_979, %get3A_980] {strides = array<i32>} : memref<128x128xf32, #tpu.memory_space<vmem>>, vector<16xf32>,
        %get3A_982 = arith.index_cast %add3A_944 : i32 to index
        %get3A_983 = arith.constant 64 : index
        %get3A_984 = tpu.vector_load %arg10[%get3A_982, %get3A_983] {strides = array<i32>} : memref<128x128xf32, #tpu.memory_space<vmem>>, vector<16xf32>,
        %mul3A_985 = arith.mulf %get3A_981, %get3A_984 : vector<16xf32>
        %add3A_986 = arith.addf %add3A_978, %mul3A_985 : vector<16xf32>
        %get3A_987 = arith.index_cast %add3A_944 : i32 to index
        %get3A_988 = arith.constant 80 : index
        %get3A_989 = tpu.vector_load %arg9[%get3A_987, %get3A_988] {strides = array<i32>} : memref<128x128xf32, #tpu.memory_space<vmem>>, vector<16xf32>,
        %get3A_990 = arith.index_cast %add3A_944 : i32 to index
        %get3A_991 = arith.constant 80 : index
        %get3A_992 = tpu.vector_load %arg10[%get3A_990, %get3A_991] {strides = array<i32>} : memref<128x128xf32, #tpu.memory_space<vmem>>, vector<16xf32>,
        %mul3A_993 = arith.mulf %get3A_989, %get3A_992 : vector<16xf32>
        %add3A_994 = arith.addf %add3A_986, %mul3A_993 : vector<16xf32>
        %get3A_995 = arith.index_cast %add3A_944 : i32 to index
        %get3A_996 = arith.constant 96 : index
        %get3A_997 = tpu.vector_load %arg9[%get3A_995, %get3A_996] {strides = array<i32>} : memref<128x128xf32, #tpu.memory_space<vmem>>, vector<16xf32>,
        %get3A_998 = arith.index_cast %add3A_944 : i32 to index
        %get3A_999 = arith.constant 96 : index
        %get3A_1000 = tpu.vector_load %arg10[%get3A_998, %get3A_999] {strides = array<i32>} : memref<128x128xf32, #tpu.memory_space<vmem>>, vector<16xf32>,
        %mul3A_1001 = arith.mulf %get3A_997, %get3A_1000 : vector<16xf32>
        %add3A_1002 = arith.addf %add3A_994, %mul3A_1001 : vector<16xf32>
        %get3A_1003 = arith.index_cast %add3A_944 : i32 to index
        %get3A_1004 = arith.constant 112 : index
        %get3A_1005 = tpu.vector_load %arg9[%get3A_1003, %get3A_1004] {strides = array<i32>} : memref<128x128xf32, #tpu.memory_space<vmem>>, vector<16xf32>,
        %get3A_1006 = arith.index_cast %add3A_944 : i32 to index
        %get3A_1007 = arith.constant 112 : index
        %get3A_1008 = tpu.vector_load %arg10[%get3A_1006, %get3A_1007] {strides = array<i32>} : memref<128x128xf32, #tpu.memory_space<vmem>>, vector<16xf32>,
        %mul3A_1009 = arith.mulf %get3A_1005, %get3A_1008 : vector<16xf32>
        %add3A_1010 = arith.addf %add3A_1002, %mul3A_1009 : vector<16xf32>
        %mul3A_1011 = arith.constant 256 : i32
        %mul3A_1012 = arith.muli %scan3A_31, %mul3A_1011 : i32
        %add3A_1013 = arith.constant 192 : i32
        %add3A_1014 = arith.addi %mul3A_1012, %add3A_1013 : i32
        %swap3A_1015 = arith.index_cast %add3A_1014 : i32 to index
        %swap3A_1016 = tpu.vector_load %arg11[%swap3A_1015] {strides = array<i32>} : memref<2048xf32, #tpu.memory_space<vmem>>, vector<16xf32>,
        tpu.vector_store %arg11[%swap3A_1015], %add3A_1010 {strides = array<i32>} : memref<2048xf32, #tpu.memory_space<vmem>>, vector<16xf32>,
        %mul3A_1017 = arith.constant 16 : i32
        %mul3A_1018 = arith.muli %scan3A_31, %mul3A_1017 : i32
        %add3A_1019 = arith.constant 13 : i32
        %add3A_1020 = arith.addi %mul3A_1018, %add3A_1019 : i32
        %broadcast_in_dim3A_1021 = arith.constant 0.000000e+00 : f32
        %broadcast_in_dim3A_1022 = vector.broadcast %broadcast_in_dim3A_1021 : f32 to vector<16xf32>
        %get3A_1023 = arith.index_cast %add3A_1020 : i32 to index
        %get3A_1024 = arith.constant 0 : index
        %get3A_1025 = tpu.vector_load %arg9[%get3A_1023, %get3A_1024] {strides = array<i32>} : memref<128x128xf32, #tpu.memory_space<vmem>>, vector<16xf32>,
        %get3A_1026 = arith.index_cast %add3A_1020 : i32 to index
        %get3A_1027 = arith.constant 0 : index
        %get3A_1028 = tpu.vector_load %arg10[%get3A_1026, %get3A_1027] {strides = array<i32>} : memref<128x128xf32, #tpu.memory_space<vmem>>, vector<16xf32>,
        %mul3A_1029 = arith.mulf %get3A_1025, %get3A_1028 : vector<16xf32>
        %add3A_1030 = arith.addf %broadcast_in_dim3A_1022, %mul3A_1029 : vector<16xf32>
        %get3A_1031 = arith.index_cast %add3A_1020 : i32 to index
        %get3A_1032 = arith.constant 16 : index
        %get3A_1033 = tpu.vector_load %arg9[%get3A_1031, %get3A_1032] {strides = array<i32>} : memref<128x128xf32, #tpu.memory_space<vmem>>, vector<16xf32>,
        %get3A_1034 = arith.index_cast %add3A_1020 : i32 to index
        %get3A_1035 = arith.constant 16 : index
        %get3A_1036 = tpu.vector_load %arg10[%get3A_1034, %get3A_1035] {strides = array<i32>} : memref<128x128xf32, #tpu.memory_space<vmem>>, vector<16xf32>,
        %mul3A_1037 = arith.mulf %get3A_1033, %get3A_1036 : vector<16xf32>
        %add3A_1038 = arith.addf %add3A_1030, %mul3A_1037 : vector<16xf32>
        %get3A_1039 = arith.index_cast %add3A_1020 : i32 to index
        %get3A_1040 = arith.constant 32 : index
        %get3A_1041 = tpu.vector_load %arg9[%get3A_1039, %get3A_1040] {strides = array<i32>} : memref<128x128xf32, #tpu.memory_space<vmem>>, vector<16xf32>,
        %get3A_1042 = arith.index_cast %add3A_1020 : i32 to index
        %get3A_1043 = arith.constant 32 : index
        %get3A_1044 = tpu.vector_load %arg10[%get3A_1042, %get3A_1043] {strides = array<i32>} : memref<128x128xf32, #tpu.memory_space<vmem>>, vector<16xf32>,
        %mul3A_1045 = arith.mulf %get3A_1041, %get3A_1044 : vector<16xf32>
        %add3A_1046 = arith.addf %add3A_1038, %mul3A_1045 : vector<16xf32>
        %get3A_1047 = arith.index_cast %add3A_1020 : i32 to index
        %get3A_1048 = arith.constant 48 : index
        %get3A_1049 = tpu.vector_load %arg9[%get3A_1047, %get3A_1048] {strides = array<i32>} : memref<128x128xf32, #tpu.memory_space<vmem>>, vector<16xf32>,
        %get3A_1050 = arith.index_cast %add3A_1020 : i32 to index
        %get3A_1051 = arith.constant 48 : index
        %get3A_1052 = tpu.vector_load %arg10[%get3A_1050, %get3A_1051] {strides = array<i32>} : memref<128x128xf32, #tpu.memory_space<vmem>>, vector<16xf32>,
        %mul3A_1053 = arith.mulf %get3A_1049, %get3A_1052 : vector<16xf32>
        %add3A_1054 = arith.addf %add3A_1046, %mul3A_1053 : vector<16xf32>
        %get3A_1055 = arith.index_cast %add3A_1020 : i32 to index
        %get3A_1056 = arith.constant 64 : index
        %get3A_1057 = tpu.vector_load %arg9[%get3A_1055, %get3A_1056] {strides = array<i32>} : memref<128x128xf32, #tpu.memory_space<vmem>>, vector<16xf32>,
        %get3A_1058 = arith.index_cast %add3A_1020 : i32 to index
        %get3A_1059 = arith.constant 64 : index
        %get3A_1060 = tpu.vector_load %arg10[%get3A_1058, %get3A_1059] {strides = array<i32>} : memref<128x128xf32, #tpu.memory_space<vmem>>, vector<16xf32>,
        %mul3A_1061 = arith.mulf %get3A_1057, %get3A_1060 : vector<16xf32>
        %add3A_1062 = arith.addf %add3A_1054, %mul3A_1061 : vector<16xf32>
        %get3A_1063 = arith.index_cast %add3A_1020 : i32 to index
        %get3A_1064 = arith.constant 80 : index
        %get3A_1065 = tpu.vector_load %arg9[%get3A_1063, %get3A_1064] {strides = array<i32>} : memref<128x128xf32, #tpu.memory_space<vmem>>, vector<16xf32>,
        %get3A_1066 = arith.index_cast %add3A_1020 : i32 to index
        %get3A_1067 = arith.constant 80 : index
        %get3A_1068 = tpu.vector_load %arg10[%get3A_1066, %get3A_1067] {strides = array<i32>} : memref<128x128xf32, #tpu.memory_space<vmem>>, vector<16xf32>,
        %mul3A_1069 = arith.mulf %get3A_1065, %get3A_1068 : vector<16xf32>
        %add3A_1070 = arith.addf %add3A_1062, %mul3A_1069 : vector<16xf32>
        %get3A_1071 = arith.index_cast %add3A_1020 : i32 to index
        %get3A_1072 = arith.constant 96 : index
        %get3A_1073 = tpu.vector_load %arg9[%get3A_1071, %get3A_1072] {strides = array<i32>} : memref<128x128xf32, #tpu.memory_space<vmem>>, vector<16xf32>,
        %get3A_1074 = arith.index_cast %add3A_1020 : i32 to index
        %get3A_1075 = arith.constant 96 : index
        %get3A_1076 = tpu.vector_load %arg10[%get3A_1074, %get3A_1075] {strides = array<i32>} : memref<128x128xf32, #tpu.memory_space<vmem>>, vector<16xf32>,
        %mul3A_1077 = arith.mulf %get3A_1073, %get3A_1076 : vector<16xf32>
        %add3A_1078 = arith.addf %add3A_1070, %mul3A_1077 : vector<16xf32>
        %get3A_1079 = arith.index_cast %add3A_1020 : i32 to index
        %get3A_1080 = arith.constant 112 : index
        %get3A_1081 = tpu.vector_load %arg9[%get3A_1079, %get3A_1080] {strides = array<i32>} : memref<128x128xf32, #tpu.memory_space<vmem>>, vector<16xf32>,
        %get3A_1082 = arith.index_cast %add3A_1020 : i32 to index
        %get3A_1083 = arith.constant 112 : index
        %get3A_1084 = tpu.vector_load %arg10[%get3A_1082, %get3A_1083] {strides = array<i32>} : memref<128x128xf32, #tpu.memory_space<vmem>>, vector<16xf32>,
        %mul3A_1085 = arith.mulf %get3A_1081, %get3A_1084 : vector<16xf32>
        %add3A_1086 = arith.addf %add3A_1078, %mul3A_1085 : vector<16xf32>
        %mul3A_1087 = arith.constant 256 : i32
        %mul3A_1088 = arith.muli %scan3A_31, %mul3A_1087 : i32
        %add3A_1089 = arith.constant 208 : i32
        %add3A_1090 = arith.addi %mul3A_1088, %add3A_1089 : i32
        %swap3A_1091 = arith.index_cast %add3A_1090 : i32 to index
        %swap3A_1092 = tpu.vector_load %arg11[%swap3A_1091] {strides = array<i32>} : memref<2048xf32, #tpu.memory_space<vmem>>, vector<16xf32>,
        tpu.vector_store %arg11[%swap3A_1091], %add3A_1086 {strides = array<i32>} : memref<2048xf32, #tpu.memory_space<vmem>>, vector<16xf32>,
        %mul3A_1093 = arith.constant 16 : i32
        %mul3A_1094 = arith.muli %scan3A_31, %mul3A_1093 : i32
        %add3A_1095 = arith.constant 14 : i32
        %add3A_1096 = arith.addi %mul3A_1094, %add3A_1095 : i32
        %broadcast_in_dim3A_1097 = arith.constant 0.000000e+00 : f32
        %broadcast_in_dim3A_1098 = vector.broadcast %broadcast_in_dim3A_1097 : f32 to vector<16xf32>
        %get3A_1099 = arith.index_cast %add3A_1096 : i32 to index
        %get3A_1100 = arith.constant 0 : index
        %get3A_1101 = tpu.vector_load %arg9[%get3A_1099, %get3A_1100] {strides = array<i32>} : memref<128x128xf32, #tpu.memory_space<vmem>>, vector<16xf32>,
        %get3A_1102 = arith.index_cast %add3A_1096 : i32 to index
        %get3A_1103 = arith.constant 0 : index
        %get3A_1104 = tpu.vector_load %arg10[%get3A_1102, %get3A_1103] {strides = array<i32>} : memref<128x128xf32, #tpu.memory_space<vmem>>, vector<16xf32>,
        %mul3A_1105 = arith.mulf %get3A_1101, %get3A_1104 : vector<16xf32>
        %add3A_1106 = arith.addf %broadcast_in_dim3A_1098, %mul3A_1105 : vector<16xf32>
        %get3A_1107 = arith.index_cast %add3A_1096 : i32 to index
        %get3A_1108 = arith.constant 16 : index
        %get3A_1109 = tpu.vector_load %arg9[%get3A_1107, %get3A_1108] {strides = array<i32>} : memref<128x128xf32, #tpu.memory_space<vmem>>, vector<16xf32>,
        %get3A_1110 = arith.index_cast %add3A_1096 : i32 to index
        %get3A_1111 = arith.constant 16 : index
        %get3A_1112 = tpu.vector_load %arg10[%get3A_1110, %get3A_1111] {strides = array<i32>} : memref<128x128xf32, #tpu.memory_space<vmem>>, vector<16xf32>,
        %mul3A_1113 = arith.mulf %get3A_1109, %get3A_1112 : vector<16xf32>
        %add3A_1114 = arith.addf %add3A_1106, %mul3A_1113 : vector<16xf32>
        %get3A_1115 = arith.index_cast %add3A_1096 : i32 to index
        %get3A_1116 = arith.constant 32 : index
        %get3A_1117 = tpu.vector_load %arg9[%get3A_1115, %get3A_1116] {strides = array<i32>} : memref<128x128xf32, #tpu.memory_space<vmem>>, vector<16xf32>,
        %get3A_1118 = arith.index_cast %add3A_1096 : i32 to index
        %get3A_1119 = arith.constant 32 : index
        %get3A_1120 = tpu.vector_load %arg10[%get3A_1118, %get3A_1119] {strides = array<i32>} : memref<128x128xf32, #tpu.memory_space<vmem>>, vector<16xf32>,
        %mul3A_1121 = arith.mulf %get3A_1117, %get3A_1120 : vector<16xf32>
        %add3A_1122 = arith.addf %add3A_1114, %mul3A_1121 : vector<16xf32>
        %get3A_1123 = arith.index_cast %add3A_1096 : i32 to index
        %get3A_1124 = arith.constant 48 : index
        %get3A_1125 = tpu.vector_load %arg9[%get3A_1123, %get3A_1124] {strides = array<i32>} : memref<128x128xf32, #tpu.memory_space<vmem>>, vector<16xf32>,
        %get3A_1126 = arith.index_cast %add3A_1096 : i32 to index
        %get3A_1127 = arith.constant 48 : index
        %get3A_1128 = tpu.vector_load %arg10[%get3A_1126, %get3A_1127] {strides = array<i32>} : memref<128x128xf32, #tpu.memory_space<vmem>>, vector<16xf32>,
        %mul3A_1129 = arith.mulf %get3A_1125, %get3A_1128 : vector<16xf32>
        %add3A_1130 = arith.addf %add3A_1122, %mul3A_1129 : vector<16xf32>
        %get3A_1131 = arith.index_cast %add3A_1096 : i32 to index
        %get3A_1132 = arith.constant 64 : index
        %get3A_1133 = tpu.vector_load %arg9[%get3A_1131, %get3A_1132] {strides = array<i32>} : memref<128x128xf32, #tpu.memory_space<vmem>>, vector<16xf32>,
        %get3A_1134 = arith.index_cast %add3A_1096 : i32 to index
        %get3A_1135 = arith.constant 64 : index
        %get3A_1136 = tpu.vector_load %arg10[%get3A_1134, %get3A_1135] {strides = array<i32>} : memref<128x128xf32, #tpu.memory_space<vmem>>, vector<16xf32>,
        %mul3A_1137 = arith.mulf %get3A_1133, %get3A_1136 : vector<16xf32>
        %add3A_1138 = arith.addf %add3A_1130, %mul3A_1137 : vector<16xf32>
        %get3A_1139 = arith.index_cast %add3A_1096 : i32 to index
        %get3A_1140 = arith.constant 80 : index
        %get3A_1141 = tpu.vector_load %arg9[%get3A_1139, %get3A_1140] {strides = array<i32>} : memref<128x128xf32, #tpu.memory_space<vmem>>, vector<16xf32>,
        %get3A_1142 = arith.index_cast %add3A_1096 : i32 to index
        %get3A_1143 = arith.constant 80 : index
        %get3A_1144 = tpu.vector_load %arg10[%get3A_1142, %get3A_1143] {strides = array<i32>} : memref<128x128xf32, #tpu.memory_space<vmem>>, vector<16xf32>,
        %mul3A_1145 = arith.mulf %get3A_1141, %get3A_1144 : vector<16xf32>
        %add3A_1146 = arith.addf %add3A_1138, %mul3A_1145 : vector<16xf32>
        %get3A_1147 = arith.index_cast %add3A_1096 : i32 to index
        %get3A_1148 = arith.constant 96 : index
        %get3A_1149 = tpu.vector_load %arg9[%get3A_1147, %get3A_1148] {strides = array<i32>} : memref<128x128xf32, #tpu.memory_space<vmem>>, vector<16xf32>,
        %get3A_1150 = arith.index_cast %add3A_1096 : i32 to index
        %get3A_1151 = arith.constant 96 : index
        %get3A_1152 = tpu.vector_load %arg10[%get3A_1150, %get3A_1151] {strides = array<i32>} : memref<128x128xf32, #tpu.memory_space<vmem>>, vector<16xf32>,
        %mul3A_1153 = arith.mulf %get3A_1149, %get3A_1152 : vector<16xf32>
        %add3A_1154 = arith.addf %add3A_1146, %mul3A_1153 : vector<16xf32>
        %get3A_1155 = arith.index_cast %add3A_1096 : i32 to index
        %get3A_1156 = arith.constant 112 : index
        %get3A_1157 = tpu.vector_load %arg9[%get3A_1155, %get3A_1156] {strides = array<i32>} : memref<128x128xf32, #tpu.memory_space<vmem>>, vector<16xf32>,
        %get3A_1158 = arith.index_cast %add3A_1096 : i32 to index
        %get3A_1159 = arith.constant 112 : index
        %get3A_1160 = tpu.vector_load %arg10[%get3A_1158, %get3A_1159] {strides = array<i32>} : memref<128x128xf32, #tpu.memory_space<vmem>>, vector<16xf32>,
        %mul3A_1161 = arith.mulf %get3A_1157, %get3A_1160 : vector<16xf32>
        %add3A_1162 = arith.addf %add3A_1154, %mul3A_1161 : vector<16xf32>
        %mul3A_1163 = arith.constant 256 : i32
        %mul3A_1164 = arith.muli %scan3A_31, %mul3A_1163 : i32
        %add3A_1165 = arith.constant 224 : i32
        %add3A_1166 = arith.addi %mul3A_1164, %add3A_1165 : i32
        %swap3A_1167 = arith.index_cast %add3A_1166 : i32 to index
        %swap3A_1168 = tpu.vector_load %arg11[%swap3A_1167] {strides = array<i32>} : memref<2048xf32, #tpu.memory_space<vmem>>, vector<16xf32>,
        tpu.vector_store %arg11[%swap3A_1167], %add3A_1162 {strides = array<i32>} : memref<2048xf32, #tpu.memory_space<vmem>>, vector<16xf32>,
        %mul3A_1169 = arith.constant 16 : i32
        %mul3A_1170 = arith.muli %scan3A_31, %mul3A_1169 : i32
        %add3A_1171 = arith.constant 15 : i32
        %add3A_1172 = arith.addi %mul3A_1170, %add3A_1171 : i32
        %broadcast_in_dim3A_1173 = arith.constant 0.000000e+00 : f32
        %broadcast_in_dim3A_1174 = vector.broadcast %broadcast_in_dim3A_1173 : f32 to vector<16xf32>
        %get3A_1175 = arith.index_cast %add3A_1172 : i32 to index
        %get3A_1176 = arith.constant 0 : index
        %get3A_1177 = tpu.vector_load %arg9[%get3A_1175, %get3A_1176] {strides = array<i32>} : memref<128x128xf32, #tpu.memory_space<vmem>>, vector<16xf32>,
        %get3A_1178 = arith.index_cast %add3A_1172 : i32 to index
        %get3A_1179 = arith.constant 0 : index
        %get3A_1180 = tpu.vector_load %arg10[%get3A_1178, %get3A_1179] {strides = array<i32>} : memref<128x128xf32, #tpu.memory_space<vmem>>, vector<16xf32>,
        %mul3A_1181 = arith.mulf %get3A_1177, %get3A_1180 : vector<16xf32>
        %add3A_1182 = arith.addf %broadcast_in_dim3A_1174, %mul3A_1181 : vector<16xf32>
        %get3A_1183 = arith.index_cast %add3A_1172 : i32 to index
        %get3A_1184 = arith.constant 16 : index
        %get3A_1185 = tpu.vector_load %arg9[%get3A_1183, %get3A_1184] {strides = array<i32>} : memref<128x128xf32, #tpu.memory_space<vmem>>, vector<16xf32>,
        %get3A_1186 = arith.index_cast %add3A_1172 : i32 to index
        %get3A_1187 = arith.constant 16 : index
        %get3A_1188 = tpu.vector_load %arg10[%get3A_1186, %get3A_1187] {strides = array<i32>} : memref<128x128xf32, #tpu.memory_space<vmem>>, vector<16xf32>,
        %mul3A_1189 = arith.mulf %get3A_1185, %get3A_1188 : vector<16xf32>
        %add3A_1190 = arith.addf %add3A_1182, %mul3A_1189 : vector<16xf32>
        %get3A_1191 = arith.index_cast %add3A_1172 : i32 to index
        %get3A_1192 = arith.constant 32 : index
        %get3A_1193 = tpu.vector_load %arg9[%get3A_1191, %get3A_1192] {strides = array<i32>} : memref<128x128xf32, #tpu.memory_space<vmem>>, vector<16xf32>,
        %get3A_1194 = arith.index_cast %add3A_1172 : i32 to index
        %get3A_1195 = arith.constant 32 : index
        %get3A_1196 = tpu.vector_load %arg10[%get3A_1194, %get3A_1195] {strides = array<i32>} : memref<128x128xf32, #tpu.memory_space<vmem>>, vector<16xf32>,
        %mul3A_1197 = arith.mulf %get3A_1193, %get3A_1196 : vector<16xf32>
        %add3A_1198 = arith.addf %add3A_1190, %mul3A_1197 : vector<16xf32>
        %get3A_1199 = arith.index_cast %add3A_1172 : i32 to index
        %get3A_1200 = arith.constant 48 : index
        %get3A_1201 = tpu.vector_load %arg9[%get3A_1199, %get3A_1200] {strides = array<i32>} : memref<128x128xf32, #tpu.memory_space<vmem>>, vector<16xf32>,
        %get3A_1202 = arith.index_cast %add3A_1172 : i32 to index
        %get3A_1203 = arith.constant 48 : index
        %get3A_1204 = tpu.vector_load %arg10[%get3A_1202, %get3A_1203] {strides = array<i32>} : memref<128x128xf32, #tpu.memory_space<vmem>>, vector<16xf32>,
        %mul3A_1205 = arith.mulf %get3A_1201, %get3A_1204 : vector<16xf32>
        %add3A_1206 = arith.addf %add3A_1198, %mul3A_1205 : vector<16xf32>
        %get3A_1207 = arith.index_cast %add3A_1172 : i32 to index
        %get3A_1208 = arith.constant 64 : index
        %get3A_1209 = tpu.vector_load %arg9[%get3A_1207, %get3A_1208] {strides = array<i32>} : memref<128x128xf32, #tpu.memory_space<vmem>>, vector<16xf32>,
        %get3A_1210 = arith.index_cast %add3A_1172 : i32 to index
        %get3A_1211 = arith.constant 64 : index
        %get3A_1212 = tpu.vector_load %arg10[%get3A_1210, %get3A_1211] {strides = array<i32>} : memref<128x128xf32, #tpu.memory_space<vmem>>, vector<16xf32>,
        %mul3A_1213 = arith.mulf %get3A_1209, %get3A_1212 : vector<16xf32>
        %add3A_1214 = arith.addf %add3A_1206, %mul3A_1213 : vector<16xf32>
        %get3A_1215 = arith.index_cast %add3A_1172 : i32 to index
        %get3A_1216 = arith.constant 80 : index
        %get3A_1217 = tpu.vector_load %arg9[%get3A_1215, %get3A_1216] {strides = array<i32>} : memref<128x128xf32, #tpu.memory_space<vmem>>, vector<16xf32>,
        %get3A_1218 = arith.index_cast %add3A_1172 : i32 to index
        %get3A_1219 = arith.constant 80 : index
        %get3A_1220 = tpu.vector_load %arg10[%get3A_1218, %get3A_1219] {strides = array<i32>} : memref<128x128xf32, #tpu.memory_space<vmem>>, vector<16xf32>,
        %mul3A_1221 = arith.mulf %get3A_1217, %get3A_1220 : vector<16xf32>
        %add3A_1222 = arith.addf %add3A_1214, %mul3A_1221 : vector<16xf32>
        %get3A_1223 = arith.index_cast %add3A_1172 : i32 to index
        %get3A_1224 = arith.constant 96 : index
        %get3A_1225 = tpu.vector_load %arg9[%get3A_1223, %get3A_1224] {strides = array<i32>} : memref<128x128xf32, #tpu.memory_space<vmem>>, vector<16xf32>,
        %get3A_1226 = arith.index_cast %add3A_1172 : i32 to index
        %get3A_1227 = arith.constant 96 : index
        %get3A_1228 = tpu.vector_load %arg10[%get3A_1226, %get3A_1227] {strides = array<i32>} : memref<128x128xf32, #tpu.memory_space<vmem>>, vector<16xf32>,
        %mul3A_1229 = arith.mulf %get3A_1225, %get3A_1228 : vector<16xf32>
        %add3A_1230 = arith.addf %add3A_1222, %mul3A_1229 : vector<16xf32>
        %get3A_1231 = arith.index_cast %add3A_1172 : i32 to index
        %get3A_1232 = arith.constant 112 : index
        %get3A_1233 = tpu.vector_load %arg9[%get3A_1231, %get3A_1232] {strides = array<i32>} : memref<128x128xf32, #tpu.memory_space<vmem>>, vector<16xf32>,
        %get3A_1234 = arith.index_cast %add3A_1172 : i32 to index
        %get3A_1235 = arith.constant 112 : index
        %get3A_1236 = tpu.vector_load %arg10[%get3A_1234, %get3A_1235] {strides = array<i32>} : memref<128x128xf32, #tpu.memory_space<vmem>>, vector<16xf32>,
        %mul3A_1237 = arith.mulf %get3A_1233, %get3A_1236 : vector<16xf32>
        %add3A_1238 = arith.addf %add3A_1230, %mul3A_1237 : vector<16xf32>
        %mul3A_1239 = arith.constant 256 : i32
        %mul3A_1240 = arith.muli %scan3A_31, %mul3A_1239 : i32
        %add3A_1241 = arith.constant 240 : i32
        %add3A_1242 = arith.addi %mul3A_1240, %add3A_1241 : i32
        %swap3A_1243 = arith.index_cast %add3A_1242 : i32 to index
        %swap3A_1244 = tpu.vector_load %arg11[%swap3A_1243] {strides = array<i32>} : memref<2048xf32, #tpu.memory_space<vmem>>, vector<16xf32>,
        tpu.vector_store %arg11[%swap3A_1243], %add3A_1238 {strides = array<i32>} : memref<2048xf32, #tpu.memory_space<vmem>>, vector<16xf32>,
      }
      %scan3A_30 = arith.constant 8 : i32
      "tpu.region"() ({
        %run_scoped3A = tpu.sem_alloc : memref<!tpu.dma_semaphore, #tpu.memory_space<semaphore_mem>>
        %dma_start3A_31 = arith.constant 0 : i32
        %dma_start3A_32 = tpu.memref_slice %arg6[%add3A_15, %dma_start3A_31] : memref<1564x2048xf32, #tpu.memory_space<hbm>> -> memref<1x2048xf32, #tpu.memory_space<hbm>>
        %dma_start3A_33 = tpu.memref_squeeze %dma_start3A_32 : memref<1x2048xf32, #tpu.memory_space<hbm>> -> memref<2048xf32, #tpu.memory_space<hbm>>
        %dma_start3A_34 = arith.constant 0 : i32
        %dma_start3A_35 = tpu.memref_slice %arg6[%add3A_15, %dma_start3A_34] : memref<1564x2048xf32, #tpu.memory_space<hbm>> -> memref<1x2048xf32, #tpu.memory_space<hbm>>
        %dma_start3A_36 = tpu.memref_squeeze %dma_start3A_35 : memref<1x2048xf32, #tpu.memory_space<hbm>> -> memref<2048xf32, #tpu.memory_space<hbm>>
        tpu.enqueue_dma source(%arg11 : memref<2048xf32, #tpu.memory_space<vmem>>) target(%dma_start3A_36 : memref<2048xf32, #tpu.memory_space<hbm>>) target_semaphore(%run_scoped3A : memref<!tpu.dma_semaphore, #tpu.memory_space<semaphore_mem>>)
        %dma_wait3A_37 = arith.constant 0 : i32
        %dma_wait3A_38 = tpu.memref_slice %arg6[%add3A_15, %dma_wait3A_37] : memref<1564x2048xf32, #tpu.memory_space<hbm>> -> memref<1x2048xf32, #tpu.memory_space<hbm>>
        %dma_wait3A_39 = tpu.memref_squeeze %dma_wait3A_38 : memref<1x2048xf32, #tpu.memory_space<hbm>> -> memref<2048xf32, #tpu.memory_space<hbm>>
        %dma_wait3A_40 = arith.constant 0 : i32
        %dma_wait3A_41 = tpu.memref_slice %arg6[%add3A_15, %dma_wait3A_40] : memref<1564x2048xf32, #tpu.memory_space<hbm>> -> memref<1x2048xf32, #tpu.memory_space<hbm>>
        %dma_wait3A_42 = tpu.memref_squeeze %dma_wait3A_41 : memref<1x2048xf32, #tpu.memory_space<hbm>> -> memref<2048xf32, #tpu.memory_space<hbm>>
        tpu.wait_dma2 semaphore(%run_scoped3A : memref<!tpu.dma_semaphore, #tpu.memory_space<semaphore_mem>>) src(%arg11 : memref<2048xf32, #tpu.memory_space<vmem>>) dst(%dma_wait3A_42 : memref<2048xf32, #tpu.memory_space<hbm>>)
        tpu.yield
      }) : () -> ()
    }
    %while3A_11 = arith.constant 1 : i32
    scf.for %while3A_12 = %while3A_9 to %while3A_5 step %while3A_11  : i32 {
      %mul3A_13 = arith.constant 32 : i32
      %mul3A_14 = arith.muli %mul3A_13, %while3A_12 : i32
      %add3A_15 = arith.addi %add3A, %mul3A_14 : i32
      "tpu.region"() ({
        %run_scoped3A = tpu.sem_alloc : memref<!tpu.dma_semaphore, #tpu.memory_space<semaphore_mem>>
        %dma_start3A_31 = arith.constant 0 : i32
        %dma_start3A_32 = tpu.memref_slice %arg2[%add3A_15, %dma_start3A_31] : memref<1564x128xi32, #tpu.memory_space<hbm>> -> memref<1x128xi32, #tpu.memory_space<hbm>>
        %dma_start3A_33 = tpu.memref_squeeze %dma_start3A_32 : memref<1x128xi32, #tpu.memory_space<hbm>> -> memref<128xi32, #tpu.memory_space<hbm>>
        %dma_start3A_34 = arith.constant 0 : i32
        %dma_start3A_35 = tpu.memref_slice %arg2[%add3A_15, %dma_start3A_34] : memref<1564x128xi32, #tpu.memory_space<hbm>> -> memref<1x128xi32, #tpu.memory_space<hbm>>
        %dma_start3A_36 = tpu.memref_squeeze %dma_start3A_35 : memref<1x128xi32, #tpu.memory_space<hbm>> -> memref<128xi32, #tpu.memory_space<hbm>>
        tpu.enqueue_dma source(%dma_start3A_36 : memref<128xi32, #tpu.memory_space<hbm>>) target(%arg7 : memref<128xi32, #tpu.memory_space<vmem>>) target_semaphore(%run_scoped3A : memref<!tpu.dma_semaphore, #tpu.memory_space<semaphore_mem>>)
        %dma_wait3A_37 = arith.constant 0 : i32
        %dma_wait3A_38 = tpu.memref_slice %arg2[%add3A_15, %dma_wait3A_37] : memref<1564x128xi32, #tpu.memory_space<hbm>> -> memref<1x128xi32, #tpu.memory_space<hbm>>
        %dma_wait3A_39 = tpu.memref_squeeze %dma_wait3A_38 : memref<1x128xi32, #tpu.memory_space<hbm>> -> memref<128xi32, #tpu.memory_space<hbm>>
        %dma_wait3A_40 = arith.constant 0 : i32
        %dma_wait3A_41 = tpu.memref_slice %arg2[%add3A_15, %dma_wait3A_40] : memref<1564x128xi32, #tpu.memory_space<hbm>> -> memref<1x128xi32, #tpu.memory_space<hbm>>
        %dma_wait3A_42 = tpu.memref_squeeze %dma_wait3A_41 : memref<1x128xi32, #tpu.memory_space<hbm>> -> memref<128xi32, #tpu.memory_space<hbm>>
        tpu.wait_dma2 semaphore(%run_scoped3A : memref<!tpu.dma_semaphore, #tpu.memory_space<semaphore_mem>>) src(%dma_wait3A_42 : memref<128xi32, #tpu.memory_space<hbm>>) dst(%arg7 : memref<128xi32, #tpu.memory_space<vmem>>)
        tpu.yield
      }) : () -> ()
      "tpu.region"() ({
        %run_scoped3A = tpu.sem_alloc : memref<!tpu.dma_semaphore, #tpu.memory_space<semaphore_mem>>
        %dma_start3A_31 = arith.constant 0 : i32
        %dma_start3A_32 = tpu.memref_slice %arg3[%add3A_15, %dma_start3A_31] : memref<1564x128xi32, #tpu.memory_space<hbm>> -> memref<1x128xi32, #tpu.memory_space<hbm>>
        %dma_start3A_33 = tpu.memref_squeeze %dma_start3A_32 : memref<1x128xi32, #tpu.memory_space<hbm>> -> memref<128xi32, #tpu.memory_space<hbm>>
        %dma_start3A_34 = arith.constant 0 : i32
        %dma_start3A_35 = tpu.memref_slice %arg3[%add3A_15, %dma_start3A_34] : memref<1564x128xi32, #tpu.memory_space<hbm>> -> memref<1x128xi32, #tpu.memory_space<hbm>>
        %dma_start3A_36 = tpu.memref_squeeze %dma_start3A_35 : memref<1x128xi32, #tpu.memory_space<hbm>> -> memref<128xi32, #tpu.memory_space<hbm>>
        tpu.enqueue_dma source(%dma_start3A_36 : memref<128xi32, #tpu.memory_space<hbm>>) target(%arg8 : memref<128xi32, #tpu.memory_space<vmem>>) target_semaphore(%run_scoped3A : memref<!tpu.dma_semaphore, #tpu.memory_space<semaphore_mem>>)
        %dma_wait3A_37 = arith.constant 0 : i32
        %dma_wait3A_38 = tpu.memref_slice %arg3[%add3A_15, %dma_wait3A_37] : memref<1564x128xi32, #tpu.memory_space<hbm>> -> memref<1x128xi32, #tpu.memory_space<hbm>>
        %dma_wait3A_39 = tpu.memref_squeeze %dma_wait3A_38 : memref<1x128xi32, #tpu.memory_space<hbm>> -> memref<128xi32, #tpu.memory_space<hbm>>
        %dma_wait3A_40 = arith.constant 0 : i32
        %dma_wait3A_41 = tpu.memref_slice %arg3[%add3A_15, %dma_wait3A_40] : memref<1564x128xi32, #tpu.memory_space<hbm>> -> memref<1x128xi32, #tpu.memory_space<hbm>>
        %dma_wait3A_42 = tpu.memref_squeeze %dma_wait3A_41 : memref<1x128xi32, #tpu.memory_space<hbm>> -> memref<128xi32, #tpu.memory_space<hbm>>
        tpu.wait_dma2 semaphore(%run_scoped3A : memref<!tpu.dma_semaphore, #tpu.memory_space<semaphore_mem>>) src(%dma_wait3A_42 : memref<128xi32, #tpu.memory_space<hbm>>) dst(%arg8 : memref<128xi32, #tpu.memory_space<vmem>>)
        tpu.yield
      }) : () -> ()
      %dma_start3A = arith.constant 0 : i32
      %dma_start3A_16 = arith.constant 0 : i32
      %dma_start3A_17 = tpu.memref_slice %arg4[%dma_start3A, %dma_start3A_16] : memref<10000x128xf32, #tpu.memory_space<hbm>> -> memref<10000x128xf32, #tpu.memory_space<hbm>>
      tpu.enqueue_indirect_dma source(%dma_start3A_17 : memref<10000x128xf32, #tpu.memory_space<hbm>>) target(%arg9 : memref<128x128xf32, #tpu.memory_space<vmem>>) offsets(%arg7 : memref<128xi32, #tpu.memory_space<vmem>>) semaphore(%arg12 : memref<!tpu.dma_semaphore, #tpu.memory_space<semaphore_mem>>)
      %dma_start3A_18 = arith.constant 0 : i32
      %dma_start3A_19 = arith.constant 0 : i32
      %dma_start3A_20 = tpu.memref_slice %arg5[%dma_start3A_18, %dma_start3A_19] : memref<10000x128xf32, #tpu.memory_space<hbm>> -> memref<10000x128xf32, #tpu.memory_space<hbm>>
      tpu.enqueue_indirect_dma source(%dma_start3A_20 : memref<10000x128xf32, #tpu.memory_space<hbm>>) target(%arg10 : memref<128x128xf32, #tpu.memory_space<vmem>>) offsets(%arg8 : memref<128xi32, #tpu.memory_space<vmem>>) semaphore(%arg13 : memref<!tpu.dma_semaphore, #tpu.memory_space<semaphore_mem>>)
      %dma_wait3A = arith.constant 0 : i32
      %dma_wait3A_21 = arith.constant 0 : i32
      %dma_wait3A_22 = tpu.memref_slice %arg4[%dma_wait3A, %dma_wait3A_21] : memref<10000x128xf32, #tpu.memory_space<hbm>> -> memref<10000x128xf32, #tpu.memory_space<hbm>>
      tpu.wait_indirect_dma semaphore(%arg12 : memref<!tpu.dma_semaphore, #tpu.memory_space<semaphore_mem>>) src(%dma_wait3A_22 : memref<10000x128xf32, #tpu.memory_space<hbm>>) dst(%arg9 : memref<128x128xf32, #tpu.memory_space<vmem>>)
      %dma_wait3A_23 = arith.constant 0 : i32
      %dma_wait3A_24 = arith.constant 0 : i32
      %dma_wait3A_25 = tpu.memref_slice %arg5[%dma_wait3A_23, %dma_wait3A_24] : memref<10000x128xf32, #tpu.memory_space<hbm>> -> memref<10000x128xf32, #tpu.memory_space<hbm>>
      tpu.wait_indirect_dma semaphore(%arg13 : memref<!tpu.dma_semaphore, #tpu.memory_space<semaphore_mem>>) src(%dma_wait3A_25 : memref<10000x128xf32, #tpu.memory_space<hbm>>) dst(%arg10 : memref<128x128xf32, #tpu.memory_space<vmem>>)
      %scan3A = arith.constant 0 : i32
      %scan3A_26 = arith.constant 0 : i32
      %scan3A_27 = arith.constant 8 : i32
      %scan3A_28 = arith.addi %scan3A_26, %scan3A_27 : i32
      %scan3A_29 = arith.constant 1 : i32
      scf.for %scan3A_31 = %scan3A_26 to %scan3A_28 step %scan3A_29  : i32 {
        %mul3A_32 = arith.constant 16 : i32
        %mul3A_33 = arith.muli %scan3A_31, %mul3A_32 : i32
        %add3A_34 = arith.constant 0 : i32
        %add3A_35 = arith.addi %mul3A_33, %add3A_34 : i32
        %broadcast_in_dim3A = arith.constant 0.000000e+00 : f32
        %broadcast_in_dim3A_36 = vector.broadcast %broadcast_in_dim3A : f32 to vector<16xf32>
        %get3A = arith.index_cast %add3A_35 : i32 to index
        %get3A_37 = arith.constant 0 : index
        %get3A_38 = tpu.vector_load %arg9[%get3A, %get3A_37] {strides = array<i32>} : memref<128x128xf32, #tpu.memory_space<vmem>>, vector<16xf32>,
        %get3A_39 = arith.index_cast %add3A_35 : i32 to index
        %get3A_40 = arith.constant 0 : index
        %get3A_41 = tpu.vector_load %arg10[%get3A_39, %get3A_40] {strides = array<i32>} : memref<128x128xf32, #tpu.memory_space<vmem>>, vector<16xf32>,
        %mul3A_42 = arith.mulf %get3A_38, %get3A_41 : vector<16xf32>
        %add3A_43 = arith.addf %broadcast_in_dim3A_36, %mul3A_42 : vector<16xf32>
        %get3A_44 = arith.index_cast %add3A_35 : i32 to index
        %get3A_45 = arith.constant 16 : index
        %get3A_46 = tpu.vector_load %arg9[%get3A_44, %get3A_45] {strides = array<i32>} : memref<128x128xf32, #tpu.memory_space<vmem>>, vector<16xf32>,
        %get3A_47 = arith.index_cast %add3A_35 : i32 to index
        %get3A_48 = arith.constant 16 : index
        %get3A_49 = tpu.vector_load %arg10[%get3A_47, %get3A_48] {strides = array<i32>} : memref<128x128xf32, #tpu.memory_space<vmem>>, vector<16xf32>,
        %mul3A_50 = arith.mulf %get3A_46, %get3A_49 : vector<16xf32>
        %add3A_51 = arith.addf %add3A_43, %mul3A_50 : vector<16xf32>
        %get3A_52 = arith.index_cast %add3A_35 : i32 to index
        %get3A_53 = arith.constant 32 : index
        %get3A_54 = tpu.vector_load %arg9[%get3A_52, %get3A_53] {strides = array<i32>} : memref<128x128xf32, #tpu.memory_space<vmem>>, vector<16xf32>,
        %get3A_55 = arith.index_cast %add3A_35 : i32 to index
        %get3A_56 = arith.constant 32 : index
        %get3A_57 = tpu.vector_load %arg10[%get3A_55, %get3A_56] {strides = array<i32>} : memref<128x128xf32, #tpu.memory_space<vmem>>, vector<16xf32>,
        %mul3A_58 = arith.mulf %get3A_54, %get3A_57 : vector<16xf32>
        %add3A_59 = arith.addf %add3A_51, %mul3A_58 : vector<16xf32>
        %get3A_60 = arith.index_cast %add3A_35 : i32 to index
        %get3A_61 = arith.constant 48 : index
        %get3A_62 = tpu.vector_load %arg9[%get3A_60, %get3A_61] {strides = array<i32>} : memref<128x128xf32, #tpu.memory_space<vmem>>, vector<16xf32>,
        %get3A_63 = arith.index_cast %add3A_35 : i32 to index
        %get3A_64 = arith.constant 48 : index
        %get3A_65 = tpu.vector_load %arg10[%get3A_63, %get3A_64] {strides = array<i32>} : memref<128x128xf32, #tpu.memory_space<vmem>>, vector<16xf32>,
        %mul3A_66 = arith.mulf %get3A_62, %get3A_65 : vector<16xf32>
        %add3A_67 = arith.addf %add3A_59, %mul3A_66 : vector<16xf32>
        %get3A_68 = arith.index_cast %add3A_35 : i32 to index
        %get3A_69 = arith.constant 64 : index
        %get3A_70 = tpu.vector_load %arg9[%get3A_68, %get3A_69] {strides = array<i32>} : memref<128x128xf32, #tpu.memory_space<vmem>>, vector<16xf32>,
        %get3A_71 = arith.index_cast %add3A_35 : i32 to index
        %get3A_72 = arith.constant 64 : index
        %get3A_73 = tpu.vector_load %arg10[%get3A_71, %get3A_72] {strides = array<i32>} : memref<128x128xf32, #tpu.memory_space<vmem>>, vector<16xf32>,
        %mul3A_74 = arith.mulf %get3A_70, %get3A_73 : vector<16xf32>
        %add3A_75 = arith.addf %add3A_67, %mul3A_74 : vector<16xf32>
        %get3A_76 = arith.index_cast %add3A_35 : i32 to index
        %get3A_77 = arith.constant 80 : index
        %get3A_78 = tpu.vector_load %arg9[%get3A_76, %get3A_77] {strides = array<i32>} : memref<128x128xf32, #tpu.memory_space<vmem>>, vector<16xf32>,
        %get3A_79 = arith.index_cast %add3A_35 : i32 to index
        %get3A_80 = arith.constant 80 : index
        %get3A_81 = tpu.vector_load %arg10[%get3A_79, %get3A_80] {strides = array<i32>} : memref<128x128xf32, #tpu.memory_space<vmem>>, vector<16xf32>,
        %mul3A_82 = arith.mulf %get3A_78, %get3A_81 : vector<16xf32>
        %add3A_83 = arith.addf %add3A_75, %mul3A_82 : vector<16xf32>
        %get3A_84 = arith.index_cast %add3A_35 : i32 to index
        %get3A_85 = arith.constant 96 : index
        %get3A_86 = tpu.vector_load %arg9[%get3A_84, %get3A_85] {strides = array<i32>} : memref<128x128xf32, #tpu.memory_space<vmem>>, vector<16xf32>,
        %get3A_87 = arith.index_cast %add3A_35 : i32 to index
        %get3A_88 = arith.constant 96 : index
        %get3A_89 = tpu.vector_load %arg10[%get3A_87, %get3A_88] {strides = array<i32>} : memref<128x128xf32, #tpu.memory_space<vmem>>, vector<16xf32>,
        %mul3A_90 = arith.mulf %get3A_86, %get3A_89 : vector<16xf32>
        %add3A_91 = arith.addf %add3A_83, %mul3A_90 : vector<16xf32>
        %get3A_92 = arith.index_cast %add3A_35 : i32 to index
        %get3A_93 = arith.constant 112 : index
        %get3A_94 = tpu.vector_load %arg9[%get3A_92, %get3A_93] {strides = array<i32>} : memref<128x128xf32, #tpu.memory_space<vmem>>, vector<16xf32>,
        %get3A_95 = arith.index_cast %add3A_35 : i32 to index
        %get3A_96 = arith.constant 112 : index
        %get3A_97 = tpu.vector_load %arg10[%get3A_95, %get3A_96] {strides = array<i32>} : memref<128x128xf32, #tpu.memory_space<vmem>>, vector<16xf32>,
        %mul3A_98 = arith.mulf %get3A_94, %get3A_97 : vector<16xf32>
        %add3A_99 = arith.addf %add3A_91, %mul3A_98 : vector<16xf32>
        %mul3A_100 = arith.constant 256 : i32
        %mul3A_101 = arith.muli %scan3A_31, %mul3A_100 : i32
        %add3A_102 = arith.constant 0 : i32
        %add3A_103 = arith.addi %mul3A_101, %add3A_102 : i32
        %swap3A = arith.index_cast %add3A_103 : i32 to index
        %swap3A_104 = tpu.vector_load %arg11[%swap3A] {strides = array<i32>} : memref<2048xf32, #tpu.memory_space<vmem>>, vector<16xf32>,
        tpu.vector_store %arg11[%swap3A], %add3A_99 {strides = array<i32>} : memref<2048xf32, #tpu.memory_space<vmem>>, vector<16xf32>,
        %mul3A_105 = arith.constant 16 : i32
        %mul3A_106 = arith.muli %scan3A_31, %mul3A_105 : i32
        %add3A_107 = arith.constant 1 : i32
        %add3A_108 = arith.addi %mul3A_106, %add3A_107 : i32
        %broadcast_in_dim3A_109 = arith.constant 0.000000e+00 : f32
        %broadcast_in_dim3A_110 = vector.broadcast %broadcast_in_dim3A_109 : f32 to vector<16xf32>
        %get3A_111 = arith.index_cast %add3A_108 : i32 to index
        %get3A_112 = arith.constant 0 : index
        %get3A_113 = tpu.vector_load %arg9[%get3A_111, %get3A_112] {strides = array<i32>} : memref<128x128xf32, #tpu.memory_space<vmem>>, vector<16xf32>,
        %get3A_114 = arith.index_cast %add3A_108 : i32 to index
        %get3A_115 = arith.constant 0 : index
        %get3A_116 = tpu.vector_load %arg10[%get3A_114, %get3A_115] {strides = array<i32>} : memref<128x128xf32, #tpu.memory_space<vmem>>, vector<16xf32>,
        %mul3A_117 = arith.mulf %get3A_113, %get3A_116 : vector<16xf32>
        %add3A_118 = arith.addf %broadcast_in_dim3A_110, %mul3A_117 : vector<16xf32>
        %get3A_119 = arith.index_cast %add3A_108 : i32 to index
        %get3A_120 = arith.constant 16 : index
        %get3A_121 = tpu.vector_load %arg9[%get3A_119, %get3A_120] {strides = array<i32>} : memref<128x128xf32, #tpu.memory_space<vmem>>, vector<16xf32>,
        %get3A_122 = arith.index_cast %add3A_108 : i32 to index
        %get3A_123 = arith.constant 16 : index
        %get3A_124 = tpu.vector_load %arg10[%get3A_122, %get3A_123] {strides = array<i32>} : memref<128x128xf32, #tpu.memory_space<vmem>>, vector<16xf32>,
        %mul3A_125 = arith.mulf %get3A_121, %get3A_124 : vector<16xf32>
        %add3A_126 = arith.addf %add3A_118, %mul3A_125 : vector<16xf32>
        %get3A_127 = arith.index_cast %add3A_108 : i32 to index
        %get3A_128 = arith.constant 32 : index
        %get3A_129 = tpu.vector_load %arg9[%get3A_127, %get3A_128] {strides = array<i32>} : memref<128x128xf32, #tpu.memory_space<vmem>>, vector<16xf32>,
        %get3A_130 = arith.index_cast %add3A_108 : i32 to index
        %get3A_131 = arith.constant 32 : index
        %get3A_132 = tpu.vector_load %arg10[%get3A_130, %get3A_131] {strides = array<i32>} : memref<128x128xf32, #tpu.memory_space<vmem>>, vector<16xf32>,
        %mul3A_133 = arith.mulf %get3A_129, %get3A_132 : vector<16xf32>
        %add3A_134 = arith.addf %add3A_126, %mul3A_133 : vector<16xf32>
        %get3A_135 = arith.index_cast %add3A_108 : i32 to index
        %get3A_136 = arith.constant 48 : index
        %get3A_137 = tpu.vector_load %arg9[%get3A_135, %get3A_136] {strides = array<i32>} : memref<128x128xf32, #tpu.memory_space<vmem>>, vector<16xf32>,
        %get3A_138 = arith.index_cast %add3A_108 : i32 to index
        %get3A_139 = arith.constant 48 : index
        %get3A_140 = tpu.vector_load %arg10[%get3A_138, %get3A_139] {strides = array<i32>} : memref<128x128xf32, #tpu.memory_space<vmem>>, vector<16xf32>,
        %mul3A_141 = arith.mulf %get3A_137, %get3A_140 : vector<16xf32>
        %add3A_142 = arith.addf %add3A_134, %mul3A_141 : vector<16xf32>
        %get3A_143 = arith.index_cast %add3A_108 : i32 to index
        %get3A_144 = arith.constant 64 : index
        %get3A_145 = tpu.vector_load %arg9[%get3A_143, %get3A_144] {strides = array<i32>} : memref<128x128xf32, #tpu.memory_space<vmem>>, vector<16xf32>,
        %get3A_146 = arith.index_cast %add3A_108 : i32 to index
        %get3A_147 = arith.constant 64 : index
        %get3A_148 = tpu.vector_load %arg10[%get3A_146, %get3A_147] {strides = array<i32>} : memref<128x128xf32, #tpu.memory_space<vmem>>, vector<16xf32>,
        %mul3A_149 = arith.mulf %get3A_145, %get3A_148 : vector<16xf32>
        %add3A_150 = arith.addf %add3A_142, %mul3A_149 : vector<16xf32>
        %get3A_151 = arith.index_cast %add3A_108 : i32 to index
        %get3A_152 = arith.constant 80 : index
        %get3A_153 = tpu.vector_load %arg9[%get3A_151, %get3A_152] {strides = array<i32>} : memref<128x128xf32, #tpu.memory_space<vmem>>, vector<16xf32>,
        %get3A_154 = arith.index_cast %add3A_108 : i32 to index
        %get3A_155 = arith.constant 80 : index
        %get3A_156 = tpu.vector_load %arg10[%get3A_154, %get3A_155] {strides = array<i32>} : memref<128x128xf32, #tpu.memory_space<vmem>>, vector<16xf32>,
        %mul3A_157 = arith.mulf %get3A_153, %get3A_156 : vector<16xf32>
        %add3A_158 = arith.addf %add3A_150, %mul3A_157 : vector<16xf32>
        %get3A_159 = arith.index_cast %add3A_108 : i32 to index
        %get3A_160 = arith.constant 96 : index
        %get3A_161 = tpu.vector_load %arg9[%get3A_159, %get3A_160] {strides = array<i32>} : memref<128x128xf32, #tpu.memory_space<vmem>>, vector<16xf32>,
        %get3A_162 = arith.index_cast %add3A_108 : i32 to index
        %get3A_163 = arith.constant 96 : index
        %get3A_164 = tpu.vector_load %arg10[%get3A_162, %get3A_163] {strides = array<i32>} : memref<128x128xf32, #tpu.memory_space<vmem>>, vector<16xf32>,
        %mul3A_165 = arith.mulf %get3A_161, %get3A_164 : vector<16xf32>
        %add3A_166 = arith.addf %add3A_158, %mul3A_165 : vector<16xf32>
        %get3A_167 = arith.index_cast %add3A_108 : i32 to index
        %get3A_168 = arith.constant 112 : index
        %get3A_169 = tpu.vector_load %arg9[%get3A_167, %get3A_168] {strides = array<i32>} : memref<128x128xf32, #tpu.memory_space<vmem>>, vector<16xf32>,
        %get3A_170 = arith.index_cast %add3A_108 : i32 to index
        %get3A_171 = arith.constant 112 : index
        %get3A_172 = tpu.vector_load %arg10[%get3A_170, %get3A_171] {strides = array<i32>} : memref<128x128xf32, #tpu.memory_space<vmem>>, vector<16xf32>,
        %mul3A_173 = arith.mulf %get3A_169, %get3A_172 : vector<16xf32>
        %add3A_174 = arith.addf %add3A_166, %mul3A_173 : vector<16xf32>
        %mul3A_175 = arith.constant 256 : i32
        %mul3A_176 = arith.muli %scan3A_31, %mul3A_175 : i32
        %add3A_177 = arith.constant 16 : i32
        %add3A_178 = arith.addi %mul3A_176, %add3A_177 : i32
        %swap3A_179 = arith.index_cast %add3A_178 : i32 to index
        %swap3A_180 = tpu.vector_load %arg11[%swap3A_179] {strides = array<i32>} : memref<2048xf32, #tpu.memory_space<vmem>>, vector<16xf32>,
        tpu.vector_store %arg11[%swap3A_179], %add3A_174 {strides = array<i32>} : memref<2048xf32, #tpu.memory_space<vmem>>, vector<16xf32>,
        %mul3A_181 = arith.constant 16 : i32
        %mul3A_182 = arith.muli %scan3A_31, %mul3A_181 : i32
        %add3A_183 = arith.constant 2 : i32
        %add3A_184 = arith.addi %mul3A_182, %add3A_183 : i32
        %broadcast_in_dim3A_185 = arith.constant 0.000000e+00 : f32
        %broadcast_in_dim3A_186 = vector.broadcast %broadcast_in_dim3A_185 : f32 to vector<16xf32>
        %get3A_187 = arith.index_cast %add3A_184 : i32 to index
        %get3A_188 = arith.constant 0 : index
        %get3A_189 = tpu.vector_load %arg9[%get3A_187, %get3A_188] {strides = array<i32>} : memref<128x128xf32, #tpu.memory_space<vmem>>, vector<16xf32>,
        %get3A_190 = arith.index_cast %add3A_184 : i32 to index
        %get3A_191 = arith.constant 0 : index
        %get3A_192 = tpu.vector_load %arg10[%get3A_190, %get3A_191] {strides = array<i32>} : memref<128x128xf32, #tpu.memory_space<vmem>>, vector<16xf32>,
        %mul3A_193 = arith.mulf %get3A_189, %get3A_192 : vector<16xf32>
        %add3A_194 = arith.addf %broadcast_in_dim3A_186, %mul3A_193 : vector<16xf32>
        %get3A_195 = arith.index_cast %add3A_184 : i32 to index
        %get3A_196 = arith.constant 16 : index
        %get3A_197 = tpu.vector_load %arg9[%get3A_195, %get3A_196] {strides = array<i32>} : memref<128x128xf32, #tpu.memory_space<vmem>>, vector<16xf32>,
        %get3A_198 = arith.index_cast %add3A_184 : i32 to index
        %get3A_199 = arith.constant 16 : index
        %get3A_200 = tpu.vector_load %arg10[%get3A_198, %get3A_199] {strides = array<i32>} : memref<128x128xf32, #tpu.memory_space<vmem>>, vector<16xf32>,
        %mul3A_201 = arith.mulf %get3A_197, %get3A_200 : vector<16xf32>
        %add3A_202 = arith.addf %add3A_194, %mul3A_201 : vector<16xf32>
        %get3A_203 = arith.index_cast %add3A_184 : i32 to index
        %get3A_204 = arith.constant 32 : index
        %get3A_205 = tpu.vector_load %arg9[%get3A_203, %get3A_204] {strides = array<i32>} : memref<128x128xf32, #tpu.memory_space<vmem>>, vector<16xf32>,
        %get3A_206 = arith.index_cast %add3A_184 : i32 to index
        %get3A_207 = arith.constant 32 : index
        %get3A_208 = tpu.vector_load %arg10[%get3A_206, %get3A_207] {strides = array<i32>} : memref<128x128xf32, #tpu.memory_space<vmem>>, vector<16xf32>,
        %mul3A_209 = arith.mulf %get3A_205, %get3A_208 : vector<16xf32>
        %add3A_210 = arith.addf %add3A_202, %mul3A_209 : vector<16xf32>
        %get3A_211 = arith.index_cast %add3A_184 : i32 to index
        %get3A_212 = arith.constant 48 : index
        %get3A_213 = tpu.vector_load %arg9[%get3A_211, %get3A_212] {strides = array<i32>} : memref<128x128xf32, #tpu.memory_space<vmem>>, vector<16xf32>,
        %get3A_214 = arith.index_cast %add3A_184 : i32 to index
        %get3A_215 = arith.constant 48 : index
        %get3A_216 = tpu.vector_load %arg10[%get3A_214, %get3A_215] {strides = array<i32>} : memref<128x128xf32, #tpu.memory_space<vmem>>, vector<16xf32>,
        %mul3A_217 = arith.mulf %get3A_213, %get3A_216 : vector<16xf32>
        %add3A_218 = arith.addf %add3A_210, %mul3A_217 : vector<16xf32>
        %get3A_219 = arith.index_cast %add3A_184 : i32 to index
        %get3A_220 = arith.constant 64 : index
        %get3A_221 = tpu.vector_load %arg9[%get3A_219, %get3A_220] {strides = array<i32>} : memref<128x128xf32, #tpu.memory_space<vmem>>, vector<16xf32>,
        %get3A_222 = arith.index_cast %add3A_184 : i32 to index
        %get3A_223 = arith.constant 64 : index
        %get3A_224 = tpu.vector_load %arg10[%get3A_222, %get3A_223] {strides = array<i32>} : memref<128x128xf32, #tpu.memory_space<vmem>>, vector<16xf32>,
        %mul3A_225 = arith.mulf %get3A_221, %get3A_224 : vector<16xf32>
        %add3A_226 = arith.addf %add3A_218, %mul3A_225 : vector<16xf32>
        %get3A_227 = arith.index_cast %add3A_184 : i32 to index
        %get3A_228 = arith.constant 80 : index
        %get3A_229 = tpu.vector_load %arg9[%get3A_227, %get3A_228] {strides = array<i32>} : memref<128x128xf32, #tpu.memory_space<vmem>>, vector<16xf32>,
        %get3A_230 = arith.index_cast %add3A_184 : i32 to index
        %get3A_231 = arith.constant 80 : index
        %get3A_232 = tpu.vector_load %arg10[%get3A_230, %get3A_231] {strides = array<i32>} : memref<128x128xf32, #tpu.memory_space<vmem>>, vector<16xf32>,
        %mul3A_233 = arith.mulf %get3A_229, %get3A_232 : vector<16xf32>
        %add3A_234 = arith.addf %add3A_226, %mul3A_233 : vector<16xf32>
        %get3A_235 = arith.index_cast %add3A_184 : i32 to index
        %get3A_236 = arith.constant 96 : index
        %get3A_237 = tpu.vector_load %arg9[%get3A_235, %get3A_236] {strides = array<i32>} : memref<128x128xf32, #tpu.memory_space<vmem>>, vector<16xf32>,
        %get3A_238 = arith.index_cast %add3A_184 : i32 to index
        %get3A_239 = arith.constant 96 : index
        %get3A_240 = tpu.vector_load %arg10[%get3A_238, %get3A_239] {strides = array<i32>} : memref<128x128xf32, #tpu.memory_space<vmem>>, vector<16xf32>,
        %mul3A_241 = arith.mulf %get3A_237, %get3A_240 : vector<16xf32>
        %add3A_242 = arith.addf %add3A_234, %mul3A_241 : vector<16xf32>
        %get3A_243 = arith.index_cast %add3A_184 : i32 to index
        %get3A_244 = arith.constant 112 : index
        %get3A_245 = tpu.vector_load %arg9[%get3A_243, %get3A_244] {strides = array<i32>} : memref<128x128xf32, #tpu.memory_space<vmem>>, vector<16xf32>,
        %get3A_246 = arith.index_cast %add3A_184 : i32 to index
        %get3A_247 = arith.constant 112 : index
        %get3A_248 = tpu.vector_load %arg10[%get3A_246, %get3A_247] {strides = array<i32>} : memref<128x128xf32, #tpu.memory_space<vmem>>, vector<16xf32>,
        %mul3A_249 = arith.mulf %get3A_245, %get3A_248 : vector<16xf32>
        %add3A_250 = arith.addf %add3A_242, %mul3A_249 : vector<16xf32>
        %mul3A_251 = arith.constant 256 : i32
        %mul3A_252 = arith.muli %scan3A_31, %mul3A_251 : i32
        %add3A_253 = arith.constant 32 : i32
        %add3A_254 = arith.addi %mul3A_252, %add3A_253 : i32
        %swap3A_255 = arith.index_cast %add3A_254 : i32 to index
        %swap3A_256 = tpu.vector_load %arg11[%swap3A_255] {strides = array<i32>} : memref<2048xf32, #tpu.memory_space<vmem>>, vector<16xf32>,
        tpu.vector_store %arg11[%swap3A_255], %add3A_250 {strides = array<i32>} : memref<2048xf32, #tpu.memory_space<vmem>>, vector<16xf32>,
        %mul3A_257 = arith.constant 16 : i32
        %mul3A_258 = arith.muli %scan3A_31, %mul3A_257 : i32
        %add3A_259 = arith.constant 3 : i32
        %add3A_260 = arith.addi %mul3A_258, %add3A_259 : i32
        %broadcast_in_dim3A_261 = arith.constant 0.000000e+00 : f32
        %broadcast_in_dim3A_262 = vector.broadcast %broadcast_in_dim3A_261 : f32 to vector<16xf32>
        %get3A_263 = arith.index_cast %add3A_260 : i32 to index
        %get3A_264 = arith.constant 0 : index
        %get3A_265 = tpu.vector_load %arg9[%get3A_263, %get3A_264] {strides = array<i32>} : memref<128x128xf32, #tpu.memory_space<vmem>>, vector<16xf32>,
        %get3A_266 = arith.index_cast %add3A_260 : i32 to index
        %get3A_267 = arith.constant 0 : index
        %get3A_268 = tpu.vector_load %arg10[%get3A_266, %get3A_267] {strides = array<i32>} : memref<128x128xf32, #tpu.memory_space<vmem>>, vector<16xf32>,
        %mul3A_269 = arith.mulf %get3A_265, %get3A_268 : vector<16xf32>
        %add3A_270 = arith.addf %broadcast_in_dim3A_262, %mul3A_269 : vector<16xf32>
        %get3A_271 = arith.index_cast %add3A_260 : i32 to index
        %get3A_272 = arith.constant 16 : index
        %get3A_273 = tpu.vector_load %arg9[%get3A_271, %get3A_272] {strides = array<i32>} : memref<128x128xf32, #tpu.memory_space<vmem>>, vector<16xf32>,
        %get3A_274 = arith.index_cast %add3A_260 : i32 to index
        %get3A_275 = arith.constant 16 : index
        %get3A_276 = tpu.vector_load %arg10[%get3A_274, %get3A_275] {strides = array<i32>} : memref<128x128xf32, #tpu.memory_space<vmem>>, vector<16xf32>,
        %mul3A_277 = arith.mulf %get3A_273, %get3A_276 : vector<16xf32>
        %add3A_278 = arith.addf %add3A_270, %mul3A_277 : vector<16xf32>
        %get3A_279 = arith.index_cast %add3A_260 : i32 to index
        %get3A_280 = arith.constant 32 : index
        %get3A_281 = tpu.vector_load %arg9[%get3A_279, %get3A_280] {strides = array<i32>} : memref<128x128xf32, #tpu.memory_space<vmem>>, vector<16xf32>,
        %get3A_282 = arith.index_cast %add3A_260 : i32 to index
        %get3A_283 = arith.constant 32 : index
        %get3A_284 = tpu.vector_load %arg10[%get3A_282, %get3A_283] {strides = array<i32>} : memref<128x128xf32, #tpu.memory_space<vmem>>, vector<16xf32>,
        %mul3A_285 = arith.mulf %get3A_281, %get3A_284 : vector<16xf32>
        %add3A_286 = arith.addf %add3A_278, %mul3A_285 : vector<16xf32>
        %get3A_287 = arith.index_cast %add3A_260 : i32 to index
        %get3A_288 = arith.constant 48 : index
        %get3A_289 = tpu.vector_load %arg9[%get3A_287, %get3A_288] {strides = array<i32>} : memref<128x128xf32, #tpu.memory_space<vmem>>, vector<16xf32>,
        %get3A_290 = arith.index_cast %add3A_260 : i32 to index
        %get3A_291 = arith.constant 48 : index
        %get3A_292 = tpu.vector_load %arg10[%get3A_290, %get3A_291] {strides = array<i32>} : memref<128x128xf32, #tpu.memory_space<vmem>>, vector<16xf32>,
        %mul3A_293 = arith.mulf %get3A_289, %get3A_292 : vector<16xf32>
        %add3A_294 = arith.addf %add3A_286, %mul3A_293 : vector<16xf32>
        %get3A_295 = arith.index_cast %add3A_260 : i32 to index
        %get3A_296 = arith.constant 64 : index
        %get3A_297 = tpu.vector_load %arg9[%get3A_295, %get3A_296] {strides = array<i32>} : memref<128x128xf32, #tpu.memory_space<vmem>>, vector<16xf32>,
        %get3A_298 = arith.index_cast %add3A_260 : i32 to index
        %get3A_299 = arith.constant 64 : index
        %get3A_300 = tpu.vector_load %arg10[%get3A_298, %get3A_299] {strides = array<i32>} : memref<128x128xf32, #tpu.memory_space<vmem>>, vector<16xf32>,
        %mul3A_301 = arith.mulf %get3A_297, %get3A_300 : vector<16xf32>
        %add3A_302 = arith.addf %add3A_294, %mul3A_301 : vector<16xf32>
        %get3A_303 = arith.index_cast %add3A_260 : i32 to index
        %get3A_304 = arith.constant 80 : index
        %get3A_305 = tpu.vector_load %arg9[%get3A_303, %get3A_304] {strides = array<i32>} : memref<128x128xf32, #tpu.memory_space<vmem>>, vector<16xf32>,
        %get3A_306 = arith.index_cast %add3A_260 : i32 to index
        %get3A_307 = arith.constant 80 : index
        %get3A_308 = tpu.vector_load %arg10[%get3A_306, %get3A_307] {strides = array<i32>} : memref<128x128xf32, #tpu.memory_space<vmem>>, vector<16xf32>,
        %mul3A_309 = arith.mulf %get3A_305, %get3A_308 : vector<16xf32>
        %add3A_310 = arith.addf %add3A_302, %mul3A_309 : vector<16xf32>
        %get3A_311 = arith.index_cast %add3A_260 : i32 to index
        %get3A_312 = arith.constant 96 : index
        %get3A_313 = tpu.vector_load %arg9[%get3A_311, %get3A_312] {strides = array<i32>} : memref<128x128xf32, #tpu.memory_space<vmem>>, vector<16xf32>,
        %get3A_314 = arith.index_cast %add3A_260 : i32 to index
        %get3A_315 = arith.constant 96 : index
        %get3A_316 = tpu.vector_load %arg10[%get3A_314, %get3A_315] {strides = array<i32>} : memref<128x128xf32, #tpu.memory_space<vmem>>, vector<16xf32>,
        %mul3A_317 = arith.mulf %get3A_313, %get3A_316 : vector<16xf32>
        %add3A_318 = arith.addf %add3A_310, %mul3A_317 : vector<16xf32>
        %get3A_319 = arith.index_cast %add3A_260 : i32 to index
        %get3A_320 = arith.constant 112 : index
        %get3A_321 = tpu.vector_load %arg9[%get3A_319, %get3A_320] {strides = array<i32>} : memref<128x128xf32, #tpu.memory_space<vmem>>, vector<16xf32>,
        %get3A_322 = arith.index_cast %add3A_260 : i32 to index
        %get3A_323 = arith.constant 112 : index
        %get3A_324 = tpu.vector_load %arg10[%get3A_322, %get3A_323] {strides = array<i32>} : memref<128x128xf32, #tpu.memory_space<vmem>>, vector<16xf32>,
        %mul3A_325 = arith.mulf %get3A_321, %get3A_324 : vector<16xf32>
        %add3A_326 = arith.addf %add3A_318, %mul3A_325 : vector<16xf32>
        %mul3A_327 = arith.constant 256 : i32
        %mul3A_328 = arith.muli %scan3A_31, %mul3A_327 : i32
        %add3A_329 = arith.constant 48 : i32
        %add3A_330 = arith.addi %mul3A_328, %add3A_329 : i32
        %swap3A_331 = arith.index_cast %add3A_330 : i32 to index
        %swap3A_332 = tpu.vector_load %arg11[%swap3A_331] {strides = array<i32>} : memref<2048xf32, #tpu.memory_space<vmem>>, vector<16xf32>,
        tpu.vector_store %arg11[%swap3A_331], %add3A_326 {strides = array<i32>} : memref<2048xf32, #tpu.memory_space<vmem>>, vector<16xf32>,
        %mul3A_333 = arith.constant 16 : i32
        %mul3A_334 = arith.muli %scan3A_31, %mul3A_333 : i32
        %add3A_335 = arith.constant 4 : i32
        %add3A_336 = arith.addi %mul3A_334, %add3A_335 : i32
        %broadcast_in_dim3A_337 = arith.constant 0.000000e+00 : f32
        %broadcast_in_dim3A_338 = vector.broadcast %broadcast_in_dim3A_337 : f32 to vector<16xf32>
        %get3A_339 = arith.index_cast %add3A_336 : i32 to index
        %get3A_340 = arith.constant 0 : index
        %get3A_341 = tpu.vector_load %arg9[%get3A_339, %get3A_340] {strides = array<i32>} : memref<128x128xf32, #tpu.memory_space<vmem>>, vector<16xf32>,
        %get3A_342 = arith.index_cast %add3A_336 : i32 to index
        %get3A_343 = arith.constant 0 : index
        %get3A_344 = tpu.vector_load %arg10[%get3A_342, %get3A_343] {strides = array<i32>} : memref<128x128xf32, #tpu.memory_space<vmem>>, vector<16xf32>,
        %mul3A_345 = arith.mulf %get3A_341, %get3A_344 : vector<16xf32>
        %add3A_346 = arith.addf %broadcast_in_dim3A_338, %mul3A_345 : vector<16xf32>
        %get3A_347 = arith.index_cast %add3A_336 : i32 to index
        %get3A_348 = arith.constant 16 : index
        %get3A_349 = tpu.vector_load %arg9[%get3A_347, %get3A_348] {strides = array<i32>} : memref<128x128xf32, #tpu.memory_space<vmem>>, vector<16xf32>,
        %get3A_350 = arith.index_cast %add3A_336 : i32 to index
        %get3A_351 = arith.constant 16 : index
        %get3A_352 = tpu.vector_load %arg10[%get3A_350, %get3A_351] {strides = array<i32>} : memref<128x128xf32, #tpu.memory_space<vmem>>, vector<16xf32>,
        %mul3A_353 = arith.mulf %get3A_349, %get3A_352 : vector<16xf32>
        %add3A_354 = arith.addf %add3A_346, %mul3A_353 : vector<16xf32>
        %get3A_355 = arith.index_cast %add3A_336 : i32 to index
        %get3A_356 = arith.constant 32 : index
        %get3A_357 = tpu.vector_load %arg9[%get3A_355, %get3A_356] {strides = array<i32>} : memref<128x128xf32, #tpu.memory_space<vmem>>, vector<16xf32>,
        %get3A_358 = arith.index_cast %add3A_336 : i32 to index
        %get3A_359 = arith.constant 32 : index
        %get3A_360 = tpu.vector_load %arg10[%get3A_358, %get3A_359] {strides = array<i32>} : memref<128x128xf32, #tpu.memory_space<vmem>>, vector<16xf32>,
        %mul3A_361 = arith.mulf %get3A_357, %get3A_360 : vector<16xf32>
        %add3A_362 = arith.addf %add3A_354, %mul3A_361 : vector<16xf32>
        %get3A_363 = arith.index_cast %add3A_336 : i32 to index
        %get3A_364 = arith.constant 48 : index
        %get3A_365 = tpu.vector_load %arg9[%get3A_363, %get3A_364] {strides = array<i32>} : memref<128x128xf32, #tpu.memory_space<vmem>>, vector<16xf32>,
        %get3A_366 = arith.index_cast %add3A_336 : i32 to index
        %get3A_367 = arith.constant 48 : index
        %get3A_368 = tpu.vector_load %arg10[%get3A_366, %get3A_367] {strides = array<i32>} : memref<128x128xf32, #tpu.memory_space<vmem>>, vector<16xf32>,
        %mul3A_369 = arith.mulf %get3A_365, %get3A_368 : vector<16xf32>
        %add3A_370 = arith.addf %add3A_362, %mul3A_369 : vector<16xf32>
        %get3A_371 = arith.index_cast %add3A_336 : i32 to index
        %get3A_372 = arith.constant 64 : index
        %get3A_373 = tpu.vector_load %arg9[%get3A_371, %get3A_372] {strides = array<i32>} : memref<128x128xf32, #tpu.memory_space<vmem>>, vector<16xf32>,
        %get3A_374 = arith.index_cast %add3A_336 : i32 to index
        %get3A_375 = arith.constant 64 : index
        %get3A_376 = tpu.vector_load %arg10[%get3A_374, %get3A_375] {strides = array<i32>} : memref<128x128xf32, #tpu.memory_space<vmem>>, vector<16xf32>,
        %mul3A_377 = arith.mulf %get3A_373, %get3A_376 : vector<16xf32>
        %add3A_378 = arith.addf %add3A_370, %mul3A_377 : vector<16xf32>
        %get3A_379 = arith.index_cast %add3A_336 : i32 to index
        %get3A_380 = arith.constant 80 : index
        %get3A_381 = tpu.vector_load %arg9[%get3A_379, %get3A_380] {strides = array<i32>} : memref<128x128xf32, #tpu.memory_space<vmem>>, vector<16xf32>,
        %get3A_382 = arith.index_cast %add3A_336 : i32 to index
        %get3A_383 = arith.constant 80 : index
        %get3A_384 = tpu.vector_load %arg10[%get3A_382, %get3A_383] {strides = array<i32>} : memref<128x128xf32, #tpu.memory_space<vmem>>, vector<16xf32>,
        %mul3A_385 = arith.mulf %get3A_381, %get3A_384 : vector<16xf32>
        %add3A_386 = arith.addf %add3A_378, %mul3A_385 : vector<16xf32>
        %get3A_387 = arith.index_cast %add3A_336 : i32 to index
        %get3A_388 = arith.constant 96 : index
        %get3A_389 = tpu.vector_load %arg9[%get3A_387, %get3A_388] {strides = array<i32>} : memref<128x128xf32, #tpu.memory_space<vmem>>, vector<16xf32>,
        %get3A_390 = arith.index_cast %add3A_336 : i32 to index
        %get3A_391 = arith.constant 96 : index
        %get3A_392 = tpu.vector_load %arg10[%get3A_390, %get3A_391] {strides = array<i32>} : memref<128x128xf32, #tpu.memory_space<vmem>>, vector<16xf32>,
        %mul3A_393 = arith.mulf %get3A_389, %get3A_392 : vector<16xf32>
        %add3A_394 = arith.addf %add3A_386, %mul3A_393 : vector<16xf32>
        %get3A_395 = arith.index_cast %add3A_336 : i32 to index
        %get3A_396 = arith.constant 112 : index
        %get3A_397 = tpu.vector_load %arg9[%get3A_395, %get3A_396] {strides = array<i32>} : memref<128x128xf32, #tpu.memory_space<vmem>>, vector<16xf32>,
        %get3A_398 = arith.index_cast %add3A_336 : i32 to index
        %get3A_399 = arith.constant 112 : index
        %get3A_400 = tpu.vector_load %arg10[%get3A_398, %get3A_399] {strides = array<i32>} : memref<128x128xf32, #tpu.memory_space<vmem>>, vector<16xf32>,
        %mul3A_401 = arith.mulf %get3A_397, %get3A_400 : vector<16xf32>
        %add3A_402 = arith.addf %add3A_394, %mul3A_401 : vector<16xf32>
        %mul3A_403 = arith.constant 256 : i32
        %mul3A_404 = arith.muli %scan3A_31, %mul3A_403 : i32
        %add3A_405 = arith.constant 64 : i32
        %add3A_406 = arith.addi %mul3A_404, %add3A_405 : i32
        %swap3A_407 = arith.index_cast %add3A_406 : i32 to index
        %swap3A_408 = tpu.vector_load %arg11[%swap3A_407] {strides = array<i32>} : memref<2048xf32, #tpu.memory_space<vmem>>, vector<16xf32>,
        tpu.vector_store %arg11[%swap3A_407], %add3A_402 {strides = array<i32>} : memref<2048xf32, #tpu.memory_space<vmem>>, vector<16xf32>,
        %mul3A_409 = arith.constant 16 : i32
        %mul3A_410 = arith.muli %scan3A_31, %mul3A_409 : i32
        %add3A_411 = arith.constant 5 : i32
        %add3A_412 = arith.addi %mul3A_410, %add3A_411 : i32
        %broadcast_in_dim3A_413 = arith.constant 0.000000e+00 : f32
        %broadcast_in_dim3A_414 = vector.broadcast %broadcast_in_dim3A_413 : f32 to vector<16xf32>
        %get3A_415 = arith.index_cast %add3A_412 : i32 to index
        %get3A_416 = arith.constant 0 : index
        %get3A_417 = tpu.vector_load %arg9[%get3A_415, %get3A_416] {strides = array<i32>} : memref<128x128xf32, #tpu.memory_space<vmem>>, vector<16xf32>,
        %get3A_418 = arith.index_cast %add3A_412 : i32 to index
        %get3A_419 = arith.constant 0 : index
        %get3A_420 = tpu.vector_load %arg10[%get3A_418, %get3A_419] {strides = array<i32>} : memref<128x128xf32, #tpu.memory_space<vmem>>, vector<16xf32>,
        %mul3A_421 = arith.mulf %get3A_417, %get3A_420 : vector<16xf32>
        %add3A_422 = arith.addf %broadcast_in_dim3A_414, %mul3A_421 : vector<16xf32>
        %get3A_423 = arith.index_cast %add3A_412 : i32 to index
        %get3A_424 = arith.constant 16 : index
        %get3A_425 = tpu.vector_load %arg9[%get3A_423, %get3A_424] {strides = array<i32>} : memref<128x128xf32, #tpu.memory_space<vmem>>, vector<16xf32>,
        %get3A_426 = arith.index_cast %add3A_412 : i32 to index
        %get3A_427 = arith.constant 16 : index
        %get3A_428 = tpu.vector_load %arg10[%get3A_426, %get3A_427] {strides = array<i32>} : memref<128x128xf32, #tpu.memory_space<vmem>>, vector<16xf32>,
        %mul3A_429 = arith.mulf %get3A_425, %get3A_428 : vector<16xf32>
        %add3A_430 = arith.addf %add3A_422, %mul3A_429 : vector<16xf32>
        %get3A_431 = arith.index_cast %add3A_412 : i32 to index
        %get3A_432 = arith.constant 32 : index
        %get3A_433 = tpu.vector_load %arg9[%get3A_431, %get3A_432] {strides = array<i32>} : memref<128x128xf32, #tpu.memory_space<vmem>>, vector<16xf32>,
        %get3A_434 = arith.index_cast %add3A_412 : i32 to index
        %get3A_435 = arith.constant 32 : index
        %get3A_436 = tpu.vector_load %arg10[%get3A_434, %get3A_435] {strides = array<i32>} : memref<128x128xf32, #tpu.memory_space<vmem>>, vector<16xf32>,
        %mul3A_437 = arith.mulf %get3A_433, %get3A_436 : vector<16xf32>
        %add3A_438 = arith.addf %add3A_430, %mul3A_437 : vector<16xf32>
        %get3A_439 = arith.index_cast %add3A_412 : i32 to index
        %get3A_440 = arith.constant 48 : index
        %get3A_441 = tpu.vector_load %arg9[%get3A_439, %get3A_440] {strides = array<i32>} : memref<128x128xf32, #tpu.memory_space<vmem>>, vector<16xf32>,
        %get3A_442 = arith.index_cast %add3A_412 : i32 to index
        %get3A_443 = arith.constant 48 : index
        %get3A_444 = tpu.vector_load %arg10[%get3A_442, %get3A_443] {strides = array<i32>} : memref<128x128xf32, #tpu.memory_space<vmem>>, vector<16xf32>,
        %mul3A_445 = arith.mulf %get3A_441, %get3A_444 : vector<16xf32>
        %add3A_446 = arith.addf %add3A_438, %mul3A_445 : vector<16xf32>
        %get3A_447 = arith.index_cast %add3A_412 : i32 to index
        %get3A_448 = arith.constant 64 : index
        %get3A_449 = tpu.vector_load %arg9[%get3A_447, %get3A_448] {strides = array<i32>} : memref<128x128xf32, #tpu.memory_space<vmem>>, vector<16xf32>,
        %get3A_450 = arith.index_cast %add3A_412 : i32 to index
        %get3A_451 = arith.constant 64 : index
        %get3A_452 = tpu.vector_load %arg10[%get3A_450, %get3A_451] {strides = array<i32>} : memref<128x128xf32, #tpu.memory_space<vmem>>, vector<16xf32>,
        %mul3A_453 = arith.mulf %get3A_449, %get3A_452 : vector<16xf32>
        %add3A_454 = arith.addf %add3A_446, %mul3A_453 : vector<16xf32>
        %get3A_455 = arith.index_cast %add3A_412 : i32 to index
        %get3A_456 = arith.constant 80 : index
        %get3A_457 = tpu.vector_load %arg9[%get3A_455, %get3A_456] {strides = array<i32>} : memref<128x128xf32, #tpu.memory_space<vmem>>, vector<16xf32>,
        %get3A_458 = arith.index_cast %add3A_412 : i32 to index
        %get3A_459 = arith.constant 80 : index
        %get3A_460 = tpu.vector_load %arg10[%get3A_458, %get3A_459] {strides = array<i32>} : memref<128x128xf32, #tpu.memory_space<vmem>>, vector<16xf32>,
        %mul3A_461 = arith.mulf %get3A_457, %get3A_460 : vector<16xf32>
        %add3A_462 = arith.addf %add3A_454, %mul3A_461 : vector<16xf32>
        %get3A_463 = arith.index_cast %add3A_412 : i32 to index
        %get3A_464 = arith.constant 96 : index
        %get3A_465 = tpu.vector_load %arg9[%get3A_463, %get3A_464] {strides = array<i32>} : memref<128x128xf32, #tpu.memory_space<vmem>>, vector<16xf32>,
        %get3A_466 = arith.index_cast %add3A_412 : i32 to index
        %get3A_467 = arith.constant 96 : index
        %get3A_468 = tpu.vector_load %arg10[%get3A_466, %get3A_467] {strides = array<i32>} : memref<128x128xf32, #tpu.memory_space<vmem>>, vector<16xf32>,
        %mul3A_469 = arith.mulf %get3A_465, %get3A_468 : vector<16xf32>
        %add3A_470 = arith.addf %add3A_462, %mul3A_469 : vector<16xf32>
        %get3A_471 = arith.index_cast %add3A_412 : i32 to index
        %get3A_472 = arith.constant 112 : index
        %get3A_473 = tpu.vector_load %arg9[%get3A_471, %get3A_472] {strides = array<i32>} : memref<128x128xf32, #tpu.memory_space<vmem>>, vector<16xf32>,
        %get3A_474 = arith.index_cast %add3A_412 : i32 to index
        %get3A_475 = arith.constant 112 : index
        %get3A_476 = tpu.vector_load %arg10[%get3A_474, %get3A_475] {strides = array<i32>} : memref<128x128xf32, #tpu.memory_space<vmem>>, vector<16xf32>,
        %mul3A_477 = arith.mulf %get3A_473, %get3A_476 : vector<16xf32>
        %add3A_478 = arith.addf %add3A_470, %mul3A_477 : vector<16xf32>
        %mul3A_479 = arith.constant 256 : i32
        %mul3A_480 = arith.muli %scan3A_31, %mul3A_479 : i32
        %add3A_481 = arith.constant 80 : i32
        %add3A_482 = arith.addi %mul3A_480, %add3A_481 : i32
        %swap3A_483 = arith.index_cast %add3A_482 : i32 to index
        %swap3A_484 = tpu.vector_load %arg11[%swap3A_483] {strides = array<i32>} : memref<2048xf32, #tpu.memory_space<vmem>>, vector<16xf32>,
        tpu.vector_store %arg11[%swap3A_483], %add3A_478 {strides = array<i32>} : memref<2048xf32, #tpu.memory_space<vmem>>, vector<16xf32>,
        %mul3A_485 = arith.constant 16 : i32
        %mul3A_486 = arith.muli %scan3A_31, %mul3A_485 : i32
        %add3A_487 = arith.constant 6 : i32
        %add3A_488 = arith.addi %mul3A_486, %add3A_487 : i32
        %broadcast_in_dim3A_489 = arith.constant 0.000000e+00 : f32
        %broadcast_in_dim3A_490 = vector.broadcast %broadcast_in_dim3A_489 : f32 to vector<16xf32>
        %get3A_491 = arith.index_cast %add3A_488 : i32 to index
        %get3A_492 = arith.constant 0 : index
        %get3A_493 = tpu.vector_load %arg9[%get3A_491, %get3A_492] {strides = array<i32>} : memref<128x128xf32, #tpu.memory_space<vmem>>, vector<16xf32>,
        %get3A_494 = arith.index_cast %add3A_488 : i32 to index
        %get3A_495 = arith.constant 0 : index
        %get3A_496 = tpu.vector_load %arg10[%get3A_494, %get3A_495] {strides = array<i32>} : memref<128x128xf32, #tpu.memory_space<vmem>>, vector<16xf32>,
        %mul3A_497 = arith.mulf %get3A_493, %get3A_496 : vector<16xf32>
        %add3A_498 = arith.addf %broadcast_in_dim3A_490, %mul3A_497 : vector<16xf32>
        %get3A_499 = arith.index_cast %add3A_488 : i32 to index
        %get3A_500 = arith.constant 16 : index
        %get3A_501 = tpu.vector_load %arg9[%get3A_499, %get3A_500] {strides = array<i32>} : memref<128x128xf32, #tpu.memory_space<vmem>>, vector<16xf32>,
        %get3A_502 = arith.index_cast %add3A_488 : i32 to index
        %get3A_503 = arith.constant 16 : index
        %get3A_504 = tpu.vector_load %arg10[%get3A_502, %get3A_503] {strides = array<i32>} : memref<128x128xf32, #tpu.memory_space<vmem>>, vector<16xf32>,
        %mul3A_505 = arith.mulf %get3A_501, %get3A_504 : vector<16xf32>
        %add3A_506 = arith.addf %add3A_498, %mul3A_505 : vector<16xf32>
        %get3A_507 = arith.index_cast %add3A_488 : i32 to index
        %get3A_508 = arith.constant 32 : index
        %get3A_509 = tpu.vector_load %arg9[%get3A_507, %get3A_508] {strides = array<i32>} : memref<128x128xf32, #tpu.memory_space<vmem>>, vector<16xf32>,
        %get3A_510 = arith.index_cast %add3A_488 : i32 to index
        %get3A_511 = arith.constant 32 : index
        %get3A_512 = tpu.vector_load %arg10[%get3A_510, %get3A_511] {strides = array<i32>} : memref<128x128xf32, #tpu.memory_space<vmem>>, vector<16xf32>,
        %mul3A_513 = arith.mulf %get3A_509, %get3A_512 : vector<16xf32>
        %add3A_514 = arith.addf %add3A_506, %mul3A_513 : vector<16xf32>
        %get3A_515 = arith.index_cast %add3A_488 : i32 to index
        %get3A_516 = arith.constant 48 : index
        %get3A_517 = tpu.vector_load %arg9[%get3A_515, %get3A_516] {strides = array<i32>} : memref<128x128xf32, #tpu.memory_space<vmem>>, vector<16xf32>,
        %get3A_518 = arith.index_cast %add3A_488 : i32 to index
        %get3A_519 = arith.constant 48 : index
        %get3A_520 = tpu.vector_load %arg10[%get3A_518, %get3A_519] {strides = array<i32>} : memref<128x128xf32, #tpu.memory_space<vmem>>, vector<16xf32>,
        %mul3A_521 = arith.mulf %get3A_517, %get3A_520 : vector<16xf32>
        %add3A_522 = arith.addf %add3A_514, %mul3A_521 : vector<16xf32>
        %get3A_523 = arith.index_cast %add3A_488 : i32 to index
        %get3A_524 = arith.constant 64 : index
        %get3A_525 = tpu.vector_load %arg9[%get3A_523, %get3A_524] {strides = array<i32>} : memref<128x128xf32, #tpu.memory_space<vmem>>, vector<16xf32>,
        %get3A_526 = arith.index_cast %add3A_488 : i32 to index
        %get3A_527 = arith.constant 64 : index
        %get3A_528 = tpu.vector_load %arg10[%get3A_526, %get3A_527] {strides = array<i32>} : memref<128x128xf32, #tpu.memory_space<vmem>>, vector<16xf32>,
        %mul3A_529 = arith.mulf %get3A_525, %get3A_528 : vector<16xf32>
        %add3A_530 = arith.addf %add3A_522, %mul3A_529 : vector<16xf32>
        %get3A_531 = arith.index_cast %add3A_488 : i32 to index
        %get3A_532 = arith.constant 80 : index
        %get3A_533 = tpu.vector_load %arg9[%get3A_531, %get3A_532] {strides = array<i32>} : memref<128x128xf32, #tpu.memory_space<vmem>>, vector<16xf32>,
        %get3A_534 = arith.index_cast %add3A_488 : i32 to index
        %get3A_535 = arith.constant 80 : index
        %get3A_536 = tpu.vector_load %arg10[%get3A_534, %get3A_535] {strides = array<i32>} : memref<128x128xf32, #tpu.memory_space<vmem>>, vector<16xf32>,
        %mul3A_537 = arith.mulf %get3A_533, %get3A_536 : vector<16xf32>
        %add3A_538 = arith.addf %add3A_530, %mul3A_537 : vector<16xf32>
        %get3A_539 = arith.index_cast %add3A_488 : i32 to index
        %get3A_540 = arith.constant 96 : index
        %get3A_541 = tpu.vector_load %arg9[%get3A_539, %get3A_540] {strides = array<i32>} : memref<128x128xf32, #tpu.memory_space<vmem>>, vector<16xf32>,
        %get3A_542 = arith.index_cast %add3A_488 : i32 to index
        %get3A_543 = arith.constant 96 : index
        %get3A_544 = tpu.vector_load %arg10[%get3A_542, %get3A_543] {strides = array<i32>} : memref<128x128xf32, #tpu.memory_space<vmem>>, vector<16xf32>,
        %mul3A_545 = arith.mulf %get3A_541, %get3A_544 : vector<16xf32>
        %add3A_546 = arith.addf %add3A_538, %mul3A_545 : vector<16xf32>
        %get3A_547 = arith.index_cast %add3A_488 : i32 to index
        %get3A_548 = arith.constant 112 : index
        %get3A_549 = tpu.vector_load %arg9[%get3A_547, %get3A_548] {strides = array<i32>} : memref<128x128xf32, #tpu.memory_space<vmem>>, vector<16xf32>,
        %get3A_550 = arith.index_cast %add3A_488 : i32 to index
        %get3A_551 = arith.constant 112 : index
        %get3A_552 = tpu.vector_load %arg10[%get3A_550, %get3A_551] {strides = array<i32>} : memref<128x128xf32, #tpu.memory_space<vmem>>, vector<16xf32>,
        %mul3A_553 = arith.mulf %get3A_549, %get3A_552 : vector<16xf32>
        %add3A_554 = arith.addf %add3A_546, %mul3A_553 : vector<16xf32>
        %mul3A_555 = arith.constant 256 : i32
        %mul3A_556 = arith.muli %scan3A_31, %mul3A_555 : i32
        %add3A_557 = arith.constant 96 : i32
        %add3A_558 = arith.addi %mul3A_556, %add3A_557 : i32
        %swap3A_559 = arith.index_cast %add3A_558 : i32 to index
        %swap3A_560 = tpu.vector_load %arg11[%swap3A_559] {strides = array<i32>} : memref<2048xf32, #tpu.memory_space<vmem>>, vector<16xf32>,
        tpu.vector_store %arg11[%swap3A_559], %add3A_554 {strides = array<i32>} : memref<2048xf32, #tpu.memory_space<vmem>>, vector<16xf32>,
        %mul3A_561 = arith.constant 16 : i32
        %mul3A_562 = arith.muli %scan3A_31, %mul3A_561 : i32
        %add3A_563 = arith.constant 7 : i32
        %add3A_564 = arith.addi %mul3A_562, %add3A_563 : i32
        %broadcast_in_dim3A_565 = arith.constant 0.000000e+00 : f32
        %broadcast_in_dim3A_566 = vector.broadcast %broadcast_in_dim3A_565 : f32 to vector<16xf32>
        %get3A_567 = arith.index_cast %add3A_564 : i32 to index
        %get3A_568 = arith.constant 0 : index
        %get3A_569 = tpu.vector_load %arg9[%get3A_567, %get3A_568] {strides = array<i32>} : memref<128x128xf32, #tpu.memory_space<vmem>>, vector<16xf32>,
        %get3A_570 = arith.index_cast %add3A_564 : i32 to index
        %get3A_571 = arith.constant 0 : index
        %get3A_572 = tpu.vector_load %arg10[%get3A_570, %get3A_571] {strides = array<i32>} : memref<128x128xf32, #tpu.memory_space<vmem>>, vector<16xf32>,
        %mul3A_573 = arith.mulf %get3A_569, %get3A_572 : vector<16xf32>
        %add3A_574 = arith.addf %broadcast_in_dim3A_566, %mul3A_573 : vector<16xf32>
        %get3A_575 = arith.index_cast %add3A_564 : i32 to index
        %get3A_576 = arith.constant 16 : index
        %get3A_577 = tpu.vector_load %arg9[%get3A_575, %get3A_576] {strides = array<i32>} : memref<128x128xf32, #tpu.memory_space<vmem>>, vector<16xf32>,
        %get3A_578 = arith.index_cast %add3A_564 : i32 to index
        %get3A_579 = arith.constant 16 : index
        %get3A_580 = tpu.vector_load %arg10[%get3A_578, %get3A_579] {strides = array<i32>} : memref<128x128xf32, #tpu.memory_space<vmem>>, vector<16xf32>,
        %mul3A_581 = arith.mulf %get3A_577, %get3A_580 : vector<16xf32>
        %add3A_582 = arith.addf %add3A_574, %mul3A_581 : vector<16xf32>
        %get3A_583 = arith.index_cast %add3A_564 : i32 to index
        %get3A_584 = arith.constant 32 : index
        %get3A_585 = tpu.vector_load %arg9[%get3A_583, %get3A_584] {strides = array<i32>} : memref<128x128xf32, #tpu.memory_space<vmem>>, vector<16xf32>,
        %get3A_586 = arith.index_cast %add3A_564 : i32 to index
        %get3A_587 = arith.constant 32 : index
        %get3A_588 = tpu.vector_load %arg10[%get3A_586, %get3A_587] {strides = array<i32>} : memref<128x128xf32, #tpu.memory_space<vmem>>, vector<16xf32>,
        %mul3A_589 = arith.mulf %get3A_585, %get3A_588 : vector<16xf32>
        %add3A_590 = arith.addf %add3A_582, %mul3A_589 : vector<16xf32>
        %get3A_591 = arith.index_cast %add3A_564 : i32 to index
        %get3A_592 = arith.constant 48 : index
        %get3A_593 = tpu.vector_load %arg9[%get3A_591, %get3A_592] {strides = array<i32>} : memref<128x128xf32, #tpu.memory_space<vmem>>, vector<16xf32>,
        %get3A_594 = arith.index_cast %add3A_564 : i32 to index
        %get3A_595 = arith.constant 48 : index
        %get3A_596 = tpu.vector_load %arg10[%get3A_594, %get3A_595] {strides = array<i32>} : memref<128x128xf32, #tpu.memory_space<vmem>>, vector<16xf32>,
        %mul3A_597 = arith.mulf %get3A_593, %get3A_596 : vector<16xf32>
        %add3A_598 = arith.addf %add3A_590, %mul3A_597 : vector<16xf32>
        %get3A_599 = arith.index_cast %add3A_564 : i32 to index
        %get3A_600 = arith.constant 64 : index
        %get3A_601 = tpu.vector_load %arg9[%get3A_599, %get3A_600] {strides = array<i32>} : memref<128x128xf32, #tpu.memory_space<vmem>>, vector<16xf32>,
        %get3A_602 = arith.index_cast %add3A_564 : i32 to index
        %get3A_603 = arith.constant 64 : index
        %get3A_604 = tpu.vector_load %arg10[%get3A_602, %get3A_603] {strides = array<i32>} : memref<128x128xf32, #tpu.memory_space<vmem>>, vector<16xf32>,
        %mul3A_605 = arith.mulf %get3A_601, %get3A_604 : vector<16xf32>
        %add3A_606 = arith.addf %add3A_598, %mul3A_605 : vector<16xf32>
        %get3A_607 = arith.index_cast %add3A_564 : i32 to index
        %get3A_608 = arith.constant 80 : index
        %get3A_609 = tpu.vector_load %arg9[%get3A_607, %get3A_608] {strides = array<i32>} : memref<128x128xf32, #tpu.memory_space<vmem>>, vector<16xf32>,
        %get3A_610 = arith.index_cast %add3A_564 : i32 to index
        %get3A_611 = arith.constant 80 : index
        %get3A_612 = tpu.vector_load %arg10[%get3A_610, %get3A_611] {strides = array<i32>} : memref<128x128xf32, #tpu.memory_space<vmem>>, vector<16xf32>,
        %mul3A_613 = arith.mulf %get3A_609, %get3A_612 : vector<16xf32>
        %add3A_614 = arith.addf %add3A_606, %mul3A_613 : vector<16xf32>
        %get3A_615 = arith.index_cast %add3A_564 : i32 to index
        %get3A_616 = arith.constant 96 : index
        %get3A_617 = tpu.vector_load %arg9[%get3A_615, %get3A_616] {strides = array<i32>} : memref<128x128xf32, #tpu.memory_space<vmem>>, vector<16xf32>,
        %get3A_618 = arith.index_cast %add3A_564 : i32 to index
        %get3A_619 = arith.constant 96 : index
        %get3A_620 = tpu.vector_load %arg10[%get3A_618, %get3A_619] {strides = array<i32>} : memref<128x128xf32, #tpu.memory_space<vmem>>, vector<16xf32>,
        %mul3A_621 = arith.mulf %get3A_617, %get3A_620 : vector<16xf32>
        %add3A_622 = arith.addf %add3A_614, %mul3A_621 : vector<16xf32>
        %get3A_623 = arith.index_cast %add3A_564 : i32 to index
        %get3A_624 = arith.constant 112 : index
        %get3A_625 = tpu.vector_load %arg9[%get3A_623, %get3A_624] {strides = array<i32>} : memref<128x128xf32, #tpu.memory_space<vmem>>, vector<16xf32>,
        %get3A_626 = arith.index_cast %add3A_564 : i32 to index
        %get3A_627 = arith.constant 112 : index
        %get3A_628 = tpu.vector_load %arg10[%get3A_626, %get3A_627] {strides = array<i32>} : memref<128x128xf32, #tpu.memory_space<vmem>>, vector<16xf32>,
        %mul3A_629 = arith.mulf %get3A_625, %get3A_628 : vector<16xf32>
        %add3A_630 = arith.addf %add3A_622, %mul3A_629 : vector<16xf32>
        %mul3A_631 = arith.constant 256 : i32
        %mul3A_632 = arith.muli %scan3A_31, %mul3A_631 : i32
        %add3A_633 = arith.constant 112 : i32
        %add3A_634 = arith.addi %mul3A_632, %add3A_633 : i32
        %swap3A_635 = arith.index_cast %add3A_634 : i32 to index
        %swap3A_636 = tpu.vector_load %arg11[%swap3A_635] {strides = array<i32>} : memref<2048xf32, #tpu.memory_space<vmem>>, vector<16xf32>,
        tpu.vector_store %arg11[%swap3A_635], %add3A_630 {strides = array<i32>} : memref<2048xf32, #tpu.memory_space<vmem>>, vector<16xf32>,
        %mul3A_637 = arith.constant 16 : i32
        %mul3A_638 = arith.muli %scan3A_31, %mul3A_637 : i32
        %add3A_639 = arith.constant 8 : i32
        %add3A_640 = arith.addi %mul3A_638, %add3A_639 : i32
        %broadcast_in_dim3A_641 = arith.constant 0.000000e+00 : f32
        %broadcast_in_dim3A_642 = vector.broadcast %broadcast_in_dim3A_641 : f32 to vector<16xf32>
        %get3A_643 = arith.index_cast %add3A_640 : i32 to index
        %get3A_644 = arith.constant 0 : index
        %get3A_645 = tpu.vector_load %arg9[%get3A_643, %get3A_644] {strides = array<i32>} : memref<128x128xf32, #tpu.memory_space<vmem>>, vector<16xf32>,
        %get3A_646 = arith.index_cast %add3A_640 : i32 to index
        %get3A_647 = arith.constant 0 : index
        %get3A_648 = tpu.vector_load %arg10[%get3A_646, %get3A_647] {strides = array<i32>} : memref<128x128xf32, #tpu.memory_space<vmem>>, vector<16xf32>,
        %mul3A_649 = arith.mulf %get3A_645, %get3A_648 : vector<16xf32>
        %add3A_650 = arith.addf %broadcast_in_dim3A_642, %mul3A_649 : vector<16xf32>
        %get3A_651 = arith.index_cast %add3A_640 : i32 to index
        %get3A_652 = arith.constant 16 : index
        %get3A_653 = tpu.vector_load %arg9[%get3A_651, %get3A_652] {strides = array<i32>} : memref<128x128xf32, #tpu.memory_space<vmem>>, vector<16xf32>,
        %get3A_654 = arith.index_cast %add3A_640 : i32 to index
        %get3A_655 = arith.constant 16 : index
        %get3A_656 = tpu.vector_load %arg10[%get3A_654, %get3A_655] {strides = array<i32>} : memref<128x128xf32, #tpu.memory_space<vmem>>, vector<16xf32>,
        %mul3A_657 = arith.mulf %get3A_653, %get3A_656 : vector<16xf32>
        %add3A_658 = arith.addf %add3A_650, %mul3A_657 : vector<16xf32>
        %get3A_659 = arith.index_cast %add3A_640 : i32 to index
        %get3A_660 = arith.constant 32 : index
        %get3A_661 = tpu.vector_load %arg9[%get3A_659, %get3A_660] {strides = array<i32>} : memref<128x128xf32, #tpu.memory_space<vmem>>, vector<16xf32>,
        %get3A_662 = arith.index_cast %add3A_640 : i32 to index
        %get3A_663 = arith.constant 32 : index
        %get3A_664 = tpu.vector_load %arg10[%get3A_662, %get3A_663] {strides = array<i32>} : memref<128x128xf32, #tpu.memory_space<vmem>>, vector<16xf32>,
        %mul3A_665 = arith.mulf %get3A_661, %get3A_664 : vector<16xf32>
        %add3A_666 = arith.addf %add3A_658, %mul3A_665 : vector<16xf32>
        %get3A_667 = arith.index_cast %add3A_640 : i32 to index
        %get3A_668 = arith.constant 48 : index
        %get3A_669 = tpu.vector_load %arg9[%get3A_667, %get3A_668] {strides = array<i32>} : memref<128x128xf32, #tpu.memory_space<vmem>>, vector<16xf32>,
        %get3A_670 = arith.index_cast %add3A_640 : i32 to index
        %get3A_671 = arith.constant 48 : index
        %get3A_672 = tpu.vector_load %arg10[%get3A_670, %get3A_671] {strides = array<i32>} : memref<128x128xf32, #tpu.memory_space<vmem>>, vector<16xf32>,
        %mul3A_673 = arith.mulf %get3A_669, %get3A_672 : vector<16xf32>
        %add3A_674 = arith.addf %add3A_666, %mul3A_673 : vector<16xf32>
        %get3A_675 = arith.index_cast %add3A_640 : i32 to index
        %get3A_676 = arith.constant 64 : index
        %get3A_677 = tpu.vector_load %arg9[%get3A_675, %get3A_676] {strides = array<i32>} : memref<128x128xf32, #tpu.memory_space<vmem>>, vector<16xf32>,
        %get3A_678 = arith.index_cast %add3A_640 : i32 to index
        %get3A_679 = arith.constant 64 : index
        %get3A_680 = tpu.vector_load %arg10[%get3A_678, %get3A_679] {strides = array<i32>} : memref<128x128xf32, #tpu.memory_space<vmem>>, vector<16xf32>,
        %mul3A_681 = arith.mulf %get3A_677, %get3A_680 : vector<16xf32>
        %add3A_682 = arith.addf %add3A_674, %mul3A_681 : vector<16xf32>
        %get3A_683 = arith.index_cast %add3A_640 : i32 to index
        %get3A_684 = arith.constant 80 : index
        %get3A_685 = tpu.vector_load %arg9[%get3A_683, %get3A_684] {strides = array<i32>} : memref<128x128xf32, #tpu.memory_space<vmem>>, vector<16xf32>,
        %get3A_686 = arith.index_cast %add3A_640 : i32 to index
        %get3A_687 = arith.constant 80 : index
        %get3A_688 = tpu.vector_load %arg10[%get3A_686, %get3A_687] {strides = array<i32>} : memref<128x128xf32, #tpu.memory_space<vmem>>, vector<16xf32>,
        %mul3A_689 = arith.mulf %get3A_685, %get3A_688 : vector<16xf32>
        %add3A_690 = arith.addf %add3A_682, %mul3A_689 : vector<16xf32>
        %get3A_691 = arith.index_cast %add3A_640 : i32 to index
        %get3A_692 = arith.constant 96 : index
        %get3A_693 = tpu.vector_load %arg9[%get3A_691, %get3A_692] {strides = array<i32>} : memref<128x128xf32, #tpu.memory_space<vmem>>, vector<16xf32>,
        %get3A_694 = arith.index_cast %add3A_640 : i32 to index
        %get3A_695 = arith.constant 96 : index
        %get3A_696 = tpu.vector_load %arg10[%get3A_694, %get3A_695] {strides = array<i32>} : memref<128x128xf32, #tpu.memory_space<vmem>>, vector<16xf32>,
        %mul3A_697 = arith.mulf %get3A_693, %get3A_696 : vector<16xf32>
        %add3A_698 = arith.addf %add3A_690, %mul3A_697 : vector<16xf32>
        %get3A_699 = arith.index_cast %add3A_640 : i32 to index
        %get3A_700 = arith.constant 112 : index
        %get3A_701 = tpu.vector_load %arg9[%get3A_699, %get3A_700] {strides = array<i32>} : memref<128x128xf32, #tpu.memory_space<vmem>>, vector<16xf32>,
        %get3A_702 = arith.index_cast %add3A_640 : i32 to index
        %get3A_703 = arith.constant 112 : index
        %get3A_704 = tpu.vector_load %arg10[%get3A_702, %get3A_703] {strides = array<i32>} : memref<128x128xf32, #tpu.memory_space<vmem>>, vector<16xf32>,
        %mul3A_705 = arith.mulf %get3A_701, %get3A_704 : vector<16xf32>
        %add3A_706 = arith.addf %add3A_698, %mul3A_705 : vector<16xf32>
        %mul3A_707 = arith.constant 256 : i32
        %mul3A_708 = arith.muli %scan3A_31, %mul3A_707 : i32
        %add3A_709 = arith.constant 128 : i32
        %add3A_710 = arith.addi %mul3A_708, %add3A_709 : i32
        %swap3A_711 = arith.index_cast %add3A_710 : i32 to index
        %swap3A_712 = tpu.vector_load %arg11[%swap3A_711] {strides = array<i32>} : memref<2048xf32, #tpu.memory_space<vmem>>, vector<16xf32>,
        tpu.vector_store %arg11[%swap3A_711], %add3A_706 {strides = array<i32>} : memref<2048xf32, #tpu.memory_space<vmem>>, vector<16xf32>,
        %mul3A_713 = arith.constant 16 : i32
        %mul3A_714 = arith.muli %scan3A_31, %mul3A_713 : i32
        %add3A_715 = arith.constant 9 : i32
        %add3A_716 = arith.addi %mul3A_714, %add3A_715 : i32
        %broadcast_in_dim3A_717 = arith.constant 0.000000e+00 : f32
        %broadcast_in_dim3A_718 = vector.broadcast %broadcast_in_dim3A_717 : f32 to vector<16xf32>
        %get3A_719 = arith.index_cast %add3A_716 : i32 to index
        %get3A_720 = arith.constant 0 : index
        %get3A_721 = tpu.vector_load %arg9[%get3A_719, %get3A_720] {strides = array<i32>} : memref<128x128xf32, #tpu.memory_space<vmem>>, vector<16xf32>,
        %get3A_722 = arith.index_cast %add3A_716 : i32 to index
        %get3A_723 = arith.constant 0 : index
        %get3A_724 = tpu.vector_load %arg10[%get3A_722, %get3A_723] {strides = array<i32>} : memref<128x128xf32, #tpu.memory_space<vmem>>, vector<16xf32>,
        %mul3A_725 = arith.mulf %get3A_721, %get3A_724 : vector<16xf32>
        %add3A_726 = arith.addf %broadcast_in_dim3A_718, %mul3A_725 : vector<16xf32>
        %get3A_727 = arith.index_cast %add3A_716 : i32 to index
        %get3A_728 = arith.constant 16 : index
        %get3A_729 = tpu.vector_load %arg9[%get3A_727, %get3A_728] {strides = array<i32>} : memref<128x128xf32, #tpu.memory_space<vmem>>, vector<16xf32>,
        %get3A_730 = arith.index_cast %add3A_716 : i32 to index
        %get3A_731 = arith.constant 16 : index
        %get3A_732 = tpu.vector_load %arg10[%get3A_730, %get3A_731] {strides = array<i32>} : memref<128x128xf32, #tpu.memory_space<vmem>>, vector<16xf32>,
        %mul3A_733 = arith.mulf %get3A_729, %get3A_732 : vector<16xf32>
        %add3A_734 = arith.addf %add3A_726, %mul3A_733 : vector<16xf32>
        %get3A_735 = arith.index_cast %add3A_716 : i32 to index
        %get3A_736 = arith.constant 32 : index
        %get3A_737 = tpu.vector_load %arg9[%get3A_735, %get3A_736] {strides = array<i32>} : memref<128x128xf32, #tpu.memory_space<vmem>>, vector<16xf32>,
        %get3A_738 = arith.index_cast %add3A_716 : i32 to index
        %get3A_739 = arith.constant 32 : index
        %get3A_740 = tpu.vector_load %arg10[%get3A_738, %get3A_739] {strides = array<i32>} : memref<128x128xf32, #tpu.memory_space<vmem>>, vector<16xf32>,
        %mul3A_741 = arith.mulf %get3A_737, %get3A_740 : vector<16xf32>
        %add3A_742 = arith.addf %add3A_734, %mul3A_741 : vector<16xf32>
        %get3A_743 = arith.index_cast %add3A_716 : i32 to index
        %get3A_744 = arith.constant 48 : index
        %get3A_745 = tpu.vector_load %arg9[%get3A_743, %get3A_744] {strides = array<i32>} : memref<128x128xf32, #tpu.memory_space<vmem>>, vector<16xf32>,
        %get3A_746 = arith.index_cast %add3A_716 : i32 to index
        %get3A_747 = arith.constant 48 : index
        %get3A_748 = tpu.vector_load %arg10[%get3A_746, %get3A_747] {strides = array<i32>} : memref<128x128xf32, #tpu.memory_space<vmem>>, vector<16xf32>,
        %mul3A_749 = arith.mulf %get3A_745, %get3A_748 : vector<16xf32>
        %add3A_750 = arith.addf %add3A_742, %mul3A_749 : vector<16xf32>
        %get3A_751 = arith.index_cast %add3A_716 : i32 to index
        %get3A_752 = arith.constant 64 : index
        %get3A_753 = tpu.vector_load %arg9[%get3A_751, %get3A_752] {strides = array<i32>} : memref<128x128xf32, #tpu.memory_space<vmem>>, vector<16xf32>,
        %get3A_754 = arith.index_cast %add3A_716 : i32 to index
        %get3A_755 = arith.constant 64 : index
        %get3A_756 = tpu.vector_load %arg10[%get3A_754, %get3A_755] {strides = array<i32>} : memref<128x128xf32, #tpu.memory_space<vmem>>, vector<16xf32>,
        %mul3A_757 = arith.mulf %get3A_753, %get3A_756 : vector<16xf32>
        %add3A_758 = arith.addf %add3A_750, %mul3A_757 : vector<16xf32>
        %get3A_759 = arith.index_cast %add3A_716 : i32 to index
        %get3A_760 = arith.constant 80 : index
        %get3A_761 = tpu.vector_load %arg9[%get3A_759, %get3A_760] {strides = array<i32>} : memref<128x128xf32, #tpu.memory_space<vmem>>, vector<16xf32>,
        %get3A_762 = arith.index_cast %add3A_716 : i32 to index
        %get3A_763 = arith.constant 80 : index
        %get3A_764 = tpu.vector_load %arg10[%get3A_762, %get3A_763] {strides = array<i32>} : memref<128x128xf32, #tpu.memory_space<vmem>>, vector<16xf32>,
        %mul3A_765 = arith.mulf %get3A_761, %get3A_764 : vector<16xf32>
        %add3A_766 = arith.addf %add3A_758, %mul3A_765 : vector<16xf32>
        %get3A_767 = arith.index_cast %add3A_716 : i32 to index
        %get3A_768 = arith.constant 96 : index
        %get3A_769 = tpu.vector_load %arg9[%get3A_767, %get3A_768] {strides = array<i32>} : memref<128x128xf32, #tpu.memory_space<vmem>>, vector<16xf32>,
        %get3A_770 = arith.index_cast %add3A_716 : i32 to index
        %get3A_771 = arith.constant 96 : index
        %get3A_772 = tpu.vector_load %arg10[%get3A_770, %get3A_771] {strides = array<i32>} : memref<128x128xf32, #tpu.memory_space<vmem>>, vector<16xf32>,
        %mul3A_773 = arith.mulf %get3A_769, %get3A_772 : vector<16xf32>
        %add3A_774 = arith.addf %add3A_766, %mul3A_773 : vector<16xf32>
        %get3A_775 = arith.index_cast %add3A_716 : i32 to index
        %get3A_776 = arith.constant 112 : index
        %get3A_777 = tpu.vector_load %arg9[%get3A_775, %get3A_776] {strides = array<i32>} : memref<128x128xf32, #tpu.memory_space<vmem>>, vector<16xf32>,
        %get3A_778 = arith.index_cast %add3A_716 : i32 to index
        %get3A_779 = arith.constant 112 : index
        %get3A_780 = tpu.vector_load %arg10[%get3A_778, %get3A_779] {strides = array<i32>} : memref<128x128xf32, #tpu.memory_space<vmem>>, vector<16xf32>,
        %mul3A_781 = arith.mulf %get3A_777, %get3A_780 : vector<16xf32>
        %add3A_782 = arith.addf %add3A_774, %mul3A_781 : vector<16xf32>
        %mul3A_783 = arith.constant 256 : i32
        %mul3A_784 = arith.muli %scan3A_31, %mul3A_783 : i32
        %add3A_785 = arith.constant 144 : i32
        %add3A_786 = arith.addi %mul3A_784, %add3A_785 : i32
        %swap3A_787 = arith.index_cast %add3A_786 : i32 to index
        %swap3A_788 = tpu.vector_load %arg11[%swap3A_787] {strides = array<i32>} : memref<2048xf32, #tpu.memory_space<vmem>>, vector<16xf32>,
        tpu.vector_store %arg11[%swap3A_787], %add3A_782 {strides = array<i32>} : memref<2048xf32, #tpu.memory_space<vmem>>, vector<16xf32>,
        %mul3A_789 = arith.constant 16 : i32
        %mul3A_790 = arith.muli %scan3A_31, %mul3A_789 : i32
        %add3A_791 = arith.constant 10 : i32
        %add3A_792 = arith.addi %mul3A_790, %add3A_791 : i32
        %broadcast_in_dim3A_793 = arith.constant 0.000000e+00 : f32
        %broadcast_in_dim3A_794 = vector.broadcast %broadcast_in_dim3A_793 : f32 to vector<16xf32>
        %get3A_795 = arith.index_cast %add3A_792 : i32 to index
        %get3A_796 = arith.constant 0 : index
        %get3A_797 = tpu.vector_load %arg9[%get3A_795, %get3A_796] {strides = array<i32>} : memref<128x128xf32, #tpu.memory_space<vmem>>, vector<16xf32>,
        %get3A_798 = arith.index_cast %add3A_792 : i32 to index
        %get3A_799 = arith.constant 0 : index
        %get3A_800 = tpu.vector_load %arg10[%get3A_798, %get3A_799] {strides = array<i32>} : memref<128x128xf32, #tpu.memory_space<vmem>>, vector<16xf32>,
        %mul3A_801 = arith.mulf %get3A_797, %get3A_800 : vector<16xf32>
        %add3A_802 = arith.addf %broadcast_in_dim3A_794, %mul3A_801 : vector<16xf32>
        %get3A_803 = arith.index_cast %add3A_792 : i32 to index
        %get3A_804 = arith.constant 16 : index
        %get3A_805 = tpu.vector_load %arg9[%get3A_803, %get3A_804] {strides = array<i32>} : memref<128x128xf32, #tpu.memory_space<vmem>>, vector<16xf32>,
        %get3A_806 = arith.index_cast %add3A_792 : i32 to index
        %get3A_807 = arith.constant 16 : index
        %get3A_808 = tpu.vector_load %arg10[%get3A_806, %get3A_807] {strides = array<i32>} : memref<128x128xf32, #tpu.memory_space<vmem>>, vector<16xf32>,
        %mul3A_809 = arith.mulf %get3A_805, %get3A_808 : vector<16xf32>
        %add3A_810 = arith.addf %add3A_802, %mul3A_809 : vector<16xf32>
        %get3A_811 = arith.index_cast %add3A_792 : i32 to index
        %get3A_812 = arith.constant 32 : index
        %get3A_813 = tpu.vector_load %arg9[%get3A_811, %get3A_812] {strides = array<i32>} : memref<128x128xf32, #tpu.memory_space<vmem>>, vector<16xf32>,
        %get3A_814 = arith.index_cast %add3A_792 : i32 to index
        %get3A_815 = arith.constant 32 : index
        %get3A_816 = tpu.vector_load %arg10[%get3A_814, %get3A_815] {strides = array<i32>} : memref<128x128xf32, #tpu.memory_space<vmem>>, vector<16xf32>,
        %mul3A_817 = arith.mulf %get3A_813, %get3A_816 : vector<16xf32>
        %add3A_818 = arith.addf %add3A_810, %mul3A_817 : vector<16xf32>
        %get3A_819 = arith.index_cast %add3A_792 : i32 to index
        %get3A_820 = arith.constant 48 : index
        %get3A_821 = tpu.vector_load %arg9[%get3A_819, %get3A_820] {strides = array<i32>} : memref<128x128xf32, #tpu.memory_space<vmem>>, vector<16xf32>,
        %get3A_822 = arith.index_cast %add3A_792 : i32 to index
        %get3A_823 = arith.constant 48 : index
        %get3A_824 = tpu.vector_load %arg10[%get3A_822, %get3A_823] {strides = array<i32>} : memref<128x128xf32, #tpu.memory_space<vmem>>, vector<16xf32>,
        %mul3A_825 = arith.mulf %get3A_821, %get3A_824 : vector<16xf32>
        %add3A_826 = arith.addf %add3A_818, %mul3A_825 : vector<16xf32>
        %get3A_827 = arith.index_cast %add3A_792 : i32 to index
        %get3A_828 = arith.constant 64 : index
        %get3A_829 = tpu.vector_load %arg9[%get3A_827, %get3A_828] {strides = array<i32>} : memref<128x128xf32, #tpu.memory_space<vmem>>, vector<16xf32>,
        %get3A_830 = arith.index_cast %add3A_792 : i32 to index
        %get3A_831 = arith.constant 64 : index
        %get3A_832 = tpu.vector_load %arg10[%get3A_830, %get3A_831] {strides = array<i32>} : memref<128x128xf32, #tpu.memory_space<vmem>>, vector<16xf32>,
        %mul3A_833 = arith.mulf %get3A_829, %get3A_832 : vector<16xf32>
        %add3A_834 = arith.addf %add3A_826, %mul3A_833 : vector<16xf32>
        %get3A_835 = arith.index_cast %add3A_792 : i32 to index
        %get3A_836 = arith.constant 80 : index
        %get3A_837 = tpu.vector_load %arg9[%get3A_835, %get3A_836] {strides = array<i32>} : memref<128x128xf32, #tpu.memory_space<vmem>>, vector<16xf32>,
        %get3A_838 = arith.index_cast %add3A_792 : i32 to index
        %get3A_839 = arith.constant 80 : index
        %get3A_840 = tpu.vector_load %arg10[%get3A_838, %get3A_839] {strides = array<i32>} : memref<128x128xf32, #tpu.memory_space<vmem>>, vector<16xf32>,
        %mul3A_841 = arith.mulf %get3A_837, %get3A_840 : vector<16xf32>
        %add3A_842 = arith.addf %add3A_834, %mul3A_841 : vector<16xf32>
        %get3A_843 = arith.index_cast %add3A_792 : i32 to index
        %get3A_844 = arith.constant 96 : index
        %get3A_845 = tpu.vector_load %arg9[%get3A_843, %get3A_844] {strides = array<i32>} : memref<128x128xf32, #tpu.memory_space<vmem>>, vector<16xf32>,
        %get3A_846 = arith.index_cast %add3A_792 : i32 to index
        %get3A_847 = arith.constant 96 : index
        %get3A_848 = tpu.vector_load %arg10[%get3A_846, %get3A_847] {strides = array<i32>} : memref<128x128xf32, #tpu.memory_space<vmem>>, vector<16xf32>,
        %mul3A_849 = arith.mulf %get3A_845, %get3A_848 : vector<16xf32>
        %add3A_850 = arith.addf %add3A_842, %mul3A_849 : vector<16xf32>
        %get3A_851 = arith.index_cast %add3A_792 : i32 to index
        %get3A_852 = arith.constant 112 : index
        %get3A_853 = tpu.vector_load %arg9[%get3A_851, %get3A_852] {strides = array<i32>} : memref<128x128xf32, #tpu.memory_space<vmem>>, vector<16xf32>,
        %get3A_854 = arith.index_cast %add3A_792 : i32 to index
        %get3A_855 = arith.constant 112 : index
        %get3A_856 = tpu.vector_load %arg10[%get3A_854, %get3A_855] {strides = array<i32>} : memref<128x128xf32, #tpu.memory_space<vmem>>, vector<16xf32>,
        %mul3A_857 = arith.mulf %get3A_853, %get3A_856 : vector<16xf32>
        %add3A_858 = arith.addf %add3A_850, %mul3A_857 : vector<16xf32>
        %mul3A_859 = arith.constant 256 : i32
        %mul3A_860 = arith.muli %scan3A_31, %mul3A_859 : i32
        %add3A_861 = arith.constant 160 : i32
        %add3A_862 = arith.addi %mul3A_860, %add3A_861 : i32
        %swap3A_863 = arith.index_cast %add3A_862 : i32 to index
        %swap3A_864 = tpu.vector_load %arg11[%swap3A_863] {strides = array<i32>} : memref<2048xf32, #tpu.memory_space<vmem>>, vector<16xf32>,
        tpu.vector_store %arg11[%swap3A_863], %add3A_858 {strides = array<i32>} : memref<2048xf32, #tpu.memory_space<vmem>>, vector<16xf32>,
        %mul3A_865 = arith.constant 16 : i32
        %mul3A_866 = arith.muli %scan3A_31, %mul3A_865 : i32
        %add3A_867 = arith.constant 11 : i32
        %add3A_868 = arith.addi %mul3A_866, %add3A_867 : i32
        %broadcast_in_dim3A_869 = arith.constant 0.000000e+00 : f32
        %broadcast_in_dim3A_870 = vector.broadcast %broadcast_in_dim3A_869 : f32 to vector<16xf32>
        %get3A_871 = arith.index_cast %add3A_868 : i32 to index
        %get3A_872 = arith.constant 0 : index
        %get3A_873 = tpu.vector_load %arg9[%get3A_871, %get3A_872] {strides = array<i32>} : memref<128x128xf32, #tpu.memory_space<vmem>>, vector<16xf32>,
        %get3A_874 = arith.index_cast %add3A_868 : i32 to index
        %get3A_875 = arith.constant 0 : index
        %get3A_876 = tpu.vector_load %arg10[%get3A_874, %get3A_875] {strides = array<i32>} : memref<128x128xf32, #tpu.memory_space<vmem>>, vector<16xf32>,
        %mul3A_877 = arith.mulf %get3A_873, %get3A_876 : vector<16xf32>
        %add3A_878 = arith.addf %broadcast_in_dim3A_870, %mul3A_877 : vector<16xf32>
        %get3A_879 = arith.index_cast %add3A_868 : i32 to index
        %get3A_880 = arith.constant 16 : index
        %get3A_881 = tpu.vector_load %arg9[%get3A_879, %get3A_880] {strides = array<i32>} : memref<128x128xf32, #tpu.memory_space<vmem>>, vector<16xf32>,
        %get3A_882 = arith.index_cast %add3A_868 : i32 to index
        %get3A_883 = arith.constant 16 : index
        %get3A_884 = tpu.vector_load %arg10[%get3A_882, %get3A_883] {strides = array<i32>} : memref<128x128xf32, #tpu.memory_space<vmem>>, vector<16xf32>,
        %mul3A_885 = arith.mulf %get3A_881, %get3A_884 : vector<16xf32>
        %add3A_886 = arith.addf %add3A_878, %mul3A_885 : vector<16xf32>
        %get3A_887 = arith.index_cast %add3A_868 : i32 to index
        %get3A_888 = arith.constant 32 : index
        %get3A_889 = tpu.vector_load %arg9[%get3A_887, %get3A_888] {strides = array<i32>} : memref<128x128xf32, #tpu.memory_space<vmem>>, vector<16xf32>,
        %get3A_890 = arith.index_cast %add3A_868 : i32 to index
        %get3A_891 = arith.constant 32 : index
        %get3A_892 = tpu.vector_load %arg10[%get3A_890, %get3A_891] {strides = array<i32>} : memref<128x128xf32, #tpu.memory_space<vmem>>, vector<16xf32>,
        %mul3A_893 = arith.mulf %get3A_889, %get3A_892 : vector<16xf32>
        %add3A_894 = arith.addf %add3A_886, %mul3A_893 : vector<16xf32>
        %get3A_895 = arith.index_cast %add3A_868 : i32 to index
        %get3A_896 = arith.constant 48 : index
        %get3A_897 = tpu.vector_load %arg9[%get3A_895, %get3A_896] {strides = array<i32>} : memref<128x128xf32, #tpu.memory_space<vmem>>, vector<16xf32>,
        %get3A_898 = arith.index_cast %add3A_868 : i32 to index
        %get3A_899 = arith.constant 48 : index
        %get3A_900 = tpu.vector_load %arg10[%get3A_898, %get3A_899] {strides = array<i32>} : memref<128x128xf32, #tpu.memory_space<vmem>>, vector<16xf32>,
        %mul3A_901 = arith.mulf %get3A_897, %get3A_900 : vector<16xf32>
        %add3A_902 = arith.addf %add3A_894, %mul3A_901 : vector<16xf32>
        %get3A_903 = arith.index_cast %add3A_868 : i32 to index
        %get3A_904 = arith.constant 64 : index
        %get3A_905 = tpu.vector_load %arg9[%get3A_903, %get3A_904] {strides = array<i32>} : memref<128x128xf32, #tpu.memory_space<vmem>>, vector<16xf32>,
        %get3A_906 = arith.index_cast %add3A_868 : i32 to index
        %get3A_907 = arith.constant 64 : index
        %get3A_908 = tpu.vector_load %arg10[%get3A_906, %get3A_907] {strides = array<i32>} : memref<128x128xf32, #tpu.memory_space<vmem>>, vector<16xf32>,
        %mul3A_909 = arith.mulf %get3A_905, %get3A_908 : vector<16xf32>
        %add3A_910 = arith.addf %add3A_902, %mul3A_909 : vector<16xf32>
        %get3A_911 = arith.index_cast %add3A_868 : i32 to index
        %get3A_912 = arith.constant 80 : index
        %get3A_913 = tpu.vector_load %arg9[%get3A_911, %get3A_912] {strides = array<i32>} : memref<128x128xf32, #tpu.memory_space<vmem>>, vector<16xf32>,
        %get3A_914 = arith.index_cast %add3A_868 : i32 to index
        %get3A_915 = arith.constant 80 : index
        %get3A_916 = tpu.vector_load %arg10[%get3A_914, %get3A_915] {strides = array<i32>} : memref<128x128xf32, #tpu.memory_space<vmem>>, vector<16xf32>,
        %mul3A_917 = arith.mulf %get3A_913, %get3A_916 : vector<16xf32>
        %add3A_918 = arith.addf %add3A_910, %mul3A_917 : vector<16xf32>
        %get3A_919 = arith.index_cast %add3A_868 : i32 to index
        %get3A_920 = arith.constant 96 : index
        %get3A_921 = tpu.vector_load %arg9[%get3A_919, %get3A_920] {strides = array<i32>} : memref<128x128xf32, #tpu.memory_space<vmem>>, vector<16xf32>,
        %get3A_922 = arith.index_cast %add3A_868 : i32 to index
        %get3A_923 = arith.constant 96 : index
        %get3A_924 = tpu.vector_load %arg10[%get3A_922, %get3A_923] {strides = array<i32>} : memref<128x128xf32, #tpu.memory_space<vmem>>, vector<16xf32>,
        %mul3A_925 = arith.mulf %get3A_921, %get3A_924 : vector<16xf32>
        %add3A_926 = arith.addf %add3A_918, %mul3A_925 : vector<16xf32>
        %get3A_927 = arith.index_cast %add3A_868 : i32 to index
        %get3A_928 = arith.constant 112 : index
        %get3A_929 = tpu.vector_load %arg9[%get3A_927, %get3A_928] {strides = array<i32>} : memref<128x128xf32, #tpu.memory_space<vmem>>, vector<16xf32>,
        %get3A_930 = arith.index_cast %add3A_868 : i32 to index
        %get3A_931 = arith.constant 112 : index
        %get3A_932 = tpu.vector_load %arg10[%get3A_930, %get3A_931] {strides = array<i32>} : memref<128x128xf32, #tpu.memory_space<vmem>>, vector<16xf32>,
        %mul3A_933 = arith.mulf %get3A_929, %get3A_932 : vector<16xf32>
        %add3A_934 = arith.addf %add3A_926, %mul3A_933 : vector<16xf32>
        %mul3A_935 = arith.constant 256 : i32
        %mul3A_936 = arith.muli %scan3A_31, %mul3A_935 : i32
        %add3A_937 = arith.constant 176 : i32
        %add3A_938 = arith.addi %mul3A_936, %add3A_937 : i32
        %swap3A_939 = arith.index_cast %add3A_938 : i32 to index
        %swap3A_940 = tpu.vector_load %arg11[%swap3A_939] {strides = array<i32>} : memref<2048xf32, #tpu.memory_space<vmem>>, vector<16xf32>,
        tpu.vector_store %arg11[%swap3A_939], %add3A_934 {strides = array<i32>} : memref<2048xf32, #tpu.memory_space<vmem>>, vector<16xf32>,
        %mul3A_941 = arith.constant 16 : i32
        %mul3A_942 = arith.muli %scan3A_31, %mul3A_941 : i32
        %add3A_943 = arith.constant 12 : i32
        %add3A_944 = arith.addi %mul3A_942, %add3A_943 : i32
        %broadcast_in_dim3A_945 = arith.constant 0.000000e+00 : f32
        %broadcast_in_dim3A_946 = vector.broadcast %broadcast_in_dim3A_945 : f32 to vector<16xf32>
        %get3A_947 = arith.index_cast %add3A_944 : i32 to index
        %get3A_948 = arith.constant 0 : index
        %get3A_949 = tpu.vector_load %arg9[%get3A_947, %get3A_948] {strides = array<i32>} : memref<128x128xf32, #tpu.memory_space<vmem>>, vector<16xf32>,
        %get3A_950 = arith.index_cast %add3A_944 : i32 to index
        %get3A_951 = arith.constant 0 : index
        %get3A_952 = tpu.vector_load %arg10[%get3A_950, %get3A_951] {strides = array<i32>} : memref<128x128xf32, #tpu.memory_space<vmem>>, vector<16xf32>,
        %mul3A_953 = arith.mulf %get3A_949, %get3A_952 : vector<16xf32>
        %add3A_954 = arith.addf %broadcast_in_dim3A_946, %mul3A_953 : vector<16xf32>
        %get3A_955 = arith.index_cast %add3A_944 : i32 to index
        %get3A_956 = arith.constant 16 : index
        %get3A_957 = tpu.vector_load %arg9[%get3A_955, %get3A_956] {strides = array<i32>} : memref<128x128xf32, #tpu.memory_space<vmem>>, vector<16xf32>,
        %get3A_958 = arith.index_cast %add3A_944 : i32 to index
        %get3A_959 = arith.constant 16 : index
        %get3A_960 = tpu.vector_load %arg10[%get3A_958, %get3A_959] {strides = array<i32>} : memref<128x128xf32, #tpu.memory_space<vmem>>, vector<16xf32>,
        %mul3A_961 = arith.mulf %get3A_957, %get3A_960 : vector<16xf32>
        %add3A_962 = arith.addf %add3A_954, %mul3A_961 : vector<16xf32>
        %get3A_963 = arith.index_cast %add3A_944 : i32 to index
        %get3A_964 = arith.constant 32 : index
        %get3A_965 = tpu.vector_load %arg9[%get3A_963, %get3A_964] {strides = array<i32>} : memref<128x128xf32, #tpu.memory_space<vmem>>, vector<16xf32>,
        %get3A_966 = arith.index_cast %add3A_944 : i32 to index
        %get3A_967 = arith.constant 32 : index
        %get3A_968 = tpu.vector_load %arg10[%get3A_966, %get3A_967] {strides = array<i32>} : memref<128x128xf32, #tpu.memory_space<vmem>>, vector<16xf32>,
        %mul3A_969 = arith.mulf %get3A_965, %get3A_968 : vector<16xf32>
        %add3A_970 = arith.addf %add3A_962, %mul3A_969 : vector<16xf32>
        %get3A_971 = arith.index_cast %add3A_944 : i32 to index
        %get3A_972 = arith.constant 48 : index
        %get3A_973 = tpu.vector_load %arg9[%get3A_971, %get3A_972] {strides = array<i32>} : memref<128x128xf32, #tpu.memory_space<vmem>>, vector<16xf32>,
        %get3A_974 = arith.index_cast %add3A_944 : i32 to index
        %get3A_975 = arith.constant 48 : index
        %get3A_976 = tpu.vector_load %arg10[%get3A_974, %get3A_975] {strides = array<i32>} : memref<128x128xf32, #tpu.memory_space<vmem>>, vector<16xf32>,
        %mul3A_977 = arith.mulf %get3A_973, %get3A_976 : vector<16xf32>
        %add3A_978 = arith.addf %add3A_970, %mul3A_977 : vector<16xf32>
        %get3A_979 = arith.index_cast %add3A_944 : i32 to index
        %get3A_980 = arith.constant 64 : index
        %get3A_981 = tpu.vector_load %arg9[%get3A_979, %get3A_980] {strides = array<i32>} : memref<128x128xf32, #tpu.memory_space<vmem>>, vector<16xf32>,
        %get3A_982 = arith.index_cast %add3A_944 : i32 to index
        %get3A_983 = arith.constant 64 : index
        %get3A_984 = tpu.vector_load %arg10[%get3A_982, %get3A_983] {strides = array<i32>} : memref<128x128xf32, #tpu.memory_space<vmem>>, vector<16xf32>,
        %mul3A_985 = arith.mulf %get3A_981, %get3A_984 : vector<16xf32>
        %add3A_986 = arith.addf %add3A_978, %mul3A_985 : vector<16xf32>
        %get3A_987 = arith.index_cast %add3A_944 : i32 to index
        %get3A_988 = arith.constant 80 : index
        %get3A_989 = tpu.vector_load %arg9[%get3A_987, %get3A_988] {strides = array<i32>} : memref<128x128xf32, #tpu.memory_space<vmem>>, vector<16xf32>,
        %get3A_990 = arith.index_cast %add3A_944 : i32 to index
        %get3A_991 = arith.constant 80 : index
        %get3A_992 = tpu.vector_load %arg10[%get3A_990, %get3A_991] {strides = array<i32>} : memref<128x128xf32, #tpu.memory_space<vmem>>, vector<16xf32>,
        %mul3A_993 = arith.mulf %get3A_989, %get3A_992 : vector<16xf32>
        %add3A_994 = arith.addf %add3A_986, %mul3A_993 : vector<16xf32>
        %get3A_995 = arith.index_cast %add3A_944 : i32 to index
        %get3A_996 = arith.constant 96 : index
        %get3A_997 = tpu.vector_load %arg9[%get3A_995, %get3A_996] {strides = array<i32>} : memref<128x128xf32, #tpu.memory_space<vmem>>, vector<16xf32>,
        %get3A_998 = arith.index_cast %add3A_944 : i32 to index
        %get3A_999 = arith.constant 96 : index
        %get3A_1000 = tpu.vector_load %arg10[%get3A_998, %get3A_999] {strides = array<i32>} : memref<128x128xf32, #tpu.memory_space<vmem>>, vector<16xf32>,
        %mul3A_1001 = arith.mulf %get3A_997, %get3A_1000 : vector<16xf32>
        %add3A_1002 = arith.addf %add3A_994, %mul3A_1001 : vector<16xf32>
        %get3A_1003 = arith.index_cast %add3A_944 : i32 to index
        %get3A_1004 = arith.constant 112 : index
        %get3A_1005 = tpu.vector_load %arg9[%get3A_1003, %get3A_1004] {strides = array<i32>} : memref<128x128xf32, #tpu.memory_space<vmem>>, vector<16xf32>,
        %get3A_1006 = arith.index_cast %add3A_944 : i32 to index
        %get3A_1007 = arith.constant 112 : index
        %get3A_1008 = tpu.vector_load %arg10[%get3A_1006, %get3A_1007] {strides = array<i32>} : memref<128x128xf32, #tpu.memory_space<vmem>>, vector<16xf32>,
        %mul3A_1009 = arith.mulf %get3A_1005, %get3A_1008 : vector<16xf32>
        %add3A_1010 = arith.addf %add3A_1002, %mul3A_1009 : vector<16xf32>
        %mul3A_1011 = arith.constant 256 : i32
        %mul3A_1012 = arith.muli %scan3A_31, %mul3A_1011 : i32
        %add3A_1013 = arith.constant 192 : i32
        %add3A_1014 = arith.addi %mul3A_1012, %add3A_1013 : i32
        %swap3A_1015 = arith.index_cast %add3A_1014 : i32 to index
        %swap3A_1016 = tpu.vector_load %arg11[%swap3A_1015] {strides = array<i32>} : memref<2048xf32, #tpu.memory_space<vmem>>, vector<16xf32>,
        tpu.vector_store %arg11[%swap3A_1015], %add3A_1010 {strides = array<i32>} : memref<2048xf32, #tpu.memory_space<vmem>>, vector<16xf32>,
        %mul3A_1017 = arith.constant 16 : i32
        %mul3A_1018 = arith.muli %scan3A_31, %mul3A_1017 : i32
        %add3A_1019 = arith.constant 13 : i32
        %add3A_1020 = arith.addi %mul3A_1018, %add3A_1019 : i32
        %broadcast_in_dim3A_1021 = arith.constant 0.000000e+00 : f32
        %broadcast_in_dim3A_1022 = vector.broadcast %broadcast_in_dim3A_1021 : f32 to vector<16xf32>
        %get3A_1023 = arith.index_cast %add3A_1020 : i32 to index
        %get3A_1024 = arith.constant 0 : index
        %get3A_1025 = tpu.vector_load %arg9[%get3A_1023, %get3A_1024] {strides = array<i32>} : memref<128x128xf32, #tpu.memory_space<vmem>>, vector<16xf32>,
        %get3A_1026 = arith.index_cast %add3A_1020 : i32 to index
        %get3A_1027 = arith.constant 0 : index
        %get3A_1028 = tpu.vector_load %arg10[%get3A_1026, %get3A_1027] {strides = array<i32>} : memref<128x128xf32, #tpu.memory_space<vmem>>, vector<16xf32>,
        %mul3A_1029 = arith.mulf %get3A_1025, %get3A_1028 : vector<16xf32>
        %add3A_1030 = arith.addf %broadcast_in_dim3A_1022, %mul3A_1029 : vector<16xf32>
        %get3A_1031 = arith.index_cast %add3A_1020 : i32 to index
        %get3A_1032 = arith.constant 16 : index
        %get3A_1033 = tpu.vector_load %arg9[%get3A_1031, %get3A_1032] {strides = array<i32>} : memref<128x128xf32, #tpu.memory_space<vmem>>, vector<16xf32>,
        %get3A_1034 = arith.index_cast %add3A_1020 : i32 to index
        %get3A_1035 = arith.constant 16 : index
        %get3A_1036 = tpu.vector_load %arg10[%get3A_1034, %get3A_1035] {strides = array<i32>} : memref<128x128xf32, #tpu.memory_space<vmem>>, vector<16xf32>,
        %mul3A_1037 = arith.mulf %get3A_1033, %get3A_1036 : vector<16xf32>
        %add3A_1038 = arith.addf %add3A_1030, %mul3A_1037 : vector<16xf32>
        %get3A_1039 = arith.index_cast %add3A_1020 : i32 to index
        %get3A_1040 = arith.constant 32 : index
        %get3A_1041 = tpu.vector_load %arg9[%get3A_1039, %get3A_1040] {strides = array<i32>} : memref<128x128xf32, #tpu.memory_space<vmem>>, vector<16xf32>,
        %get3A_1042 = arith.index_cast %add3A_1020 : i32 to index
        %get3A_1043 = arith.constant 32 : index
        %get3A_1044 = tpu.vector_load %arg10[%get3A_1042, %get3A_1043] {strides = array<i32>} : memref<128x128xf32, #tpu.memory_space<vmem>>, vector<16xf32>,
        %mul3A_1045 = arith.mulf %get3A_1041, %get3A_1044 : vector<16xf32>
        %add3A_1046 = arith.addf %add3A_1038, %mul3A_1045 : vector<16xf32>
        %get3A_1047 = arith.index_cast %add3A_1020 : i32 to index
        %get3A_1048 = arith.constant 48 : index
        %get3A_1049 = tpu.vector_load %arg9[%get3A_1047, %get3A_1048] {strides = array<i32>} : memref<128x128xf32, #tpu.memory_space<vmem>>, vector<16xf32>,
        %get3A_1050 = arith.index_cast %add3A_1020 : i32 to index
        %get3A_1051 = arith.constant 48 : index
        %get3A_1052 = tpu.vector_load %arg10[%get3A_1050, %get3A_1051] {strides = array<i32>} : memref<128x128xf32, #tpu.memory_space<vmem>>, vector<16xf32>,
        %mul3A_1053 = arith.mulf %get3A_1049, %get3A_1052 : vector<16xf32>
        %add3A_1054 = arith.addf %add3A_1046, %mul3A_1053 : vector<16xf32>
        %get3A_1055 = arith.index_cast %add3A_1020 : i32 to index
        %get3A_1056 = arith.constant 64 : index
        %get3A_1057 = tpu.vector_load %arg9[%get3A_1055, %get3A_1056] {strides = array<i32>} : memref<128x128xf32, #tpu.memory_space<vmem>>, vector<16xf32>,
        %get3A_1058 = arith.index_cast %add3A_1020 : i32 to index
        %get3A_1059 = arith.constant 64 : index
        %get3A_1060 = tpu.vector_load %arg10[%get3A_1058, %get3A_1059] {strides = array<i32>} : memref<128x128xf32, #tpu.memory_space<vmem>>, vector<16xf32>,
        %mul3A_1061 = arith.mulf %get3A_1057, %get3A_1060 : vector<16xf32>
        %add3A_1062 = arith.addf %add3A_1054, %mul3A_1061 : vector<16xf32>
        %get3A_1063 = arith.index_cast %add3A_1020 : i32 to index
        %get3A_1064 = arith.constant 80 : index
        %get3A_1065 = tpu.vector_load %arg9[%get3A_1063, %get3A_1064] {strides = array<i32>} : memref<128x128xf32, #tpu.memory_space<vmem>>, vector<16xf32>,
        %get3A_1066 = arith.index_cast %add3A_1020 : i32 to index
        %get3A_1067 = arith.constant 80 : index
        %get3A_1068 = tpu.vector_load %arg10[%get3A_1066, %get3A_1067] {strides = array<i32>} : memref<128x128xf32, #tpu.memory_space<vmem>>, vector<16xf32>,
        %mul3A_1069 = arith.mulf %get3A_1065, %get3A_1068 : vector<16xf32>
        %add3A_1070 = arith.addf %add3A_1062, %mul3A_1069 : vector<16xf32>
        %get3A_1071 = arith.index_cast %add3A_1020 : i32 to index
        %get3A_1072 = arith.constant 96 : index
        %get3A_1073 = tpu.vector_load %arg9[%get3A_1071, %get3A_1072] {strides = array<i32>} : memref<128x128xf32, #tpu.memory_space<vmem>>, vector<16xf32>,
        %get3A_1074 = arith.index_cast %add3A_1020 : i32 to index
        %get3A_1075 = arith.constant 96 : index
        %get3A_1076 = tpu.vector_load %arg10[%get3A_1074, %get3A_1075] {strides = array<i32>} : memref<128x128xf32, #tpu.memory_space<vmem>>, vector<16xf32>,
        %mul3A_1077 = arith.mulf %get3A_1073, %get3A_1076 : vector<16xf32>
        %add3A_1078 = arith.addf %add3A_1070, %mul3A_1077 : vector<16xf32>
        %get3A_1079 = arith.index_cast %add3A_1020 : i32 to index
        %get3A_1080 = arith.constant 112 : index
        %get3A_1081 = tpu.vector_load %arg9[%get3A_1079, %get3A_1080] {strides = array<i32>} : memref<128x128xf32, #tpu.memory_space<vmem>>, vector<16xf32>,
        %get3A_1082 = arith.index_cast %add3A_1020 : i32 to index
        %get3A_1083 = arith.constant 112 : index
        %get3A_1084 = tpu.vector_load %arg10[%get3A_1082, %get3A_1083] {strides = array<i32>} : memref<128x128xf32, #tpu.memory_space<vmem>>, vector<16xf32>,
        %mul3A_1085 = arith.mulf %get3A_1081, %get3A_1084 : vector<16xf32>
        %add3A_1086 = arith.addf %add3A_1078, %mul3A_1085 : vector<16xf32>
        %mul3A_1087 = arith.constant 256 : i32
        %mul3A_1088 = arith.muli %scan3A_31, %mul3A_1087 : i32
        %add3A_1089 = arith.constant 208 : i32
        %add3A_1090 = arith.addi %mul3A_1088, %add3A_1089 : i32
        %swap3A_1091 = arith.index_cast %add3A_1090 : i32 to index
        %swap3A_1092 = tpu.vector_load %arg11[%swap3A_1091] {strides = array<i32>} : memref<2048xf32, #tpu.memory_space<vmem>>, vector<16xf32>,
        tpu.vector_store %arg11[%swap3A_1091], %add3A_1086 {strides = array<i32>} : memref<2048xf32, #tpu.memory_space<vmem>>, vector<16xf32>,
        %mul3A_1093 = arith.constant 16 : i32
        %mul3A_1094 = arith.muli %scan3A_31, %mul3A_1093 : i32
        %add3A_1095 = arith.constant 14 : i32
        %add3A_1096 = arith.addi %mul3A_1094, %add3A_1095 : i32
        %broadcast_in_dim3A_1097 = arith.constant 0.000000e+00 : f32
        %broadcast_in_dim3A_1098 = vector.broadcast %broadcast_in_dim3A_1097 : f32 to vector<16xf32>
        %get3A_1099 = arith.index_cast %add3A_1096 : i32 to index
        %get3A_1100 = arith.constant 0 : index
        %get3A_1101 = tpu.vector_load %arg9[%get3A_1099, %get3A_1100] {strides = array<i32>} : memref<128x128xf32, #tpu.memory_space<vmem>>, vector<16xf32>,
        %get3A_1102 = arith.index_cast %add3A_1096 : i32 to index
        %get3A_1103 = arith.constant 0 : index
        %get3A_1104 = tpu.vector_load %arg10[%get3A_1102, %get3A_1103] {strides = array<i32>} : memref<128x128xf32, #tpu.memory_space<vmem>>, vector<16xf32>,
        %mul3A_1105 = arith.mulf %get3A_1101, %get3A_1104 : vector<16xf32>
        %add3A_1106 = arith.addf %broadcast_in_dim3A_1098, %mul3A_1105 : vector<16xf32>
        %get3A_1107 = arith.index_cast %add3A_1096 : i32 to index
        %get3A_1108 = arith.constant 16 : index
        %get3A_1109 = tpu.vector_load %arg9[%get3A_1107, %get3A_1108] {strides = array<i32>} : memref<128x128xf32, #tpu.memory_space<vmem>>, vector<16xf32>,
        %get3A_1110 = arith.index_cast %add3A_1096 : i32 to index
        %get3A_1111 = arith.constant 16 : index
        %get3A_1112 = tpu.vector_load %arg10[%get3A_1110, %get3A_1111] {strides = array<i32>} : memref<128x128xf32, #tpu.memory_space<vmem>>, vector<16xf32>,
        %mul3A_1113 = arith.mulf %get3A_1109, %get3A_1112 : vector<16xf32>
        %add3A_1114 = arith.addf %add3A_1106, %mul3A_1113 : vector<16xf32>
        %get3A_1115 = arith.index_cast %add3A_1096 : i32 to index
        %get3A_1116 = arith.constant 32 : index
        %get3A_1117 = tpu.vector_load %arg9[%get3A_1115, %get3A_1116] {strides = array<i32>} : memref<128x128xf32, #tpu.memory_space<vmem>>, vector<16xf32>,
        %get3A_1118 = arith.index_cast %add3A_1096 : i32 to index
        %get3A_1119 = arith.constant 32 : index
        %get3A_1120 = tpu.vector_load %arg10[%get3A_1118, %get3A_1119] {strides = array<i32>} : memref<128x128xf32, #tpu.memory_space<vmem>>, vector<16xf32>,
        %mul3A_1121 = arith.mulf %get3A_1117, %get3A_1120 : vector<16xf32>
        %add3A_1122 = arith.addf %add3A_1114, %mul3A_1121 : vector<16xf32>
        %get3A_1123 = arith.index_cast %add3A_1096 : i32 to index
        %get3A_1124 = arith.constant 48 : index
        %get3A_1125 = tpu.vector_load %arg9[%get3A_1123, %get3A_1124] {strides = array<i32>} : memref<128x128xf32, #tpu.memory_space<vmem>>, vector<16xf32>,
        %get3A_1126 = arith.index_cast %add3A_1096 : i32 to index
        %get3A_1127 = arith.constant 48 : index
        %get3A_1128 = tpu.vector_load %arg10[%get3A_1126, %get3A_1127] {strides = array<i32>} : memref<128x128xf32, #tpu.memory_space<vmem>>, vector<16xf32>,
        %mul3A_1129 = arith.mulf %get3A_1125, %get3A_1128 : vector<16xf32>
        %add3A_1130 = arith.addf %add3A_1122, %mul3A_1129 : vector<16xf32>
        %get3A_1131 = arith.index_cast %add3A_1096 : i32 to index
        %get3A_1132 = arith.constant 64 : index
        %get3A_1133 = tpu.vector_load %arg9[%get3A_1131, %get3A_1132] {strides = array<i32>} : memref<128x128xf32, #tpu.memory_space<vmem>>, vector<16xf32>,
        %get3A_1134 = arith.index_cast %add3A_1096 : i32 to index
        %get3A_1135 = arith.constant 64 : index
        %get3A_1136 = tpu.vector_load %arg10[%get3A_1134, %get3A_1135] {strides = array<i32>} : memref<128x128xf32, #tpu.memory_space<vmem>>, vector<16xf32>,
        %mul3A_1137 = arith.mulf %get3A_1133, %get3A_1136 : vector<16xf32>
        %add3A_1138 = arith.addf %add3A_1130, %mul3A_1137 : vector<16xf32>
        %get3A_1139 = arith.index_cast %add3A_1096 : i32 to index
        %get3A_1140 = arith.constant 80 : index
        %get3A_1141 = tpu.vector_load %arg9[%get3A_1139, %get3A_1140] {strides = array<i32>} : memref<128x128xf32, #tpu.memory_space<vmem>>, vector<16xf32>,
        %get3A_1142 = arith.index_cast %add3A_1096 : i32 to index
        %get3A_1143 = arith.constant 80 : index
        %get3A_1144 = tpu.vector_load %arg10[%get3A_1142, %get3A_1143] {strides = array<i32>} : memref<128x128xf32, #tpu.memory_space<vmem>>, vector<16xf32>,
        %mul3A_1145 = arith.mulf %get3A_1141, %get3A_1144 : vector<16xf32>
        %add3A_1146 = arith.addf %add3A_1138, %mul3A_1145 : vector<16xf32>
        %get3A_1147 = arith.index_cast %add3A_1096 : i32 to index
        %get3A_1148 = arith.constant 96 : index
        %get3A_1149 = tpu.vector_load %arg9[%get3A_1147, %get3A_1148] {strides = array<i32>} : memref<128x128xf32, #tpu.memory_space<vmem>>, vector<16xf32>,
        %get3A_1150 = arith.index_cast %add3A_1096 : i32 to index
        %get3A_1151 = arith.constant 96 : index
        %get3A_1152 = tpu.vector_load %arg10[%get3A_1150, %get3A_1151] {strides = array<i32>} : memref<128x128xf32, #tpu.memory_space<vmem>>, vector<16xf32>,
        %mul3A_1153 = arith.mulf %get3A_1149, %get3A_1152 : vector<16xf32>
        %add3A_1154 = arith.addf %add3A_1146, %mul3A_1153 : vector<16xf32>
        %get3A_1155 = arith.index_cast %add3A_1096 : i32 to index
        %get3A_1156 = arith.constant 112 : index
        %get3A_1157 = tpu.vector_load %arg9[%get3A_1155, %get3A_1156] {strides = array<i32>} : memref<128x128xf32, #tpu.memory_space<vmem>>, vector<16xf32>,
        %get3A_1158 = arith.index_cast %add3A_1096 : i32 to index
        %get3A_1159 = arith.constant 112 : index
        %get3A_1160 = tpu.vector_load %arg10[%get3A_1158, %get3A_1159] {strides = array<i32>} : memref<128x128xf32, #tpu.memory_space<vmem>>, vector<16xf32>,
        %mul3A_1161 = arith.mulf %get3A_1157, %get3A_1160 : vector<16xf32>
        %add3A_1162 = arith.addf %add3A_1154, %mul3A_1161 : vector<16xf32>
        %mul3A_1163 = arith.constant 256 : i32
        %mul3A_1164 = arith.muli %scan3A_31, %mul3A_1163 : i32
        %add3A_1165 = arith.constant 224 : i32
        %add3A_1166 = arith.addi %mul3A_1164, %add3A_1165 : i32
        %swap3A_1167 = arith.index_cast %add3A_1166 : i32 to index
        %swap3A_1168 = tpu.vector_load %arg11[%swap3A_1167] {strides = array<i32>} : memref<2048xf32, #tpu.memory_space<vmem>>, vector<16xf32>,
        tpu.vector_store %arg11[%swap3A_1167], %add3A_1162 {strides = array<i32>} : memref<2048xf32, #tpu.memory_space<vmem>>, vector<16xf32>,
        %mul3A_1169 = arith.constant 16 : i32
        %mul3A_1170 = arith.muli %scan3A_31, %mul3A_1169 : i32
        %add3A_1171 = arith.constant 15 : i32
        %add3A_1172 = arith.addi %mul3A_1170, %add3A_1171 : i32
        %broadcast_in_dim3A_1173 = arith.constant 0.000000e+00 : f32
        %broadcast_in_dim3A_1174 = vector.broadcast %broadcast_in_dim3A_1173 : f32 to vector<16xf32>
        %get3A_1175 = arith.index_cast %add3A_1172 : i32 to index
        %get3A_1176 = arith.constant 0 : index
        %get3A_1177 = tpu.vector_load %arg9[%get3A_1175, %get3A_1176] {strides = array<i32>} : memref<128x128xf32, #tpu.memory_space<vmem>>, vector<16xf32>,
        %get3A_1178 = arith.index_cast %add3A_1172 : i32 to index
        %get3A_1179 = arith.constant 0 : index
        %get3A_1180 = tpu.vector_load %arg10[%get3A_1178, %get3A_1179] {strides = array<i32>} : memref<128x128xf32, #tpu.memory_space<vmem>>, vector<16xf32>,
        %mul3A_1181 = arith.mulf %get3A_1177, %get3A_1180 : vector<16xf32>
        %add3A_1182 = arith.addf %broadcast_in_dim3A_1174, %mul3A_1181 : vector<16xf32>
        %get3A_1183 = arith.index_cast %add3A_1172 : i32 to index
        %get3A_1184 = arith.constant 16 : index
        %get3A_1185 = tpu.vector_load %arg9[%get3A_1183, %get3A_1184] {strides = array<i32>} : memref<128x128xf32, #tpu.memory_space<vmem>>, vector<16xf32>,
        %get3A_1186 = arith.index_cast %add3A_1172 : i32 to index
        %get3A_1187 = arith.constant 16 : index
        %get3A_1188 = tpu.vector_load %arg10[%get3A_1186, %get3A_1187] {strides = array<i32>} : memref<128x128xf32, #tpu.memory_space<vmem>>, vector<16xf32>,
        %mul3A_1189 = arith.mulf %get3A_1185, %get3A_1188 : vector<16xf32>
        %add3A_1190 = arith.addf %add3A_1182, %mul3A_1189 : vector<16xf32>
        %get3A_1191 = arith.index_cast %add3A_1172 : i32 to index
        %get3A_1192 = arith.constant 32 : index
        %get3A_1193 = tpu.vector_load %arg9[%get3A_1191, %get3A_1192] {strides = array<i32>} : memref<128x128xf32, #tpu.memory_space<vmem>>, vector<16xf32>,
        %get3A_1194 = arith.index_cast %add3A_1172 : i32 to index
        %get3A_1195 = arith.constant 32 : index
        %get3A_1196 = tpu.vector_load %arg10[%get3A_1194, %get3A_1195] {strides = array<i32>} : memref<128x128xf32, #tpu.memory_space<vmem>>, vector<16xf32>,
        %mul3A_1197 = arith.mulf %get3A_1193, %get3A_1196 : vector<16xf32>
        %add3A_1198 = arith.addf %add3A_1190, %mul3A_1197 : vector<16xf32>
        %get3A_1199 = arith.index_cast %add3A_1172 : i32 to index
        %get3A_1200 = arith.constant 48 : index
        %get3A_1201 = tpu.vector_load %arg9[%get3A_1199, %get3A_1200] {strides = array<i32>} : memref<128x128xf32, #tpu.memory_space<vmem>>, vector<16xf32>,
        %get3A_1202 = arith.index_cast %add3A_1172 : i32 to index
        %get3A_1203 = arith.constant 48 : index
        %get3A_1204 = tpu.vector_load %arg10[%get3A_1202, %get3A_1203] {strides = array<i32>} : memref<128x128xf32, #tpu.memory_space<vmem>>, vector<16xf32>,
        %mul3A_1205 = arith.mulf %get3A_1201, %get3A_1204 : vector<16xf32>
        %add3A_1206 = arith.addf %add3A_1198, %mul3A_1205 : vector<16xf32>
        %get3A_1207 = arith.index_cast %add3A_1172 : i32 to index
        %get3A_1208 = arith.constant 64 : index
        %get3A_1209 = tpu.vector_load %arg9[%get3A_1207, %get3A_1208] {strides = array<i32>} : memref<128x128xf32, #tpu.memory_space<vmem>>, vector<16xf32>,
        %get3A_1210 = arith.index_cast %add3A_1172 : i32 to index
        %get3A_1211 = arith.constant 64 : index
        %get3A_1212 = tpu.vector_load %arg10[%get3A_1210, %get3A_1211] {strides = array<i32>} : memref<128x128xf32, #tpu.memory_space<vmem>>, vector<16xf32>,
        %mul3A_1213 = arith.mulf %get3A_1209, %get3A_1212 : vector<16xf32>
        %add3A_1214 = arith.addf %add3A_1206, %mul3A_1213 : vector<16xf32>
        %get3A_1215 = arith.index_cast %add3A_1172 : i32 to index
        %get3A_1216 = arith.constant 80 : index
        %get3A_1217 = tpu.vector_load %arg9[%get3A_1215, %get3A_1216] {strides = array<i32>} : memref<128x128xf32, #tpu.memory_space<vmem>>, vector<16xf32>,
        %get3A_1218 = arith.index_cast %add3A_1172 : i32 to index
        %get3A_1219 = arith.constant 80 : index
        %get3A_1220 = tpu.vector_load %arg10[%get3A_1218, %get3A_1219] {strides = array<i32>} : memref<128x128xf32, #tpu.memory_space<vmem>>, vector<16xf32>,
        %mul3A_1221 = arith.mulf %get3A_1217, %get3A_1220 : vector<16xf32>
        %add3A_1222 = arith.addf %add3A_1214, %mul3A_1221 : vector<16xf32>
        %get3A_1223 = arith.index_cast %add3A_1172 : i32 to index
        %get3A_1224 = arith.constant 96 : index
        %get3A_1225 = tpu.vector_load %arg9[%get3A_1223, %get3A_1224] {strides = array<i32>} : memref<128x128xf32, #tpu.memory_space<vmem>>, vector<16xf32>,
        %get3A_1226 = arith.index_cast %add3A_1172 : i32 to index
        %get3A_1227 = arith.constant 96 : index
        %get3A_1228 = tpu.vector_load %arg10[%get3A_1226, %get3A_1227] {strides = array<i32>} : memref<128x128xf32, #tpu.memory_space<vmem>>, vector<16xf32>,
        %mul3A_1229 = arith.mulf %get3A_1225, %get3A_1228 : vector<16xf32>
        %add3A_1230 = arith.addf %add3A_1222, %mul3A_1229 : vector<16xf32>
        %get3A_1231 = arith.index_cast %add3A_1172 : i32 to index
        %get3A_1232 = arith.constant 112 : index
        %get3A_1233 = tpu.vector_load %arg9[%get3A_1231, %get3A_1232] {strides = array<i32>} : memref<128x128xf32, #tpu.memory_space<vmem>>, vector<16xf32>,
        %get3A_1234 = arith.index_cast %add3A_1172 : i32 to index
        %get3A_1235 = arith.constant 112 : index
        %get3A_1236 = tpu.vector_load %arg10[%get3A_1234, %get3A_1235] {strides = array<i32>} : memref<128x128xf32, #tpu.memory_space<vmem>>, vector<16xf32>,
        %mul3A_1237 = arith.mulf %get3A_1233, %get3A_1236 : vector<16xf32>
        %add3A_1238 = arith.addf %add3A_1230, %mul3A_1237 : vector<16xf32>
        %mul3A_1239 = arith.constant 256 : i32
        %mul3A_1240 = arith.muli %scan3A_31, %mul3A_1239 : i32
        %add3A_1241 = arith.constant 240 : i32
        %add3A_1242 = arith.addi %mul3A_1240, %add3A_1241 : i32
        %swap3A_1243 = arith.index_cast %add3A_1242 : i32 to index
        %swap3A_1244 = tpu.vector_load %arg11[%swap3A_1243] {strides = array<i32>} : memref<2048xf32, #tpu.memory_space<vmem>>, vector<16xf32>,
        tpu.vector_store %arg11[%swap3A_1243], %add3A_1238 {strides = array<i32>} : memref<2048xf32, #tpu.memory_space<vmem>>, vector<16xf32>,
      }
      %scan3A_30 = arith.constant 8 : i32
      "tpu.region"() ({
        %run_scoped3A = tpu.sem_alloc : memref<!tpu.dma_semaphore, #tpu.memory_space<semaphore_mem>>
        %dma_start3A_31 = arith.constant 0 : i32
        %dma_start3A_32 = tpu.memref_slice %arg6[%add3A_15, %dma_start3A_31] : memref<1564x2048xf32, #tpu.memory_space<hbm>> -> memref<1x2048xf32, #tpu.memory_space<hbm>>
        %dma_start3A_33 = tpu.memref_squeeze %dma_start3A_32 : memref<1x2048xf32, #tpu.memory_space<hbm>> -> memref<2048xf32, #tpu.memory_space<hbm>>
        %dma_start3A_34 = arith.constant 0 : i32
        %dma_start3A_35 = tpu.memref_slice %arg6[%add3A_15, %dma_start3A_34] : memref<1564x2048xf32, #tpu.memory_space<hbm>> -> memref<1x2048xf32, #tpu.memory_space<hbm>>
        %dma_start3A_36 = tpu.memref_squeeze %dma_start3A_35 : memref<1x2048xf32, #tpu.memory_space<hbm>> -> memref<2048xf32, #tpu.memory_space<hbm>>
        tpu.enqueue_dma source(%arg11 : memref<2048xf32, #tpu.memory_space<vmem>>) target(%dma_start3A_36 : memref<2048xf32, #tpu.memory_space<hbm>>) target_semaphore(%run_scoped3A : memref<!tpu.dma_semaphore, #tpu.memory_space<semaphore_mem>>)
        %dma_wait3A_37 = arith.constant 0 : i32
        %dma_wait3A_38 = tpu.memref_slice %arg6[%add3A_15, %dma_wait3A_37] : memref<1564x2048xf32, #tpu.memory_space<hbm>> -> memref<1x2048xf32, #tpu.memory_space<hbm>>
        %dma_wait3A_39 = tpu.memref_squeeze %dma_wait3A_38 : memref<1x2048xf32, #tpu.memory_space<hbm>> -> memref<2048xf32, #tpu.memory_space<hbm>>
        %dma_wait3A_40 = arith.constant 0 : i32
        %dma_wait3A_41 = tpu.memref_slice %arg6[%add3A_15, %dma_wait3A_40] : memref<1564x2048xf32, #tpu.memory_space<hbm>> -> memref<1x2048xf32, #tpu.memory_space<hbm>>
        %dma_wait3A_42 = tpu.memref_squeeze %dma_wait3A_41 : memref<1x2048xf32, #tpu.memory_space<hbm>> -> memref<2048xf32, #tpu.memory_space<hbm>>
        tpu.wait_dma2 semaphore(%run_scoped3A : memref<!tpu.dma_semaphore, #tpu.memory_space<semaphore_mem>>) src(%arg11 : memref<2048xf32, #tpu.memory_space<vmem>>) dst(%dma_wait3A_42 : memref<2048xf32, #tpu.memory_space<hbm>>)
        tpu.yield
      }) : () -> ()
    }
    return
  }
}

#map = affine_map<(d0, d1) -> (0, 0)>
#map1 = affine_map<(d0, d1) -> (0, 0, 0)>
module attributes {stable_mosaic.version = 14 : i64} {
  func.func @_scatter_body(%arg0: i32, %arg1: i32, %arg2: memref<2500x128xi32, #tpu.memory_space<hbm>>, %arg3: memref<2500x128xi32, #tpu.memory_space<hbm>>, %arg4: memref<10000x128xf32, #tpu.memory_space<hbm>>, %arg5: memref<10000x128xf32, #tpu.memory_space<hbm>>, %arg6: memref<2x10000x128xf32, #tpu.memory_space<hbm>>, %arg7: memref<128xi32, #tpu.memory_space<vmem>>, %arg8: memref<128xi32, #tpu.memory_space<vmem>>, %arg9: memref<128x128xf32, #tpu.memory_space<vmem>>, %arg10: memref<10000x128xf32, #tpu.memory_space<vmem_shared>>, %arg11: memref<!tpu.dma_semaphore, #tpu.memory_space<semaphore_mem>>) attributes {dimension_semantics = [#tpu.dimension_semantics<core_parallel>, #tpu.dimension_semantics<subcore_parallel>], iteration_bounds = array<i64: 2, 16>, scalar_prefetch = 0 : i64, scratch_operands = 5 : i64, tpu.core_type = #tpu.core_type<sc_vector_subcore>, window_params = [{transform_indices = #map}, {transform_indices = #map}, {transform_indices = #map}, {transform_indices = #map}, {transform_indices = #map1}]} {
    %mul3A = arith.constant 2 : i32
    %mul3A_0 = arith.muli %arg1, %mul3A : i32
    %add3A = arith.addi %mul3A_0, %arg0 : i32
    %mul3A_1 = arith.constant 625 : i32
    %mul3A_2 = arith.muli %arg1, %mul3A_1 : i32
    "tpu.region"() ({
      %run_scoped3A = tpu.sem_alloc : memref<!tpu.dma_semaphore, #tpu.memory_space<semaphore_mem>>
      %dma_start3A = arith.constant 0 : i32
      %dma_start3A_15 = tpu.memref_slice %arg10[%mul3A_2, %dma_start3A] : memref<10000x128xf32, #tpu.memory_space<vmem_shared>> -> memref<625x128xf32, #tpu.memory_space<vmem_shared>>
      %dma_start3A_16 = arith.constant 0 : i32
      %dma_start3A_17 = tpu.memref_slice %arg5[%mul3A_2, %dma_start3A_16] : memref<10000x128xf32, #tpu.memory_space<hbm>> -> memref<625x128xf32, #tpu.memory_space<hbm>>
      tpu.enqueue_dma source(%dma_start3A_17 : memref<625x128xf32, #tpu.memory_space<hbm>>) target(%dma_start3A_15 : memref<625x128xf32, #tpu.memory_space<vmem_shared>>) target_semaphore(%run_scoped3A : memref<!tpu.dma_semaphore, #tpu.memory_space<semaphore_mem>>)
      %dma_wait3A = arith.constant 0 : i32
      %dma_wait3A_18 = tpu.memref_slice %arg10[%mul3A_2, %dma_wait3A] : memref<10000x128xf32, #tpu.memory_space<vmem_shared>> -> memref<625x128xf32, #tpu.memory_space<vmem_shared>>
      %dma_wait3A_19 = arith.constant 0 : i32
      %dma_wait3A_20 = tpu.memref_slice %arg5[%mul3A_2, %dma_wait3A_19] : memref<10000x128xf32, #tpu.memory_space<hbm>> -> memref<625x128xf32, #tpu.memory_space<hbm>>
      tpu.wait_dma2 semaphore(%run_scoped3A : memref<!tpu.dma_semaphore, #tpu.memory_space<semaphore_mem>>) src(%dma_wait3A_20 : memref<625x128xf32, #tpu.memory_space<hbm>>) dst(%dma_wait3A_18 : memref<625x128xf32, #tpu.memory_space<vmem_shared>>)
      tpu.yield
    }) : () -> ()
    %barrier3A = arith.constant 0 : index
    tpu.barrier barrier_id(%barrier3A)
    %lt3A = arith.constant 4 : i32
    %lt3A_3 = arith.cmpi slt, %add3A, %lt3A : i32
    %jit3A = arith.constant 79 : i32
    %jit3A_4 = arith.constant 78 : i32
    %select_n3A = arith.select %lt3A_3, %jit3A, %jit3A_4 : i32
    %while3A = arith.constant 0 : i32
    %while3A_5 = arith.constant 0 : i32
    %while3A_6 = arith.subi %select_n3A, %while3A_5 : i32
    %while3A_7 = arith.addi %while3A_5, %while3A_6 : i32
    %while3A_8 = arith.constant 1 : i32
    %while3A_9 = arith.divsi %while3A_6, %while3A_8 : i32
    %while3A_10 = arith.muli %while3A_9, %while3A_8 : i32
    %while3A_11 = arith.addi %while3A_5, %while3A_10 : i32
    %while3A_12 = arith.constant 1 : i32
    scf.for %while3A_15 = %while3A_5 to %while3A_11 step %while3A_12  : i32 {
      %mul3A_16 = arith.constant 32 : i32
      %mul3A_17 = arith.muli %mul3A_16, %while3A_15 : i32
      %add3A_18 = arith.addi %add3A, %mul3A_17 : i32
      "tpu.region"() ({
        %run_scoped3A = tpu.sem_alloc : memref<!tpu.dma_semaphore, #tpu.memory_space<semaphore_mem>>
        %dma_start3A_23 = arith.constant 0 : i32
        %dma_start3A_24 = tpu.memref_slice %arg2[%add3A_18, %dma_start3A_23] : memref<2500x128xi32, #tpu.memory_space<hbm>> -> memref<1x128xi32, #tpu.memory_space<hbm>>
        %dma_start3A_25 = tpu.memref_squeeze %dma_start3A_24 : memref<1x128xi32, #tpu.memory_space<hbm>> -> memref<128xi32, #tpu.memory_space<hbm>>
        %dma_start3A_26 = arith.constant 0 : i32
        %dma_start3A_27 = tpu.memref_slice %arg2[%add3A_18, %dma_start3A_26] : memref<2500x128xi32, #tpu.memory_space<hbm>> -> memref<1x128xi32, #tpu.memory_space<hbm>>
        %dma_start3A_28 = tpu.memref_squeeze %dma_start3A_27 : memref<1x128xi32, #tpu.memory_space<hbm>> -> memref<128xi32, #tpu.memory_space<hbm>>
        tpu.enqueue_dma source(%dma_start3A_28 : memref<128xi32, #tpu.memory_space<hbm>>) target(%arg7 : memref<128xi32, #tpu.memory_space<vmem>>) target_semaphore(%run_scoped3A : memref<!tpu.dma_semaphore, #tpu.memory_space<semaphore_mem>>)
        %dma_wait3A_29 = arith.constant 0 : i32
        %dma_wait3A_30 = tpu.memref_slice %arg2[%add3A_18, %dma_wait3A_29] : memref<2500x128xi32, #tpu.memory_space<hbm>> -> memref<1x128xi32, #tpu.memory_space<hbm>>
        %dma_wait3A_31 = tpu.memref_squeeze %dma_wait3A_30 : memref<1x128xi32, #tpu.memory_space<hbm>> -> memref<128xi32, #tpu.memory_space<hbm>>
        %dma_wait3A_32 = arith.constant 0 : i32
        %dma_wait3A_33 = tpu.memref_slice %arg2[%add3A_18, %dma_wait3A_32] : memref<2500x128xi32, #tpu.memory_space<hbm>> -> memref<1x128xi32, #tpu.memory_space<hbm>>
        %dma_wait3A_34 = tpu.memref_squeeze %dma_wait3A_33 : memref<1x128xi32, #tpu.memory_space<hbm>> -> memref<128xi32, #tpu.memory_space<hbm>>
        tpu.wait_dma2 semaphore(%run_scoped3A : memref<!tpu.dma_semaphore, #tpu.memory_space<semaphore_mem>>) src(%dma_wait3A_34 : memref<128xi32, #tpu.memory_space<hbm>>) dst(%arg7 : memref<128xi32, #tpu.memory_space<vmem>>)
        tpu.yield
      }) : () -> ()
      "tpu.region"() ({
        %run_scoped3A = tpu.sem_alloc : memref<!tpu.dma_semaphore, #tpu.memory_space<semaphore_mem>>
        %dma_start3A_23 = arith.constant 0 : i32
        %dma_start3A_24 = tpu.memref_slice %arg3[%add3A_18, %dma_start3A_23] : memref<2500x128xi32, #tpu.memory_space<hbm>> -> memref<1x128xi32, #tpu.memory_space<hbm>>
        %dma_start3A_25 = tpu.memref_squeeze %dma_start3A_24 : memref<1x128xi32, #tpu.memory_space<hbm>> -> memref<128xi32, #tpu.memory_space<hbm>>
        %dma_start3A_26 = arith.constant 0 : i32
        %dma_start3A_27 = tpu.memref_slice %arg3[%add3A_18, %dma_start3A_26] : memref<2500x128xi32, #tpu.memory_space<hbm>> -> memref<1x128xi32, #tpu.memory_space<hbm>>
        %dma_start3A_28 = tpu.memref_squeeze %dma_start3A_27 : memref<1x128xi32, #tpu.memory_space<hbm>> -> memref<128xi32, #tpu.memory_space<hbm>>
        tpu.enqueue_dma source(%dma_start3A_28 : memref<128xi32, #tpu.memory_space<hbm>>) target(%arg8 : memref<128xi32, #tpu.memory_space<vmem>>) target_semaphore(%run_scoped3A : memref<!tpu.dma_semaphore, #tpu.memory_space<semaphore_mem>>)
        %dma_wait3A_29 = arith.constant 0 : i32
        %dma_wait3A_30 = tpu.memref_slice %arg3[%add3A_18, %dma_wait3A_29] : memref<2500x128xi32, #tpu.memory_space<hbm>> -> memref<1x128xi32, #tpu.memory_space<hbm>>
        %dma_wait3A_31 = tpu.memref_squeeze %dma_wait3A_30 : memref<1x128xi32, #tpu.memory_space<hbm>> -> memref<128xi32, #tpu.memory_space<hbm>>
        %dma_wait3A_32 = arith.constant 0 : i32
        %dma_wait3A_33 = tpu.memref_slice %arg3[%add3A_18, %dma_wait3A_32] : memref<2500x128xi32, #tpu.memory_space<hbm>> -> memref<1x128xi32, #tpu.memory_space<hbm>>
        %dma_wait3A_34 = tpu.memref_squeeze %dma_wait3A_33 : memref<1x128xi32, #tpu.memory_space<hbm>> -> memref<128xi32, #tpu.memory_space<hbm>>
        tpu.wait_dma2 semaphore(%run_scoped3A : memref<!tpu.dma_semaphore, #tpu.memory_space<semaphore_mem>>) src(%dma_wait3A_34 : memref<128xi32, #tpu.memory_space<hbm>>) dst(%arg8 : memref<128xi32, #tpu.memory_space<vmem>>)
        tpu.yield
      }) : () -> ()
      %dma_start3A = arith.constant 0 : i32
      %dma_start3A_19 = arith.constant 0 : i32
      %dma_start3A_20 = tpu.memref_slice %arg4[%dma_start3A, %dma_start3A_19] : memref<10000x128xf32, #tpu.memory_space<hbm>> -> memref<10000x128xf32, #tpu.memory_space<hbm>>
      tpu.enqueue_indirect_dma source(%dma_start3A_20 : memref<10000x128xf32, #tpu.memory_space<hbm>>) target(%arg9 : memref<128x128xf32, #tpu.memory_space<vmem>>) offsets(%arg7 : memref<128xi32, #tpu.memory_space<vmem>>) semaphore(%arg11 : memref<!tpu.dma_semaphore, #tpu.memory_space<semaphore_mem>>)
      %dma_wait3A = arith.constant 0 : i32
      %dma_wait3A_21 = arith.constant 0 : i32
      %dma_wait3A_22 = tpu.memref_slice %arg4[%dma_wait3A, %dma_wait3A_21] : memref<10000x128xf32, #tpu.memory_space<hbm>> -> memref<10000x128xf32, #tpu.memory_space<hbm>>
      tpu.wait_indirect_dma semaphore(%arg11 : memref<!tpu.dma_semaphore, #tpu.memory_space<semaphore_mem>>) src(%dma_wait3A_22 : memref<10000x128xf32, #tpu.memory_space<hbm>>) dst(%arg9 : memref<128x128xf32, #tpu.memory_space<vmem>>)
      "tpu.region"() ({
        %run_scoped3A = tpu.sem_alloc : memref<!tpu.dma_semaphore, #tpu.memory_space<semaphore_mem>>
        %dma_start3A_23 = arith.constant 0 : i32
        %dma_start3A_24 = arith.constant 0 : i32
        %dma_start3A_25 = tpu.memref_slice %arg10[%dma_start3A_23, %dma_start3A_24] : memref<10000x128xf32, #tpu.memory_space<vmem_shared>> -> memref<10000x128xf32, #tpu.memory_space<vmem_shared>>
        tpu.enqueue_indirect_dma source(%arg9 : memref<128x128xf32, #tpu.memory_space<vmem>>) target(%dma_start3A_25 : memref<10000x128xf32, #tpu.memory_space<vmem_shared>>) offsets(%arg8 : memref<128xi32, #tpu.memory_space<vmem>>) semaphore(%run_scoped3A : memref<!tpu.dma_semaphore, #tpu.memory_space<semaphore_mem>>) {add = true}
        %dma_wait3A_26 = arith.constant 0 : i32
        %dma_wait3A_27 = arith.constant 0 : i32
        %dma_wait3A_28 = tpu.memref_slice %arg10[%dma_wait3A_26, %dma_wait3A_27] : memref<10000x128xf32, #tpu.memory_space<vmem_shared>> -> memref<10000x128xf32, #tpu.memory_space<vmem_shared>>
        tpu.wait_indirect_dma semaphore(%run_scoped3A : memref<!tpu.dma_semaphore, #tpu.memory_space<semaphore_mem>>) src(%arg9 : memref<128x128xf32, #tpu.memory_space<vmem>>) dst(%dma_wait3A_28 : memref<10000x128xf32, #tpu.memory_space<vmem_shared>>)
        tpu.yield
      }) : () -> ()
    }
    %while3A_13 = arith.constant 1 : i32
    scf.for %while3A_15 = %while3A_11 to %while3A_7 step %while3A_13  : i32 {
      %mul3A_16 = arith.constant 32 : i32
      %mul3A_17 = arith.muli %mul3A_16, %while3A_15 : i32
      %add3A_18 = arith.addi %add3A, %mul3A_17 : i32
      "tpu.region"() ({
        %run_scoped3A = tpu.sem_alloc : memref<!tpu.dma_semaphore, #tpu.memory_space<semaphore_mem>>
        %dma_start3A_23 = arith.constant 0 : i32
        %dma_start3A_24 = tpu.memref_slice %arg2[%add3A_18, %dma_start3A_23] : memref<2500x128xi32, #tpu.memory_space<hbm>> -> memref<1x128xi32, #tpu.memory_space<hbm>>
        %dma_start3A_25 = tpu.memref_squeeze %dma_start3A_24 : memref<1x128xi32, #tpu.memory_space<hbm>> -> memref<128xi32, #tpu.memory_space<hbm>>
        %dma_start3A_26 = arith.constant 0 : i32
        %dma_start3A_27 = tpu.memref_slice %arg2[%add3A_18, %dma_start3A_26] : memref<2500x128xi32, #tpu.memory_space<hbm>> -> memref<1x128xi32, #tpu.memory_space<hbm>>
        %dma_start3A_28 = tpu.memref_squeeze %dma_start3A_27 : memref<1x128xi32, #tpu.memory_space<hbm>> -> memref<128xi32, #tpu.memory_space<hbm>>
        tpu.enqueue_dma source(%dma_start3A_28 : memref<128xi32, #tpu.memory_space<hbm>>) target(%arg7 : memref<128xi32, #tpu.memory_space<vmem>>) target_semaphore(%run_scoped3A : memref<!tpu.dma_semaphore, #tpu.memory_space<semaphore_mem>>)
        %dma_wait3A_29 = arith.constant 0 : i32
        %dma_wait3A_30 = tpu.memref_slice %arg2[%add3A_18, %dma_wait3A_29] : memref<2500x128xi32, #tpu.memory_space<hbm>> -> memref<1x128xi32, #tpu.memory_space<hbm>>
        %dma_wait3A_31 = tpu.memref_squeeze %dma_wait3A_30 : memref<1x128xi32, #tpu.memory_space<hbm>> -> memref<128xi32, #tpu.memory_space<hbm>>
        %dma_wait3A_32 = arith.constant 0 : i32
        %dma_wait3A_33 = tpu.memref_slice %arg2[%add3A_18, %dma_wait3A_32] : memref<2500x128xi32, #tpu.memory_space<hbm>> -> memref<1x128xi32, #tpu.memory_space<hbm>>
        %dma_wait3A_34 = tpu.memref_squeeze %dma_wait3A_33 : memref<1x128xi32, #tpu.memory_space<hbm>> -> memref<128xi32, #tpu.memory_space<hbm>>
        tpu.wait_dma2 semaphore(%run_scoped3A : memref<!tpu.dma_semaphore, #tpu.memory_space<semaphore_mem>>) src(%dma_wait3A_34 : memref<128xi32, #tpu.memory_space<hbm>>) dst(%arg7 : memref<128xi32, #tpu.memory_space<vmem>>)
        tpu.yield
      }) : () -> ()
      "tpu.region"() ({
        %run_scoped3A = tpu.sem_alloc : memref<!tpu.dma_semaphore, #tpu.memory_space<semaphore_mem>>
        %dma_start3A_23 = arith.constant 0 : i32
        %dma_start3A_24 = tpu.memref_slice %arg3[%add3A_18, %dma_start3A_23] : memref<2500x128xi32, #tpu.memory_space<hbm>> -> memref<1x128xi32, #tpu.memory_space<hbm>>
        %dma_start3A_25 = tpu.memref_squeeze %dma_start3A_24 : memref<1x128xi32, #tpu.memory_space<hbm>> -> memref<128xi32, #tpu.memory_space<hbm>>
        %dma_start3A_26 = arith.constant 0 : i32
        %dma_start3A_27 = tpu.memref_slice %arg3[%add3A_18, %dma_start3A_26] : memref<2500x128xi32, #tpu.memory_space<hbm>> -> memref<1x128xi32, #tpu.memory_space<hbm>>
        %dma_start3A_28 = tpu.memref_squeeze %dma_start3A_27 : memref<1x128xi32, #tpu.memory_space<hbm>> -> memref<128xi32, #tpu.memory_space<hbm>>
        tpu.enqueue_dma source(%dma_start3A_28 : memref<128xi32, #tpu.memory_space<hbm>>) target(%arg8 : memref<128xi32, #tpu.memory_space<vmem>>) target_semaphore(%run_scoped3A : memref<!tpu.dma_semaphore, #tpu.memory_space<semaphore_mem>>)
        %dma_wait3A_29 = arith.constant 0 : i32
        %dma_wait3A_30 = tpu.memref_slice %arg3[%add3A_18, %dma_wait3A_29] : memref<2500x128xi32, #tpu.memory_space<hbm>> -> memref<1x128xi32, #tpu.memory_space<hbm>>
        %dma_wait3A_31 = tpu.memref_squeeze %dma_wait3A_30 : memref<1x128xi32, #tpu.memory_space<hbm>> -> memref<128xi32, #tpu.memory_space<hbm>>
        %dma_wait3A_32 = arith.constant 0 : i32
        %dma_wait3A_33 = tpu.memref_slice %arg3[%add3A_18, %dma_wait3A_32] : memref<2500x128xi32, #tpu.memory_space<hbm>> -> memref<1x128xi32, #tpu.memory_space<hbm>>
        %dma_wait3A_34 = tpu.memref_squeeze %dma_wait3A_33 : memref<1x128xi32, #tpu.memory_space<hbm>> -> memref<128xi32, #tpu.memory_space<hbm>>
        tpu.wait_dma2 semaphore(%run_scoped3A : memref<!tpu.dma_semaphore, #tpu.memory_space<semaphore_mem>>) src(%dma_wait3A_34 : memref<128xi32, #tpu.memory_space<hbm>>) dst(%arg8 : memref<128xi32, #tpu.memory_space<vmem>>)
        tpu.yield
      }) : () -> ()
      %dma_start3A = arith.constant 0 : i32
      %dma_start3A_19 = arith.constant 0 : i32
      %dma_start3A_20 = tpu.memref_slice %arg4[%dma_start3A, %dma_start3A_19] : memref<10000x128xf32, #tpu.memory_space<hbm>> -> memref<10000x128xf32, #tpu.memory_space<hbm>>
      tpu.enqueue_indirect_dma source(%dma_start3A_20 : memref<10000x128xf32, #tpu.memory_space<hbm>>) target(%arg9 : memref<128x128xf32, #tpu.memory_space<vmem>>) offsets(%arg7 : memref<128xi32, #tpu.memory_space<vmem>>) semaphore(%arg11 : memref<!tpu.dma_semaphore, #tpu.memory_space<semaphore_mem>>)
      %dma_wait3A = arith.constant 0 : i32
      %dma_wait3A_21 = arith.constant 0 : i32
      %dma_wait3A_22 = tpu.memref_slice %arg4[%dma_wait3A, %dma_wait3A_21] : memref<10000x128xf32, #tpu.memory_space<hbm>> -> memref<10000x128xf32, #tpu.memory_space<hbm>>
      tpu.wait_indirect_dma semaphore(%arg11 : memref<!tpu.dma_semaphore, #tpu.memory_space<semaphore_mem>>) src(%dma_wait3A_22 : memref<10000x128xf32, #tpu.memory_space<hbm>>) dst(%arg9 : memref<128x128xf32, #tpu.memory_space<vmem>>)
      "tpu.region"() ({
        %run_scoped3A = tpu.sem_alloc : memref<!tpu.dma_semaphore, #tpu.memory_space<semaphore_mem>>
        %dma_start3A_23 = arith.constant 0 : i32
        %dma_start3A_24 = arith.constant 0 : i32
        %dma_start3A_25 = tpu.memref_slice %arg10[%dma_start3A_23, %dma_start3A_24] : memref<10000x128xf32, #tpu.memory_space<vmem_shared>> -> memref<10000x128xf32, #tpu.memory_space<vmem_shared>>
        tpu.enqueue_indirect_dma source(%arg9 : memref<128x128xf32, #tpu.memory_space<vmem>>) target(%dma_start3A_25 : memref<10000x128xf32, #tpu.memory_space<vmem_shared>>) offsets(%arg8 : memref<128xi32, #tpu.memory_space<vmem>>) semaphore(%run_scoped3A : memref<!tpu.dma_semaphore, #tpu.memory_space<semaphore_mem>>) {add = true}
        %dma_wait3A_26 = arith.constant 0 : i32
        %dma_wait3A_27 = arith.constant 0 : i32
        %dma_wait3A_28 = tpu.memref_slice %arg10[%dma_wait3A_26, %dma_wait3A_27] : memref<10000x128xf32, #tpu.memory_space<vmem_shared>> -> memref<10000x128xf32, #tpu.memory_space<vmem_shared>>
        tpu.wait_indirect_dma semaphore(%run_scoped3A : memref<!tpu.dma_semaphore, #tpu.memory_space<semaphore_mem>>) src(%arg9 : memref<128x128xf32, #tpu.memory_space<vmem>>) dst(%dma_wait3A_28 : memref<10000x128xf32, #tpu.memory_space<vmem_shared>>)
        tpu.yield
      }) : () -> ()
    }
    %barrier3A_14 = arith.constant 0 : index
    tpu.barrier barrier_id(%barrier3A_14)
    "tpu.region"() ({
      %run_scoped3A = tpu.sem_alloc : memref<!tpu.dma_semaphore, #tpu.memory_space<semaphore_mem>>
      %dma_start3A = arith.constant 0 : i32
      %dma_start3A_15 = tpu.memref_slice %arg6[%arg0, %mul3A_2, %dma_start3A] : memref<2x10000x128xf32, #tpu.memory_space<hbm>> -> memref<1x625x128xf32, #tpu.memory_space<hbm>>
      %dma_start3A_16 = tpu.memref_squeeze %dma_start3A_15 : memref<1x625x128xf32, #tpu.memory_space<hbm>> -> memref<625x128xf32, #tpu.memory_space<hbm>>
      %dma_start3A_17 = arith.constant 0 : i32
      %dma_start3A_18 = tpu.memref_slice %arg10[%mul3A_2, %dma_start3A_17] : memref<10000x128xf32, #tpu.memory_space<vmem_shared>> -> memref<625x128xf32, #tpu.memory_space<vmem_shared>>
      tpu.enqueue_dma source(%dma_start3A_18 : memref<625x128xf32, #tpu.memory_space<vmem_shared>>) target(%dma_start3A_16 : memref<625x128xf32, #tpu.memory_space<hbm>>) target_semaphore(%run_scoped3A : memref<!tpu.dma_semaphore, #tpu.memory_space<semaphore_mem>>)
      %dma_wait3A = arith.constant 0 : i32
      %dma_wait3A_19 = tpu.memref_slice %arg6[%arg0, %mul3A_2, %dma_wait3A] : memref<2x10000x128xf32, #tpu.memory_space<hbm>> -> memref<1x625x128xf32, #tpu.memory_space<hbm>>
      %dma_wait3A_20 = tpu.memref_squeeze %dma_wait3A_19 : memref<1x625x128xf32, #tpu.memory_space<hbm>> -> memref<625x128xf32, #tpu.memory_space<hbm>>
      %dma_wait3A_21 = arith.constant 0 : i32
      %dma_wait3A_22 = tpu.memref_slice %arg10[%mul3A_2, %dma_wait3A_21] : memref<10000x128xf32, #tpu.memory_space<vmem_shared>> -> memref<625x128xf32, #tpu.memory_space<vmem_shared>>
      tpu.wait_dma2 semaphore(%run_scoped3A : memref<!tpu.dma_semaphore, #tpu.memory_space<semaphore_mem>>) src(%dma_wait3A_22 : memref<625x128xf32, #tpu.memory_space<vmem_shared>>) dst(%dma_wait3A_20 : memref<625x128xf32, #tpu.memory_space<hbm>>)
      tpu.yield
    }) : () -> ()
    return
  }
}

module attributes {stable_mosaic.version = 14 : i64} {
  func.func @_evolve_body(%arg0: memref<10000x128xf32, #tpu.memory_space<vmem>>, %arg1: memref<128x1xf32, #tpu.memory_space<vmem>>, %arg2: memref<384x128xf32, #tpu.memory_space<vmem>>, %arg3: memref<384x128xf32, #tpu.memory_space<vmem>>, %arg4: memref<1x384xf32, #tpu.memory_space<vmem>>, %arg5: memref<1x384xf32, #tpu.memory_space<vmem>>, %arg6: memref<128x128xf32, #tpu.memory_space<vmem>>, %arg7: memref<10000x1xf32, #tpu.memory_space<vmem>>, %arg8: memref<10000x1xf32, #tpu.memory_space<vmem>>, %arg9: memref<10000x128xf32, #tpu.memory_space<vmem>>, %arg10: memref<10000x1xf32, #tpu.memory_space<vmem>>, %arg11: memref<128x10000xf32, #tpu.memory_space<vmem>>) attributes {dimension_semantics = [], scalar_prefetch = 0 : i64, scratch_operands = 1 : i64, tpu.core_type = #tpu.core_type<tc>} {
    %get3A = arith.constant 0 : index
    %get3A_0 = arith.constant 0 : index
    %get3A_1 = vector.load %arg1[%get3A, %get3A_0] : memref<128x1xf32, #tpu.memory_space<vmem>>, vector<128x1xf32>
    %get3A_2 = arith.constant 0 : index
    %get3A_3 = arith.constant 0 : index
    %get3A_4 = vector.load %arg0[%get3A_2, %get3A_3] : memref<10000x128xf32, #tpu.memory_space<vmem>>, vector<10000x128xf32>
    %dot_general3A = arith.constant dense<0.000000e+00> : vector<10000x1xf32>
    %dot_general3A_5 = tpu.matmul %get3A_4, %get3A_1, %dot_general3A {dimension_numbers = #tpu.dot_dimension_numbers<[1], [0], [0], [1], [0, 0, 1, 1], [], []>, transpose_lhs_hint = false} : vector<10000x128xf32>, vector<128x1xf32>, vector<10000x1xf32> -> vector<10000x1xf32>
    %reshape3A = vector.shape_cast %dot_general3A_5 : vector<10000x1xf32> to vector<625x16xf32>
    %iota3A = tpu.iota {dimensions = array<i32: 0>} : vector<625x16xi32>
    %mul3A = arith.constant 16 : i32
    %mul3A_6 = vector.broadcast %mul3A : i32 to vector<625x16xi32>
    %mul3A_7 = arith.muli %iota3A, %mul3A_6 : vector<625x16xi32>
    %iota3A_8 = tpu.iota {dimensions = array<i32: 1>} : vector<625x16xi32>
    %add3A = arith.addi %mul3A_7, %iota3A_8 : vector<625x16xi32>
    %iota3A_9 = tpu.iota {dimensions = array<i32: 1>} : vector<1x128xi32>
    %iota3A_10 = tpu.iota {dimensions = array<i32: 1>} : vector<1x10000xi32>
    %broadcast_in_dim3A = arith.constant 0.000000e+00 : f32
    %broadcast_in_dim3A_11 = vector.broadcast %broadcast_in_dim3A : f32 to vector<1x128xf32>
    %scan3A = arith.constant 1073741824 : i32
    %scan3A_12 = arith.constant -3.000000e+38 : f32
    %scan3A_13 = arith.constant 0 : i32
    %scan3A_14 = arith.constant 128 : i32
    %scan3A_15 = arith.addi %scan3A_13, %scan3A_14 : i32
    %scan3A_16 = arith.constant 1 : i32
    %scan3A_17:2 = scf.for %scan3A_112 = %scan3A_13 to %scan3A_15 step %scan3A_16 iter_args(%scan3A_113 = %reshape3A, %scan3A_114 = %broadcast_in_dim3A_11) -> (vector<625x16xf32>, vector<1x128xf32>)  : i32 {
      %reduce_max3A = vector.shape_cast %scan3A_113 : vector<625x16xf32> to vector<1x625x16xf32>
      %reduce_max3A_115 = arith.constant dense<0xFF800000> : vector<1xf32>
      %reduce_max3A_116 = vector.multi_reduction <maximumf>, %reduce_max3A, %reduce_max3A_115 [1, 2] : vector<1x625x16xf32> to vector<1xf32>
      %reduce_max3A_117 = vector.shape_cast %reduce_max3A_116 : vector<1xf32> to vector<1x1x1xf32>
      %reduce_max3A_118 = vector.extract %reduce_max3A_117[0, 0, 0] : f32 from vector<1x1x1xf32>
      %eq3A_119 = vector.broadcast %reduce_max3A_118 : f32 to vector<625x16xf32>
      %eq3A_120 = arith.cmpf oeq, %scan3A_113, %eq3A_119 : vector<625x16xf32>
      %broadcast_in_dim3A_121 = vector.broadcast %scan3A : i32 to vector<625x16xi32>
      %select_n3A_122 = arith.select %eq3A_120, %add3A, %broadcast_in_dim3A_121 : vector<625x16xi1>, vector<625x16xi32>
      %reduce_min3A = vector.shape_cast %select_n3A_122 : vector<625x16xi32> to vector<1x625x16xi32>
      %reduce_min3A_123 = arith.constant dense<2147483647> : vector<1xi32>
      %reduce_min3A_124 = vector.multi_reduction <minsi>, %reduce_min3A, %reduce_min3A_123 [1, 2] : vector<1x625x16xi32> to vector<1xi32>
      %reduce_min3A_125 = vector.shape_cast %reduce_min3A_124 : vector<1xi32> to vector<1x1x1xi32>
      %reduce_min3A_126 = vector.extract %reduce_min3A_125[0, 0, 0] : i32 from vector<1x1x1xi32>
      %eq3A_127 = vector.broadcast %scan3A_112 : i32 to vector<1x128xi32>
      %eq3A_128 = arith.cmpi eq, %iota3A_9, %eq3A_127 : vector<1x128xi32>
      %broadcast_in_dim3A_129 = vector.broadcast %reduce_max3A_118 : f32 to vector<1x128xf32>
      %select_n3A_130 = arith.select %eq3A_128, %broadcast_in_dim3A_129, %scan3A_114 : vector<1x128xi1>, vector<1x128xf32>
      %eq3A_131 = vector.broadcast %reduce_min3A_126 : i32 to vector<1x10000xi32>
      %eq3A_132 = arith.cmpi eq, %iota3A_10, %eq3A_131 : vector<1x10000xi32>
      %convert_element_type3A_133 = arith.extui %eq3A_132 : vector<1x10000xi1> to vector<1x10000xi32>
      %convert_element_type3A_134 = arith.sitofp %convert_element_type3A_133 : vector<1x10000xi32> to vector<1x10000xf32>
      %swap3A_135 = arith.index_cast %scan3A_112 : i32 to index
      %swap3A_136 = arith.constant 0 : index
      %swap3A_137 = vector.load %arg11[%swap3A_135, %swap3A_136] : memref<128x10000xf32, #tpu.memory_space<vmem>>, vector<1x10000xf32>
      tpu.vector_store %arg11[%swap3A_135, %swap3A_136], %convert_element_type3A_134 {strides = array<i32>} : memref<128x10000xf32, #tpu.memory_space<vmem>>, vector<1x10000xf32>,
      %eq3A_138 = vector.broadcast %reduce_min3A_126 : i32 to vector<625x16xi32>
      %eq3A_139 = arith.cmpi eq, %add3A, %eq3A_138 : vector<625x16xi32>
      %broadcast_in_dim3A_140 = vector.broadcast %scan3A_12 : f32 to vector<625x16xf32>
      %select_n3A_141 = arith.select %eq3A_139, %broadcast_in_dim3A_140, %scan3A_113 : vector<625x16xi1>, vector<625x16xf32>
      scf.yield %select_n3A_141, %select_n3A_130 : vector<625x16xf32>, vector<1x128xf32>
    }
    %scan3A_18 = arith.constant 128 : i32
    %mul3A_19 = arith.mulf %get3A_1, %get3A_1 : vector<128x1xf32>
    %reduce_sum3A = vector.shape_cast %mul3A_19 : vector<128x1xf32> to vector<1x128x1xf32>
    %reduce_sum3A_20 = arith.constant dense<0.000000e+00> : vector<1xf32>
    %reduce_sum3A_21 = vector.multi_reduction <add>, %reduce_sum3A, %reduce_sum3A_20 [1, 2] : vector<1x128x1xf32> to vector<1xf32>
    %reduce_sum3A_22 = vector.shape_cast %reduce_sum3A_21 : vector<1xf32> to vector<1x1x1xf32>
    %reduce_sum3A_23 = vector.extract %reduce_sum3A_22[0, 0, 0] : f32 from vector<1x1x1xf32>
    %rsqrt3A = math.rsqrt %reduce_sum3A_23 : f32
    %mul3A_24 = vector.broadcast %rsqrt3A : f32 to vector<1x128xf32>
    %mul3A_25 = arith.mulf %scan3A_17#1, %mul3A_24 : vector<1x128xf32>
    %tanh3A = math.tanh %mul3A_25 : vector<1x128xf32>
    %get3A_26 = arith.constant 0 : index
    %get3A_27 = arith.constant 0 : index
    %get3A_28 = vector.load %arg0[%get3A_26, %get3A_27] : memref<10000x128xf32, #tpu.memory_space<vmem>>, vector<10000x128xf32>
    %get3A_29 = arith.constant 0 : index
    %get3A_30 = arith.constant 0 : index
    %get3A_31 = vector.load %arg11[%get3A_29, %get3A_30] : memref<128x10000xf32, #tpu.memory_space<vmem>>, vector<128x10000xf32>
    %dot_general3A_32 = arith.constant dense<0.000000e+00> : vector<128x128xf32>
    %dot_general3A_33 = tpu.matmul %get3A_31, %get3A_28, %dot_general3A_32 {dimension_numbers = #tpu.dot_dimension_numbers<[1], [0], [0], [1], [0, 0, 1, 1], [], []>, precision = #tpu.contract_precision<fp32>, transpose_lhs_hint = false} : vector<128x10000xf32>, vector<10000x128xf32>, vector<128x128xf32> -> vector<128x128xf32>
    %iota3A_34 = tpu.iota {dimensions = array<i32: 0>} : vector<128x128xi32>
    %iota3A_35 = tpu.iota {dimensions = array<i32: 1>} : vector<128x128xi32>
    %eq3A = arith.cmpi eq, %iota3A_34, %iota3A_35 : vector<128x128xi32>
    %convert_element_type3A = arith.extui %eq3A : vector<128x128xi1> to vector<128x128xi32>
    %convert_element_type3A_36 = arith.sitofp %convert_element_type3A : vector<128x128xi32> to vector<128x128xf32>
    %mul3A_37 = vector.broadcast %tanh3A : vector<1x128xf32> to vector<128x128xf32>
    %mul3A_38 = arith.mulf %convert_element_type3A_36, %mul3A_37 : vector<128x128xf32>
    %dot_general3A_39 = arith.constant dense<0.000000e+00> : vector<128x128xf32>
    %dot_general3A_40 = tpu.matmul %mul3A_38, %dot_general3A_33, %dot_general3A_39 {dimension_numbers = #tpu.dot_dimension_numbers<[1], [0], [0], [1], [0, 0, 1, 1], [], []>, precision = #tpu.contract_precision<fp32>, transpose_lhs_hint = false} : vector<128x128xf32>, vector<128x128xf32>, vector<128x128xf32> -> vector<128x128xf32>
    %get3A_41 = arith.constant 0 : index
    %get3A_42 = arith.constant 0 : index
    %get3A_43 = vector.load %arg6[%get3A_41, %get3A_42] : memref<128x128xf32, #tpu.memory_space<vmem>>, vector<128x128xf32>
    %get3A_44 = arith.constant 0 : index
    %get3A_45 = arith.constant 0 : index
    %get3A_46 = vector.load %arg2[%get3A_44, %get3A_45] : memref<384x128xf32, #tpu.memory_space<vmem>>, vector<384x128xf32>
    %dot_general3A_47 = arith.constant dense<0.000000e+00> : vector<128x384xf32>
    %dot_general3A_48 = tpu.matmul %dot_general3A_40, %get3A_46, %dot_general3A_47 {dimension_numbers = #tpu.dot_dimension_numbers<[1], [1], [0], [0], [0, 0, 1, 0], [], []>, precision = #tpu.contract_precision<fp32>, transpose_lhs_hint = false} : vector<128x128xf32>, vector<384x128xf32>, vector<128x384xf32> -> vector<128x384xf32>
    %get3A_49 = arith.constant 0 : index
    %get3A_50 = arith.constant 0 : index
    %get3A_51 = vector.load %arg4[%get3A_49, %get3A_50] : memref<1x384xf32, #tpu.memory_space<vmem>>, vector<1x384xf32>
    %add3A_52 = vector.broadcast %get3A_51 : vector<1x384xf32> to vector<128x384xf32>
    %add3A_53 = arith.addf %dot_general3A_48, %add3A_52 : vector<128x384xf32>
    %get3A_54 = arith.constant 0 : index
    %get3A_55 = arith.constant 0 : index
    %get3A_56 = vector.load %arg3[%get3A_54, %get3A_55] : memref<384x128xf32, #tpu.memory_space<vmem>>, vector<384x128xf32>
    %dot_general3A_57 = arith.constant dense<0.000000e+00> : vector<128x384xf32>
    %dot_general3A_58 = tpu.matmul %get3A_43, %get3A_56, %dot_general3A_57 {dimension_numbers = #tpu.dot_dimension_numbers<[1], [1], [0], [0], [0, 0, 1, 0], [], []>, precision = #tpu.contract_precision<fp32>, transpose_lhs_hint = false} : vector<128x128xf32>, vector<384x128xf32>, vector<128x384xf32> -> vector<128x384xf32>
    %get3A_59 = arith.constant 0 : index
    %get3A_60 = arith.constant 0 : index
    %get3A_61 = vector.load %arg5[%get3A_59, %get3A_60] : memref<1x384xf32, #tpu.memory_space<vmem>>, vector<1x384xf32>
    %add3A_62 = vector.broadcast %get3A_61 : vector<1x384xf32> to vector<128x384xf32>
    %add3A_63 = arith.addf %dot_general3A_58, %add3A_62 : vector<128x384xf32>
    %slice3A = vector.extract_strided_slice %add3A_53 {offsets = [0, 0], sizes = [128, 128], strides = [1, 1]} : vector<128x384xf32> to vector<128x128xf32>
    %slice3A_64 = vector.extract_strided_slice %add3A_53 {offsets = [0, 128], sizes = [128, 128], strides = [1, 1]} : vector<128x384xf32> to vector<128x128xf32>
    %slice3A_65 = vector.extract_strided_slice %add3A_53 {offsets = [0, 256], sizes = [128, 128], strides = [1, 1]} : vector<128x384xf32> to vector<128x128xf32>
    %slice3A_66 = vector.extract_strided_slice %add3A_63 {offsets = [0, 0], sizes = [128, 128], strides = [1, 1]} : vector<128x384xf32> to vector<128x128xf32>
    %slice3A_67 = vector.extract_strided_slice %add3A_63 {offsets = [0, 128], sizes = [128, 128], strides = [1, 1]} : vector<128x384xf32> to vector<128x128xf32>
    %slice3A_68 = vector.extract_strided_slice %add3A_63 {offsets = [0, 256], sizes = [128, 128], strides = [1, 1]} : vector<128x384xf32> to vector<128x128xf32>
    %add3A_69 = arith.addf %slice3A, %slice3A_66 : vector<128x128xf32>
    %logistic3A = arith.negf %add3A_69 : vector<128x128xf32>
    %logistic3A_70 = math.exp %logistic3A : vector<128x128xf32>
    %logistic3A_71 = arith.constant 1.000000e+00 : f32
    %logistic3A_72 = vector.broadcast %logistic3A_71 : f32 to vector<128x128xf32>
    %logistic3A_73 = arith.addf %logistic3A_72, %logistic3A_70 : vector<128x128xf32>
    %logistic3A_74 = arith.divf %logistic3A_72, %logistic3A_73 : vector<128x128xf32>
    %add3A_75 = arith.addf %slice3A_64, %slice3A_67 : vector<128x128xf32>
    %logistic3A_76 = arith.negf %add3A_75 : vector<128x128xf32>
    %logistic3A_77 = math.exp %logistic3A_76 : vector<128x128xf32>
    %logistic3A_78 = arith.constant 1.000000e+00 : f32
    %logistic3A_79 = vector.broadcast %logistic3A_78 : f32 to vector<128x128xf32>
    %logistic3A_80 = arith.addf %logistic3A_79, %logistic3A_77 : vector<128x128xf32>
    %logistic3A_81 = arith.divf %logistic3A_79, %logistic3A_80 : vector<128x128xf32>
    %mul3A_82 = arith.mulf %logistic3A_74, %slice3A_68 : vector<128x128xf32>
    %add3A_83 = arith.addf %slice3A_65, %mul3A_82 : vector<128x128xf32>
    %tanh3A_84 = math.tanh %add3A_83 : vector<128x128xf32>
    %sub3A = arith.constant 1.000000e+00 : f32
    %sub3A_85 = vector.broadcast %sub3A : f32 to vector<128x128xf32>
    %sub3A_86 = arith.subf %sub3A_85, %logistic3A_81 : vector<128x128xf32>
    %mul3A_87 = arith.mulf %sub3A_86, %tanh3A_84 : vector<128x128xf32>
    %mul3A_88 = arith.mulf %logistic3A_81, %get3A_43 : vector<128x128xf32>
    %add3A_89 = arith.addf %mul3A_87, %mul3A_88 : vector<128x128xf32>
    %dot_general3A_90 = arith.constant dense<0.000000e+00> : vector<10000x128xf32>
    %dot_general3A_91 = tpu.matmul %get3A_28, %add3A_89, %dot_general3A_90 {dimension_numbers = #tpu.dot_dimension_numbers<[1], [0], [0], [1], [0, 0, 1, 1], [], []>, transpose_lhs_hint = false} : vector<10000x128xf32>, vector<128x128xf32>, vector<10000x128xf32> -> vector<10000x128xf32>
    %get3A_92 = arith.constant 0 : index
    %get3A_93 = arith.constant 0 : index
    %get3A_94 = vector.load %arg7[%get3A_92, %get3A_93] : memref<10000x1xf32, #tpu.memory_space<vmem>>, vector<10000x1xf32>
    %get3A_95 = arith.constant 0 : index
    %get3A_96 = arith.constant 0 : index
    %get3A_97 = vector.load %arg8[%get3A_95, %get3A_96] : memref<10000x1xf32, #tpu.memory_space<vmem>>, vector<10000x1xf32>
    %add3A_98 = arith.addf %get3A_94, %get3A_97 : vector<10000x1xf32>
    %gt3A = arith.constant 0.000000e+00 : f32
    %gt3A_99 = vector.broadcast %gt3A : f32 to vector<10000x1xf32>
    %gt3A_100 = arith.cmpf ogt, %add3A_98, %gt3A_99 : vector<10000x1xf32>
    %max3A = arith.constant 9.99999996E-13 : f32
    %max3A_101 = vector.broadcast %max3A : f32 to vector<10000x1xf32>
    %max3A_102 = arith.maximumf %add3A_98, %max3A_101 : vector<10000x1xf32>
    %rsqrt3A_103 = math.rsqrt %max3A_102 : vector<10000x1xf32>
    %jit3A = arith.constant 0.000000e+00 : f32
    %broadcast_in_dim3A_104 = vector.broadcast %jit3A : f32 to vector<10000x1xf32>
    %select_n3A = arith.select %gt3A_100, %rsqrt3A_103, %broadcast_in_dim3A_104 : vector<10000x1xi1>, vector<10000x1xf32>
    %swap3A = arith.constant 0 : index
    %swap3A_105 = arith.constant 0 : index
    %swap3A_106 = vector.load %arg10[%swap3A, %swap3A_105] : memref<10000x1xf32, #tpu.memory_space<vmem>>, vector<10000x1xf32>
    tpu.vector_store %arg10[%swap3A, %swap3A_105], %select_n3A {strides = array<i32>} : memref<10000x1xf32, #tpu.memory_space<vmem>>, vector<10000x1xf32>,
    %mul3A_107 = vector.broadcast %select_n3A : vector<10000x1xf32> to vector<10000x128xf32>
    %mul3A_108 = arith.mulf %dot_general3A_91, %mul3A_107 : vector<10000x128xf32>
    %swap3A_109 = arith.constant 0 : index
    %swap3A_110 = arith.constant 0 : index
    %swap3A_111 = vector.load %arg9[%swap3A_109, %swap3A_110] : memref<10000x128xf32, #tpu.memory_space<vmem>>, vector<10000x128xf32>
    tpu.vector_store %arg9[%swap3A_109, %swap3A_110], %mul3A_108 {strides = array<i32>} : memref<10000x128xf32, #tpu.memory_space<vmem>>, vector<10000x128xf32>,
    return
  }
}

module attributes {stable_mosaic.version = 14 : i64} {
  func.func @_post_body(%arg0: memref<10000x128xf32, #tpu.memory_space<vmem>>, %arg1: memref<10000x128xf32, #tpu.memory_space<vmem>>, %arg2: memref<10000x1xf32, #tpu.memory_space<vmem>>, %arg3: memref<2x128xf32, #tpu.memory_space<vmem>>, %arg4: memref<10000x128xf32, #tpu.memory_space<vmem>>, %arg5: memref<10000x128xf32, #tpu.memory_space<vmem>>) attributes {dimension_semantics = [], scalar_prefetch = 0 : i64, scratch_operands = 0 : i64, tpu.core_type = #tpu.core_type<tc>} {
    %get3A = arith.constant 0 : index
    %get3A_0 = arith.constant 0 : index
    %get3A_1 = vector.load %arg0[%get3A, %get3A_0] : memref<10000x128xf32, #tpu.memory_space<vmem>>, vector<10000x128xf32>
    %get3A_2 = arith.constant 0 : index
    %get3A_3 = arith.constant 0 : index
    %get3A_4 = vector.load %arg1[%get3A_2, %get3A_3] : memref<10000x128xf32, #tpu.memory_space<vmem>>, vector<10000x128xf32>
    %add3A = arith.addf %get3A_1, %get3A_4 : vector<10000x128xf32>
    %get3A_5 = arith.constant 0 : index
    %get3A_6 = arith.constant 0 : index
    %get3A_7 = vector.load %arg2[%get3A_5, %get3A_6] : memref<10000x1xf32, #tpu.memory_space<vmem>>, vector<10000x1xf32>
    %mul3A = vector.broadcast %get3A_7 : vector<10000x1xf32> to vector<10000x128xf32>
    %mul3A_8 = arith.mulf %add3A, %mul3A : vector<10000x128xf32>
    %max3A = arith.constant 0.000000e+00 : f32
    %max3A_9 = vector.broadcast %max3A : f32 to vector<10000x128xf32>
    %max3A_10 = arith.maximumf %mul3A_8, %max3A_9 : vector<10000x128xf32>
    %get3A_11 = arith.constant 0 : index
    %get3A_12 = arith.constant 0 : index
    %get3A_13 = vector.load %arg3[%get3A_11, %get3A_12] : memref<2x128xf32, #tpu.memory_space<vmem>>, vector<1x128xf32>
    %get3A_14 = arith.constant 1 : index
    %get3A_15 = arith.constant 0 : index
    %get3A_16 = vector.load %arg3[%get3A_14, %get3A_15] : memref<2x128xf32, #tpu.memory_space<vmem>>, vector<1x128xf32>
    %add3A_17 = arith.addf %get3A_13, %get3A_16 : vector<1x128xf32>
    %swap3A = arith.constant 0 : index
    %swap3A_18 = arith.constant 0 : index
    %swap3A_19 = vector.load %arg4[%swap3A, %swap3A_18] : memref<10000x128xf32, #tpu.memory_space<vmem>>, vector<10000x128xf32>
    tpu.vector_store %arg4[%swap3A, %swap3A_18], %max3A_10 {strides = array<i32>} : memref<10000x128xf32, #tpu.memory_space<vmem>>, vector<10000x128xf32>,
    %mul3A_20 = vector.broadcast %add3A_17 : vector<1x128xf32> to vector<10000x128xf32>
    %mul3A_21 = arith.mulf %max3A_10, %mul3A_20 : vector<10000x128xf32>
    %swap3A_22 = arith.constant 0 : index
    %swap3A_23 = arith.constant 0 : index
    %swap3A_24 = vector.load %arg5[%swap3A_22, %swap3A_23] : memref<10000x128xf32, #tpu.memory_space<vmem>>, vector<10000x128xf32>
    tpu.vector_store %arg5[%swap3A_22, %swap3A_23], %mul3A_21 {strides = array<i32>} : memref<10000x128xf32, #tpu.memory_space<vmem>>, vector<10000x128xf32>,
    return
  }
}

module attributes {stable_mosaic.version = 14 : i64} {
  func.func @_reduce_body(%arg0: memref<12512x256xf32, #tpu.memory_space<vmem>>, %arg1: memref<1x2xf32, #tpu.memory_space<vmem>>, %arg2: memref<12512x16xf32, #tpu.memory_space<vmem>>) attributes {dimension_semantics = [], scalar_prefetch = 0 : i64, scratch_operands = 0 : i64, tpu.core_type = #tpu.core_type<tc>} {
    %iota3A = tpu.iota {dimensions = array<i32: 0>} : vector<256x16xi32>
    %jit3A = arith.constant 16 : i32
    %div3A = vector.broadcast %jit3A : i32 to vector<256x16xi32>
    %div3A_0 = arith.divsi %iota3A, %div3A : vector<256x16xi32>
    %sign3A = arith.constant 0 : i32
    %sign3A_1 = vector.broadcast %sign3A : i32 to vector<256x16xi32>
    %sign3A_2 = arith.cmpi sgt, %iota3A, %sign3A_1 : vector<256x16xi32>
    %sign3A_3 = arith.extui %sign3A_2 : vector<256x16xi1> to vector<256x16xi32>
    %sign3A_4 = arith.constant 0 : i32
    %sign3A_5 = vector.broadcast %sign3A_4 : i32 to vector<256x16xi32>
    %sign3A_6 = arith.cmpi slt, %iota3A, %sign3A_5 : vector<256x16xi32>
    %sign3A_7 = arith.extui %sign3A_6 : vector<256x16xi1> to vector<256x16xi32>
    %sign3A_8 = arith.subi %sign3A_3, %sign3A_7 : vector<256x16xi32>
    %sign3A_9 = arith.constant 0 : i32
    %sign3A_10 = arith.cmpi sgt, %jit3A, %sign3A_9 : i32
    %sign3A_11 = arith.extui %sign3A_10 : i1 to i32
    %sign3A_12 = arith.constant 0 : i32
    %sign3A_13 = arith.cmpi slt, %jit3A, %sign3A_12 : i32
    %sign3A_14 = arith.extui %sign3A_13 : i1 to i32
    %sign3A_15 = arith.subi %sign3A_11, %sign3A_14 : i32
    %ne3A = vector.broadcast %sign3A_15 : i32 to vector<256x16xi32>
    %ne3A_16 = arith.cmpi ne, %sign3A_8, %ne3A : vector<256x16xi32>
    %rem3A = vector.broadcast %jit3A : i32 to vector<256x16xi32>
    %rem3A_17 = arith.remsi %iota3A, %rem3A : vector<256x16xi32>
    %ne3A_18 = arith.constant 0 : i32
    %ne3A_19 = vector.broadcast %ne3A_18 : i32 to vector<256x16xi32>
    %ne3A_20 = arith.cmpi ne, %rem3A_17, %ne3A_19 : vector<256x16xi32>
    %and3A = arith.andi %ne3A_16, %ne3A_20 : vector<256x16xi1>
    %sub3A = arith.constant 1 : i32
    %sub3A_21 = vector.broadcast %sub3A : i32 to vector<256x16xi32>
    %sub3A_22 = arith.subi %div3A_0, %sub3A_21 : vector<256x16xi32>
    %select_n3A = arith.select %and3A, %sub3A_22, %div3A_0 : vector<256x16xi1>, vector<256x16xi32>
    %iota3A_23 = tpu.iota {dimensions = array<i32: 1>} : vector<256x16xi32>
    %eq3A = arith.cmpi eq, %select_n3A, %iota3A_23 : vector<256x16xi32>
    %convert_element_type3A = arith.extui %eq3A : vector<256x16xi1> to vector<256x16xi32>
    %convert_element_type3A_24 = arith.sitofp %convert_element_type3A : vector<256x16xi32> to vector<256x16xf32>
    %get3A = arith.constant 0 : index
    %get3A_25 = arith.constant 0 : index
    %get3A_26 = vector.load %arg1[%get3A, %get3A_25] : memref<1x2xf32, #tpu.memory_space<vmem>>, vector<1x2xf32>
    %reduce_sum3A = vector.shape_cast %get3A_26 : vector<1x2xf32> to vector<1x1x2xf32>
    %reduce_sum3A_27 = arith.constant dense<0.000000e+00> : vector<1xf32>
    %reduce_sum3A_28 = vector.multi_reduction <add>, %reduce_sum3A, %reduce_sum3A_27 [1, 2] : vector<1x1x2xf32> to vector<1xf32>
    %reduce_sum3A_29 = vector.shape_cast %reduce_sum3A_28 : vector<1xf32> to vector<1x1x1xf32>
    %reduce_sum3A_30 = vector.extract %reduce_sum3A_29[0, 0, 0] : f32 from vector<1x1x1xf32>
    %get3A_31 = arith.constant 0 : index
    %get3A_32 = arith.constant 0 : index
    %get3A_33 = vector.load %arg0[%get3A_31, %get3A_32] : memref<12512x256xf32, #tpu.memory_space<vmem>>, vector<12512x256xf32>
    %dot_general3A = arith.constant dense<0.000000e+00> : vector<12512x16xf32>
    %dot_general3A_34 = tpu.matmul %get3A_33, %convert_element_type3A_24, %dot_general3A {dimension_numbers = #tpu.dot_dimension_numbers<[1], [0], [0], [1], [0, 0, 1, 1], [], []>, transpose_lhs_hint = false} : vector<12512x256xf32>, vector<256x16xf32>, vector<12512x16xf32> -> vector<12512x16xf32>
    %add3A = vector.broadcast %reduce_sum3A_30 : f32 to vector<12512x16xf32>
    %add3A_35 = arith.addf %dot_general3A_34, %add3A : vector<12512x16xf32>
    %swap3A = arith.constant 0 : index
    %swap3A_36 = arith.constant 0 : index
    %swap3A_37 = vector.load %arg2[%swap3A, %swap3A_36] : memref<12512x16xf32, #tpu.memory_space<vmem>>, vector<12512x16xf32>
    tpu.vector_store %arg2[%swap3A, %swap3A_36], %add3A_35 {strides = array<i32>} : memref<12512x16xf32, #tpu.memory_space<vmem>>, vector<12512x16xf32>,
    return
  }
}

</mosaic_0001>

<sc_bundles>
// kernel: kernel.11.cloned.1.call-start
scs
__scs_entry_jumppad:
0x0: {  	(pc) =	sbr.rel $0x88, $3  }
0x1: {  	(tag) =	ssettag $0x0;
	lr =	simm.s32 $0x1  }
0x2: {  	[smem:$0x3F96] =	sst lr;
	_ =	strace $0xD0000000  }
0x3: {  	_ = 	snop  }
0x4: {  	_ = 	snop  }
0x5: {  	_ = 	snop  }
0x6: {  	_ = 	snop  }
0x7: {  	_ = 	snop  }
__scs_overlays_trampoline_lowered:
0x8: {  	[smem:$0x3FA5] =	sst s0  }
0x9: {  	[smem:$0x3FA6] =	sst s1  }
0xa: {  	[smem:$0x3FA7] =	sst s2  }
0xb: {  	[smem:$0x3FA8] =	sst s3  }
0xc: {  	[smem:$0x3FA9] =	sst s4  }
0xd: {  	[smem:$0x3FAA] =	sst s5  }
0xe: {  	[smem:$0x3FAB] =	sst s6  }
0xf: {  	[smem:$0x3FAC] =	sst s7  }
0x10: {  	[smem:$0x3FAD] =	sst s8  }
0x11: {  	[smem:$0x3FAE] =	sst s9;
	s0 =	simm.s32 @!p0 $0x0  }
0x12: {  	s1 =	sld [smem:$0x3F94];
	s0 =	simm.s32 @p0 $0x1  }
0x13: {  	[smem:$0x3FAF] =	sst s0;
	s0 =	simm.s32 @!p1 $0x0  }
0x14: {  	s2 =	sld [smem:$0x3F93];
	s0 =	simm.s32 @p1 $0x1  }
0x15: {  	[smem:$0x3FB0] =	sst s0;
	s0 =	simm.s32 @!p2 $0x0  }
0x16: {  	s3 =	sld [smem:$0x3FDB];
	s0 =	simm.s32 @p2 $0x1  }
0x17: {  	s4 =	simm.s32 $0x1BF5;
	[smem:$0x3FB2] =	sst s0  }
0x18: {  	s0 =	sld [smem:$0x3F95];
	_ =	swait.ge [sflag:s4], $0x0  }
0x19: {  	s7 =	sld [smem:$0x3F96]  }
0x1a: {  	s8 =	sadd.s32 $0xFFFFE003, lr  }
0x1b: {  	s9 =	sadd.s32 $0xFFFFFEF7, lr;
	s5 =	simm.s32 $0xFFFFFFFF;
	p2 =	slt.u32 s8, $0xFFFFF086  }
0x1c: {  	p1 =	slt.u32 s9, $0xF7A;
	s5 =	simm.s32 @!p2 $0x0  }
0x1d: {  	s5 =	simm.s32 @p1 $0x1;
	p0 =	seq.s32 s7, s2  }
0x1e: {  	s7 =	smul.u32 @!p0 $0xF7A, s2;
	p2 =	seq.s32 @!p0 s5, $0x0  }
0x1f: {  	s9 =	smul.u32 $0xF7A, s1;
	s8 =	simm.s32 @!p0 $0x1BF5;
	p2 =	por !p2, p0  }
0x20: {  	[sflag:s8] =	ssyncset.s32 @!p0 $0xFFFFF086;
	s6 =	sadd.s32 @!p0 s3, s7;
	s7 =	simm.s32 @!p0 $0x108  }
0x21: {  	s3 =	sadd.s32 s3, s9;
	s6 =	sadd.s32 @!p0 $0x88, s6;
	s7 =	simm.s32 @p2 $0x1082  }
0x22: {  	[simem:s7], [sflag:s8] =	dma.local @!p0 [hbm:s6], $0xF7A  }
0x23: {  	s9 =	sor.u32 $0xD0000000, s2;
	s6 =	simm.s32 $0x108;
	_ =	swait.ge @!p0 [sflag:s8], $0x0  }
0x24: {  	s3 =	sadd.s32 $0x88, s3;
	s6 =	simm.s32 @!p1 $0x1082;
	[sflag:s4] =	ssyncset.s32 $0xFFFFF086  }
0x25: {  	[simem:s6], [sflag:s4] =	dma.local [hbm:s3], $0xF7A  }
0x26: {  	[smem:$0x3F96] =	sst s1;
	(tag) =	ssettag s2;
	_ =	strace s9  }
0x27: {  	s1 =	sld [smem:$0x3FA6]  }
0x28: {  	s2 =	sld [smem:$0x3FA7]  }
0x29: {  	s4 =	sld [smem:$0x3FA9]  }
0x2a: {  	p0 =	seq.s32 s5, $0x0;
	s5 =	sld [smem:$0x3FAA]  }
0x2b: {  	s6 =	sld [smem:$0x3FAB]  }
0x2c: {  	s7 =	sld [smem:$0x3FAC]  }
0x2d: {  	s3 =	simm.s32 $0x108;
	s8 =	sld [smem:$0x3FAD]  }
0x2e: {  	s3 =	simm.s32 @!p0 $0x1082;
	s9 =	sld [smem:$0x3FAE]  }
0x2f: {  	lr =	sadd.s32 s0, s3;
	s0 =	sld [smem:$0x3FA5]  }
0x30: {  	s3 =	sld [smem:$0x3FA8]  }
0x31: {  	[smem:$0x3FB1] =	sst s10  }
0x32: {  	s10 =	sld [smem:$0x3FAF];
	_ =	sdelay $0x3  }
0x33: {  	p0 =	seq.s32 s10, $0x1;
	s10 =	sld [smem:$0x3FB1];
	_ =	sdelay $0x3  }
0x34: {  	[smem:$0x3FB1] =	sst s10  }
0x35: {  	s10 =	sld [smem:$0x3FB0];
	_ =	sdelay $0x3  }
0x36: {  	p1 =	seq.s32 s10, $0x1;
	s10 =	sld [smem:$0x3FB1];
	_ =	sdelay $0x3  }
0x37: {  	[smem:$0x3FB1] =	sst s10  }
0x38: {  	s10 =	sld [smem:$0x3FB2]  }
0x39: {  	_ = 	snop;
	(pc) =	sbr.ind lr, $3  }
0x3a: {  	_ = 	snop  }
0x3b: {  	_ = 	snop  }
0x3c: {  	p2 =	seq.s32 s10, $0x1;
	s10 =	sld [smem:$0x3FB1]  }
0x3d: {  	_ =	shalt  }
0x3e: {  	_ =	shalt  }
0x3f: {  	_ =	shalt  }
0x40: {  	_ =	shalt  }
0x41: {  	_ =	shalt  }
0x42: {  	_ =	shalt  }
0x43: {  	_ =	shalt  }
0x44: {  	_ =	shalt  }
0x45: {  	_ =	shalt  }
0x46: {  	_ =	shalt  }
0x47: {  	_ =	shalt  }
0x48: {  	_ =	shalt  }
0x49: {  	_ =	shalt  }
0x4a: {  	_ =	shalt  }
0x4b: {  	_ =	shalt  }
0x4c: {  	_ =	shalt  }
0x4d: {  	_ =	shalt  }
0x4e: {  	_ =	shalt  }
0x4f: {  	_ =	shalt  }
0x50: {  	_ =	shalt  }
0x51: {  	_ =	shalt  }
0x52: {  	_ =	shalt  }
0x53: {  	_ =	shalt  }
0x54: {  	_ =	shalt  }
0x55: {  	_ =	shalt  }
0x56: {  	_ =	shalt  }
0x57: {  	_ =	shalt  }
0x58: {  	_ =	shalt  }
0x59: {  	_ =	shalt  }
0x5a: {  	_ =	shalt  }
0x5b: {  	_ =	shalt  }
0x5c: {  	_ =	shalt  }
0x5d: {  	_ =	shalt  }
0x5e: {  	_ =	shalt  }
0x5f: {  	_ =	shalt  }
0x60: {  	_ =	shalt  }
0x61: {  	_ =	shalt  }
0x62: {  	_ =	shalt  }
0x63: {  	_ =	shalt  }
0x64: {  	_ =	shalt  }
0x65: {  	_ =	shalt  }
0x66: {  	_ =	shalt  }
0x67: {  	_ =	shalt  }
0x68: {  	_ =	shalt  }
0x69: {  	_ =	shalt  }
0x6a: {  	_ =	shalt  }
0x6b: {  	_ =	shalt  }
0x6c: {  	_ =	shalt  }
0x6d: {  	_ =	shalt  }
0x6e: {  	_ =	shalt  }
0x6f: {  	_ =	shalt  }
0x70: {  	_ =	shalt  }
0x71: {  	_ =	shalt  }
0x72: {  	_ =	shalt  }
0x73: {  	_ =	shalt  }
0x74: {  	_ =	shalt  }
0x75: {  	_ =	shalt  }
0x76: {  	_ =	shalt  }
0x77: {  	_ =	shalt  }
0x78: {  	_ =	shalt  }
0x79: {  	_ =	shalt  }
0x7a: {  	_ =	shalt  }
0x7b: {  	_ =	shalt  }
0x7c: {  	_ =	shalt  }
0x7d: {  	_ =	shalt  }
0x7e: {  	_ =	shalt  }
0x7f: {  	_ =	shalt  }
0x80: {  	_ =	shalt  }
0x81: {  	_ =	shalt  }
0x82: {  	_ =	shalt  }
0x83: {  	_ =	shalt  }
0x84: {  	_ =	shalt  }
0x85: {  	_ =	shalt  }
0x86: {  	_ =	shalt  }
0x87: {  	_ =	shalt  }
.Lfunc_end0:
.L_simem_size_0:
called_computation.1_lowered:
.L_overlay_start_0:
0x88: {  	s2 =	sld [smem:$0x3FD9]  }
0x89: {  	s3 =	sld [smem:$0x3FFE];
	_ =	sdelay $0x1  }
0x8a: {  	s1 =	srdreg.scid  }
0x8b: {  	s0 =	sand.u32 $0x1, s1  }
0x8c: {  	s16 =	sshll.u32 s0, $0xA;
	s2 =	sadd.s32 s3, s2  }
0x8d: {  	s2 =	sadd.s32 s2, s16  }
0x8e: {  	[smem:$0x3FBD] =	sst s2  }
0x8f: {  	_ = 	snop  }
0x90: {  	(tm) =	ssettm $0x1  }
0x91: {  	s17 =	sld [smem:$0x3FFB];
	_ =	sdelay $0x3  }
0x92: {  	_ =	strace s17  }
0x93: {  	s2 =	sld [smem:$0x3FFC];
	_ =	sdelay $0x3  }
0x94: {  	_ =	strace s2  }
0x95: {  	s2 =	sld [smem:$0x3FFD];
	_ =	sdelay $0x3  }
0x96: {  	_ =	strace s2  }
0x97: {  	_ =	strace $0x8FFFFFFF  }
0x98: {  	s18 =	sld [smem:$0x3FDB];
	_ =	sdelay $0x1  }
0x99: {  	s19 =	simm.s32 $_scs_section_size  }
0x9a: {  	s4 =	simm.s32 $_size__tile_overlayer_lowered;
	s5 =	simm.s32 $_tile_overlayer_lowered  }
0x9b: {  	s22 =	simm.s32 $0x1BFF;
	s21 =	sshll.u32 s5, $0x1;
	s2 =	sadd.s32 s19, s18  }
0x9c: {  	s6 =	simm.s32 $0x0;
	s20 =	sshll.u32 s4, $0x1;
	s4 =	sadd.s32 s21, s2  }
0x9d: {  	[timem:s6], [sflag:s22] =	dma.local [hbm:s4], s20  }
0x9e: {  	_ =	swait.ge [sflag:s22], s20  }
0x9f: {  	s3 =	ssub.s32 $0x0, s20;
	[sflag:s22] =	ssyncset.done $0x0  }
0xa0: {  	[sflag:s22] =	ssyncadd.s32 s3;
	_ =	sdelay $0x1  }
0xa1: {  	s23 =	simm.s32 $0x1B8B  }
0xa2: {  	_ =	swait.ge [sflag:s23], $0x1  }
0xa3: {  	[sflag:s23] =	ssyncset.done $0x0  }
0xa4: {  	s25 =	simm.s32 $0x1B8E;
	s24 =	sld [smem:$0x3FFE];
	[sflag:s23] =	ssyncadd.s32 $0xFFFFFFFF  }
0xa5: {  	s26 =	simm.s32 $execute0_lowered;
	[smem:$0x3FD2] =	sst s25  }
0xa6: {  	s4 =	sshll.u32 s26, $0x1;
	_ =	strace $0x80000049;
	[dreg:$0x1] =	wrdreg $0xFFFFFFFF  }
0xa7: {  	s28 =	simm.s32 $_size_execute0_lowered;
	s2 =	sadd.s32 s2, s4;
	[dreg:$0x0] =	wrdreg $0x0  }
0xa8: {  	s4 =	sshll.u32 s28, $0x1;
	[dreg:$0x2] =	wrdreg s2  }
0xa9: {  	[dreg:$0x3] =	wrdreg s4  }
0xaa: {  	[dreg:$0x4] =	wrdreg $0xC0  }
0xab: {  	_ =	task [dreg:s6], $0x5FFFF  }
0xac: {  	[dreg:$0x1] =	wrdreg $0xFFFFFFFF  }
0xad: {  	[dreg:$0x0] =	wrdreg $0x60  }
0xae: {  	[dreg:$0x2] =	wrdreg s24  }
0xaf: {  	[dreg:$0x3] =	wrdreg $0x41000  }
0xb0: {  	[dreg:$0x4] =	wrdreg $0x9  }
0xb1: {  	_ =	task.clear_ibuf [dreg:s6], $0x5FFFF;
	_ =	strace $0x90000049  }
0xb2: {  	s29 =	simm.s32 $0x9;
	_ =	strace $0x8000004B  }
0xb3: {  	_ =	swait.ge [sflag:s29], $0x1  }
0xb4: {  	[sflag:s29] =	ssyncadd.s32 $0xFFFFFFFF  }
0xb5: {  	_ =	strace $0x9000004B  }
0xb6: {  	_ =	sfence  }
0xb7: {  	s30 =	sld [smem:$0x0];
	_ =	sdelay $0x2  }
0xb8: {  	s31 =	sshll.u32 s1, $0xD;
	s1 =	sshrl.u32 s1, $0x2  }
0xb9: {  	s3 =	sand.u32 $0x4000, s31;
	s1 =	sadd.s32 s1, s30  }
0xba: {  	s0 =	sor.u32 s3, s0;
	s1 =	sshll.u32 s1, $0x11  }
0xbb: {  	s0 =	sor.u32 s1, s0  }
0xbc: {  	s0 =	sadd.s32 $0x8F2B, s0  }
0xbd: {  	[sflag:s0] =	ssyncadd.remote.s32 $0x1  }
0xbe: {  	_ =	sfence.sel $0xFFFF  }
0xbf: {  	[dreg:$0x0] =	wrdreg $0xFFFFFFFF;
	(pc) =	sbr.abs _section_cstart, $3  }
0xc0: {  	[dreg:$0x1] =	wrdreg $0xFFFFFFFF  }
0xc1: {  	_ =	task.clear_ibuf [dreg:s6], $0x2FFFF;
	_ =	strace $0x9FFFFFFF  }
0xc2: {  	(tm) =	ssettm $0x7FFFFFFF  }
0xc3: {  	_ =	shalt  }
tec
execute0_lowered:
.L_overlay_start_1:
0x0: {  	(tag) =	ssettag $0x1  }
0x1: {  	s5 =	rddreg [dreg:$0x0]  }
0x2: {  	s2 =	rddreg [dreg:$0x1]  }
0x3: {  	s0 =	rddreg [dreg:$0x2]  }
0x4: {  	s4 =	srdreg.scid;
	s3 =	simm.s32 $0x0;
	s1 =	stileid.u32  }
0x5: {  	s14 =	simm.s32 $0x80;
	s15 =	simm.s32 $0x100;
	s16 =	simm.s32 $0x1  }
0x6: {  	s17 =	simm.s32 $0x0;
	s6 =	sand.u32 $0x1, s4;
	s28 =	sshll.u32 s1, $0x8  }
0x7: {  	s8 =	smul.u32 $0x13880, s1;
	[smem:$0x7FF] =	sst s3;
	s31 =	sshll.u32 s1, $0x6  }
0x8: {  	p0 =	slt.u32 s1, $0x2;
	s7 =	sshll.u32 s6, $0x7;
	s29 =	smul.u32 $0x138800, s6  }
0x9: {  	_ =	strace $0x8000004A;
	s6 =	ssub.s32 $0x2, s6;
	s4 =	sor.u32 s7, s28  }
0xa: {  	s9 =	sshrl.u32 s8, $0x3;
	s30 =	sshrl.u32 s6, $0x1;
	s13 =	sadd.s32 s8, s2  }
0xb: {  	s4 =	sshrl.u32 s4, $0x3;
	s7 =	sadd.s32 s8, s29;
	s9 =	sadd.s32 s9, s5  }
0xc: {  	s12 =	ssub.s32 s6, s30;
	s6 =	simm.s32 $0x4F;
	s11 =	sadd.s32 s4, s5  }
0xd: {  	s4 =	sadd.s32 $0x16000, s5;
	s7 =	sshrl.u32 s7, $0x3;
	s6 =	simm.s32 @!p0 $0x4E  }
0xe: {  	s10 =	sadd.s32 s7, s5;
	s5 =	sadd.s32 $0x64400, s9;
	s7 =	sor.u32 $0x1C02, s31  }
0xf: {  	s9 =	smax.u32 s12, $0x1;
	s12 =	sshrl.u32 s13, $0x3;
	s13 =	simm.s32 $0x2  }
0x10: {  	s8 =	sadd.s32 $0x8B600, s10;
	s10 =	sadd.s32 $0x2400, s11;
	s11 =	sadd.s32 $0xC200, s11  }
.LBB2_1:
0x11: {  	[spmem:s12], [sflag:s7] =	dma.local [hbm:s5], $0x2710  }
0x12: {  	_ =	swait.ge [sflag:s13], $0x2710  }
0x13: {  	[sflag:s13] =	ssyncset.done $0x0  }
0x14: {  	[sflag:s13] =	ssyncadd.s32 $0xFFFFD8F0  }
0x15: {  	[bflag:$0x0] =	sbarrier.arrive $0xFFFF  }
0x16: {  	[tilespmem:s3], [sflag:$0x2] =	stream.linear.gather [hbm4b:s11+s3], $0x80, $0x38;
	[tilespmem:$0x17980] =	vst v63  }
0x17: {  	_ =	swait.ge [sflag:s13], $0x80  }
0x18: {  	[sflag:s13] =	ssyncset.done $0x0  }
0x19: {  	[sflag:s13] =	ssyncadd.s32 $0xFFFFFF80  }
0x1a: {  	[tilespmem:s14], [sflag:$0x2] =	stream.linear.gather [hbm4b:s10+s3], $0x80, $0x38;
	[tilespmem:$0x17980] =	vst v63  }
0x1b: {  	_ =	swait.ge [sflag:s13], $0x80  }
0x1c: {  	[sflag:s13] =	ssyncset.done $0x0  }
0x1d: {  	[sflag:s13] =	ssyncadd.s32 $0xFFFFFF80  }
0x1e: {  	[tilespmem:s15], [sflag:$0x1] =	stream.indirect.gather [hbm4b:s4+s14], $0x80, s3, s14, $0xb8;
	[tilespmem:$0x17980] =	vst v63  }
0x1f: {  	p0 =	sne.s32 s6, $0x1;
	_ =	swait.ge [sflag:s16], $0x4000  }
.Ltmp0:
0x20: {  	[sflag:s16] =	ssyncset.done $0x0;
	(pc) =	sbr.rel @!p0 .LBB2_3-.Ltmp0, $4  }
0x21: {  	[sflag:s16] =	ssyncadd.s32 $0xFFFFC000  }
0x22: {  	[spmem:s2] =	stream.indirect.scatter.add.f32 [tilespmem:s15], [sflag:$0x2], $0x80, s14, s14, $0xb8;
	[tilespmem:$0x17980] =	vst v63  }
0x23: {  	s18 =	sadd.s32 $0xFFFFFFFF, s6;
	_ =	swait.ge [sflag:s13], $0x4000  }
0x24: {  	s19 =	smov.u32 s10;
	s20 =	smov.u32 s11;
	[sflag:s13] =	ssyncset.done $0x0  }
.LBB2_2:
0x25: {  	[sflag:s13] =	ssyncadd.s32 $0xFFFFC000;
	s19 =	sadd.s32 $0x200, s19;
	s20 =	sadd.s32 $0x200, s20  }
0x26: {  	[tilespmem:s3], [sflag:$0x2] =	stream.linear.gather [hbm4b:s20+s3], $0x80, $0x38;
	[tilespmem:$0x17980] =	vst v63  }
0x27: {  	p0 =	sne.s32 s18, $0x1;
	s18 =	sadd.s32 $0xFFFFFFFF, s18;
	_ =	swait.ge [sflag:s13], $0x80  }
0x28: {  	[sflag:s13] =	ssyncset.done $0x0  }
0x29: {  	[sflag:s13] =	ssyncadd.s32 $0xFFFFFF80  }
0x2a: {  	[tilespmem:s14], [sflag:$0x2] =	stream.linear.gather [hbm4b:s19+s3], $0x80, $0x38;
	[tilespmem:$0x17980] =	vst v63  }
0x2b: {  	_ =	swait.ge [sflag:s13], $0x80  }
0x2c: {  	[sflag:s13] =	ssyncset.done $0x0  }
0x2d: {  	[sflag:s13] =	ssyncadd.s32 $0xFFFFFF80  }
0x2e: {  	[tilespmem:s15], [sflag:$0x1] =	stream.indirect.gather [hbm4b:s4+s14], $0x80, s3, s14, $0xb8;
	[tilespmem:$0x17980] =	vst v63  }
0x2f: {  	_ =	swait.ge [sflag:s16], $0x4000  }
.Ltmp1:
0x30: {  	[sflag:s16] =	ssyncset.done $0x0;
	(pc) =	sbr.rel @p0 .LBB2_2-.Ltmp1, $4  }
0x31: {  	[sflag:s16] =	ssyncadd.s32 $0xFFFFC000  }
0x32: {  	[spmem:s2] =	stream.indirect.scatter.add.f32 [tilespmem:s15], [sflag:$0x2], $0x80, s14, s14, $0xb8;
	[tilespmem:$0x17980] =	vst v63  }
0x33: {  	_ =	swait.ge [sflag:s13], $0x4000  }
0x34: {  	[sflag:s13] =	ssyncset.done $0x0  }
.LBB2_3:
0x35: {  	s17 =	sadd.s32 $0x1, s17  }
0x36: {  	[sflag:s13] =	ssyncadd.s32 $0xFFFFC000;
	p0 =	sne.s32 s17, s9  }
.Ltmp2:
0x37: {  	[bflag:$0x0] =	sbarrier.arrive $0xFFFF;
	(pc) =	sbr.rel @p0 .LBB2_1-.Ltmp2, $4  }
0x38: {  	[hbm:s8], [sflag:s7] =	dma.local [spmem:s12], $0x2710  }
0x39: {  	_ =	swait.ge [sflag:s13], $0x2710  }
0x3a: {  	[sflag:s13] =	ssyncset.done $0x0  }
0x3b: {  	[sflag:s13] =	ssyncadd.s32 $0xFFFFD8F0  }
0x3c: {  	_ =	sfence.sel $0x180000  }
0x3d: {  	[bflag:$0x0] =	sbarrier.arrive $0xFFFF  }
0x3e: {  	p0 =	sne.s32 s1, $0x0;
	_ =	strace $0x9000004A  }
0x3f: {  	s0 =	sadd.s32 @!p0 $0x100000, s0;
	[bflag:$0x2] =	sbarrier.arrive $0xFFFF  }
0x40: {  	[sflag:s0] =	ssyncadd.tile.s32 @!p0 $0x1;
	_ =	shalt  }
.Lfunc_end2:
_tile_overlayer_lowered:
.L_overlay_start_2:
0x41: {  	(tag) =	ssettag $0x2  }
0x42: {  	s0 =	rddreg [dreg:$0x0];
	s2 =	stileid.u32  }
0x43: {  	s1 =	rddreg [dreg:$0x1];
	p0 =	sne.s32 s2, $0x0  }
0x44: {  	s3 =	rddreg [dreg:$0x2];
	[bflag:$0x3] =	sbarrier.arrive $0xFFFF;
	s2 =	simm.s32 @!p0 $0x1C02  }
0x45: {  	[timem:s3], [sflag:s2] =	dma.local @!p0 [hbm:s0], s1  }
0x46: {  	s0 =	simm.s32 @!p0 $0x2  }
0x47: {  	_ =	swait.ge @!p0 [sflag:s0], s1  }
0x48: {  	s1 =	ssub.s32 @!p0 $0x0, s1;
	[sflag:s0] =	ssyncset.done @!p0 $0x0  }
0x49: {  	[sflag:s0] =	ssyncadd.s32 @!p0 s1  }
0x4a: {  	[bflag:$0x3] =	sbarrier.arrive $0xFFFF  }
0x4b: {  	_ =	shalt  }

// kernel: kernel.14.cloned.1.call-start
scs
__scs_entry_jumppad:
0x0: {  	(pc) =	sbr.rel $0x88, $3  }
0x1: {  	(tag) =	ssettag $0x0;
	lr =	simm.s32 $0x1  }
0x2: {  	[smem:$0x3F96] =	sst lr;
	_ =	strace $0xD0000000  }
0x3: {  	_ = 	snop  }
0x4: {  	_ = 	snop  }
0x5: {  	_ = 	snop  }
0x6: {  	_ = 	snop  }
0x7: {  	_ = 	snop  }
__scs_overlays_trampoline_lowered:
0x8: {  	[smem:$0x3FA5] =	sst s0  }
0x9: {  	[smem:$0x3FA6] =	sst s1  }
0xa: {  	[smem:$0x3FA7] =	sst s2  }
0xb: {  	[smem:$0x3FA8] =	sst s3  }
0xc: {  	[smem:$0x3FA9] =	sst s4  }
0xd: {  	[smem:$0x3FAA] =	sst s5  }
0xe: {  	[smem:$0x3FAB] =	sst s6  }
0xf: {  	[smem:$0x3FAC] =	sst s7  }
0x10: {  	[smem:$0x3FAD] =	sst s8  }
0x11: {  	[smem:$0x3FAE] =	sst s9;
	s0 =	simm.s32 @!p0 $0x0  }
0x12: {  	s1 =	sld [smem:$0x3F94];
	s0 =	simm.s32 @p0 $0x1  }
0x13: {  	[smem:$0x3FAF] =	sst s0;
	s0 =	simm.s32 @!p1 $0x0  }
0x14: {  	s2 =	sld [smem:$0x3F93];
	s0 =	simm.s32 @p1 $0x1  }
0x15: {  	[smem:$0x3FB0] =	sst s0;
	s0 =	simm.s32 @!p2 $0x0  }
0x16: {  	s3 =	sld [smem:$0x3FDB];
	s0 =	simm.s32 @p2 $0x1  }
0x17: {  	s4 =	simm.s32 $0x1BF5;
	[smem:$0x3FB2] =	sst s0  }
0x18: {  	s0 =	sld [smem:$0x3F95];
	_ =	swait.ge [sflag:s4], $0x0  }
0x19: {  	s7 =	sld [smem:$0x3F96]  }
0x1a: {  	s8 =	sadd.s32 $0xFFFFE003, lr  }
0x1b: {  	s9 =	sadd.s32 $0xFFFFFEF7, lr;
	s5 =	simm.s32 $0xFFFFFFFF;
	p2 =	slt.u32 s8, $0xFFFFF086  }
0x1c: {  	p1 =	slt.u32 s9, $0xF7A;
	s5 =	simm.s32 @!p2 $0x0  }
0x1d: {  	s5 =	simm.s32 @p1 $0x1;
	p0 =	seq.s32 s7, s2  }
0x1e: {  	s7 =	smul.u32 @!p0 $0xF7A, s2;
	p2 =	seq.s32 @!p0 s5, $0x0  }
0x1f: {  	s9 =	smul.u32 $0xF7A, s1;
	s8 =	simm.s32 @!p0 $0x1BF5;
	p2 =	por !p2, p0  }
0x20: {  	[sflag:s8] =	ssyncset.s32 @!p0 $0xFFFFF086;
	s6 =	sadd.s32 @!p0 s3, s7;
	s7 =	simm.s32 @!p0 $0x108  }
0x21: {  	s3 =	sadd.s32 s3, s9;
	s6 =	sadd.s32 @!p0 $0x88, s6;
	s7 =	simm.s32 @p2 $0x1082  }
0x22: {  	[simem:s7], [sflag:s8] =	dma.local @!p0 [hbm:s6], $0xF7A  }
0x23: {  	s9 =	sor.u32 $0xD0000000, s2;
	s6 =	simm.s32 $0x108;
	_ =	swait.ge @!p0 [sflag:s8], $0x0  }
0x24: {  	s3 =	sadd.s32 $0x88, s3;
	s6 =	simm.s32 @!p1 $0x1082;
	[sflag:s4] =	ssyncset.s32 $0xFFFFF086  }
0x25: {  	[simem:s6], [sflag:s4] =	dma.local [hbm:s3], $0xF7A  }
0x26: {  	[smem:$0x3F96] =	sst s1;
	(tag) =	ssettag s2;
	_ =	strace s9  }
0x27: {  	s1 =	sld [smem:$0x3FA6]  }
0x28: {  	s2 =	sld [smem:$0x3FA7]  }
0x29: {  	s4 =	sld [smem:$0x3FA9]  }
0x2a: {  	p0 =	seq.s32 s5, $0x0;
	s5 =	sld [smem:$0x3FAA]  }
0x2b: {  	s6 =	sld [smem:$0x3FAB]  }
0x2c: {  	s7 =	sld [smem:$0x3FAC]  }
0x2d: {  	s3 =	simm.s32 $0x108;
	s8 =	sld [smem:$0x3FAD]  }
0x2e: {  	s3 =	simm.s32 @!p0 $0x1082;
	s9 =	sld [smem:$0x3FAE]  }
0x2f: {  	lr =	sadd.s32 s0, s3;
	s0 =	sld [smem:$0x3FA5]  }
0x30: {  	s3 =	sld [smem:$0x3FA8]  }
0x31: {  	[smem:$0x3FB1] =	sst s10  }
0x32: {  	s10 =	sld [smem:$0x3FAF];
	_ =	sdelay $0x3  }
0x33: {  	p0 =	seq.s32 s10, $0x1;
	s10 =	sld [smem:$0x3FB1];
	_ =	sdelay $0x3  }
0x34: {  	[smem:$0x3FB1] =	sst s10  }
0x35: {  	s10 =	sld [smem:$0x3FB0];
	_ =	sdelay $0x3  }
0x36: {  	p1 =	seq.s32 s10, $0x1;
	s10 =	sld [smem:$0x3FB1];
	_ =	sdelay $0x3  }
0x37: {  	[smem:$0x3FB1] =	sst s10  }
0x38: {  	s10 =	sld [smem:$0x3FB2]  }
0x39: {  	_ = 	snop;
	(pc) =	sbr.ind lr, $3  }
0x3a: {  	_ = 	snop  }
0x3b: {  	_ = 	snop  }
0x3c: {  	p2 =	seq.s32 s10, $0x1;
	s10 =	sld [smem:$0x3FB1]  }
0x3d: {  	_ =	shalt  }
0x3e: {  	_ =	shalt  }
0x3f: {  	_ =	shalt  }
0x40: {  	_ =	shalt  }
0x41: {  	_ =	shalt  }
0x42: {  	_ =	shalt  }
0x43: {  	_ =	shalt  }
0x44: {  	_ =	shalt  }
0x45: {  	_ =	shalt  }
0x46: {  	_ =	shalt  }
0x47: {  	_ =	shalt  }
0x48: {  	_ =	shalt  }
0x49: {  	_ =	shalt  }
0x4a: {  	_ =	shalt  }
0x4b: {  	_ =	shalt  }
0x4c: {  	_ =	shalt  }
0x4d: {  	_ =	shalt  }
0x4e: {  	_ =	shalt  }
0x4f: {  	_ =	shalt  }
0x50: {  	_ =	shalt  }
0x51: {  	_ =	shalt  }
0x52: {  	_ =	shalt  }
0x53: {  	_ =	shalt  }
0x54: {  	_ =	shalt  }
0x55: {  	_ =	shalt  }
0x56: {  	_ =	shalt  }
0x57: {  	_ =	shalt  }
0x58: {  	_ =	shalt  }
0x59: {  	_ =	shalt  }
0x5a: {  	_ =	shalt  }
0x5b: {  	_ =	shalt  }
0x5c: {  	_ =	shalt  }
0x5d: {  	_ =	shalt  }
0x5e: {  	_ =	shalt  }
0x5f: {  	_ =	shalt  }
0x60: {  	_ =	shalt  }
0x61: {  	_ =	shalt  }
0x62: {  	_ =	shalt  }
0x63: {  	_ =	shalt  }
0x64: {  	_ =	shalt  }
0x65: {  	_ =	shalt  }
0x66: {  	_ =	shalt  }
0x67: {  	_ =	shalt  }
0x68: {  	_ =	shalt  }
0x69: {  	_ =	shalt  }
0x6a: {  	_ =	shalt  }
0x6b: {  	_ =	shalt  }
0x6c: {  	_ =	shalt  }
0x6d: {  	_ =	shalt  }
0x6e: {  	_ =	shalt  }
0x6f: {  	_ =	shalt  }
0x70: {  	_ =	shalt  }
0x71: {  	_ =	shalt  }
0x72: {  	_ =	shalt  }
0x73: {  	_ =	shalt  }
0x74: {  	_ =	shalt  }
0x75: {  	_ =	shalt  }
0x76: {  	_ =	shalt  }
0x77: {  	_ =	shalt  }
0x78: {  	_ =	shalt  }
0x79: {  	_ =	shalt  }
0x7a: {  	_ =	shalt  }
0x7b: {  	_ =	shalt  }
0x7c: {  	_ =	shalt  }
0x7d: {  	_ =	shalt  }
0x7e: {  	_ =	shalt  }
0x7f: {  	_ =	shalt  }
0x80: {  	_ =	shalt  }
0x81: {  	_ =	shalt  }
0x82: {  	_ =	shalt  }
0x83: {  	_ =	shalt  }
0x84: {  	_ =	shalt  }
0x85: {  	_ =	shalt  }
0x86: {  	_ =	shalt  }
0x87: {  	_ =	shalt  }
.Lfunc_end0:
.L_simem_size_0:
called_computation.2_lowered:
.L_overlay_start_0:
0x88: {  	s2 =	sld [smem:$0x3FD9]  }
0x89: {  	s3 =	sld [smem:$0x3FFE];
	_ =	sdelay $0x1  }
0x8a: {  	s1 =	srdreg.scid  }
0x8b: {  	s0 =	sand.u32 $0x1, s1  }
0x8c: {  	s17 =	sshll.u32 s0, $0xA;
	s2 =	sadd.s32 s3, s2  }
0x8d: {  	s2 =	sadd.s32 s2, s17  }
0x8e: {  	[smem:$0x3FBD] =	sst s2  }
0x8f: {  	_ = 	snop  }
0x90: {  	s2 =	sld [smem:$0x3FD0];
	(tm) =	ssettm $0x1  }
0x91: {  	s18 =	sld [smem:$0x3FFB];
	_ =	sdelay $0x3  }
0x92: {  	_ =	strace s18  }
0x93: {  	s3 =	sld [smem:$0x3FFC];
	_ =	sdelay $0x3  }
0x94: {  	_ =	strace s3  }
0x95: {  	s3 =	sld [smem:$0x3FFD];
	_ =	sdelay $0x3  }
0x96: {  	_ =	strace s3  }
0x97: {  	_ =	strace $0x8FFFFFFF  }
0x98: {  	s19 =	sld [smem:$0x3FDB];
	_ =	sdelay $0x1  }
0x99: {  	s4 =	simm.s32 $_scs_section_size  }
0x9a: {  	s5 =	simm.s32 $_size__tile_overlayer_lowered;
	s6 =	simm.s32 $_tile_overlayer_lowered  }
0x9b: {  	s22 =	simm.s32 $0x1BFF;
	s21 =	sshll.u32 s6, $0x1;
	s3 =	sadd.s32 s4, s19  }
0x9c: {  	s7 =	simm.s32 $0x0;
	s20 =	sshll.u32 s5, $0x1;
	s5 =	sadd.s32 s21, s3  }
0x9d: {  	[timem:s7], [sflag:s22] =	dma.local [hbm:s5], s20  }
0x9e: {  	_ =	swait.ge [sflag:s22], s20  }
0x9f: {  	s4 =	ssub.s32 $0x0, s20;
	[sflag:s22] =	ssyncset.done $0x0  }
0xa0: {  	[sflag:s22] =	ssyncadd.s32 s4;
	_ =	sdelay $0x1  }
0xa1: {  	s23 =	simm.s32 $0x1B8B  }
0xa2: {  	_ =	swait.ge [sflag:s23], $0x1  }
0xa3: {  	[sflag:s23] =	ssyncset.done $0x0  }
0xa4: {  	s25 =	simm.s32 $0x1B8E;
	s24 =	sld [smem:$0x3FFE];
	[sflag:s23] =	ssyncadd.s32 $0xFFFFFFFF  }
0xa5: {  	s26 =	simm.s32 $execute0_lowered;
	[smem:$0x3FD2] =	sst s25  }
0xa6: {  	s5 =	sshll.u32 s26, $0x1;
	_ =	strace $0x8000004C;
	[dreg:$0x1] =	wrdreg $0xFFFFFFFF  }
0xa7: {  	s28 =	simm.s32 $_size_execute0_lowered;
	s3 =	sadd.s32 s3, s5;
	[dreg:$0x0] =	wrdreg $0x0  }
0xa8: {  	s5 =	sshll.u32 s28, $0x1;
	[dreg:$0x2] =	wrdreg s3  }
0xa9: {  	[dreg:$0x3] =	wrdreg s5  }
0xaa: {  	[dreg:$0x4] =	wrdreg $0xC0  }
0xab: {  	_ =	task [dreg:s7], $0x5FFFF  }
0xac: {  	[dreg:$0x1] =	wrdreg $0xFFFFFFFF  }
0xad: {  	[dreg:$0x0] =	wrdreg $0x60  }
0xae: {  	[dreg:$0x2] =	wrdreg s2  }
0xaf: {  	[dreg:$0x3] =	wrdreg s24  }
0xb0: {  	[dreg:$0x4] =	wrdreg $0x9  }
0xb1: {  	_ =	task.clear_ibuf [dreg:s7], $0x5FFFF;
	_ =	strace $0x9000004C  }
0xb2: {  	s29 =	simm.s32 $0x9;
	_ =	strace $0x8000004E  }
0xb3: {  	_ =	swait.ge [sflag:s29], $0x1  }
0xb4: {  	[sflag:s29] =	ssyncadd.s32 $0xFFFFFFFF  }
0xb5: {  	_ =	strace $0x9000004E  }
0xb6: {  	_ =	sfence  }
0xb7: {  	s30 =	sld [smem:$0x0];
	_ =	sdelay $0x2  }
0xb8: {  	s31 =	sshll.u32 s1, $0xD;
	s1 =	sshrl.u32 s1, $0x2  }
0xb9: {  	s3 =	sand.u32 $0x4000, s31;
	s1 =	sadd.s32 s1, s30  }
0xba: {  	s0 =	sor.u32 s3, s0;
	s1 =	sshll.u32 s1, $0x11  }
0xbb: {  	s0 =	sor.u32 s1, s0  }
0xbc: {  	s0 =	sadd.s32 $0x8F2B, s0  }
0xbd: {  	[sflag:s0] =	ssyncadd.remote.s32 $0x1  }
0xbe: {  	_ =	sfence.sel $0xFFFF  }
0xbf: {  	[dreg:$0x0] =	wrdreg $0xFFFFFFFF;
	(pc) =	sbr.abs _section_cstart, $3  }
0xc0: {  	[dreg:$0x1] =	wrdreg $0xFFFFFFFF  }
0xc1: {  	_ =	task.clear_ibuf [dreg:s7], $0x2FFFF;
	_ =	strace $0x9FFFFFFF  }
0xc2: {  	(tm) =	ssettm $0x7FFFFFFF  }
0xc3: {  	_ =	shalt  }
tec
execute0_lowered:
.L_overlay_start_1:
0x0: {  	(tag) =	ssettag $0x1  }
0x1: {  	s1 =	rddreg [dreg:$0x0]  }
0x2: {  	s4 =	rddreg [dreg:$0x1]  }
0x3: {  	s0 =	rddreg [dreg:$0x2];
	s2 =	simm.s32 $0x0;
	s7 =	srdreg.scid  }
0x4: {  	s9 =	simm.s32 $0x31;
	s12 =	simm.s32 $0x3;
	s13 =	simm.s32 $0x80  }
0x5: {  	s14 =	simm.s32 $0x100;
	s15 =	simm.s32 $0x4100;
	s16 =	simm.s32 $0x1  }
0x6: {  	s17 =	simm.s32 $0x2;
	s18 =	simm.s32 $0x8100;
	s19 =	simm.s32 $0x0  }
0x7: {  	[smem:$0x7FF] =	sst s2;
	s3 =	sadd.s32 $0xD9800, s4;
	s7 =	sand.u32 $0x1, s7  }
0x8: {  	s5 =	sadd.s32 $0x29600, s4;
	s6 =	sadd.s32 $0x2400, s4;
	s10 =	ssub.s32 $0x2, s7  }
0x9: {  	s8 =	sadd.s32 $0x50800, s4;
	s4 =	stileid.u32;
	s11 =	sshrl.u32 s10, $0x1  }
0xa: {  	_ =	strace $0x8000004D;
	p0 =	slt.u32 s4, $0xE;
	s11 =	ssub.s32 s10, s11  }
0xb: {  	s9 =	simm.s32 @!p0 $0x30;
	s10 =	sshll.u32 s4, $0x1;
	s11 =	smax.u32 s11, $0x1  }
.LBB2_1:
0xc: {  	s20 =	simm.s32 $0x0  }
.LBB2_2:
0xd: {  	s21 =	sshll.u32 s20, $0x5  }
0xe: {  	s21 =	sor.u32 s21, s10  }
0xf: {  	s21 =	sor.u32 s7, s21  }
0x10: {  	s23 =	sshll.u32 s21, $0x4  }
0x11: {  	s22 =	simm.s32 $0x0;
	s24 =	sadd.s32 s1, s23  }
0x12: {  	[tilespmem:s22], [sflag:$0x3] =	stream.linear.gather [hbm4b:s24+s22], $0x80, $0x38;
	[tilespmem:$0x8900] =	vst v63  }
0x13: {  	_ =	swait.ge [sflag:s12], $0x80  }
0x14: {  	[sflag:s12] =	ssyncset.done $0x0  }
0x15: {  	s23 =	sadd.s32 s3, s23;
	[sflag:s12] =	ssyncadd.s32 $0xFFFFFF80  }
0x16: {  	[tilespmem:s13], [sflag:$0x3] =	stream.linear.gather [hbm4b:s23+s22], $0x80, $0x38;
	[tilespmem:$0x8900] =	vst v63  }
0x17: {  	_ =	swait.ge [sflag:s12], $0x80  }
0x18: {  	[sflag:s12] =	ssyncset.done $0x0  }
0x19: {  	[sflag:s12] =	ssyncadd.s32 $0xFFFFFF80  }
0x1a: {  	[tilespmem:s14], [sflag:$0x1] =	stream.indirect.gather [hbm4b:s5+s13], $0x80, s22, s13, $0xb8;
	[tilespmem:$0x8900] =	vst v63  }
0x1b: {  	_ = 	snop  }
0x1c: {  	[tilespmem:s15], [sflag:$0x2] =	stream.indirect.gather [hbm4b:s6+s13], $0x80, s13, s13, $0xb8;
	[tilespmem:$0x8900] =	vst v63  }
0x1d: {  	_ =	swait.ge [sflag:s16], $0x4000  }
0x1e: {  	[sflag:s16] =	ssyncset.done $0x0  }
0x1f: {  	[sflag:s16] =	ssyncadd.s32 $0xFFFFC000  }
0x20: {  	_ =	swait.ge [sflag:s17], $0x4000  }
0x21: {  	[sflag:s17] =	ssyncset.done $0x0  }
0x22: {  	[sflag:s17] =	ssyncadd.s32 $0xFFFFC000  }
.LBB2_3:
0x23: {  	s23 =	sshll.u32 s22, $0xB  }
0x24: {  	v0 =	vld [tilespmem:s23+$0x100]  }
0x25: {  	v1 =	vld [tilespmem:s23+$0x4100]  }
0x26: {  	v2 =	vld [tilespmem:s23+$0x110]  }
0x27: {  	v3 =	vld [tilespmem:s23+$0x4110]  }
0x28: {  	v4 =	vld [tilespmem:s23+$0x120]  }
0x29: {  	v5 =	vld [tilespmem:s23+$0x4120]  }
0x2a: {  	v29 =	vld [tilespmem:s23+$0x130];
	v0 =	vmul.f32 v1, v0  }
0x2b: {  	v6 =	vld [tilespmem:s23+$0x4130]  }
0x2c: {  	v30 =	vld [tilespmem:s23+$0x140];
	v2 =	vmul.f32 v3, v2;
	v0 =	vadd.f32 $0.0e+00, v0  }
0x2d: {  	v7 =	vld [tilespmem:s23+$0x4140]  }
0x2e: {  	v32 =	vld [tilespmem:s23+$0x150];
	v31 =	vmul.f32 v5, v4;
	v0 =	vadd.f32 v2, v0  }
0x2f: {  	v33 =	vld [tilespmem:s23+$0x4150]  }
0x30: {  	v34 =	vld [tilespmem:s23+$0x160];
	v1 =	vmul.f32 v6, v29;
	v0 =	vadd.f32 v31, v0  }
0x31: {  	v35 =	vld [tilespmem:s23+$0x4160]  }
0x32: {  	v37 =	vld [tilespmem:s23+$0x170];
	v36 =	vmul.f32 v7, v30;
	v0 =	vadd.f32 v1, v0  }
0x33: {  	v38 =	vld [tilespmem:s23+$0x4170]  }
0x34: {  	v39 =	vmul.f32 v33, v32;
	v0 =	vadd.f32 v36, v0;
	_ =	sdelay $0x1  }
0x35: {  	v40 =	vmul.f32 v35, v34;
	v0 =	vadd.f32 v39, v0;
	_ =	sdelay $0x1  }
0x36: {  	v41 =	vmul.f32 v38, v37;
	v0 =	vadd.f32 v40, v0;
	_ =	sdelay $0x1  }
0x37: {  	s24 =	sshll.u32 s22, $0x8;
	v0 =	vadd.f32 v41, v0  }
0x38: {  	s24 =	sand.u32 $0x3FFFFF00, s24  }
0x39: {  	[tilespmem:s24+$0x8100] =	vst v0  }
0x3a: {  	v0 =	vld [tilespmem:s23+$0x180]  }
0x3b: {  	v42 =	vld [tilespmem:s23+$0x4180]  }
0x3c: {  	v43 =	vld [tilespmem:s23+$0x190]  }
0x3d: {  	v44 =	vld [tilespmem:s23+$0x4190]  }
0x3e: {  	v45 =	vld [tilespmem:s23+$0x1A0]  }
0x3f: {  	v46 =	vld [tilespmem:s23+$0x41A0]  }
0x40: {  	v47 =	vld [tilespmem:s23+$0x1B0];
	v0 =	vmul.f32 v42, v0  }
0x41: {  	v48 =	vld [tilespmem:s23+$0x41B0]  }
0x42: {  	v49 =	vld [tilespmem:s23+$0x1C0];
	v2 =	vmul.f32 v44, v43;
	v0 =	vadd.f32 $0.0e+00, v0  }
0x43: {  	v50 =	vld [tilespmem:s23+$0x41C0]  }
0x44: {  	v52 =	vld [tilespmem:s23+$0x1D0];
	v51 =	vmul.f32 v46, v45;
	v0 =	vadd.f32 v2, v0  }
0x45: {  	v53 =	vld [tilespmem:s23+$0x41D0]  }
0x46: {  	v54 =	vld [tilespmem:s23+$0x1E0];
	v1 =	vmul.f32 v48, v47;
	v0 =	vadd.f32 v51, v0  }
0x47: {  	v55 =	vld [tilespmem:s23+$0x41E0]  }
0x48: {  	v57 =	vld [tilespmem:s23+$0x1F0];
	v56 =	vmul.f32 v50, v49;
	v0 =	vadd.f32 v1, v0  }
0x49: {  	v58 =	vld [tilespmem:s23+$0x41F0]  }
0x4a: {  	v59 =	vmul.f32 v53, v52;
	v0 =	vadd.f32 v56, v0;
	_ =	sdelay $0x1  }
0x4b: {  	v60 =	vmul.f32 v55, v54;
	v0 =	vadd.f32 v59, v0;
	_ =	sdelay $0x1  }
0x4c: {  	v61 =	vmul.f32 v58, v57;
	v0 =	vadd.f32 v60, v0;
	_ =	sdelay $0x1  }
0x4d: {  	v0 =	vadd.f32 v61, v0;
	_ =	sdelay $0x1  }
0x4e: {  	[tilespmem:s24+$0x8110] =	vst v0  }
0x4f: {  	v0 =	vld [tilespmem:s23+$0x200]  }
0x50: {  	v62 =	vld [tilespmem:s23+$0x4200]  }
0x51: {  	v63 =	vld [tilespmem:s23+$0x210]  }
0x52: {  	v9 =	vld [tilespmem:s23+$0x4210]  }
0x53: {  	v10 =	vld [tilespmem:s23+$0x220]  }
0x54: {  	v11 =	vld [tilespmem:s23+$0x4220]  }
0x55: {  	v12 =	vld [tilespmem:s23+$0x230];
	v0 =	vmul.f32 v62, v0  }
0x56: {  	v13 =	vld [tilespmem:s23+$0x4230]  }
0x57: {  	v14 =	vld [tilespmem:s23+$0x240];
	v2 =	vmul.f32 v9, v63;
	v0 =	vadd.f32 $0.0e+00, v0  }
0x58: {  	v15 =	vld [tilespmem:s23+$0x4240]  }
0x59: {  	v17 =	vld [tilespmem:s23+$0x250];
	v16 =	vmul.f32 v11, v10;
	v0 =	vadd.f32 v2, v0  }
0x5a: {  	v18 =	vld [tilespmem:s23+$0x4250]  }
0x5b: {  	v19 =	vld [tilespmem:s23+$0x260];
	v1 =	vmul.f32 v13, v12;
	v0 =	vadd.f32 v16, v0  }
0x5c: {  	v20 =	vld [tilespmem:s23+$0x4260]  }
0x5d: {  	v22 =	vld [tilespmem:s23+$0x270];
	v21 =	vmul.f32 v15, v14;
	v0 =	vadd.f32 v1, v0  }
0x5e: {  	v23 =	vld [tilespmem:s23+$0x4270]  }
0x5f: {  	v24 =	vmul.f32 v18, v17;
	v0 =	vadd.f32 v21, v0;
	_ =	sdelay $0x1  }
0x60: {  	v25 =	vmul.f32 v20, v19;
	v0 =	vadd.f32 v24, v0;
	_ =	sdelay $0x1  }
0x61: {  	v26 =	vmul.f32 v23, v22;
	v0 =	vadd.f32 v25, v0;
	_ =	sdelay $0x1  }
0x62: {  	v0 =	vadd.f32 v26, v0;
	_ =	sdelay $0x1  }
0x63: {  	[tilespmem:s24+$0x8120] =	vst v0  }
0x64: {  	v0 =	vld [tilespmem:s23+$0x280]  }
0x65: {  	v27 =	vld [tilespmem:s23+$0x4280]  }
0x66: {  	v28 =	vld [tilespmem:s23+$0x290]  }
0x67: {  	v29 =	vld [tilespmem:s23+$0x4290]  }
0x68: {  	v30 =	vld [tilespmem:s23+$0x2A0]  }
0x69: {  	v31 =	vld [tilespmem:s23+$0x42A0]  }
0x6a: {  	v32 =	vld [tilespmem:s23+$0x2B0];
	v0 =	vmul.f32 v27, v0  }
0x6b: {  	v33 =	vld [tilespmem:s23+$0x42B0]  }
0x6c: {  	v34 =	vld [tilespmem:s23+$0x2C0];
	v2 =	vmul.f32 v29, v28;
	v0 =	vadd.f32 $0.0e+00, v0  }
0x6d: {  	v35 =	vld [tilespmem:s23+$0x42C0]  }
0x6e: {  	v37 =	vld [tilespmem:s23+$0x2D0];
	v36 =	vmul.f32 v31, v30;
	v0 =	vadd.f32 v2, v0  }
0x6f: {  	v38 =	vld [tilespmem:s23+$0x42D0]  }
0x70: {  	v39 =	vld [tilespmem:s23+$0x2E0];
	v1 =	vmul.f32 v33, v32;
	v0 =	vadd.f32 v36, v0  }
0x71: {  	v40 =	vld [tilespmem:s23+$0x42E0]  }
0x72: {  	v42 =	vld [tilespmem:s23+$0x2F0];
	v41 =	vmul.f32 v35, v34;
	v0 =	vadd.f32 v1, v0  }
0x73: {  	v43 =	vld [tilespmem:s23+$0x42F0]  }
0x74: {  	v44 =	vmul.f32 v38, v37;
	v0 =	vadd.f32 v41, v0;
	_ =	sdelay $0x1  }
0x75: {  	v45 =	vmul.f32 v40, v39;
	v0 =	vadd.f32 v44, v0;
	_ =	sdelay $0x1  }
0x76: {  	v46 =	vmul.f32 v43, v42;
	v0 =	vadd.f32 v45, v0;
	_ =	sdelay $0x1  }
0x77: {  	v0 =	vadd.f32 v46, v0;
	_ =	sdelay $0x1  }
0x78: {  	[tilespmem:s24+$0x8130] =	vst v0  }
0x79: {  	v0 =	vld [tilespmem:s23+$0x300]  }
0x7a: {  	v47 =	vld [tilespmem:s23+$0x4300]  }
0x7b: {  	v48 =	vld [tilespmem:s23+$0x310]  }
0x7c: {  	v49 =	vld [tilespmem:s23+$0x4310]  }
0x7d: {  	v50 =	vld [tilespmem:s23+$0x320]  }
0x7e: {  	v51 =	vld [tilespmem:s23+$0x4320]  }
0x7f: {  	v52 =	vld [tilespmem:s23+$0x330];
	v0 =	vmul.f32 v47, v0  }
0x80: {  	v53 =	vld [tilespmem:s23+$0x4330]  }
0x81: {  	v54 =	vld [tilespmem:s23+$0x340];
	v2 =	vmul.f32 v49, v48;
	v0 =	vadd.f32 $0.0e+00, v0  }
0x82: {  	v55 =	vld [tilespmem:s23+$0x4340]  }
0x83: {  	v57 =	vld [tilespmem:s23+$0x350];
	v56 =	vmul.f32 v51, v50;
	v0 =	vadd.f32 v2, v0  }
0x84: {  	v58 =	vld [tilespmem:s23+$0x4350]  }
0x85: {  	v59 =	vld [tilespmem:s23+$0x360];
	v1 =	vmul.f32 v53, v52;
	v0 =	vadd.f32 v56, v0  }
0x86: {  	v60 =	vld [tilespmem:s23+$0x4360]  }
0x87: {  	v62 =	vld [tilespmem:s23+$0x370];
	v61 =	vmul.f32 v55, v54;
	v0 =	vadd.f32 v1, v0  }
0x88: {  	v63 =	vld [tilespmem:s23+$0x4370]  }
0x89: {  	v5 =	vmul.f32 v58, v57;
	v0 =	vadd.f32 v61, v0;
	_ =	sdelay $0x1  }
0x8a: {  	v8 =	vmul.f32 v60, v59;
	v0 =	vadd.f32 v5, v0;
	_ =	sdelay $0x1  }
0x8b: {  	v9 =	vmul.f32 v63, v62;
	v0 =	vadd.f32 v8, v0;
	_ =	sdelay $0x1  }
0x8c: {  	v0 =	vadd.f32 v9, v0;
	_ =	sdelay $0x1  }
0x8d: {  	[tilespmem:s24+$0x8140] =	vst v0  }
0x8e: {  	v0 =	vld [tilespmem:s23+$0x380]  }
0x8f: {  	v10 =	vld [tilespmem:s23+$0x4380]  }
0x90: {  	v11 =	vld [tilespmem:s23+$0x390]  }
0x91: {  	v12 =	vld [tilespmem:s23+$0x4390]  }
0x92: {  	v13 =	vld [tilespmem:s23+$0x3A0]  }
0x93: {  	v14 =	vld [tilespmem:s23+$0x43A0]  }
0x94: {  	v15 =	vld [tilespmem:s23+$0x3B0];
	v0 =	vmul.f32 v10, v0  }
0x95: {  	v16 =	vld [tilespmem:s23+$0x43B0]  }
0x96: {  	v17 =	vld [tilespmem:s23+$0x3C0];
	v2 =	vmul.f32 v12, v11;
	v0 =	vadd.f32 $0.0e+00, v0  }
0x97: {  	v18 =	vld [tilespmem:s23+$0x43C0]  }
0x98: {  	v20 =	vld [tilespmem:s23+$0x3D0];
	v19 =	vmul.f32 v14, v13;
	v0 =	vadd.f32 v2, v0  }
0x99: {  	v21 =	vld [tilespmem:s23+$0x43D0]  }
0x9a: {  	v22 =	vld [tilespmem:s23+$0x3E0];
	v1 =	vmul.f32 v16, v15;
	v0 =	vadd.f32 v19, v0  }
0x9b: {  	v23 =	vld [tilespmem:s23+$0x43E0]  }
0x9c: {  	v25 =	vld [tilespmem:s23+$0x3F0];
	v24 =	vmul.f32 v18, v17;
	v0 =	vadd.f32 v1, v0  }
0x9d: {  	v26 =	vld [tilespmem:s23+$0x43F0]  }
0x9e: {  	v27 =	vmul.f32 v21, v20;
	v0 =	vadd.f32 v24, v0;
	_ =	sdelay $0x1  }
0x9f: {  	v28 =	vmul.f32 v23, v22;
	v0 =	vadd.f32 v27, v0;
	_ =	sdelay $0x1  }
0xa0: {  	v29 =	vmul.f32 v26, v25;
	v0 =	vadd.f32 v28, v0;
	_ =	sdelay $0x1  }
0xa1: {  	v0 =	vadd.f32 v29, v0;
	_ =	sdelay $0x1  }
0xa2: {  	[tilespmem:s24+$0x8150] =	vst v0  }
0xa3: {  	v0 =	vld [tilespmem:s23+$0x400]  }
0xa4: {  	v30 =	vld [tilespmem:s23+$0x4400]  }
0xa5: {  	v31 =	vld [tilespmem:s23+$0x410]  }
0xa6: {  	v32 =	vld [tilespmem:s23+$0x4410]  }
0xa7: {  	v33 =	vld [tilespmem:s23+$0x420]  }
0xa8: {  	v34 =	vld [tilespmem:s23+$0x4420]  }
0xa9: {  	v35 =	vld [tilespmem:s23+$0x430];
	v0 =	vmul.f32 v30, v0  }
0xaa: {  	v36 =	vld [tilespmem:s23+$0x4430]  }
0xab: {  	v37 =	vld [tilespmem:s23+$0x440];
	v2 =	vmul.f32 v32, v31;
	v0 =	vadd.f32 $0.0e+00, v0  }
0xac: {  	v38 =	vld [tilespmem:s23+$0x4440]  }
0xad: {  	v40 =	vld [tilespmem:s23+$0x450];
	v39 =	vmul.f32 v34, v33;
	v0 =	vadd.f32 v2, v0  }
0xae: {  	v41 =	vld [tilespmem:s23+$0x4450]  }
0xaf: {  	v42 =	vld [tilespmem:s23+$0x460];
	v1 =	vmul.f32 v36, v35;
	v0 =	vadd.f32 v39, v0  }
0xb0: {  	v43 =	vld [tilespmem:s23+$0x4460]  }
0xb1: {  	v45 =	vld [tilespmem:s23+$0x470];
	v44 =	vmul.f32 v38, v37;
	v0 =	vadd.f32 v1, v0  }
0xb2: {  	v46 =	vld [tilespmem:s23+$0x4470]  }
0xb3: {  	v47 =	vmul.f32 v41, v40;
	v0 =	vadd.f32 v44, v0;
	_ =	sdelay $0x1  }
0xb4: {  	v48 =	vmul.f32 v43, v42;
	v0 =	vadd.f32 v47, v0;
	_ =	sdelay $0x1  }
0xb5: {  	v49 =	vmul.f32 v46, v45;
	v0 =	vadd.f32 v48, v0;
	_ =	sdelay $0x1  }
0xb6: {  	v0 =	vadd.f32 v49, v0;
	_ =	sdelay $0x1  }
0xb7: {  	[tilespmem:s24+$0x8160] =	vst v0  }
0xb8: {  	v0 =	vld [tilespmem:s23+$0x480]  }
0xb9: {  	v50 =	vld [tilespmem:s23+$0x4480]  }
0xba: {  	v51 =	vld [tilespmem:s23+$0x490]  }
0xbb: {  	v52 =	vld [tilespmem:s23+$0x4490]  }
0xbc: {  	v53 =	vld [tilespmem:s23+$0x4A0]  }
0xbd: {  	v54 =	vld [tilespmem:s23+$0x44A0]  }
0xbe: {  	v55 =	vld [tilespmem:s23+$0x4B0];
	v0 =	vmul.f32 v50, v0  }
0xbf: {  	v56 =	vld [tilespmem:s23+$0x44B0]  }
0xc0: {  	v57 =	vld [tilespmem:s23+$0x4C0];
	v2 =	vmul.f32 v52, v51;
	v0 =	vadd.f32 $0.0e+00, v0  }
0xc1: {  	v58 =	vld [tilespmem:s23+$0x44C0]  }
0xc2: {  	v60 =	vld [tilespmem:s23+$0x4D0];
	v59 =	vmul.f32 v54, v53;
	v0 =	vadd.f32 v2, v0  }
0xc3: {  	v61 =	vld [tilespmem:s23+$0x44D0]  }
0xc4: {  	v62 =	vld [tilespmem:s23+$0x4E0];
	v1 =	vmul.f32 v56, v55;
	v0 =	vadd.f32 v59, v0  }
0xc5: {  	v63 =	vld [tilespmem:s23+$0x44E0]  }
0xc6: {  	v10 =	vld [tilespmem:s23+$0x4F0];
	v9 =	vmul.f32 v58, v57;
	v0 =	vadd.f32 v1, v0  }
0xc7: {  	v11 =	vld [tilespmem:s23+$0x44F0]  }
0xc8: {  	v12 =	vmul.f32 v61, v60;
	v0 =	vadd.f32 v9, v0;
	_ =	sdelay $0x1  }
0xc9: {  	v13 =	vmul.f32 v63, v62;
	v0 =	vadd.f32 v12, v0;
	_ =	sdelay $0x1  }
0xca: {  	v14 =	vmul.f32 v11, v10;
	v0 =	vadd.f32 v13, v0;
	_ =	sdelay $0x1  }
0xcb: {  	v0 =	vadd.f32 v14, v0;
	_ =	sdelay $0x1  }
0xcc: {  	[tilespmem:s24+$0x8170] =	vst v0  }
0xcd: {  	v0 =	vld [tilespmem:s23+$0x500]  }
0xce: {  	v15 =	vld [tilespmem:s23+$0x4500]  }
0xcf: {  	v16 =	vld [tilespmem:s23+$0x510]  }
0xd0: {  	v17 =	vld [tilespmem:s23+$0x4510]  }
0xd1: {  	v18 =	vld [tilespmem:s23+$0x520]  }
0xd2: {  	v19 =	vld [tilespmem:s23+$0x4520]  }
0xd3: {  	v20 =	vld [tilespmem:s23+$0x530];
	v0 =	vmul.f32 v15, v0  }
0xd4: {  	v21 =	vld [tilespmem:s23+$0x4530]  }
0xd5: {  	v22 =	vld [tilespmem:s23+$0x540];
	v2 =	vmul.f32 v17, v16;
	v0 =	vadd.f32 $0.0e+00, v0  }
0xd6: {  	v23 =	vld [tilespmem:s23+$0x4540]  }
0xd7: {  	v25 =	vld [tilespmem:s23+$0x550];
	v24 =	vmul.f32 v19, v18;
	v0 =	vadd.f32 v2, v0  }
0xd8: {  	v26 =	vld [tilespmem:s23+$0x4550]  }
0xd9: {  	v27 =	vld [tilespmem:s23+$0x560];
	v1 =	vmul.f32 v21, v20;
	v0 =	vadd.f32 v24, v0  }
0xda: {  	v28 =	vld [tilespmem:s23+$0x4560]  }
0xdb: {  	v30 =	vld [tilespmem:s23+$0x570];
	v29 =	vmul.f32 v23, v22;
	v0 =	vadd.f32 v1, v0  }
0xdc: {  	v31 =	vld [tilespmem:s23+$0x4570]  }
0xdd: {  	v32 =	vmul.f32 v26, v25;
	v0 =	vadd.f32 v29, v0;
	_ =	sdelay $0x1  }
0xde: {  	v33 =	vmul.f32 v28, v27;
	v0 =	vadd.f32 v32, v0;
	_ =	sdelay $0x1  }
0xdf: {  	v34 =	vmul.f32 v31, v30;
	v0 =	vadd.f32 v33, v0;
	_ =	sdelay $0x1  }
0xe0: {  	v0 =	vadd.f32 v34, v0;
	_ =	sdelay $0x1  }
0xe1: {  	[tilespmem:s24+$0x8180] =	vst v0  }
0xe2: {  	v0 =	vld [tilespmem:s23+$0x580]  }
0xe3: {  	v35 =	vld [tilespmem:s23+$0x4580]  }
0xe4: {  	v36 =	vld [tilespmem:s23+$0x590]  }
0xe5: {  	v37 =	vld [tilespmem:s23+$0x4590]  }
0xe6: {  	v38 =	vld [tilespmem:s23+$0x5A0]  }
0xe7: {  	v39 =	vld [tilespmem:s23+$0x45A0]  }
0xe8: {  	v40 =	vld [tilespmem:s23+$0x5B0];
	v0 =	vmul.f32 v35, v0  }
0xe9: {  	v41 =	vld [tilespmem:s23+$0x45B0]  }
0xea: {  	v42 =	vld [tilespmem:s23+$0x5C0];
	v2 =	vmul.f32 v37, v36;
	v0 =	vadd.f32 $0.0e+00, v0  }
0xeb: {  	v43 =	vld [tilespmem:s23+$0x45C0]  }
0xec: {  	v45 =	vld [tilespmem:s23+$0x5D0];
	v44 =	vmul.f32 v39, v38;
	v0 =	vadd.f32 v2, v0  }
0xed: {  	v46 =	vld [tilespmem:s23+$0x45D0]  }
0xee: {  	v47 =	vld [tilespmem:s23+$0x5E0];
	v1 =	vmul.f32 v41, v40;
	v0 =	vadd.f32 v44, v0  }
0xef: {  	v48 =	vld [tilespmem:s23+$0x45E0]  }
0xf0: {  	v50 =	vld [tilespmem:s23+$0x5F0];
	v49 =	vmul.f32 v43, v42;
	v0 =	vadd.f32 v1, v0  }
0xf1: {  	v51 =	vld [tilespmem:s23+$0x45F0]  }
0xf2: {  	v52 =	vmul.f32 v46, v45;
	v0 =	vadd.f32 v49, v0;
	_ =	sdelay $0x1  }
0xf3: {  	v53 =	vmul.f32 v48, v47;
	v0 =	vadd.f32 v52, v0;
	_ =	sdelay $0x1  }
0xf4: {  	v54 =	vmul.f32 v51, v50;
	v0 =	vadd.f32 v53, v0;
	_ =	sdelay $0x1  }
0xf5: {  	v0 =	vadd.f32 v54, v0;
	_ =	sdelay $0x1  }
0xf6: {  	[tilespmem:s24+$0x8190] =	vst v0  }
0xf7: {  	v0 =	vld [tilespmem:s23+$0x600]  }
0xf8: {  	v55 =	vld [tilespmem:s23+$0x4600]  }
0xf9: {  	v56 =	vld [tilespmem:s23+$0x610]  }
0xfa: {  	v57 =	vld [tilespmem:s23+$0x4610]  }
0xfb: {  	v58 =	vld [tilespmem:s23+$0x620]  }
0xfc: {  	v59 =	vld [tilespmem:s23+$0x4620]  }
0xfd: {  	v60 =	vld [tilespmem:s23+$0x630];
	v0 =	vmul.f32 v55, v0  }
0xfe: {  	v61 =	vld [tilespmem:s23+$0x4630]  }
0xff: {  	v62 =	vld [tilespmem:s23+$0x640];
	v2 =	vmul.f32 v57, v56;
	v0 =	vadd.f32 $0.0e+00, v0  }
0x100: {  	v63 =	vld [tilespmem:s23+$0x4640]  }
0x101: {  	v9 =	vld [tilespmem:s23+$0x650];
	v8 =	vmul.f32 v59, v58;
	v0 =	vadd.f32 v2, v0  }
0x102: {  	v10 =	vld [tilespmem:s23+$0x4650]  }
0x103: {  	v11 =	vld [tilespmem:s23+$0x660];
	v1 =	vmul.f32 v61, v60;
	v0 =	vadd.f32 v8, v0  }
0x104: {  	v12 =	vld [tilespmem:s23+$0x4660]  }
0x105: {  	v14 =	vld [tilespmem:s23+$0x670];
	v13 =	vmul.f32 v63, v62;
	v0 =	vadd.f32 v1, v0  }
0x106: {  	v15 =	vld [tilespmem:s23+$0x4670]  }
0x107: {  	v16 =	vmul.f32 v10, v9;
	v0 =	vadd.f32 v13, v0;
	_ =	sdelay $0x1  }
0x108: {  	v17 =	vmul.f32 v12, v11;
	v0 =	vadd.f32 v16, v0;
	_ =	sdelay $0x1  }
0x109: {  	v18 =	vmul.f32 v15, v14;
	v0 =	vadd.f32 v17, v0;
	_ =	sdelay $0x1  }
0x10a: {  	v0 =	vadd.f32 v18, v0;
	_ =	sdelay $0x1  }
0x10b: {  	[tilespmem:s24+$0x81A0] =	vst v0  }
0x10c: {  	v0 =	vld [tilespmem:s23+$0x680]  }
0x10d: {  	v19 =	vld [tilespmem:s23+$0x4680]  }
0x10e: {  	v20 =	vld [tilespmem:s23+$0x690]  }
0x10f: {  	v21 =	vld [tilespmem:s23+$0x4690]  }
0x110: {  	v22 =	vld [tilespmem:s23+$0x6A0]  }
0x111: {  	v23 =	vld [tilespmem:s23+$0x46A0]  }
0x112: {  	v24 =	vld [tilespmem:s23+$0x6B0];
	v0 =	vmul.f32 v19, v0  }
0x113: {  	v25 =	vld [tilespmem:s23+$0x46B0]  }
0x114: {  	v26 =	vld [tilespmem:s23+$0x6C0];
	v2 =	vmul.f32 v21, v20;
	v0 =	vadd.f32 $0.0e+00, v0  }
0x115: {  	v27 =	vld [tilespmem:s23+$0x46C0]  }
0x116: {  	v29 =	vld [tilespmem:s23+$0x6D0];
	v28 =	vmul.f32 v23, v22;
	v0 =	vadd.f32 v2, v0  }
0x117: {  	v30 =	vld [tilespmem:s23+$0x46D0]  }
0x118: {  	v31 =	vld [tilespmem:s23+$0x6E0];
	v1 =	vmul.f32 v25, v24;
	v0 =	vadd.f32 v28, v0  }
0x119: {  	v32 =	vld [tilespmem:s23+$0x46E0]  }
0x11a: {  	v34 =	vld [tilespmem:s23+$0x6F0];
	v33 =	vmul.f32 v27, v26;
	v0 =	vadd.f32 v1, v0  }
0x11b: {  	v35 =	vld [tilespmem:s23+$0x46F0]  }
0x11c: {  	v36 =	vmul.f32 v30, v29;
	v0 =	vadd.f32 v33, v0;
	_ =	sdelay $0x1  }
0x11d: {  	v37 =	vmul.f32 v32, v31;
	v0 =	vadd.f32 v36, v0;
	_ =	sdelay $0x1  }
0x11e: {  	v38 =	vmul.f32 v35, v34;
	v0 =	vadd.f32 v37, v0;
	_ =	sdelay $0x1  }
0x11f: {  	v0 =	vadd.f32 v38, v0;
	_ =	sdelay $0x1  }
0x120: {  	[tilespmem:s24+$0x81B0] =	vst v0  }
0x121: {  	v0 =	vld [tilespmem:s23+$0x700]  }
0x122: {  	v39 =	vld [tilespmem:s23+$0x4700]  }
0x123: {  	v40 =	vld [tilespmem:s23+$0x710]  }
0x124: {  	v41 =	vld [tilespmem:s23+$0x4710]  }
0x125: {  	v42 =	vld [tilespmem:s23+$0x720]  }
0x126: {  	v43 =	vld [tilespmem:s23+$0x4720]  }
0x127: {  	v44 =	vld [tilespmem:s23+$0x730];
	v0 =	vmul.f32 v39, v0  }
0x128: {  	v45 =	vld [tilespmem:s23+$0x4730]  }
0x129: {  	v46 =	vld [tilespmem:s23+$0x740];
	v2 =	vmul.f32 v41, v40;
	v0 =	vadd.f32 $0.0e+00, v0  }
0x12a: {  	v47 =	vld [tilespmem:s23+$0x4740]  }
0x12b: {  	v49 =	vld [tilespmem:s23+$0x750];
	v48 =	vmul.f32 v43, v42;
	v0 =	vadd.f32 v2, v0  }
0x12c: {  	v50 =	vld [tilespmem:s23+$0x4750]  }
0x12d: {  	v51 =	vld [tilespmem:s23+$0x760];
	v1 =	vmul.f32 v45, v44;
	v0 =	vadd.f32 v48, v0  }
0x12e: {  	v52 =	vld [tilespmem:s23+$0x4760]  }
0x12f: {  	v54 =	vld [tilespmem:s23+$0x770];
	v53 =	vmul.f32 v47, v46;
	v0 =	vadd.f32 v1, v0  }
0x130: {  	v55 =	vld [tilespmem:s23+$0x4770]  }
0x131: {  	v56 =	vmul.f32 v50, v49;
	v0 =	vadd.f32 v53, v0;
	_ =	sdelay $0x1  }
0x132: {  	v57 =	vmul.f32 v52, v51;
	v0 =	vadd.f32 v56, v0;
	_ =	sdelay $0x1  }
0x133: {  	v58 =	vmul.f32 v55, v54;
	v0 =	vadd.f32 v57, v0;
	_ =	sdelay $0x1  }
0x134: {  	v0 =	vadd.f32 v58, v0;
	_ =	sdelay $0x1  }
0x135: {  	[tilespmem:s24+$0x81C0] =	vst v0  }
0x136: {  	v0 =	vld [tilespmem:s23+$0x780]  }
0x137: {  	v59 =	vld [tilespmem:s23+$0x4780]  }
0x138: {  	v60 =	vld [tilespmem:s23+$0x790]  }
0x139: {  	v61 =	vld [tilespmem:s23+$0x4790]  }
0x13a: {  	v62 =	vld [tilespmem:s23+$0x7A0]  }
0x13b: {  	v63 =	vld [tilespmem:s23+$0x47A0]  }
0x13c: {  	v9 =	vld [tilespmem:s23+$0x7B0];
	v0 =	vmul.f32 v59, v0  }
0x13d: {  	v10 =	vld [tilespmem:s23+$0x47B0]  }
0x13e: {  	v11 =	vld [tilespmem:s23+$0x7C0];
	v2 =	vmul.f32 v61, v60;
	v0 =	vadd.f32 $0.0e+00, v0  }
0x13f: {  	v12 =	vld [tilespmem:s23+$0x47C0]  }
0x140: {  	v14 =	vld [tilespmem:s23+$0x7D0];
	v13 =	vmul.f32 v63, v62;
	v0 =	vadd.f32 v2, v0  }
0x141: {  	v15 =	vld [tilespmem:s23+$0x47D0]  }
0x142: {  	v16 =	vld [tilespmem:s23+$0x7E0];
	v1 =	vmul.f32 v10, v9;
	v0 =	vadd.f32 v13, v0  }
0x143: {  	v17 =	vld [tilespmem:s23+$0x47E0]  }
0x144: {  	v19 =	vld [tilespmem:s23+$0x7F0];
	v18 =	vmul.f32 v12, v11;
	v0 =	vadd.f32 v1, v0  }
0x145: {  	v20 =	vld [tilespmem:s23+$0x47F0]  }
0x146: {  	v21 =	vmul.f32 v15, v14;
	v0 =	vadd.f32 v18, v0;
	_ =	sdelay $0x1  }
0x147: {  	v22 =	vmul.f32 v17, v16;
	v0 =	vadd.f32 v21, v0;
	_ =	sdelay $0x1  }
0x148: {  	v23 =	vmul.f32 v20, v19;
	v0 =	vadd.f32 v22, v0;
	_ =	sdelay $0x1  }
0x149: {  	v0 =	vadd.f32 v23, v0;
	_ =	sdelay $0x1  }
0x14a: {  	[tilespmem:s24+$0x81D0] =	vst v0  }
0x14b: {  	v0 =	vld [tilespmem:s23+$0x800]  }
0x14c: {  	v24 =	vld [tilespmem:s23+$0x4800]  }
0x14d: {  	v25 =	vld [tilespmem:s23+$0x810]  }
0x14e: {  	v26 =	vld [tilespmem:s23+$0x4810]  }
0x14f: {  	v27 =	vld [tilespmem:s23+$0x820]  }
0x150: {  	v28 =	vld [tilespmem:s23+$0x4820]  }
0x151: {  	v29 =	vld [tilespmem:s23+$0x830];
	v0 =	vmul.f32 v24, v0  }
0x152: {  	v30 =	vld [tilespmem:s23+$0x4830]  }
0x153: {  	v31 =	vld [tilespmem:s23+$0x840];
	v2 =	vmul.f32 v26, v25;
	v0 =	vadd.f32 $0.0e+00, v0  }
0x154: {  	v32 =	vld [tilespmem:s23+$0x4840]  }
0x155: {  	v34 =	vld [tilespmem:s23+$0x850];
	v33 =	vmul.f32 v28, v27;
	v0 =	vadd.f32 v2, v0  }
0x156: {  	v35 =	vld [tilespmem:s23+$0x4850]  }
0x157: {  	v36 =	vld [tilespmem:s23+$0x860];
	v1 =	vmul.f32 v30, v29;
	v0 =	vadd.f32 v33, v0  }
0x158: {  	v37 =	vld [tilespmem:s23+$0x4860]  }
0x159: {  	v39 =	vld [tilespmem:s23+$0x870];
	v38 =	vmul.f32 v32, v31;
	v0 =	vadd.f32 v1, v0  }
0x15a: {  	v40 =	vld [tilespmem:s23+$0x4870]  }
0x15b: {  	v41 =	vmul.f32 v35, v34;
	v0 =	vadd.f32 v38, v0;
	_ =	sdelay $0x1  }
0x15c: {  	v42 =	vmul.f32 v37, v36;
	v0 =	vadd.f32 v41, v0;
	_ =	sdelay $0x1  }
0x15d: {  	v43 =	vmul.f32 v40, v39;
	v0 =	vadd.f32 v42, v0;
	_ =	sdelay $0x1  }
0x15e: {  	v0 =	vadd.f32 v43, v0;
	_ =	sdelay $0x1  }
0x15f: {  	[tilespmem:s24+$0x81E0] =	vst v0  }
0x160: {  	v0 =	vld [tilespmem:s23+$0x880]  }
0x161: {  	v44 =	vld [tilespmem:s23+$0x4880]  }
0x162: {  	v45 =	vld [tilespmem:s23+$0x890]  }
0x163: {  	v46 =	vld [tilespmem:s23+$0x4890]  }
0x164: {  	v47 =	vld [tilespmem:s23+$0x8A0]  }
0x165: {  	v48 =	vld [tilespmem:s23+$0x48A0]  }
0x166: {  	v49 =	vld [tilespmem:s23+$0x8B0];
	v0 =	vmul.f32 v44, v0  }
0x167: {  	v50 =	vld [tilespmem:s23+$0x48B0]  }
0x168: {  	v51 =	vld [tilespmem:s23+$0x8C0];
	v2 =	vmul.f32 v46, v45;
	v0 =	vadd.f32 $0.0e+00, v0  }
0x169: {  	v52 =	vld [tilespmem:s23+$0x48C0]  }
0x16a: {  	v54 =	vld [tilespmem:s23+$0x8D0];
	v53 =	vmul.f32 v48, v47;
	v0 =	vadd.f32 v2, v0  }
0x16b: {  	v55 =	vld [tilespmem:s23+$0x48D0]  }
0x16c: {  	v56 =	vld [tilespmem:s23+$0x8E0];
	v1 =	vmul.f32 v50, v49;
	v0 =	vadd.f32 v53, v0  }
0x16d: {  	v57 =	vld [tilespmem:s23+$0x48E0]  }
0x16e: {  	v59 =	vld [tilespmem:s23+$0x8F0];
	v58 =	vmul.f32 v52, v51;
	v0 =	vadd.f32 v1, v0  }
0x16f: {  	v60 =	vld [tilespmem:s23+$0x48F0]  }
0x170: {  	v61 =	vmul.f32 v55, v54;
	v0 =	vadd.f32 v58, v0;
	_ =	sdelay $0x1  }
0x171: {  	v62 =	vmul.f32 v57, v56;
	v0 =	vadd.f32 v61, v0  }
0x172: {  	p0 =	sne.s32 s22, $0x7  }
.Ltmp0:
0x173: {  	v63 =	vmul.f32 v60, v59;
	v0 =	vadd.f32 v62, v0;
	(pc) =	sbr.rel @p0 .LBB2_3-.Ltmp0, $3  }
0x174: {  	_ = 	snop  }
0x175: {  	v0 =	vadd.f32 v63, v0;
	_ =	sdelay $0x1  }
0x176: {  	s22 =	sadd.s32 $0x1, s22;
	[tilespmem:s24+$0x81F0] =	vst v0  }
0x177: {  	s20 =	sadd.s32 $0x1, s20  }
0x178: {  	s21 =	sshll.u32 s21, $0x8;
	p0 =	sne.s32 s20, s9  }
.Ltmp1:
0x179: {  	s21 =	sadd.s32 s8, s21;
	(pc) =	sbr.rel @p0 .LBB2_2-.Ltmp1, $4  }
0x17a: {  	[hbm4b:s21+s2] =	stream.linear.scatter [tilespmem:s18], [sflag:$0x3], $0x800, $0x38;
	[tilespmem:$0x8900] =	vst v63  }
0x17b: {  	_ =	swait.ge [sflag:s12], $0x800  }
0x17c: {  	[sflag:s12] =	ssyncset.done $0x0  }
0x17d: {  	[sflag:s12] =	ssyncadd.s32 $0xFFFFF800  }
0x17e: {  	s19 =	sadd.s32 $0x1, s19  }
0x17f: {  	p0 =	sne.s32 s19, s11  }
.Ltmp2:
0x180: {  	_ = 	snop;
	(pc) =	sbr.rel @p0 .LBB2_1-.Ltmp2, $1  }
0x181: {  	_ =	sdelay $0x3  }
0x182: {  	_ =	sfence.sel $0x180000  }
0x183: {  	[bflag:$0x0] =	sbarrier.arrive $0xFFFF  }
0x184: {  	p0 =	sne.s32 s4, $0x0;
	_ =	strace $0x9000004D  }
0x185: {  	s0 =	sadd.s32 @!p0 $0x100000, s0;
	[bflag:$0x2] =	sbarrier.arrive $0xFFFF  }
0x186: {  	[sflag:s0] =	ssyncadd.tile.s32 @!p0 $0x1;
	_ =	shalt  }
.Lfunc_end2:
_tile_overlayer_lowered:
.L_overlay_start_2:
0x187: {  	(tag) =	ssettag $0x2  }
0x188: {  	s0 =	rddreg [dreg:$0x0];
	s2 =	stileid.u32  }
0x189: {  	s1 =	rddreg [dreg:$0x1];
	p0 =	sne.s32 s2, $0x0  }
0x18a: {  	s3 =	rddreg [dreg:$0x2];
	[bflag:$0x3] =	sbarrier.arrive $0xFFFF;
	s2 =	simm.s32 @!p0 $0x1C03  }
0x18b: {  	[timem:s3], [sflag:s2] =	dma.local @!p0 [hbm:s0], s1  }
0x18c: {  	s0 =	simm.s32 @!p0 $0x3  }
0x18d: {  	_ =	swait.ge @!p0 [sflag:s0], s1  }
0x18e: {  	s1 =	ssub.s32 @!p0 $0x0, s1;
	[sflag:s0] =	ssyncset.done @!p0 $0x0  }
0x18f: {  	[sflag:s0] =	ssyncadd.s32 @!p0 s1  }
0x190: {  	[bflag:$0x3] =	sbarrier.arrive $0xFFFF  }
0x191: {  	_ =	shalt  }

// kernel: kernel.8.cloned.1.call-start
scs
__scs_entry_jumppad:
0x0: {  	(pc) =	sbr.rel $0x88, $3  }
0x1: {  	(tag) =	ssettag $0x0;
	lr =	simm.s32 $0x1  }
0x2: {  	[smem:$0x3F96] =	sst lr;
	_ =	strace $0xD0000000  }
0x3: {  	_ = 	snop  }
0x4: {  	_ = 	snop  }
0x5: {  	_ = 	snop  }
0x6: {  	_ = 	snop  }
0x7: {  	_ = 	snop  }
__scs_overlays_trampoline_lowered:
0x8: {  	[smem:$0x3FA5] =	sst s0  }
0x9: {  	[smem:$0x3FA6] =	sst s1  }
0xa: {  	[smem:$0x3FA7] =	sst s2  }
0xb: {  	[smem:$0x3FA8] =	sst s3  }
0xc: {  	[smem:$0x3FA9] =	sst s4  }
0xd: {  	[smem:$0x3FAA] =	sst s5  }
0xe: {  	[smem:$0x3FAB] =	sst s6  }
0xf: {  	[smem:$0x3FAC] =	sst s7  }
0x10: {  	[smem:$0x3FAD] =	sst s8  }
0x11: {  	[smem:$0x3FAE] =	sst s9;
	s0 =	simm.s32 @!p0 $0x0  }
0x12: {  	s1 =	sld [smem:$0x3F94];
	s0 =	simm.s32 @p0 $0x1  }
0x13: {  	[smem:$0x3FAF] =	sst s0;
	s0 =	simm.s32 @!p1 $0x0  }
0x14: {  	s2 =	sld [smem:$0x3F93];
	s0 =	simm.s32 @p1 $0x1  }
0x15: {  	[smem:$0x3FB0] =	sst s0;
	s0 =	simm.s32 @!p2 $0x0  }
0x16: {  	s3 =	sld [smem:$0x3FDB];
	s0 =	simm.s32 @p2 $0x1  }
0x17: {  	s4 =	simm.s32 $0x1BF5;
	[smem:$0x3FB2] =	sst s0  }
0x18: {  	s0 =	sld [smem:$0x3F95];
	_ =	swait.ge [sflag:s4], $0x0  }
0x19: {  	s7 =	sld [smem:$0x3F96]  }
0x1a: {  	s8 =	sadd.s32 $0xFFFFE003, lr  }
0x1b: {  	s9 =	sadd.s32 $0xFFFFFEF7, lr;
	s5 =	simm.s32 $0xFFFFFFFF;
	p2 =	slt.u32 s8, $0xFFFFF086  }
0x1c: {  	p1 =	slt.u32 s9, $0xF7A;
	s5 =	simm.s32 @!p2 $0x0  }
0x1d: {  	s5 =	simm.s32 @p1 $0x1;
	p0 =	seq.s32 s7, s2  }
0x1e: {  	s7 =	smul.u32 @!p0 $0xF7A, s2;
	p2 =	seq.s32 @!p0 s5, $0x0  }
0x1f: {  	s9 =	smul.u32 $0xF7A, s1;
	s8 =	simm.s32 @!p0 $0x1BF5;
	p2 =	por !p2, p0  }
0x20: {  	[sflag:s8] =	ssyncset.s32 @!p0 $0xFFFFF086;
	s6 =	sadd.s32 @!p0 s3, s7;
	s7 =	simm.s32 @!p0 $0x108  }
0x21: {  	s3 =	sadd.s32 s3, s9;
	s6 =	sadd.s32 @!p0 $0x88, s6;
	s7 =	simm.s32 @p2 $0x1082  }
0x22: {  	[simem:s7], [sflag:s8] =	dma.local @!p0 [hbm:s6], $0xF7A  }
0x23: {  	s9 =	sor.u32 $0xD0000000, s2;
	s6 =	simm.s32 $0x108;
	_ =	swait.ge @!p0 [sflag:s8], $0x0  }
0x24: {  	s3 =	sadd.s32 $0x88, s3;
	s6 =	simm.s32 @!p1 $0x1082;
	[sflag:s4] =	ssyncset.s32 $0xFFFFF086  }
0x25: {  	[simem:s6], [sflag:s4] =	dma.local [hbm:s3], $0xF7A  }
0x26: {  	[smem:$0x3F96] =	sst s1;
	(tag) =	ssettag s2;
	_ =	strace s9  }
0x27: {  	s1 =	sld [smem:$0x3FA6]  }
0x28: {  	s2 =	sld [smem:$0x3FA7]  }
0x29: {  	s4 =	sld [smem:$0x3FA9]  }
0x2a: {  	p0 =	seq.s32 s5, $0x0;
	s5 =	sld [smem:$0x3FAA]  }
0x2b: {  	s6 =	sld [smem:$0x3FAB]  }
0x2c: {  	s7 =	sld [smem:$0x3FAC]  }
0x2d: {  	s3 =	simm.s32 $0x108;
	s8 =	sld [smem:$0x3FAD]  }
0x2e: {  	s3 =	simm.s32 @!p0 $0x1082;
	s9 =	sld [smem:$0x3FAE]  }
0x2f: {  	lr =	sadd.s32 s0, s3;
	s0 =	sld [smem:$0x3FA5]  }
0x30: {  	s3 =	sld [smem:$0x3FA8]  }
0x31: {  	[smem:$0x3FB1] =	sst s10  }
0x32: {  	s10 =	sld [smem:$0x3FAF];
	_ =	sdelay $0x3  }
0x33: {  	p0 =	seq.s32 s10, $0x1;
	s10 =	sld [smem:$0x3FB1];
	_ =	sdelay $0x3  }
0x34: {  	[smem:$0x3FB1] =	sst s10  }
0x35: {  	s10 =	sld [smem:$0x3FB0];
	_ =	sdelay $0x3  }
0x36: {  	p1 =	seq.s32 s10, $0x1;
	s10 =	sld [smem:$0x3FB1];
	_ =	sdelay $0x3  }
0x37: {  	[smem:$0x3FB1] =	sst s10  }
0x38: {  	s10 =	sld [smem:$0x3FB2]  }
0x39: {  	_ = 	snop;
	(pc) =	sbr.ind lr, $3  }
0x3a: {  	_ = 	snop  }
0x3b: {  	_ = 	snop  }
0x3c: {  	p2 =	seq.s32 s10, $0x1;
	s10 =	sld [smem:$0x3FB1]  }
0x3d: {  	_ =	shalt  }
0x3e: {  	_ =	shalt  }
0x3f: {  	_ =	shalt  }
0x40: {  	_ =	shalt  }
0x41: {  	_ =	shalt  }
0x42: {  	_ =	shalt  }
0x43: {  	_ =	shalt  }
0x44: {  	_ =	shalt  }
0x45: {  	_ =	shalt  }
0x46: {  	_ =	shalt  }
0x47: {  	_ =	shalt  }
0x48: {  	_ =	shalt  }
0x49: {  	_ =	shalt  }
0x4a: {  	_ =	shalt  }
0x4b: {  	_ =	shalt  }
0x4c: {  	_ =	shalt  }
0x4d: {  	_ =	shalt  }
0x4e: {  	_ =	shalt  }
0x4f: {  	_ =	shalt  }
0x50: {  	_ =	shalt  }
0x51: {  	_ =	shalt  }
0x52: {  	_ =	shalt  }
0x53: {  	_ =	shalt  }
0x54: {  	_ =	shalt  }
0x55: {  	_ =	shalt  }
0x56: {  	_ =	shalt  }
0x57: {  	_ =	shalt  }
0x58: {  	_ =	shalt  }
0x59: {  	_ =	shalt  }
0x5a: {  	_ =	shalt  }
0x5b: {  	_ =	shalt  }
0x5c: {  	_ =	shalt  }
0x5d: {  	_ =	shalt  }
0x5e: {  	_ =	shalt  }
0x5f: {  	_ =	shalt  }
0x60: {  	_ =	shalt  }
0x61: {  	_ =	shalt  }
0x62: {  	_ =	shalt  }
0x63: {  	_ =	shalt  }
0x64: {  	_ =	shalt  }
0x65: {  	_ =	shalt  }
0x66: {  	_ =	shalt  }
0x67: {  	_ =	shalt  }
0x68: {  	_ =	shalt  }
0x69: {  	_ =	shalt  }
0x6a: {  	_ =	shalt  }
0x6b: {  	_ =	shalt  }
0x6c: {  	_ =	shalt  }
0x6d: {  	_ =	shalt  }
0x6e: {  	_ =	shalt  }
0x6f: {  	_ =	shalt  }
0x70: {  	_ =	shalt  }
0x71: {  	_ =	shalt  }
0x72: {  	_ =	shalt  }
0x73: {  	_ =	shalt  }
0x74: {  	_ =	shalt  }
0x75: {  	_ =	shalt  }
0x76: {  	_ =	shalt  }
0x77: {  	_ =	shalt  }
0x78: {  	_ =	shalt  }
0x79: {  	_ =	shalt  }
0x7a: {  	_ =	shalt  }
0x7b: {  	_ =	shalt  }
0x7c: {  	_ =	shalt  }
0x7d: {  	_ =	shalt  }
0x7e: {  	_ =	shalt  }
0x7f: {  	_ =	shalt  }
0x80: {  	_ =	shalt  }
0x81: {  	_ =	shalt  }
0x82: {  	_ =	shalt  }
0x83: {  	_ =	shalt  }
0x84: {  	_ =	shalt  }
0x85: {  	_ =	shalt  }
0x86: {  	_ =	shalt  }
0x87: {  	_ =	shalt  }
.Lfunc_end0:
.L_simem_size_0:
called_computation_lowered:
.L_overlay_start_0:
0x88: {  	s2 =	sld [smem:$0x3FD9]  }
0x89: {  	s3 =	sld [smem:$0x3FFE];
	_ =	sdelay $0x1  }
0x8a: {  	s1 =	srdreg.scid  }
0x8b: {  	s0 =	sand.u32 $0x1, s1  }
0x8c: {  	s17 =	sshll.u32 s0, $0xA;
	s2 =	sadd.s32 s3, s2  }
0x8d: {  	s2 =	sadd.s32 s2, s17  }
0x8e: {  	[smem:$0x3FBD] =	sst s2  }
0x8f: {  	_ = 	snop  }
0x90: {  	s2 =	sld [smem:$0x3FD0];
	(tm) =	ssettm $0x1  }
0x91: {  	s18 =	sld [smem:$0x3FFB];
	_ =	sdelay $0x3  }
0x92: {  	_ =	strace s18  }
0x93: {  	s3 =	sld [smem:$0x3FFC];
	_ =	sdelay $0x3  }
0x94: {  	_ =	strace s3  }
0x95: {  	s3 =	sld [smem:$0x3FFD];
	_ =	sdelay $0x3  }
0x96: {  	_ =	strace s3  }
0x97: {  	_ =	strace $0x8FFFFFFF  }
0x98: {  	s19 =	sld [smem:$0x3FDB];
	_ =	sdelay $0x1  }
0x99: {  	s4 =	simm.s32 $_scs_section_size  }
0x9a: {  	s5 =	simm.s32 $_size__tile_overlayer_lowered;
	s6 =	simm.s32 $_tile_overlayer_lowered  }
0x9b: {  	s22 =	simm.s32 $0x1BFF;
	s21 =	sshll.u32 s6, $0x1;
	s3 =	sadd.s32 s4, s19  }
0x9c: {  	s7 =	simm.s32 $0x0;
	s20 =	sshll.u32 s5, $0x1;
	s5 =	sadd.s32 s21, s3  }
0x9d: {  	[timem:s7], [sflag:s22] =	dma.local [hbm:s5], s20  }
0x9e: {  	_ =	swait.ge [sflag:s22], s20  }
0x9f: {  	s4 =	ssub.s32 $0x0, s20;
	[sflag:s22] =	ssyncset.done $0x0  }
0xa0: {  	[sflag:s22] =	ssyncadd.s32 s4;
	_ =	sdelay $0x1  }
0xa1: {  	s23 =	simm.s32 $0x1B8B  }
0xa2: {  	_ =	swait.ge [sflag:s23], $0x1  }
0xa3: {  	[sflag:s23] =	ssyncset.done $0x0  }
0xa4: {  	s25 =	simm.s32 $0x1B8E;
	s24 =	sld [smem:$0x3FFE];
	[sflag:s23] =	ssyncadd.s32 $0xFFFFFFFF  }
0xa5: {  	s26 =	simm.s32 $execute0_lowered;
	[smem:$0x3FD2] =	sst s25  }
0xa6: {  	s5 =	sshll.u32 s26, $0x1;
	_ =	strace $0x80000046;
	[dreg:$0x1] =	wrdreg $0xFFFFFFFF  }
0xa7: {  	s28 =	simm.s32 $_size_execute0_lowered;
	s3 =	sadd.s32 s3, s5;
	[dreg:$0x0] =	wrdreg $0x0  }
0xa8: {  	s5 =	sshll.u32 s28, $0x1;
	[dreg:$0x2] =	wrdreg s3  }
0xa9: {  	[dreg:$0x3] =	wrdreg s5  }
0xaa: {  	[dreg:$0x4] =	wrdreg $0xC0  }
0xab: {  	_ =	task [dreg:s7], $0x5FFFF  }
0xac: {  	[dreg:$0x1] =	wrdreg $0xFFFFFFFF  }
0xad: {  	[dreg:$0x0] =	wrdreg $0x60  }
0xae: {  	[dreg:$0x2] =	wrdreg s24  }
0xaf: {  	[dreg:$0x3] =	wrdreg s2  }
0xb0: {  	[dreg:$0x4] =	wrdreg $0x8800  }
0xb1: {  	[dreg:$0x5] =	wrdreg $0x9  }
0xb2: {  	_ =	task.clear_ibuf [dreg:s7], $0x6FFFF;
	_ =	strace $0x90000046  }
0xb3: {  	s29 =	simm.s32 $0x9;
	_ =	strace $0x80000048  }
0xb4: {  	_ =	swait.ge [sflag:s29], $0x1  }
0xb5: {  	[sflag:s29] =	ssyncadd.s32 $0xFFFFFFFF  }
0xb6: {  	_ =	strace $0x90000048  }
0xb7: {  	_ =	sfence  }
0xb8: {  	s30 =	sld [smem:$0x0];
	_ =	sdelay $0x2  }
0xb9: {  	s31 =	sshll.u32 s1, $0xD;
	s1 =	sshrl.u32 s1, $0x2  }
0xba: {  	s3 =	sand.u32 $0x4000, s31;
	s1 =	sadd.s32 s1, s30  }
0xbb: {  	s0 =	sor.u32 s3, s0;
	s1 =	sshll.u32 s1, $0x11  }
0xbc: {  	s0 =	sor.u32 s1, s0  }
0xbd: {  	s0 =	sadd.s32 $0x8F2B, s0  }
0xbe: {  	[sflag:s0] =	ssyncadd.remote.s32 $0x1  }
0xbf: {  	_ =	sfence.sel $0xFFFF  }
0xc0: {  	[dreg:$0x0] =	wrdreg $0xFFFFFFFF;
	(pc) =	sbr.abs _section_cstart, $3  }
0xc1: {  	[dreg:$0x1] =	wrdreg $0xFFFFFFFF  }
0xc2: {  	_ =	task.clear_ibuf [dreg:s7], $0x2FFFF;
	_ =	strace $0x9FFFFFFF  }
0xc3: {  	(tm) =	ssettm $0x7FFFFFFF  }
tec
execute0_lowered:
.L_overlay_start_1:
0x0: {  	(tag) =	ssettag $0x1  }
0x1: {  	s5 =	rddreg [dreg:$0x0]  }
0x2: {  	s6 =	rddreg [dreg:$0x1]  }
0x3: {  	s2 =	rddreg [dreg:$0x2]  }
0x4: {  	s0 =	rddreg [dreg:$0x3];
	s3 =	simm.s32 $0x0;
	s4 =	srdreg.scid  }
0x5: {  	s1 =	stileid.u32;
	s14 =	simm.s32 $0x0;
	[smem:$0x7FF] =	sst s3  }
0x6: {  	s4 =	sand.u32 $0x1, s4;
	s7 =	smul.u32 $0x2710, s1;
	s8 =	sshll.u32 s1, $0x8  }
0x7: {  	p0 =	slt.u32 s1, $0x2;
	s12 =	sshll.u32 s1, $0x6;
	s9 =	sshll.u32 s4, $0x7  }
0x8: {  	s10 =	smul.u32 $0x27100, s4;
	_ =	strace $0x80000047;
	s28 =	ssub.s32 $0x2, s4  }
0x9: {  	s4 =	sadd.s32 $0x16000, s5;
	s12 =	sor.u32 $0x1C01, s12;
	s8 =	sor.u32 s9, s8  }
0xa: {  	s30 =	sshrl.u32 s28, $0x1;
	s31 =	sshrl.u32 s7, $0x3;
	s13 =	sadd.s32 s7, s2  }
0xb: {  	s8 =	sshrl.u32 s8, $0x3;
	s26 =	sadd.s32 s7, s10;
	s9 =	ssub.s32 s28, s30  }
0xc: {  	s6 =	sadd.s32 s6, s31;
	s10 =	simm.s32 $0x80;
	s29 =	sshrl.u32 s26, $0x3  }
0xd: {  	s11 =	sadd.s32 s8, s5;
	s8 =	sadd.s32 s29, s5;
	s5 =	simm.s32 $0x4F  }
0xe: {  	s13 =	sshrl.u32 s13, $0x3;
	s5 =	simm.s32 @!p0 $0x4E;
	s7 =	sadd.s32 $0x16200, s8  }
0xf: {  	s8 =	smax.u32 s9, $0x1;
	s9 =	sadd.s32 $0x2400, s11;
	s11 =	simm.s32 $0x1  }
.LBB2_1:
0x10: {  	[tilespmem:s10], [sflag:$0x1] =	stream.linear.gather [hbm4b:s4+s3], $0x800, $0x38;
	[tilespmem:$0x2F90] =	vst v63  }
0x11: {  	_ =	swait.ge [sflag:s11], $0x800  }
0x12: {  	[sflag:s11] =	ssyncset.done $0x0  }
0x13: {  	[sflag:s11] =	ssyncadd.s32 $0xFFFFF800  }
0x14: {  	[spmem:s13], [sflag:s12] =	dma.local [hbm:s6], $0x4E2  }
0x15: {  	_ =	swait.ge [sflag:s11], $0x4E2  }
0x16: {  	[sflag:s11] =	ssyncset.done $0x0  }
0x17: {  	[sflag:s11] =	ssyncadd.s32 $0xFFFFFB1E  }
0x18: {  	[bflag:$0x0] =	sbarrier.arrive $0xFFFF  }
0x19: {  	[tilespmem:s3], [sflag:$0x1] =	stream.linear.gather [hbm4b:s9+s3], $0x80, $0x38;
	[tilespmem:$0x2F90] =	vst v63  }
0x1a: {  	p0 =	sne.s32 s5, $0x1;
	_ =	swait.ge [sflag:s11], $0x80  }
.Ltmp0:
0x1b: {  	[sflag:s11] =	ssyncset.done $0x0;
	(pc) =	sbr.rel @!p0 .LBB2_3-.Ltmp0, $4  }
0x1c: {  	[sflag:s11] =	ssyncadd.s32 $0xFFFFFF80  }
0x1d: {  	[spmem:s2] =	stream.indirect.scatter.add.f32 [tilespmem:s10], [sflag:$0x1], $0x10, s3, s10, $0xb8;
	[tilespmem:$0x2F90] =	vst v63  }
0x1e: {  	_ =	swait.ge [sflag:s11], $0x800  }
0x1f: {  	s15 =	sadd.s32 $0xFFFFFFFF, s5;
	s16 =	smov.u32 s9;
	[sflag:s11] =	ssyncset.done $0x0  }
.LBB2_2:
0x20: {  	p0 =	sne.s32 s15, $0x1;
	[sflag:s11] =	ssyncadd.s32 $0xFFFFF800;
	s16 =	sadd.s32 $0x200, s16  }
0x21: {  	[tilespmem:s3], [sflag:$0x1] =	stream.linear.gather [hbm4b:s16+s3], $0x80, $0x38;
	[tilespmem:$0x2F90] =	vst v63  }
0x22: {  	s15 =	sadd.s32 $0xFFFFFFFF, s15;
	_ =	swait.ge [sflag:s11], $0x80  }
.Ltmp1:
0x23: {  	[sflag:s11] =	ssyncset.done $0x0;
	(pc) =	sbr.rel @p0 .LBB2_2-.Ltmp1, $4  }
0x24: {  	[sflag:s11] =	ssyncadd.s32 $0xFFFFFF80  }
0x25: {  	[spmem:s2] =	stream.indirect.scatter.add.f32 [tilespmem:s10], [sflag:$0x1], $0x10, s3, s10, $0xb8;
	[tilespmem:$0x2F90] =	vst v63  }
0x26: {  	_ =	swait.ge [sflag:s11], $0x800  }
0x27: {  	[sflag:s11] =	ssyncset.done $0x0  }
.LBB2_3:
0x28: {  	s14 =	sadd.s32 $0x1, s14  }
0x29: {  	[sflag:s11] =	ssyncadd.s32 $0xFFFFF800;
	p0 =	sne.s32 s14, s8  }
.Ltmp2:
0x2a: {  	[bflag:$0x0] =	sbarrier.arrive $0xFFFF;
	(pc) =	sbr.rel @p0 .LBB2_1-.Ltmp2, $4  }
0x2b: {  	[hbm:s7], [sflag:s12] =	dma.local [spmem:s13], $0x4E2  }
0x2c: {  	_ =	swait.ge [sflag:s11], $0x4E2  }
0x2d: {  	[sflag:s11] =	ssyncset.done $0x0  }
0x2e: {  	[sflag:s11] =	ssyncadd.s32 $0xFFFFFB1E  }
0x2f: {  	_ =	sfence.sel $0x180000  }
0x30: {  	[bflag:$0x0] =	sbarrier.arrive $0xFFFF  }
0x31: {  	p0 =	sne.s32 s1, $0x0;
	_ =	strace $0x90000047  }
0x32: {  	s0 =	sadd.s32 @!p0 $0x100000, s0;
	[bflag:$0x2] =	sbarrier.arrive $0xFFFF  }
0x33: {  	[sflag:s0] =	ssyncadd.tile.s32 @!p0 $0x1;
	_ =	shalt  }
.Lfunc_end2:
_tile_overlayer_lowered:
.L_overlay_start_2:
0x34: {  	(tag) =	ssettag $0x2  }
0x35: {  	s0 =	rddreg [dreg:$0x0];
	s2 =	stileid.u32  }
0x36: {  	s1 =	rddreg [dreg:$0x1];
	p0 =	sne.s32 s2, $0x0  }
0x37: {  	s3 =	rddreg [dreg:$0x2];
	[bflag:$0x3] =	sbarrier.arrive $0xFFFF;
	s2 =	simm.s32 @!p0 $0x1C01  }
0x38: {  	[timem:s3], [sflag:s2] =	dma.local @!p0 [hbm:s0], s1  }
0x39: {  	s0 =	simm.s32 @!p0 $0x1  }
0x3a: {  	_ =	swait.ge @!p0 [sflag:s0], s1  }
0x3b: {  	s1 =	ssub.s32 @!p0 $0x0, s1;
	[sflag:s0] =	ssyncset.done @!p0 $0x0  }
0x3c: {  	[sflag:s0] =	ssyncadd.s32 @!p0 s1  }
0x3d: {  	[bflag:$0x3] =	sbarrier.arrive $0xFFFF  }
0x3e: {  	_ =	shalt  }

</sc_bundles>
